<compile_context>
chip_gen: v7x
topology: tpu7x:2x2x1
jax: 0.10.2.dev20260603
libtpu: 0.0.44.dev20260713+nightly
codegen_flags: <defaults>
</compile_context>

<pallas_src>
import functools

import jax
import jax.numpy as jnp
from jax import lax
from jax.experimental import pallas as pl
from jax.experimental.pallas import tpu as pltpu
from jax.experimental.pallas import tpu_sc as plsc

N = 10000
D = 128
E = 320000
L = 3

NC = 2
NS = 16
NW = NC * NS
EPT = E // NW
CHUNK = 96
EPT_PAD = 10368
NCH = EPT_PAD // CHUNK
NBUF = 4
NPAD = 10112
RPT = NPAD // NS
ZB = RPT // CHUNK
ZTAIL = RPT - ZB * CHUNK

_mesh = plsc.VectorSubcoreMesh(core_axis_name="c", subcore_axis_name="s")


@functools.partial(
    pl.kernel,
    out_type=jax.ShapeDtypeStruct((NC, NPAD, D), jnp.float32),
    mesh=_mesh,
    scratch_types=[
        pltpu.VMEM_SHARED((NPAD, D), jnp.float32),
        pltpu.VMEM((CHUNK, D), jnp.float32),
        pltpu.VMEM((CHUNK, D), jnp.float32),
        pltpu.VMEM((CHUNK, D), jnp.float32),
        pltpu.VMEM((CHUNK, D), jnp.float32),
        pltpu.VMEM((CHUNK,), jnp.int32),
        pltpu.VMEM((CHUNK,), jnp.int32),
        pltpu.VMEM((CHUNK,), jnp.int32),
        pltpu.VMEM((CHUNK,), jnp.int32),
        pltpu.VMEM((1, CHUNK), jnp.int32),
        pltpu.VMEM((1, CHUNK), jnp.int32),
        pltpu.VMEM((1, CHUNK), jnp.int32),
        pltpu.VMEM((1, CHUNK), jnp.int32),
        pltpu.SemaphoreType.DMA,
        pltpu.SemaphoreType.DMA,
        pltpu.SemaphoreType.DMA,
        pltpu.SemaphoreType.DMA,
        pltpu.SemaphoreType.DMA,
        pltpu.SemaphoreType.DMA,
        pltpu.SemaphoreType.DMA,
        pltpu.SemaphoreType.DMA,
        pltpu.SemaphoreType.DMA,
        pltpu.SemaphoreType.DMA,
    ],
)
def _agg(x_hbm, src_hbm, dst_hbm, out_hbm, accum,
         rows0, rows1, rows2, rows3, srcv0, srcv1, srcv2, srcv3,
         dstv0, dstv1, dstv2, dstv3, g0, g1, g2, g3, s0, s1, s2, s3, semz,
         semi):
    c = lax.axis_index("c")
    s = lax.axis_index("s")
    wid = c * NS + s

    ROWS = (rows0, rows1, rows2, rows3)
    SRCV = (srcv0, srcv1, srcv2, srcv3)
    DSTV = (dstv0, dstv1, dstv2, dstv3)
    GSEM = (g0, g1, g2, g3)
    SSEM = (s0, s1, s2, s3)

    @pl.loop(0, CHUNK)
    def _zfill(r):
        @pl.loop(0, D // 16)
        def _zlane(k):
            rows3[r, pl.ds(k * 16, 16)] = jnp.zeros((16,), jnp.float32)

    @pl.loop(0, ZB)
    def _zissue(t):
        pltpu.async_copy(rows3, accum.at[pl.ds(s * RPT + t * CHUNK, CHUNK)], semz)

    pltpu.async_copy(rows3.at[pl.ds(0, ZTAIL)],
                     accum.at[pl.ds(s * RPT + ZB * CHUNK, ZTAIL)], semz)

    base = wid * EPT_PAD
    pltpu.sync_copy(src_hbm.at[pl.ds(base, CHUNK)], srcv0)
    pltpu.sync_copy(dst_hbm.at[pl.ds(base, CHUNK)], dstv0.at[0])
    pltpu.sync_copy(src_hbm.at[pl.ds(base + CHUNK, CHUNK)], srcv1)
    pltpu.sync_copy(dst_hbm.at[pl.ds(base + CHUNK, CHUNK)], dstv1.at[0])
    pltpu.async_copy(x_hbm.at[srcv0], rows0, g0)
    pltpu.async_copy(x_hbm.at[srcv1], rows1, g1)

    @pl.loop(0, ZB)
    def _zdrain(t):
        pltpu.make_async_copy(rows3, accum.at[pl.ds(s * RPT, CHUNK)], semz).wait()

    pltpu.make_async_copy(rows3.at[pl.ds(0, ZTAIL)],
                          accum.at[pl.ds(s * RPT, ZTAIL)], semz).wait()

    plsc.subcore_barrier()

    @pl.loop(0, NCH, step=NBUF)
    def _edges(j):
        for bb in range(NBUF):
            cc = j + bb
            rows, srcv, dstv = ROWS[bb], SRCV[bb], DSTV[bb]
            nb = (bb + 2) % NBUF
            nrows, nsrcv, ndstv = ROWS[nb], SRCV[nb], DSTV[nb]

            @pl.when(cc >= 2)
            def _ws():
                pltpu.make_async_copy(
                    nrows, accum.at[ndstv.at[0]], SSEM[nb]).wait()

            @pl.when(cc + 2 < NCH)
            def _ig():
                off = base + (cc + 2) * CHUNK
                ca = pltpu.async_copy(src_hbm.at[pl.ds(off, CHUNK)], nsrcv, semi)
                cb = pltpu.async_copy(dst_hbm.at[pl.ds(off, CHUNK)],
                                      ndstv.at[0], semi)
                ca.wait()
                cb.wait()
                pltpu.async_copy(x_hbm.at[nsrcv], nrows, GSEM[nb])

            pltpu.make_async_copy(x_hbm.at[srcv], rows, GSEM[bb]).wait()
            pltpu.async_copy(rows, accum.at[dstv.at[0]], SSEM[bb], add=True)

    for bb in ((NCH - 2) % NBUF, (NCH - 1) % NBUF):
        pltpu.make_async_copy(ROWS[bb], accum.at[DSTV[bb].at[0]],
                              SSEM[bb]).wait()

    plsc.subcore_barrier()

    pltpu.sync_copy(accum.at[pl.ds(s * RPT, RPT)],
                    out_hbm.at[c, pl.ds(s * RPT, RPT)])



_TC_BLK = 2000


def _gin_tc_body(x_ref, p_ref, w_ref, b_ref, o_ref):
    h = x_ref[...] + p_ref[0] + p_ref[1]
    y = jnp.dot(h, w_ref[...], preferred_element_type=jnp.float32) + b_ref[...]
    o_ref[...] = jnp.maximum(y, 0.0)


def _gin_tc(x, p, w, b):
    return pl.pallas_call(
        _gin_tc_body,
        grid=(N // _TC_BLK,),
        in_specs=[
            pl.BlockSpec((_TC_BLK, D), lambda i: (i, 0)),
            pl.BlockSpec((NC, _TC_BLK, D), lambda i: (0, i, 0)),
            pl.BlockSpec((D, D), lambda i: (0, 0)),
            pl.BlockSpec((1, D), lambda i: (0, 0)),
        ],
        out_specs=pl.BlockSpec((_TC_BLK, D), lambda i: (i, 0)),
        out_shape=jax.ShapeDtypeStruct((N, D), jnp.float32),
    )(x, p, w, b)


def kernel(x, edge_indices, W0, b0, W1, b1, W2, b2):
    Ws = (W0, W1, W2)
    bs = (b0, b1, b2)
    padlen = EPT_PAD - EPT
    iota = jnp.arange(padlen, dtype=jnp.int32)
    pad_src = jnp.broadcast_to(iota * 37 % N, (L, NW, padlen))
    pad_dst = jnp.broadcast_to(N + iota % (NPAD - N), (L, NW, padlen))
    srcs = jnp.concatenate(
        [edge_indices[:, 1, :].reshape(L, NW, EPT), pad_src],
        axis=2).reshape(L, NW * EPT_PAD)
    dsts = jnp.concatenate(
        [edge_indices[:, 0, :].reshape(L, NW, EPT), pad_dst],
        axis=2).reshape(L, NW * EPT_PAD)
    for i in range(L):
        p = _agg(x, srcs[i], dsts[i])
        x = _gin_tc(x, p, Ws[i], bs[i].reshape(1, D))
    return x

# --- scband reference (transcript-rebuilt; emitter-appended) ---
"""Pipeline reference for scband-multi-layer-gin-48773648613821 (READ-ONLY COPY).

The authoritative reference and input builder live on the scoring server;
editing this copy changes nothing except your own understanding.
"""

import jax, jax.numpy as jnp
import numpy as np

N = 10000
E = 320000
L = 3
D = 128

def setup_inputs(seed: int = 0) -> dict:
    key = jax.random.key(seed)
    kx, ke, kw = jax.random.split(key, 3)
    x = jax.random.normal(kx, (N, D), dtype=jnp.float32)
    edge_indices = jax.random.randint(ke, (L, 2, E), 0, N, dtype=jnp.int32)
    inp = {"x": x, "edge_indices": edge_indices}
    wkeys = jax.random.split(kw, 2 * L)
    dims = [(D, D), (D, D), (D, D)]
    for i in range(L):
        fan_in = dims[i][0]
        bound = 1.0 / np.sqrt(fan_in)
        inp[f"W{i}"] = jax.random.uniform(wkeys[2 * i], (dims[i][0], dims[i][1]), minval=-bound, maxval=bound, dtype=jnp.float32)
        inp[f"b{i}"] = jax.random.uniform(wkeys[2 * i + 1], (dims[i][1],), minval=-bound, maxval=bound, dtype=jnp.float32)
    return inp

def reference(x, edge_indices, W0, b0, W1, b1, W2, b2):
    Ws = [W0, W1, W2]
    bs = [b0, b1, b2]
    n = x.shape[0]
    for i in range(L):
        # forward swaps rows: new_edge_index = vstack(edge_index[1], edge_index[0])
        # PyG GINConv aggregates messages from source (row 0 of new) into target (row 1 of new)
        src = edge_indices[i, 1]
        dst = edge_indices[i, 0]
        agg = jax.ops.segment_sum(jnp.take(x, src, axis=0), dst, num_segments=n)
        # GIN: nn((1 + eps) * x + agg), eps = 0, nn = single Linear
        x = (x + agg) @ Ws[i] + bs[i]
        x = jax.nn.relu(x)
        # dropout is identity in eval mode
    return x

if __name__ == "__main__":
    import jax
    _d = setup_inputs()
    print(jax.jit(kernel)(*tuple(_d.values())))

</pallas_src>

<mosaic_0001>
#map = affine_map<(d0, d1) -> (0, 0)>
#map1 = affine_map<(d0, d1) -> (0)>
#map2 = affine_map<(d0, d1) -> (0, 0, 0)>
module attributes {stable_mosaic.version = 14 : i64} {
  func.func @_agg(%arg0: i32, %arg1: i32, %arg2: memref<10000x128xf32, #tpu.memory_space<hbm>>, %arg3: memref<331776xi32, #tpu.memory_space<hbm>>, %arg4: memref<331776xi32, #tpu.memory_space<hbm>>, %arg5: memref<2x10112x128xf32, #tpu.memory_space<hbm>>, %arg6: memref<10112x128xf32, #tpu.memory_space<vmem_shared>>, %arg7: memref<96x128xf32, #tpu.memory_space<vmem>>, %arg8: memref<96x128xf32, #tpu.memory_space<vmem>>, %arg9: memref<96x128xf32, #tpu.memory_space<vmem>>, %arg10: memref<96x128xf32, #tpu.memory_space<vmem>>, %arg11: memref<96xi32, #tpu.memory_space<vmem>>, %arg12: memref<96xi32, #tpu.memory_space<vmem>>, %arg13: memref<96xi32, #tpu.memory_space<vmem>>, %arg14: memref<96xi32, #tpu.memory_space<vmem>>, %arg15: memref<1x96xi32, #tpu.memory_space<vmem>>, %arg16: memref<1x96xi32, #tpu.memory_space<vmem>>, %arg17: memref<1x96xi32, #tpu.memory_space<vmem>>, %arg18: memref<1x96xi32, #tpu.memory_space<vmem>>, %arg19: memref<!tpu.dma_semaphore, #tpu.memory_space<semaphore_mem>>, %arg20: memref<!tpu.dma_semaphore, #tpu.memory_space<semaphore_mem>>, %arg21: memref<!tpu.dma_semaphore, #tpu.memory_space<semaphore_mem>>, %arg22: memref<!tpu.dma_semaphore, #tpu.memory_space<semaphore_mem>>, %arg23: memref<!tpu.dma_semaphore, #tpu.memory_space<semaphore_mem>>, %arg24: memref<!tpu.dma_semaphore, #tpu.memory_space<semaphore_mem>>, %arg25: memref<!tpu.dma_semaphore, #tpu.memory_space<semaphore_mem>>, %arg26: memref<!tpu.dma_semaphore, #tpu.memory_space<semaphore_mem>>, %arg27: memref<!tpu.dma_semaphore, #tpu.memory_space<semaphore_mem>>, %arg28: memref<!tpu.dma_semaphore, #tpu.memory_space<semaphore_mem>>) attributes {dimension_semantics = [#tpu.dimension_semantics<core_parallel>, #tpu.dimension_semantics<subcore_parallel>], iteration_bounds = array<i64: 2, 16>, scalar_prefetch = 0 : i64, scratch_operands = 23 : i64, tpu.core_type = #tpu.core_type<sc_vector_subcore>, window_params = [{transform_indices = #map}, {transform_indices = #map1}, {transform_indices = #map1}, {transform_indices = #map2}]} {
    %mul3A = arith.constant 16 : i32
    %mul3A_0 = arith.muli %arg0, %mul3A : i32
    %add3A = arith.addi %mul3A_0, %arg1 : i32
    %scan3A = arith.constant 0 : i32
    %scan3A_1 = arith.constant 96 : i32
    %scan3A_2 = arith.addi %scan3A, %scan3A_1 : i32
    %scan3A_3 = arith.constant 1 : i32
    scf.for %scan3A_76 = %scan3A to %scan3A_2 step %scan3A_3  : i32 {
      %mul3A_77 = arith.constant 1 : i32
      %mul3A_78 = arith.muli %scan3A_76, %mul3A_77 : i32
      %add3A_79 = arith.constant 0 : i32
      %add3A_80 = arith.addi %add3A_79, %mul3A_78 : i32
      %scan3A_81 = arith.constant 0 : i32
      %scan3A_82 = arith.constant 8 : i32
      %scan3A_83 = arith.addi %scan3A_81, %scan3A_82 : i32
      %scan3A_84 = arith.constant 1 : i32
      scf.for %scan3A_86 = %scan3A_81 to %scan3A_83 step %scan3A_84  : i32 {
        %mul3A_87 = arith.constant 1 : i32
        %mul3A_88 = arith.muli %scan3A_86, %mul3A_87 : i32
        %add3A_89 = arith.constant 0 : i32
        %add3A_90 = arith.addi %add3A_89, %mul3A_88 : i32
        %broadcast_in_dim3A = arith.constant 0.000000e+00 : f32
        %broadcast_in_dim3A_91 = vector.broadcast %broadcast_in_dim3A : f32 to vector<16xf32>
        %mul3A_92 = arith.constant 16 : i32
        %mul3A_93 = arith.muli %add3A_90, %mul3A_92 : i32
        %swap3A = arith.index_cast %add3A_80 : i32 to index
        %swap3A_94 = arith.index_cast %mul3A_93 : i32 to index
        %swap3A_95 = tpu.vector_load %arg10[%swap3A, %swap3A_94] {strides = array<i32>} : memref<96x128xf32, #tpu.memory_space<vmem>>, vector<1x16xf32>,
        %swap3A_96 = vector.shape_cast %swap3A_95 : vector<1x16xf32> to vector<16xf32>
        %swap3A_97 = vector.shape_cast %broadcast_in_dim3A_91 : vector<16xf32> to vector<1x16xf32>
        tpu.vector_store %arg10[%swap3A, %swap3A_94], %swap3A_97 {strides = array<i32>} : memref<96x128xf32, #tpu.memory_space<vmem>>, vector<1x16xf32>,
      }
      %scan3A_85 = arith.constant 8 : i32
    }
    %scan3A_4 = arith.constant 96 : i32
    %scan3A_5 = arith.constant 0 : i32
    %scan3A_6 = arith.constant 6 : i32
    %scan3A_7 = arith.addi %scan3A_5, %scan3A_6 : i32
    %scan3A_8 = arith.constant 1 : i32
    scf.for %scan3A_76 = %scan3A_5 to %scan3A_7 step %scan3A_8  : i32 {
      %mul3A_77 = arith.constant 1 : i32
      %mul3A_78 = arith.muli %scan3A_76, %mul3A_77 : i32
      %add3A_79 = arith.constant 0 : i32
      %add3A_80 = arith.addi %add3A_79, %mul3A_78 : i32
      %mul3A_81 = arith.constant 632 : i32
      %mul3A_82 = arith.muli %arg1, %mul3A_81 : i32
      %mul3A_83 = arith.constant 96 : i32
      %mul3A_84 = arith.muli %add3A_80, %mul3A_83 : i32
      %add3A_85 = arith.addi %mul3A_82, %mul3A_84 : i32
      %dma_start3A_86 = arith.constant 0 : i32
      %dma_start3A_87 = tpu.memref_slice %arg6[%add3A_85, %dma_start3A_86] : memref<10112x128xf32, #tpu.memory_space<vmem_shared>> -> memref<96x128xf32, #tpu.memory_space<vmem_shared>>
      %dma_start3A_88 = arith.constant 0 : i32
      %dma_start3A_89 = tpu.memref_slice %arg6[%add3A_85, %dma_start3A_88] : memref<10112x128xf32, #tpu.memory_space<vmem_shared>> -> memref<96x128xf32, #tpu.memory_space<vmem_shared>>
      tpu.enqueue_dma source(%arg10 : memref<96x128xf32, #tpu.memory_space<vmem>>) target(%dma_start3A_89 : memref<96x128xf32, #tpu.memory_space<vmem_shared>>) target_semaphore(%arg27 : memref<!tpu.dma_semaphore, #tpu.memory_space<semaphore_mem>>)
    }
    %scan3A_9 = arith.constant 6 : i32
    %mul3A_10 = arith.constant 632 : i32
    %mul3A_11 = arith.muli %arg1, %mul3A_10 : i32
    %add3A_12 = arith.constant 576 : i32
    %add3A_13 = arith.addi %mul3A_11, %add3A_12 : i32
    %dma_start3A = arith.constant 0 : i32
    %dma_start3A_14 = arith.constant 0 : i32
    %dma_start3A_15 = tpu.memref_slice %arg10[%dma_start3A, %dma_start3A_14] : memref<96x128xf32, #tpu.memory_space<vmem>> -> memref<56x128xf32, #tpu.memory_space<vmem>>
    %dma_start3A_16 = arith.constant 0 : i32
    %dma_start3A_17 = tpu.memref_slice %arg6[%add3A_13, %dma_start3A_16] : memref<10112x128xf32, #tpu.memory_space<vmem_shared>> -> memref<56x128xf32, #tpu.memory_space<vmem_shared>>
    %dma_start3A_18 = arith.constant 0 : i32
    %dma_start3A_19 = tpu.memref_slice %arg6[%add3A_13, %dma_start3A_18] : memref<10112x128xf32, #tpu.memory_space<vmem_shared>> -> memref<56x128xf32, #tpu.memory_space<vmem_shared>>
    %dma_start3A_20 = arith.constant 0 : i32
    %dma_start3A_21 = arith.constant 0 : i32
    %dma_start3A_22 = tpu.memref_slice %arg10[%dma_start3A_20, %dma_start3A_21] : memref<96x128xf32, #tpu.memory_space<vmem>> -> memref<56x128xf32, #tpu.memory_space<vmem>>
    tpu.enqueue_dma source(%dma_start3A_22 : memref<56x128xf32, #tpu.memory_space<vmem>>) target(%dma_start3A_19 : memref<56x128xf32, #tpu.memory_space<vmem_shared>>) target_semaphore(%arg27 : memref<!tpu.dma_semaphore, #tpu.memory_space<semaphore_mem>>)
    %mul3A_23 = arith.constant 10368 : i32
    %mul3A_24 = arith.muli %add3A, %mul3A_23 : i32
    "tpu.region"() ({
      %run_scoped3A_76 = tpu.sem_alloc : memref<!tpu.dma_semaphore, #tpu.memory_space<semaphore_mem>>
      %dma_start3A_77 = tpu.memref_slice %arg3[%mul3A_24] : memref<331776xi32, #tpu.memory_space<hbm>> -> memref<96xi32, #tpu.memory_space<hbm>>
      %dma_start3A_78 = tpu.memref_slice %arg3[%mul3A_24] : memref<331776xi32, #tpu.memory_space<hbm>> -> memref<96xi32, #tpu.memory_space<hbm>>
      tpu.enqueue_dma source(%dma_start3A_78 : memref<96xi32, #tpu.memory_space<hbm>>) target(%arg11 : memref<96xi32, #tpu.memory_space<vmem>>) target_semaphore(%run_scoped3A_76 : memref<!tpu.dma_semaphore, #tpu.memory_space<semaphore_mem>>)
      %dma_wait3A_79 = tpu.memref_slice %arg3[%mul3A_24] : memref<331776xi32, #tpu.memory_space<hbm>> -> memref<96xi32, #tpu.memory_space<hbm>>
      %dma_wait3A_80 = tpu.memref_slice %arg3[%mul3A_24] : memref<331776xi32, #tpu.memory_space<hbm>> -> memref<96xi32, #tpu.memory_space<hbm>>
      tpu.wait_dma2 semaphore(%run_scoped3A_76 : memref<!tpu.dma_semaphore, #tpu.memory_space<semaphore_mem>>) src(%dma_wait3A_80 : memref<96xi32, #tpu.memory_space<hbm>>) dst(%arg11 : memref<96xi32, #tpu.memory_space<vmem>>)
      tpu.yield
    }) : () -> ()
    %run_scoped3A = arith.constant 0 : i32
    "tpu.region"() ({
      %run_scoped3A_76 = tpu.sem_alloc : memref<!tpu.dma_semaphore, #tpu.memory_space<semaphore_mem>>
      %dma_start3A_77 = arith.constant 0 : i32
      %dma_start3A_78 = tpu.memref_slice %arg15[%run_scoped3A, %dma_start3A_77] : memref<1x96xi32, #tpu.memory_space<vmem>> -> memref<1x96xi32, #tpu.memory_space<vmem>>
      %dma_start3A_79 = tpu.memref_squeeze %dma_start3A_78 : memref<1x96xi32, #tpu.memory_space<vmem>> -> memref<96xi32, #tpu.memory_space<vmem>>
      %dma_start3A_80 = tpu.memref_slice %arg4[%mul3A_24] : memref<331776xi32, #tpu.memory_space<hbm>> -> memref<96xi32, #tpu.memory_space<hbm>>
      %dma_start3A_81 = arith.constant 0 : i32
      %dma_start3A_82 = tpu.memref_slice %arg15[%run_scoped3A, %dma_start3A_81] : memref<1x96xi32, #tpu.memory_space<vmem>> -> memref<1x96xi32, #tpu.memory_space<vmem>>
      %dma_start3A_83 = tpu.memref_squeeze %dma_start3A_82 : memref<1x96xi32, #tpu.memory_space<vmem>> -> memref<96xi32, #tpu.memory_space<vmem>>
      %dma_start3A_84 = tpu.memref_slice %arg4[%mul3A_24] : memref<331776xi32, #tpu.memory_space<hbm>> -> memref<96xi32, #tpu.memory_space<hbm>>
      tpu.enqueue_dma source(%dma_start3A_84 : memref<96xi32, #tpu.memory_space<hbm>>) target(%dma_start3A_83 : memref<96xi32, #tpu.memory_space<vmem>>) target_semaphore(%run_scoped3A_76 : memref<!tpu.dma_semaphore, #tpu.memory_space<semaphore_mem>>)
      %dma_wait3A_85 = arith.constant 0 : i32
      %dma_wait3A_86 = tpu.memref_slice %arg15[%run_scoped3A, %dma_wait3A_85] : memref<1x96xi32, #tpu.memory_space<vmem>> -> memref<1x96xi32, #tpu.memory_space<vmem>>
      %dma_wait3A_87 = tpu.memref_squeeze %dma_wait3A_86 : memref<1x96xi32, #tpu.memory_space<vmem>> -> memref<96xi32, #tpu.memory_space<vmem>>
      %dma_wait3A_88 = tpu.memref_slice %arg4[%mul3A_24] : memref<331776xi32, #tpu.memory_space<hbm>> -> memref<96xi32, #tpu.memory_space<hbm>>
      %dma_wait3A_89 = arith.constant 0 : i32
      %dma_wait3A_90 = tpu.memref_slice %arg15[%run_scoped3A, %dma_wait3A_89] : memref<1x96xi32, #tpu.memory_space<vmem>> -> memref<1x96xi32, #tpu.memory_space<vmem>>
      %dma_wait3A_91 = tpu.memref_squeeze %dma_wait3A_90 : memref<1x96xi32, #tpu.memory_space<vmem>> -> memref<96xi32, #tpu.memory_space<vmem>>
      %dma_wait3A_92 = tpu.memref_slice %arg4[%mul3A_24] : memref<331776xi32, #tpu.memory_space<hbm>> -> memref<96xi32, #tpu.memory_space<hbm>>
      tpu.wait_dma2 semaphore(%run_scoped3A_76 : memref<!tpu.dma_semaphore, #tpu.memory_space<semaphore_mem>>) src(%dma_wait3A_92 : memref<96xi32, #tpu.memory_space<hbm>>) dst(%dma_wait3A_91 : memref<96xi32, #tpu.memory_space<vmem>>)
      tpu.yield
    }) : () -> ()
    %add3A_25 = arith.constant 96 : i32
    %add3A_26 = arith.addi %mul3A_24, %add3A_25 : i32
    "tpu.region"() ({
      %run_scoped3A_76 = tpu.sem_alloc : memref<!tpu.dma_semaphore, #tpu.memory_space<semaphore_mem>>
      %dma_start3A_77 = tpu.memref_slice %arg3[%add3A_26] : memref<331776xi32, #tpu.memory_space<hbm>> -> memref<96xi32, #tpu.memory_space<hbm>>
      %dma_start3A_78 = tpu.memref_slice %arg3[%add3A_26] : memref<331776xi32, #tpu.memory_space<hbm>> -> memref<96xi32, #tpu.memory_space<hbm>>
      tpu.enqueue_dma source(%dma_start3A_78 : memref<96xi32, #tpu.memory_space<hbm>>) target(%arg12 : memref<96xi32, #tpu.memory_space<vmem>>) target_semaphore(%run_scoped3A_76 : memref<!tpu.dma_semaphore, #tpu.memory_space<semaphore_mem>>)
      %dma_wait3A_79 = tpu.memref_slice %arg3[%add3A_26] : memref<331776xi32, #tpu.memory_space<hbm>> -> memref<96xi32, #tpu.memory_space<hbm>>
      %dma_wait3A_80 = tpu.memref_slice %arg3[%add3A_26] : memref<331776xi32, #tpu.memory_space<hbm>> -> memref<96xi32, #tpu.memory_space<hbm>>
      tpu.wait_dma2 semaphore(%run_scoped3A_76 : memref<!tpu.dma_semaphore, #tpu.memory_space<semaphore_mem>>) src(%dma_wait3A_80 : memref<96xi32, #tpu.memory_space<hbm>>) dst(%arg12 : memref<96xi32, #tpu.memory_space<vmem>>)
      tpu.yield
    }) : () -> ()
    %add3A_27 = arith.constant 96 : i32
    %add3A_28 = arith.addi %mul3A_24, %add3A_27 : i32
    %run_scoped3A_29 = arith.constant 0 : i32
    "tpu.region"() ({
      %run_scoped3A_76 = tpu.sem_alloc : memref<!tpu.dma_semaphore, #tpu.memory_space<semaphore_mem>>
      %dma_start3A_77 = arith.constant 0 : i32
      %dma_start3A_78 = tpu.memref_slice %arg16[%run_scoped3A_29, %dma_start3A_77] : memref<1x96xi32, #tpu.memory_space<vmem>> -> memref<1x96xi32, #tpu.memory_space<vmem>>
      %dma_start3A_79 = tpu.memref_squeeze %dma_start3A_78 : memref<1x96xi32, #tpu.memory_space<vmem>> -> memref<96xi32, #tpu.memory_space<vmem>>
      %dma_start3A_80 = tpu.memref_slice %arg4[%add3A_28] : memref<331776xi32, #tpu.memory_space<hbm>> -> memref<96xi32, #tpu.memory_space<hbm>>
      %dma_start3A_81 = arith.constant 0 : i32
      %dma_start3A_82 = tpu.memref_slice %arg16[%run_scoped3A_29, %dma_start3A_81] : memref<1x96xi32, #tpu.memory_space<vmem>> -> memref<1x96xi32, #tpu.memory_space<vmem>>
      %dma_start3A_83 = tpu.memref_squeeze %dma_start3A_82 : memref<1x96xi32, #tpu.memory_space<vmem>> -> memref<96xi32, #tpu.memory_space<vmem>>
      %dma_start3A_84 = tpu.memref_slice %arg4[%add3A_28] : memref<331776xi32, #tpu.memory_space<hbm>> -> memref<96xi32, #tpu.memory_space<hbm>>
      tpu.enqueue_dma source(%dma_start3A_84 : memref<96xi32, #tpu.memory_space<hbm>>) target(%dma_start3A_83 : memref<96xi32, #tpu.memory_space<vmem>>) target_semaphore(%run_scoped3A_76 : memref<!tpu.dma_semaphore, #tpu.memory_space<semaphore_mem>>)
      %dma_wait3A_85 = arith.constant 0 : i32
      %dma_wait3A_86 = tpu.memref_slice %arg16[%run_scoped3A_29, %dma_wait3A_85] : memref<1x96xi32, #tpu.memory_space<vmem>> -> memref<1x96xi32, #tpu.memory_space<vmem>>
      %dma_wait3A_87 = tpu.memref_squeeze %dma_wait3A_86 : memref<1x96xi32, #tpu.memory_space<vmem>> -> memref<96xi32, #tpu.memory_space<vmem>>
      %dma_wait3A_88 = tpu.memref_slice %arg4[%add3A_28] : memref<331776xi32, #tpu.memory_space<hbm>> -> memref<96xi32, #tpu.memory_space<hbm>>
      %dma_wait3A_89 = arith.constant 0 : i32
      %dma_wait3A_90 = tpu.memref_slice %arg16[%run_scoped3A_29, %dma_wait3A_89] : memref<1x96xi32, #tpu.memory_space<vmem>> -> memref<1x96xi32, #tpu.memory_space<vmem>>
      %dma_wait3A_91 = tpu.memref_squeeze %dma_wait3A_90 : memref<1x96xi32, #tpu.memory_space<vmem>> -> memref<96xi32, #tpu.memory_space<vmem>>
      %dma_wait3A_92 = tpu.memref_slice %arg4[%add3A_28] : memref<331776xi32, #tpu.memory_space<hbm>> -> memref<96xi32, #tpu.memory_space<hbm>>
      tpu.wait_dma2 semaphore(%run_scoped3A_76 : memref<!tpu.dma_semaphore, #tpu.memory_space<semaphore_mem>>) src(%dma_wait3A_92 : memref<96xi32, #tpu.memory_space<hbm>>) dst(%dma_wait3A_91 : memref<96xi32, #tpu.memory_space<vmem>>)
      tpu.yield
    }) : () -> ()
    %dma_start3A_30 = arith.constant 0 : i32
    %dma_start3A_31 = arith.constant 0 : i32
    %dma_start3A_32 = tpu.memref_slice %arg2[%dma_start3A_30, %dma_start3A_31] : memref<10000x128xf32, #tpu.memory_space<hbm>> -> memref<10000x128xf32, #tpu.memory_space<hbm>>
    tpu.enqueue_indirect_dma source(%dma_start3A_32 : memref<10000x128xf32, #tpu.memory_space<hbm>>) target(%arg7 : memref<96x128xf32, #tpu.memory_space<vmem>>) offsets(%arg11 : memref<96xi32, #tpu.memory_space<vmem>>) semaphore(%arg19 : memref<!tpu.dma_semaphore, #tpu.memory_space<semaphore_mem>>)
    %dma_start3A_33 = arith.constant 0 : i32
    %dma_start3A_34 = arith.constant 0 : i32
    %dma_start3A_35 = tpu.memref_slice %arg2[%dma_start3A_33, %dma_start3A_34] : memref<10000x128xf32, #tpu.memory_space<hbm>> -> memref<10000x128xf32, #tpu.memory_space<hbm>>
    tpu.enqueue_indirect_dma source(%dma_start3A_35 : memref<10000x128xf32, #tpu.memory_space<hbm>>) target(%arg8 : memref<96x128xf32, #tpu.memory_space<vmem>>) offsets(%arg12 : memref<96xi32, #tpu.memory_space<vmem>>) semaphore(%arg20 : memref<!tpu.dma_semaphore, #tpu.memory_space<semaphore_mem>>)
    %scan3A_36 = arith.constant 0 : i32
    %scan3A_37 = arith.constant 6 : i32
    %scan3A_38 = arith.addi %scan3A_36, %scan3A_37 : i32
    %scan3A_39 = arith.constant 1 : i32
    scf.for %scan3A_76 = %scan3A_36 to %scan3A_38 step %scan3A_39  : i32 {
      %mul3A_77 = arith.constant 1 : i32
      %mul3A_78 = arith.muli %scan3A_76, %mul3A_77 : i32
      %add3A_79 = arith.constant 0 : i32
      %add3A_80 = arith.addi %add3A_79, %mul3A_78 : i32
      %mul3A_81 = arith.constant 632 : i32
      %mul3A_82 = arith.muli %arg1, %mul3A_81 : i32
      %dma_wait3A_83 = arith.constant 0 : i32
      %dma_wait3A_84 = tpu.memref_slice %arg6[%mul3A_82, %dma_wait3A_83] : memref<10112x128xf32, #tpu.memory_space<vmem_shared>> -> memref<96x128xf32, #tpu.memory_space<vmem_shared>>
      %dma_wait3A_85 = arith.constant 0 : i32
      %dma_wait3A_86 = tpu.memref_slice %arg6[%mul3A_82, %dma_wait3A_85] : memref<10112x128xf32, #tpu.memory_space<vmem_shared>> -> memref<96x128xf32, #tpu.memory_space<vmem_shared>>
      tpu.wait_dma2 semaphore(%arg27 : memref<!tpu.dma_semaphore, #tpu.memory_space<semaphore_mem>>) src(%arg10 : memref<96x128xf32, #tpu.memory_space<vmem>>) dst(%dma_wait3A_86 : memref<96x128xf32, #tpu.memory_space<vmem_shared>>)
    }
    %scan3A_40 = arith.constant 6 : i32
    %mul3A_41 = arith.constant 632 : i32
    %mul3A_42 = arith.muli %arg1, %mul3A_41 : i32
    %dma_wait3A = arith.constant 0 : i32
    %dma_wait3A_43 = arith.constant 0 : i32
    %dma_wait3A_44 = tpu.memref_slice %arg10[%dma_wait3A, %dma_wait3A_43] : memref<96x128xf32, #tpu.memory_space<vmem>> -> memref<56x128xf32, #tpu.memory_space<vmem>>
    %dma_wait3A_45 = arith.constant 0 : i32
    %dma_wait3A_46 = tpu.memref_slice %arg6[%mul3A_42, %dma_wait3A_45] : memref<10112x128xf32, #tpu.memory_space<vmem_shared>> -> memref<56x128xf32, #tpu.memory_space<vmem_shared>>
    %dma_wait3A_47 = arith.constant 0 : i32
    %dma_wait3A_48 = tpu.memref_slice %arg6[%mul3A_42, %dma_wait3A_47] : memref<10112x128xf32, #tpu.memory_space<vmem_shared>> -> memref<56x128xf32, #tpu.memory_space<vmem_shared>>
    %dma_wait3A_49 = arith.constant 0 : i32
    %dma_wait3A_50 = arith.constant 0 : i32
    %dma_wait3A_51 = tpu.memref_slice %arg10[%dma_wait3A_49, %dma_wait3A_50] : memref<96x128xf32, #tpu.memory_space<vmem>> -> memref<56x128xf32, #tpu.memory_space<vmem>>
    tpu.wait_dma2 semaphore(%arg27 : memref<!tpu.dma_semaphore, #tpu.memory_space<semaphore_mem>>) src(%dma_wait3A_51 : memref<56x128xf32, #tpu.memory_space<vmem>>) dst(%dma_wait3A_48 : memref<56x128xf32, #tpu.memory_space<vmem_shared>>)
    %barrier3A = arith.constant 0 : index
    tpu.barrier barrier_id(%barrier3A)
    %scan3A_52 = arith.constant 0 : i32
    %scan3A_53 = arith.constant 27 : i32
    %scan3A_54 = arith.addi %scan3A_52, %scan3A_53 : i32
    %scan3A_55 = arith.constant 1 : i32
    scf.for %scan3A_76 = %scan3A_52 to %scan3A_54 step %scan3A_55  : i32 {
      %mul3A_77 = arith.constant 4 : i32
      %mul3A_78 = arith.muli %scan3A_76, %mul3A_77 : i32
      %add3A_79 = arith.constant 0 : i32
      %add3A_80 = arith.addi %add3A_79, %mul3A_78 : i32
      %add3A_81 = arith.constant 0 : i32
      %add3A_82 = arith.addi %add3A_80, %add3A_81 : i32
      %ge3A = arith.constant 2 : i32
      %ge3A_83 = arith.cmpi sge, %add3A_82, %ge3A : i32
      %convert_element_type3A = arith.extui %ge3A_83 : i1 to i32
      %cond3A = arith.constant 0 : i32
      %cond3A_84 = arith.cmpi ne, %convert_element_type3A, %cond3A : i32
      scf.if %cond3A_84 {
        %dma_wait3A_173 = arith.constant 0 : i32
        %dma_wait3A_174 = arith.constant 0 : i32
        %dma_wait3A_175 = tpu.memref_slice %arg17[%dma_wait3A_173, %dma_wait3A_174] : memref<1x96xi32, #tpu.memory_space<vmem>> -> memref<1x96xi32, #tpu.memory_space<vmem>>
        %dma_wait3A_176 = tpu.memref_squeeze %dma_wait3A_175 : memref<1x96xi32, #tpu.memory_space<vmem>> -> memref<96xi32, #tpu.memory_space<vmem>>
        %dma_wait3A_177 = arith.constant 0 : i32
        %dma_wait3A_178 = arith.constant 0 : i32
        %dma_wait3A_179 = tpu.memref_slice %arg6[%dma_wait3A_177, %dma_wait3A_178] : memref<10112x128xf32, #tpu.memory_space<vmem_shared>> -> memref<10112x128xf32, #tpu.memory_space<vmem_shared>>
        tpu.wait_indirect_dma semaphore(%arg25 : memref<!tpu.dma_semaphore, #tpu.memory_space<semaphore_mem>>) src(%arg9 : memref<96x128xf32, #tpu.memory_space<vmem>>) dst(%dma_wait3A_179 : memref<10112x128xf32, #tpu.memory_space<vmem_shared>>)
      } else {
      }
      %add3A_85 = arith.constant 2 : i32
      %add3A_86 = arith.addi %add3A_82, %add3A_85 : i32
      %lt3A = arith.constant 108 : i32
      %lt3A_87 = arith.cmpi slt, %add3A_86, %lt3A : i32
      %convert_element_type3A_88 = arith.extui %lt3A_87 : i1 to i32
      %cond3A_89 = arith.constant 0 : i32
      %cond3A_90 = arith.cmpi ne, %convert_element_type3A_88, %cond3A_89 : i32
      scf.if %cond3A_90 {
        %add3A_173 = arith.constant 2 : i32
        %add3A_174 = arith.addi %add3A_82, %add3A_173 : i32
        %mul3A_175 = arith.constant 96 : i32
        %mul3A_176 = arith.muli %add3A_174, %mul3A_175 : i32
        %add3A_177 = arith.addi %mul3A_24, %mul3A_176 : i32
        %dma_start3A_178 = tpu.memref_slice %arg3[%add3A_177] : memref<331776xi32, #tpu.memory_space<hbm>> -> memref<96xi32, #tpu.memory_space<hbm>>
        %dma_start3A_179 = tpu.memref_slice %arg3[%add3A_177] : memref<331776xi32, #tpu.memory_space<hbm>> -> memref<96xi32, #tpu.memory_space<hbm>>
        tpu.enqueue_dma source(%dma_start3A_179 : memref<96xi32, #tpu.memory_space<hbm>>) target(%arg13 : memref<96xi32, #tpu.memory_space<vmem>>) target_semaphore(%arg28 : memref<!tpu.dma_semaphore, #tpu.memory_space<semaphore_mem>>)
        %dma_start3A_180 = arith.constant 0 : i32
        %dma_start3A_181 = arith.constant 0 : i32
        %dma_start3A_182 = tpu.memref_slice %arg17[%dma_start3A_180, %dma_start3A_181] : memref<1x96xi32, #tpu.memory_space<vmem>> -> memref<1x96xi32, #tpu.memory_space<vmem>>
        %dma_start3A_183 = tpu.memref_squeeze %dma_start3A_182 : memref<1x96xi32, #tpu.memory_space<vmem>> -> memref<96xi32, #tpu.memory_space<vmem>>
        %dma_start3A_184 = tpu.memref_slice %arg4[%add3A_177] : memref<331776xi32, #tpu.memory_space<hbm>> -> memref<96xi32, #tpu.memory_space<hbm>>
        %dma_start3A_185 = arith.constant 0 : i32
        %dma_start3A_186 = tpu.memref_slice %arg17[%dma_start3A_180, %dma_start3A_185] : memref<1x96xi32, #tpu.memory_space<vmem>> -> memref<1x96xi32, #tpu.memory_space<vmem>>
        %dma_start3A_187 = tpu.memref_squeeze %dma_start3A_186 : memref<1x96xi32, #tpu.memory_space<vmem>> -> memref<96xi32, #tpu.memory_space<vmem>>
        %dma_start3A_188 = tpu.memref_slice %arg4[%add3A_177] : memref<331776xi32, #tpu.memory_space<hbm>> -> memref<96xi32, #tpu.memory_space<hbm>>
        tpu.enqueue_dma source(%dma_start3A_188 : memref<96xi32, #tpu.memory_space<hbm>>) target(%dma_start3A_187 : memref<96xi32, #tpu.memory_space<vmem>>) target_semaphore(%arg28 : memref<!tpu.dma_semaphore, #tpu.memory_space<semaphore_mem>>)
        %dma_wait3A_189 = tpu.memref_slice %arg3[%add3A_177] : memref<331776xi32, #tpu.memory_space<hbm>> -> memref<96xi32, #tpu.memory_space<hbm>>
        %dma_wait3A_190 = tpu.memref_slice %arg3[%add3A_177] : memref<331776xi32, #tpu.memory_space<hbm>> -> memref<96xi32, #tpu.memory_space<hbm>>
        tpu.wait_dma2 semaphore(%arg28 : memref<!tpu.dma_semaphore, #tpu.memory_space<semaphore_mem>>) src(%dma_wait3A_190 : memref<96xi32, #tpu.memory_space<hbm>>) dst(%arg13 : memref<96xi32, #tpu.memory_space<vmem>>)
        %dma_wait3A_191 = arith.constant 0 : i32
        %dma_wait3A_192 = arith.constant 0 : i32
        %dma_wait3A_193 = tpu.memref_slice %arg17[%dma_wait3A_191, %dma_wait3A_192] : memref<1x96xi32, #tpu.memory_space<vmem>> -> memref<1x96xi32, #tpu.memory_space<vmem>>
        %dma_wait3A_194 = tpu.memref_squeeze %dma_wait3A_193 : memref<1x96xi32, #tpu.memory_space<vmem>> -> memref<96xi32, #tpu.memory_space<vmem>>
        %dma_wait3A_195 = tpu.memref_slice %arg4[%add3A_177] : memref<331776xi32, #tpu.memory_space<hbm>> -> memref<96xi32, #tpu.memory_space<hbm>>
        %dma_wait3A_196 = arith.constant 0 : i32
        %dma_wait3A_197 = tpu.memref_slice %arg17[%dma_wait3A_191, %dma_wait3A_196] : memref<1x96xi32, #tpu.memory_space<vmem>> -> memref<1x96xi32, #tpu.memory_space<vmem>>
        %dma_wait3A_198 = tpu.memref_squeeze %dma_wait3A_197 : memref<1x96xi32, #tpu.memory_space<vmem>> -> memref<96xi32, #tpu.memory_space<vmem>>
        %dma_wait3A_199 = tpu.memref_slice %arg4[%add3A_177] : memref<331776xi32, #tpu.memory_space<hbm>> -> memref<96xi32, #tpu.memory_space<hbm>>
        tpu.wait_dma2 semaphore(%arg28 : memref<!tpu.dma_semaphore, #tpu.memory_space<semaphore_mem>>) src(%dma_wait3A_199 : memref<96xi32, #tpu.memory_space<hbm>>) dst(%dma_wait3A_198 : memref<96xi32, #tpu.memory_space<vmem>>)
        %dma_start3A_200 = arith.constant 0 : i32
        %dma_start3A_201 = arith.constant 0 : i32
        %dma_start3A_202 = tpu.memref_slice %arg2[%dma_start3A_200, %dma_start3A_201] : memref<10000x128xf32, #tpu.memory_space<hbm>> -> memref<10000x128xf32, #tpu.memory_space<hbm>>
        tpu.enqueue_indirect_dma source(%dma_start3A_202 : memref<10000x128xf32, #tpu.memory_space<hbm>>) target(%arg9 : memref<96x128xf32, #tpu.memory_space<vmem>>) offsets(%arg13 : memref<96xi32, #tpu.memory_space<vmem>>) semaphore(%arg21 : memref<!tpu.dma_semaphore, #tpu.memory_space<semaphore_mem>>)
      } else {
      }
      %dma_wait3A_91 = arith.constant 0 : i32
      %dma_wait3A_92 = arith.constant 0 : i32
      %dma_wait3A_93 = tpu.memref_slice %arg2[%dma_wait3A_91, %dma_wait3A_92] : memref<10000x128xf32, #tpu.memory_space<hbm>> -> memref<10000x128xf32, #tpu.memory_space<hbm>>
      tpu.wait_indirect_dma semaphore(%arg19 : memref<!tpu.dma_semaphore, #tpu.memory_space<semaphore_mem>>) src(%dma_wait3A_93 : memref<10000x128xf32, #tpu.memory_space<hbm>>) dst(%arg7 : memref<96x128xf32, #tpu.memory_space<vmem>>)
      %dma_start3A_94 = arith.constant 0 : i32
      %dma_start3A_95 = arith.constant 0 : i32
      %dma_start3A_96 = tpu.memref_slice %arg15[%dma_start3A_94, %dma_start3A_95] : memref<1x96xi32, #tpu.memory_space<vmem>> -> memref<1x96xi32, #tpu.memory_space<vmem>>
      %dma_start3A_97 = tpu.memref_squeeze %dma_start3A_96 : memref<1x96xi32, #tpu.memory_space<vmem>> -> memref<96xi32, #tpu.memory_space<vmem>>
      %dma_start3A_98 = arith.constant 0 : i32
      %dma_start3A_99 = arith.constant 0 : i32
      %dma_start3A_100 = tpu.memref_slice %arg6[%dma_start3A_98, %dma_start3A_99] : memref<10112x128xf32, #tpu.memory_space<vmem_shared>> -> memref<10112x128xf32, #tpu.memory_space<vmem_shared>>
      tpu.enqueue_indirect_dma source(%arg7 : memref<96x128xf32, #tpu.memory_space<vmem>>) target(%dma_start3A_100 : memref<10112x128xf32, #tpu.memory_space<vmem_shared>>) offsets(%dma_start3A_97 : memref<96xi32, #tpu.memory_space<vmem>>) semaphore(%arg23 : memref<!tpu.dma_semaphore, #tpu.memory_space<semaphore_mem>>) {add = true}
      %add3A_101 = arith.constant 1 : i32
      %add3A_102 = arith.addi %add3A_80, %add3A_101 : i32
      %ge3A_103 = arith.constant 2 : i32
      %ge3A_104 = arith.cmpi sge, %add3A_102, %ge3A_103 : i32
      %convert_element_type3A_105 = arith.extui %ge3A_104 : i1 to i32
      %cond3A_106 = arith.constant 0 : i32
      %cond3A_107 = arith.cmpi ne, %convert_element_type3A_105, %cond3A_106 : i32
      scf.if %cond3A_107 {
        %dma_wait3A_173 = arith.constant 0 : i32
        %dma_wait3A_174 = arith.constant 0 : i32
        %dma_wait3A_175 = tpu.memref_slice %arg18[%dma_wait3A_173, %dma_wait3A_174] : memref<1x96xi32, #tpu.memory_space<vmem>> -> memref<1x96xi32, #tpu.memory_space<vmem>>
        %dma_wait3A_176 = tpu.memref_squeeze %dma_wait3A_175 : memref<1x96xi32, #tpu.memory_space<vmem>> -> memref<96xi32, #tpu.memory_space<vmem>>
        %dma_wait3A_177 = arith.constant 0 : i32
        %dma_wait3A_178 = arith.constant 0 : i32
        %dma_wait3A_179 = tpu.memref_slice %arg6[%dma_wait3A_177, %dma_wait3A_178] : memref<10112x128xf32, #tpu.memory_space<vmem_shared>> -> memref<10112x128xf32, #tpu.memory_space<vmem_shared>>
        tpu.wait_indirect_dma semaphore(%arg26 : memref<!tpu.dma_semaphore, #tpu.memory_space<semaphore_mem>>) src(%arg10 : memref<96x128xf32, #tpu.memory_space<vmem>>) dst(%dma_wait3A_179 : memref<10112x128xf32, #tpu.memory_space<vmem_shared>>)
      } else {
      }
      %add3A_108 = arith.constant 2 : i32
      %add3A_109 = arith.addi %add3A_102, %add3A_108 : i32
      %lt3A_110 = arith.constant 108 : i32
      %lt3A_111 = arith.cmpi slt, %add3A_109, %lt3A_110 : i32
      %convert_element_type3A_112 = arith.extui %lt3A_111 : i1 to i32
      %cond3A_113 = arith.constant 0 : i32
      %cond3A_114 = arith.cmpi ne, %convert_element_type3A_112, %cond3A_113 : i32
      scf.if %cond3A_114 {
        %add3A_173 = arith.constant 2 : i32
        %add3A_174 = arith.addi %add3A_102, %add3A_173 : i32
        %mul3A_175 = arith.constant 96 : i32
        %mul3A_176 = arith.muli %add3A_174, %mul3A_175 : i32
        %add3A_177 = arith.addi %mul3A_24, %mul3A_176 : i32
        %dma_start3A_178 = tpu.memref_slice %arg3[%add3A_177] : memref<331776xi32, #tpu.memory_space<hbm>> -> memref<96xi32, #tpu.memory_space<hbm>>
        %dma_start3A_179 = tpu.memref_slice %arg3[%add3A_177] : memref<331776xi32, #tpu.memory_space<hbm>> -> memref<96xi32, #tpu.memory_space<hbm>>
        tpu.enqueue_dma source(%dma_start3A_179 : memref<96xi32, #tpu.memory_space<hbm>>) target(%arg14 : memref<96xi32, #tpu.memory_space<vmem>>) target_semaphore(%arg28 : memref<!tpu.dma_semaphore, #tpu.memory_space<semaphore_mem>>)
        %dma_start3A_180 = arith.constant 0 : i32
        %dma_start3A_181 = arith.constant 0 : i32
        %dma_start3A_182 = tpu.memref_slice %arg18[%dma_start3A_180, %dma_start3A_181] : memref<1x96xi32, #tpu.memory_space<vmem>> -> memref<1x96xi32, #tpu.memory_space<vmem>>
        %dma_start3A_183 = tpu.memref_squeeze %dma_start3A_182 : memref<1x96xi32, #tpu.memory_space<vmem>> -> memref<96xi32, #tpu.memory_space<vmem>>
        %dma_start3A_184 = tpu.memref_slice %arg4[%add3A_177] : memref<331776xi32, #tpu.memory_space<hbm>> -> memref<96xi32, #tpu.memory_space<hbm>>
        %dma_start3A_185 = arith.constant 0 : i32
        %dma_start3A_186 = tpu.memref_slice %arg18[%dma_start3A_180, %dma_start3A_185] : memref<1x96xi32, #tpu.memory_space<vmem>> -> memref<1x96xi32, #tpu.memory_space<vmem>>
        %dma_start3A_187 = tpu.memref_squeeze %dma_start3A_186 : memref<1x96xi32, #tpu.memory_space<vmem>> -> memref<96xi32, #tpu.memory_space<vmem>>
        %dma_start3A_188 = tpu.memref_slice %arg4[%add3A_177] : memref<331776xi32, #tpu.memory_space<hbm>> -> memref<96xi32, #tpu.memory_space<hbm>>
        tpu.enqueue_dma source(%dma_start3A_188 : memref<96xi32, #tpu.memory_space<hbm>>) target(%dma_start3A_187 : memref<96xi32, #tpu.memory_space<vmem>>) target_semaphore(%arg28 : memref<!tpu.dma_semaphore, #tpu.memory_space<semaphore_mem>>)
        %dma_wait3A_189 = tpu.memref_slice %arg3[%add3A_177] : memref<331776xi32, #tpu.memory_space<hbm>> -> memref<96xi32, #tpu.memory_space<hbm>>
        %dma_wait3A_190 = tpu.memref_slice %arg3[%add3A_177] : memref<331776xi32, #tpu.memory_space<hbm>> -> memref<96xi32, #tpu.memory_space<hbm>>
        tpu.wait_dma2 semaphore(%arg28 : memref<!tpu.dma_semaphore, #tpu.memory_space<semaphore_mem>>) src(%dma_wait3A_190 : memref<96xi32, #tpu.memory_space<hbm>>) dst(%arg14 : memref<96xi32, #tpu.memory_space<vmem>>)
        %dma_wait3A_191 = arith.constant 0 : i32
        %dma_wait3A_192 = arith.constant 0 : i32
        %dma_wait3A_193 = tpu.memref_slice %arg18[%dma_wait3A_191, %dma_wait3A_192] : memref<1x96xi32, #tpu.memory_space<vmem>> -> memref<1x96xi32, #tpu.memory_space<vmem>>
        %dma_wait3A_194 = tpu.memref_squeeze %dma_wait3A_193 : memref<1x96xi32, #tpu.memory_space<vmem>> -> memref<96xi32, #tpu.memory_space<vmem>>
        %dma_wait3A_195 = tpu.memref_slice %arg4[%add3A_177] : memref<331776xi32, #tpu.memory_space<hbm>> -> memref<96xi32, #tpu.memory_space<hbm>>
        %dma_wait3A_196 = arith.constant 0 : i32
        %dma_wait3A_197 = tpu.memref_slice %arg18[%dma_wait3A_191, %dma_wait3A_196] : memref<1x96xi32, #tpu.memory_space<vmem>> -> memref<1x96xi32, #tpu.memory_space<vmem>>
        %dma_wait3A_198 = tpu.memref_squeeze %dma_wait3A_197 : memref<1x96xi32, #tpu.memory_space<vmem>> -> memref<96xi32, #tpu.memory_space<vmem>>
        %dma_wait3A_199 = tpu.memref_slice %arg4[%add3A_177] : memref<331776xi32, #tpu.memory_space<hbm>> -> memref<96xi32, #tpu.memory_space<hbm>>
        tpu.wait_dma2 semaphore(%arg28 : memref<!tpu.dma_semaphore, #tpu.memory_space<semaphore_mem>>) src(%dma_wait3A_199 : memref<96xi32, #tpu.memory_space<hbm>>) dst(%dma_wait3A_198 : memref<96xi32, #tpu.memory_space<vmem>>)
        %dma_start3A_200 = arith.constant 0 : i32
        %dma_start3A_201 = arith.constant 0 : i32
        %dma_start3A_202 = tpu.memref_slice %arg2[%dma_start3A_200, %dma_start3A_201] : memref<10000x128xf32, #tpu.memory_space<hbm>> -> memref<10000x128xf32, #tpu.memory_space<hbm>>
        tpu.enqueue_indirect_dma source(%dma_start3A_202 : memref<10000x128xf32, #tpu.memory_space<hbm>>) target(%arg10 : memref<96x128xf32, #tpu.memory_space<vmem>>) offsets(%arg14 : memref<96xi32, #tpu.memory_space<vmem>>) semaphore(%arg22 : memref<!tpu.dma_semaphore, #tpu.memory_space<semaphore_mem>>)
      } else {
      }
      %dma_wait3A_115 = arith.constant 0 : i32
      %dma_wait3A_116 = arith.constant 0 : i32
      %dma_wait3A_117 = tpu.memref_slice %arg2[%dma_wait3A_115, %dma_wait3A_116] : memref<10000x128xf32, #tpu.memory_space<hbm>> -> memref<10000x128xf32, #tpu.memory_space<hbm>>
      tpu.wait_indirect_dma semaphore(%arg20 : memref<!tpu.dma_semaphore, #tpu.memory_space<semaphore_mem>>) src(%dma_wait3A_117 : memref<10000x128xf32, #tpu.memory_space<hbm>>) dst(%arg8 : memref<96x128xf32, #tpu.memory_space<vmem>>)
      %dma_start3A_118 = arith.constant 0 : i32
      %dma_start3A_119 = arith.constant 0 : i32
      %dma_start3A_120 = tpu.memref_slice %arg16[%dma_start3A_118, %dma_start3A_119] : memref<1x96xi32, #tpu.memory_space<vmem>> -> memref<1x96xi32, #tpu.memory_space<vmem>>
      %dma_start3A_121 = tpu.memref_squeeze %dma_start3A_120 : memref<1x96xi32, #tpu.memory_space<vmem>> -> memref<96xi32, #tpu.memory_space<vmem>>
      %dma_start3A_122 = arith.constant 0 : i32
      %dma_start3A_123 = arith.constant 0 : i32
      %dma_start3A_124 = tpu.memref_slice %arg6[%dma_start3A_122, %dma_start3A_123] : memref<10112x128xf32, #tpu.memory_space<vmem_shared>> -> memref<10112x128xf32, #tpu.memory_space<vmem_shared>>
      tpu.enqueue_indirect_dma source(%arg8 : memref<96x128xf32, #tpu.memory_space<vmem>>) target(%dma_start3A_124 : memref<10112x128xf32, #tpu.memory_space<vmem_shared>>) offsets(%dma_start3A_121 : memref<96xi32, #tpu.memory_space<vmem>>) semaphore(%arg24 : memref<!tpu.dma_semaphore, #tpu.memory_space<semaphore_mem>>) {add = true}
      %add3A_125 = arith.constant 2 : i32
      %add3A_126 = arith.addi %add3A_80, %add3A_125 : i32
      %ge3A_127 = arith.constant 2 : i32
      %ge3A_128 = arith.cmpi sge, %add3A_126, %ge3A_127 : i32
      %convert_element_type3A_129 = arith.extui %ge3A_128 : i1 to i32
      %cond3A_130 = arith.constant 0 : i32
      %cond3A_131 = arith.cmpi ne, %convert_element_type3A_129, %cond3A_130 : i32
      scf.if %cond3A_131 {
        %dma_wait3A_173 = arith.constant 0 : i32
        %dma_wait3A_174 = arith.constant 0 : i32
        %dma_wait3A_175 = tpu.memref_slice %arg15[%dma_wait3A_173, %dma_wait3A_174] : memref<1x96xi32, #tpu.memory_space<vmem>> -> memref<1x96xi32, #tpu.memory_space<vmem>>
        %dma_wait3A_176 = tpu.memref_squeeze %dma_wait3A_175 : memref<1x96xi32, #tpu.memory_space<vmem>> -> memref<96xi32, #tpu.memory_space<vmem>>
        %dma_wait3A_177 = arith.constant 0 : i32
        %dma_wait3A_178 = arith.constant 0 : i32
        %dma_wait3A_179 = tpu.memref_slice %arg6[%dma_wait3A_177, %dma_wait3A_178] : memref<10112x128xf32, #tpu.memory_space<vmem_shared>> -> memref<10112x128xf32, #tpu.memory_space<vmem_shared>>
        tpu.wait_indirect_dma semaphore(%arg23 : memref<!tpu.dma_semaphore, #tpu.memory_space<semaphore_mem>>) src(%arg7 : memref<96x128xf32, #tpu.memory_space<vmem>>) dst(%dma_wait3A_179 : memref<10112x128xf32, #tpu.memory_space<vmem_shared>>)
      } else {
      }
      %add3A_132 = arith.constant 2 : i32
      %add3A_133 = arith.addi %add3A_126, %add3A_132 : i32
      %lt3A_134 = arith.constant 108 : i32
      %lt3A_135 = arith.cmpi slt, %add3A_133, %lt3A_134 : i32
      %convert_element_type3A_136 = arith.extui %lt3A_135 : i1 to i32
      %cond3A_137 = arith.constant 0 : i32
      %cond3A_138 = arith.cmpi ne, %convert_element_type3A_136, %cond3A_137 : i32
      scf.if %cond3A_138 {
        %add3A_173 = arith.constant 2 : i32
        %add3A_174 = arith.addi %add3A_126, %add3A_173 : i32
        %mul3A_175 = arith.constant 96 : i32
        %mul3A_176 = arith.muli %add3A_174, %mul3A_175 : i32
        %add3A_177 = arith.addi %mul3A_24, %mul3A_176 : i32
        %dma_start3A_178 = tpu.memref_slice %arg3[%add3A_177] : memref<331776xi32, #tpu.memory_space<hbm>> -> memref<96xi32, #tpu.memory_space<hbm>>
        %dma_start3A_179 = tpu.memref_slice %arg3[%add3A_177] : memref<331776xi32, #tpu.memory_space<hbm>> -> memref<96xi32, #tpu.memory_space<hbm>>
        tpu.enqueue_dma source(%dma_start3A_179 : memref<96xi32, #tpu.memory_space<hbm>>) target(%arg11 : memref<96xi32, #tpu.memory_space<vmem>>) target_semaphore(%arg28 : memref<!tpu.dma_semaphore, #tpu.memory_space<semaphore_mem>>)
        %dma_start3A_180 = arith.constant 0 : i32
        %dma_start3A_181 = arith.constant 0 : i32
        %dma_start3A_182 = tpu.memref_slice %arg15[%dma_start3A_180, %dma_start3A_181] : memref<1x96xi32, #tpu.memory_space<vmem>> -> memref<1x96xi32, #tpu.memory_space<vmem>>
        %dma_start3A_183 = tpu.memref_squeeze %dma_start3A_182 : memref<1x96xi32, #tpu.memory_space<vmem>> -> memref<96xi32, #tpu.memory_space<vmem>>
        %dma_start3A_184 = tpu.memref_slice %arg4[%add3A_177] : memref<331776xi32, #tpu.memory_space<hbm>> -> memref<96xi32, #tpu.memory_space<hbm>>
        %dma_start3A_185 = arith.constant 0 : i32
        %dma_start3A_186 = tpu.memref_slice %arg15[%dma_start3A_180, %dma_start3A_185] : memref<1x96xi32, #tpu.memory_space<vmem>> -> memref<1x96xi32, #tpu.memory_space<vmem>>
        %dma_start3A_187 = tpu.memref_squeeze %dma_start3A_186 : memref<1x96xi32, #tpu.memory_space<vmem>> -> memref<96xi32, #tpu.memory_space<vmem>>
        %dma_start3A_188 = tpu.memref_slice %arg4[%add3A_177] : memref<331776xi32, #tpu.memory_space<hbm>> -> memref<96xi32, #tpu.memory_space<hbm>>
        tpu.enqueue_dma source(%dma_start3A_188 : memref<96xi32, #tpu.memory_space<hbm>>) target(%dma_start3A_187 : memref<96xi32, #tpu.memory_space<vmem>>) target_semaphore(%arg28 : memref<!tpu.dma_semaphore, #tpu.memory_space<semaphore_mem>>)
        %dma_wait3A_189 = tpu.memref_slice %arg3[%add3A_177] : memref<331776xi32, #tpu.memory_space<hbm>> -> memref<96xi32, #tpu.memory_space<hbm>>
        %dma_wait3A_190 = tpu.memref_slice %arg3[%add3A_177] : memref<331776xi32, #tpu.memory_space<hbm>> -> memref<96xi32, #tpu.memory_space<hbm>>
        tpu.wait_dma2 semaphore(%arg28 : memref<!tpu.dma_semaphore, #tpu.memory_space<semaphore_mem>>) src(%dma_wait3A_190 : memref<96xi32, #tpu.memory_space<hbm>>) dst(%arg11 : memref<96xi32, #tpu.memory_space<vmem>>)
        %dma_wait3A_191 = arith.constant 0 : i32
        %dma_wait3A_192 = arith.constant 0 : i32
        %dma_wait3A_193 = tpu.memref_slice %arg15[%dma_wait3A_191, %dma_wait3A_192] : memref<1x96xi32, #tpu.memory_space<vmem>> -> memref<1x96xi32, #tpu.memory_space<vmem>>
        %dma_wait3A_194 = tpu.memref_squeeze %dma_wait3A_193 : memref<1x96xi32, #tpu.memory_space<vmem>> -> memref<96xi32, #tpu.memory_space<vmem>>
        %dma_wait3A_195 = tpu.memref_slice %arg4[%add3A_177] : memref<331776xi32, #tpu.memory_space<hbm>> -> memref<96xi32, #tpu.memory_space<hbm>>
        %dma_wait3A_196 = arith.constant 0 : i32
        %dma_wait3A_197 = tpu.memref_slice %arg15[%dma_wait3A_191, %dma_wait3A_196] : memref<1x96xi32, #tpu.memory_space<vmem>> -> memref<1x96xi32, #tpu.memory_space<vmem>>
        %dma_wait3A_198 = tpu.memref_squeeze %dma_wait3A_197 : memref<1x96xi32, #tpu.memory_space<vmem>> -> memref<96xi32, #tpu.memory_space<vmem>>
        %dma_wait3A_199 = tpu.memref_slice %arg4[%add3A_177] : memref<331776xi32, #tpu.memory_space<hbm>> -> memref<96xi32, #tpu.memory_space<hbm>>
        tpu.wait_dma2 semaphore(%arg28 : memref<!tpu.dma_semaphore, #tpu.memory_space<semaphore_mem>>) src(%dma_wait3A_199 : memref<96xi32, #tpu.memory_space<hbm>>) dst(%dma_wait3A_198 : memref<96xi32, #tpu.memory_space<vmem>>)
        %dma_start3A_200 = arith.constant 0 : i32
        %dma_start3A_201 = arith.constant 0 : i32
        %dma_start3A_202 = tpu.memref_slice %arg2[%dma_start3A_200, %dma_start3A_201] : memref<10000x128xf32, #tpu.memory_space<hbm>> -> memref<10000x128xf32, #tpu.memory_space<hbm>>
        tpu.enqueue_indirect_dma source(%dma_start3A_202 : memref<10000x128xf32, #tpu.memory_space<hbm>>) target(%arg7 : memref<96x128xf32, #tpu.memory_space<vmem>>) offsets(%arg11 : memref<96xi32, #tpu.memory_space<vmem>>) semaphore(%arg19 : memref<!tpu.dma_semaphore, #tpu.memory_space<semaphore_mem>>)
      } else {
      }
      %dma_wait3A_139 = arith.constant 0 : i32
      %dma_wait3A_140 = arith.constant 0 : i32
      %dma_wait3A_141 = tpu.memref_slice %arg2[%dma_wait3A_139, %dma_wait3A_140] : memref<10000x128xf32, #tpu.memory_space<hbm>> -> memref<10000x128xf32, #tpu.memory_space<hbm>>
      tpu.wait_indirect_dma semaphore(%arg21 : memref<!tpu.dma_semaphore, #tpu.memory_space<semaphore_mem>>) src(%dma_wait3A_141 : memref<10000x128xf32, #tpu.memory_space<hbm>>) dst(%arg9 : memref<96x128xf32, #tpu.memory_space<vmem>>)
      %dma_start3A_142 = arith.constant 0 : i32
      %dma_start3A_143 = arith.constant 0 : i32
      %dma_start3A_144 = tpu.memref_slice %arg17[%dma_start3A_142, %dma_start3A_143] : memref<1x96xi32, #tpu.memory_space<vmem>> -> memref<1x96xi32, #tpu.memory_space<vmem>>
      %dma_start3A_145 = tpu.memref_squeeze %dma_start3A_144 : memref<1x96xi32, #tpu.memory_space<vmem>> -> memref<96xi32, #tpu.memory_space<vmem>>
      %dma_start3A_146 = arith.constant 0 : i32
      %dma_start3A_147 = arith.constant 0 : i32
      %dma_start3A_148 = tpu.memref_slice %arg6[%dma_start3A_146, %dma_start3A_147] : memref<10112x128xf32, #tpu.memory_space<vmem_shared>> -> memref<10112x128xf32, #tpu.memory_space<vmem_shared>>
      tpu.enqueue_indirect_dma source(%arg9 : memref<96x128xf32, #tpu.memory_space<vmem>>) target(%dma_start3A_148 : memref<10112x128xf32, #tpu.memory_space<vmem_shared>>) offsets(%dma_start3A_145 : memref<96xi32, #tpu.memory_space<vmem>>) semaphore(%arg25 : memref<!tpu.dma_semaphore, #tpu.memory_space<semaphore_mem>>) {add = true}
      %add3A_149 = arith.constant 3 : i32
      %add3A_150 = arith.addi %add3A_80, %add3A_149 : i32
      %ge3A_151 = arith.constant 2 : i32
      %ge3A_152 = arith.cmpi sge, %add3A_150, %ge3A_151 : i32
      %convert_element_type3A_153 = arith.extui %ge3A_152 : i1 to i32
      %cond3A_154 = arith.constant 0 : i32
      %cond3A_155 = arith.cmpi ne, %convert_element_type3A_153, %cond3A_154 : i32
      scf.if %cond3A_155 {
        %dma_wait3A_173 = arith.constant 0 : i32
        %dma_wait3A_174 = arith.constant 0 : i32
        %dma_wait3A_175 = tpu.memref_slice %arg16[%dma_wait3A_173, %dma_wait3A_174] : memref<1x96xi32, #tpu.memory_space<vmem>> -> memref<1x96xi32, #tpu.memory_space<vmem>>
        %dma_wait3A_176 = tpu.memref_squeeze %dma_wait3A_175 : memref<1x96xi32, #tpu.memory_space<vmem>> -> memref<96xi32, #tpu.memory_space<vmem>>
        %dma_wait3A_177 = arith.constant 0 : i32
        %dma_wait3A_178 = arith.constant 0 : i32
        %dma_wait3A_179 = tpu.memref_slice %arg6[%dma_wait3A_177, %dma_wait3A_178] : memref<10112x128xf32, #tpu.memory_space<vmem_shared>> -> memref<10112x128xf32, #tpu.memory_space<vmem_shared>>
        tpu.wait_indirect_dma semaphore(%arg24 : memref<!tpu.dma_semaphore, #tpu.memory_space<semaphore_mem>>) src(%arg8 : memref<96x128xf32, #tpu.memory_space<vmem>>) dst(%dma_wait3A_179 : memref<10112x128xf32, #tpu.memory_space<vmem_shared>>)
      } else {
      }
      %add3A_156 = arith.constant 2 : i32
      %add3A_157 = arith.addi %add3A_150, %add3A_156 : i32
      %lt3A_158 = arith.constant 108 : i32
      %lt3A_159 = arith.cmpi slt, %add3A_157, %lt3A_158 : i32
      %convert_element_type3A_160 = arith.extui %lt3A_159 : i1 to i32
      %cond3A_161 = arith.constant 0 : i32
      %cond3A_162 = arith.cmpi ne, %convert_element_type3A_160, %cond3A_161 : i32
      scf.if %cond3A_162 {
        %add3A_173 = arith.constant 2 : i32
        %add3A_174 = arith.addi %add3A_150, %add3A_173 : i32
        %mul3A_175 = arith.constant 96 : i32
        %mul3A_176 = arith.muli %add3A_174, %mul3A_175 : i32
        %add3A_177 = arith.addi %mul3A_24, %mul3A_176 : i32
        %dma_start3A_178 = tpu.memref_slice %arg3[%add3A_177] : memref<331776xi32, #tpu.memory_space<hbm>> -> memref<96xi32, #tpu.memory_space<hbm>>
        %dma_start3A_179 = tpu.memref_slice %arg3[%add3A_177] : memref<331776xi32, #tpu.memory_space<hbm>> -> memref<96xi32, #tpu.memory_space<hbm>>
        tpu.enqueue_dma source(%dma_start3A_179 : memref<96xi32, #tpu.memory_space<hbm>>) target(%arg12 : memref<96xi32, #tpu.memory_space<vmem>>) target_semaphore(%arg28 : memref<!tpu.dma_semaphore, #tpu.memory_space<semaphore_mem>>)
        %dma_start3A_180 = arith.constant 0 : i32
        %dma_start3A_181 = arith.constant 0 : i32
        %dma_start3A_182 = tpu.memref_slice %arg16[%dma_start3A_180, %dma_start3A_181] : memref<1x96xi32, #tpu.memory_space<vmem>> -> memref<1x96xi32, #tpu.memory_space<vmem>>
        %dma_start3A_183 = tpu.memref_squeeze %dma_start3A_182 : memref<1x96xi32, #tpu.memory_space<vmem>> -> memref<96xi32, #tpu.memory_space<vmem>>
        %dma_start3A_184 = tpu.memref_slice %arg4[%add3A_177] : memref<331776xi32, #tpu.memory_space<hbm>> -> memref<96xi32, #tpu.memory_space<hbm>>
        %dma_start3A_185 = arith.constant 0 : i32
        %dma_start3A_186 = tpu.memref_slice %arg16[%dma_start3A_180, %dma_start3A_185] : memref<1x96xi32, #tpu.memory_space<vmem>> -> memref<1x96xi32, #tpu.memory_space<vmem>>
        %dma_start3A_187 = tpu.memref_squeeze %dma_start3A_186 : memref<1x96xi32, #tpu.memory_space<vmem>> -> memref<96xi32, #tpu.memory_space<vmem>>
        %dma_start3A_188 = tpu.memref_slice %arg4[%add3A_177] : memref<331776xi32, #tpu.memory_space<hbm>> -> memref<96xi32, #tpu.memory_space<hbm>>
        tpu.enqueue_dma source(%dma_start3A_188 : memref<96xi32, #tpu.memory_space<hbm>>) target(%dma_start3A_187 : memref<96xi32, #tpu.memory_space<vmem>>) target_semaphore(%arg28 : memref<!tpu.dma_semaphore, #tpu.memory_space<semaphore_mem>>)
        %dma_wait3A_189 = tpu.memref_slice %arg3[%add3A_177] : memref<331776xi32, #tpu.memory_space<hbm>> -> memref<96xi32, #tpu.memory_space<hbm>>
        %dma_wait3A_190 = tpu.memref_slice %arg3[%add3A_177] : memref<331776xi32, #tpu.memory_space<hbm>> -> memref<96xi32, #tpu.memory_space<hbm>>
        tpu.wait_dma2 semaphore(%arg28 : memref<!tpu.dma_semaphore, #tpu.memory_space<semaphore_mem>>) src(%dma_wait3A_190 : memref<96xi32, #tpu.memory_space<hbm>>) dst(%arg12 : memref<96xi32, #tpu.memory_space<vmem>>)
        %dma_wait3A_191 = arith.constant 0 : i32
        %dma_wait3A_192 = arith.constant 0 : i32
        %dma_wait3A_193 = tpu.memref_slice %arg16[%dma_wait3A_191, %dma_wait3A_192] : memref<1x96xi32, #tpu.memory_space<vmem>> -> memref<1x96xi32, #tpu.memory_space<vmem>>
        %dma_wait3A_194 = tpu.memref_squeeze %dma_wait3A_193 : memref<1x96xi32, #tpu.memory_space<vmem>> -> memref<96xi32, #tpu.memory_space<vmem>>
        %dma_wait3A_195 = tpu.memref_slice %arg4[%add3A_177] : memref<331776xi32, #tpu.memory_space<hbm>> -> memref<96xi32, #tpu.memory_space<hbm>>
        %dma_wait3A_196 = arith.constant 0 : i32
        %dma_wait3A_197 = tpu.memref_slice %arg16[%dma_wait3A_191, %dma_wait3A_196] : memref<1x96xi32, #tpu.memory_space<vmem>> -> memref<1x96xi32, #tpu.memory_space<vmem>>
        %dma_wait3A_198 = tpu.memref_squeeze %dma_wait3A_197 : memref<1x96xi32, #tpu.memory_space<vmem>> -> memref<96xi32, #tpu.memory_space<vmem>>
        %dma_wait3A_199 = tpu.memref_slice %arg4[%add3A_177] : memref<331776xi32, #tpu.memory_space<hbm>> -> memref<96xi32, #tpu.memory_space<hbm>>
        tpu.wait_dma2 semaphore(%arg28 : memref<!tpu.dma_semaphore, #tpu.memory_space<semaphore_mem>>) src(%dma_wait3A_199 : memref<96xi32, #tpu.memory_space<hbm>>) dst(%dma_wait3A_198 : memref<96xi32, #tpu.memory_space<vmem>>)
        %dma_start3A_200 = arith.constant 0 : i32
        %dma_start3A_201 = arith.constant 0 : i32
        %dma_start3A_202 = tpu.memref_slice %arg2[%dma_start3A_200, %dma_start3A_201] : memref<10000x128xf32, #tpu.memory_space<hbm>> -> memref<10000x128xf32, #tpu.memory_space<hbm>>
        tpu.enqueue_indirect_dma source(%dma_start3A_202 : memref<10000x128xf32, #tpu.memory_space<hbm>>) target(%arg8 : memref<96x128xf32, #tpu.memory_space<vmem>>) offsets(%arg12 : memref<96xi32, #tpu.memory_space<vmem>>) semaphore(%arg20 : memref<!tpu.dma_semaphore, #tpu.memory_space<semaphore_mem>>)
      } else {
      }
      %dma_wait3A_163 = arith.constant 0 : i32
      %dma_wait3A_164 = arith.constant 0 : i32
      %dma_wait3A_165 = tpu.memref_slice %arg2[%dma_wait3A_163, %dma_wait3A_164] : memref<10000x128xf32, #tpu.memory_space<hbm>> -> memref<10000x128xf32, #tpu.memory_space<hbm>>
      tpu.wait_indirect_dma semaphore(%arg22 : memref<!tpu.dma_semaphore, #tpu.memory_space<semaphore_mem>>) src(%dma_wait3A_165 : memref<10000x128xf32, #tpu.memory_space<hbm>>) dst(%arg10 : memref<96x128xf32, #tpu.memory_space<vmem>>)
      %dma_start3A_166 = arith.constant 0 : i32
      %dma_start3A_167 = arith.constant 0 : i32
      %dma_start3A_168 = tpu.memref_slice %arg18[%dma_start3A_166, %dma_start3A_167] : memref<1x96xi32, #tpu.memory_space<vmem>> -> memref<1x96xi32, #tpu.memory_space<vmem>>
      %dma_start3A_169 = tpu.memref_squeeze %dma_start3A_168 : memref<1x96xi32, #tpu.memory_space<vmem>> -> memref<96xi32, #tpu.memory_space<vmem>>
      %dma_start3A_170 = arith.constant 0 : i32
      %dma_start3A_171 = arith.constant 0 : i32
      %dma_start3A_172 = tpu.memref_slice %arg6[%dma_start3A_170, %dma_start3A_171] : memref<10112x128xf32, #tpu.memory_space<vmem_shared>> -> memref<10112x128xf32, #tpu.memory_space<vmem_shared>>
      tpu.enqueue_indirect_dma source(%arg10 : memref<96x128xf32, #tpu.memory_space<vmem>>) target(%dma_start3A_172 : memref<10112x128xf32, #tpu.memory_space<vmem_shared>>) offsets(%dma_start3A_169 : memref<96xi32, #tpu.memory_space<vmem>>) semaphore(%arg26 : memref<!tpu.dma_semaphore, #tpu.memory_space<semaphore_mem>>) {add = true}
    }
    %scan3A_56 = arith.constant 27 : i32
    %dma_wait3A_57 = arith.constant 0 : i32
    %dma_wait3A_58 = arith.constant 0 : i32
    %dma_wait3A_59 = tpu.memref_slice %arg17[%dma_wait3A_57, %dma_wait3A_58] : memref<1x96xi32, #tpu.memory_space<vmem>> -> memref<1x96xi32, #tpu.memory_space<vmem>>
    %dma_wait3A_60 = tpu.memref_squeeze %dma_wait3A_59 : memref<1x96xi32, #tpu.memory_space<vmem>> -> memref<96xi32, #tpu.memory_space<vmem>>
    %dma_wait3A_61 = arith.constant 0 : i32
    %dma_wait3A_62 = arith.constant 0 : i32
    %dma_wait3A_63 = tpu.memref_slice %arg6[%dma_wait3A_61, %dma_wait3A_62] : memref<10112x128xf32, #tpu.memory_space<vmem_shared>> -> memref<10112x128xf32, #tpu.memory_space<vmem_shared>>
    tpu.wait_indirect_dma semaphore(%arg25 : memref<!tpu.dma_semaphore, #tpu.memory_space<semaphore_mem>>) src(%arg9 : memref<96x128xf32, #tpu.memory_space<vmem>>) dst(%dma_wait3A_63 : memref<10112x128xf32, #tpu.memory_space<vmem_shared>>)
    %dma_wait3A_64 = arith.constant 0 : i32
    %dma_wait3A_65 = arith.constant 0 : i32
    %dma_wait3A_66 = tpu.memref_slice %arg18[%dma_wait3A_64, %dma_wait3A_65] : memref<1x96xi32, #tpu.memory_space<vmem>> -> memref<1x96xi32, #tpu.memory_space<vmem>>
    %dma_wait3A_67 = tpu.memref_squeeze %dma_wait3A_66 : memref<1x96xi32, #tpu.memory_space<vmem>> -> memref<96xi32, #tpu.memory_space<vmem>>
    %dma_wait3A_68 = arith.constant 0 : i32
    %dma_wait3A_69 = arith.constant 0 : i32
    %dma_wait3A_70 = tpu.memref_slice %arg6[%dma_wait3A_68, %dma_wait3A_69] : memref<10112x128xf32, #tpu.memory_space<vmem_shared>> -> memref<10112x128xf32, #tpu.memory_space<vmem_shared>>
    tpu.wait_indirect_dma semaphore(%arg26 : memref<!tpu.dma_semaphore, #tpu.memory_space<semaphore_mem>>) src(%arg10 : memref<96x128xf32, #tpu.memory_space<vmem>>) dst(%dma_wait3A_70 : memref<10112x128xf32, #tpu.memory_space<vmem_shared>>)
    %barrier3A_71 = arith.constant 0 : index
    tpu.barrier barrier_id(%barrier3A_71)
    %mul3A_72 = arith.constant 632 : i32
    %mul3A_73 = arith.muli %arg1, %mul3A_72 : i32
    %mul3A_74 = arith.constant 632 : i32
    %mul3A_75 = arith.muli %arg1, %mul3A_74 : i32
    "tpu.region"() ({
      %run_scoped3A_76 = tpu.sem_alloc : memref<!tpu.dma_semaphore, #tpu.memory_space<semaphore_mem>>
      %dma_start3A_77 = arith.constant 0 : i32
      %dma_start3A_78 = tpu.memref_slice %arg5[%arg0, %mul3A_75, %dma_start3A_77] : memref<2x10112x128xf32, #tpu.memory_space<hbm>> -> memref<1x632x128xf32, #tpu.memory_space<hbm>>
      %dma_start3A_79 = tpu.memref_squeeze %dma_start3A_78 : memref<1x632x128xf32, #tpu.memory_space<hbm>> -> memref<632x128xf32, #tpu.memory_space<hbm>>
      %dma_start3A_80 = arith.constant 0 : i32
      %dma_start3A_81 = tpu.memref_slice %arg6[%mul3A_73, %dma_start3A_80] : memref<10112x128xf32, #tpu.memory_space<vmem_shared>> -> memref<632x128xf32, #tpu.memory_space<vmem_shared>>
      tpu.enqueue_dma source(%dma_start3A_81 : memref<632x128xf32, #tpu.memory_space<vmem_shared>>) target(%dma_start3A_79 : memref<632x128xf32, #tpu.memory_space<hbm>>) target_semaphore(%run_scoped3A_76 : memref<!tpu.dma_semaphore, #tpu.memory_space<semaphore_mem>>)
      %dma_wait3A_82 = arith.constant 0 : i32
      %dma_wait3A_83 = tpu.memref_slice %arg5[%arg0, %mul3A_75, %dma_wait3A_82] : memref<2x10112x128xf32, #tpu.memory_space<hbm>> -> memref<1x632x128xf32, #tpu.memory_space<hbm>>
      %dma_wait3A_84 = tpu.memref_squeeze %dma_wait3A_83 : memref<1x632x128xf32, #tpu.memory_space<hbm>> -> memref<632x128xf32, #tpu.memory_space<hbm>>
      %dma_wait3A_85 = arith.constant 0 : i32
      %dma_wait3A_86 = tpu.memref_slice %arg6[%mul3A_73, %dma_wait3A_85] : memref<10112x128xf32, #tpu.memory_space<vmem_shared>> -> memref<632x128xf32, #tpu.memory_space<vmem_shared>>
      tpu.wait_dma2 semaphore(%run_scoped3A_76 : memref<!tpu.dma_semaphore, #tpu.memory_space<semaphore_mem>>) src(%dma_wait3A_86 : memref<632x128xf32, #tpu.memory_space<vmem_shared>>) dst(%dma_wait3A_84 : memref<632x128xf32, #tpu.memory_space<hbm>>)
      tpu.yield
    }) : () -> ()
    return
  }
}

#map = affine_map<(d0, d1) -> (0, 0)>
#map1 = affine_map<(d0, d1) -> (0)>
#map2 = affine_map<(d0, d1) -> (0, 0, 0)>
module attributes {stable_mosaic.version = 14 : i64} {
  func.func @_agg(%arg0: i32, %arg1: i32, %arg2: memref<10000x128xf32, #tpu.memory_space<hbm>>, %arg3: memref<331776xi32, #tpu.memory_space<hbm>>, %arg4: memref<331776xi32, #tpu.memory_space<hbm>>, %arg5: memref<2x10112x128xf32, #tpu.memory_space<hbm>>, %arg6: memref<10112x128xf32, #tpu.memory_space<vmem_shared>>, %arg7: memref<96x128xf32, #tpu.memory_space<vmem>>, %arg8: memref<96x128xf32, #tpu.memory_space<vmem>>, %arg9: memref<96x128xf32, #tpu.memory_space<vmem>>, %arg10: memref<96x128xf32, #tpu.memory_space<vmem>>, %arg11: memref<96xi32, #tpu.memory_space<vmem>>, %arg12: memref<96xi32, #tpu.memory_space<vmem>>, %arg13: memref<96xi32, #tpu.memory_space<vmem>>, %arg14: memref<96xi32, #tpu.memory_space<vmem>>, %arg15: memref<1x96xi32, #tpu.memory_space<vmem>>, %arg16: memref<1x96xi32, #tpu.memory_space<vmem>>, %arg17: memref<1x96xi32, #tpu.memory_space<vmem>>, %arg18: memref<1x96xi32, #tpu.memory_space<vmem>>, %arg19: memref<!tpu.dma_semaphore, #tpu.memory_space<semaphore_mem>>, %arg20: memref<!tpu.dma_semaphore, #tpu.memory_space<semaphore_mem>>, %arg21: memref<!tpu.dma_semaphore, #tpu.memory_space<semaphore_mem>>, %arg22: memref<!tpu.dma_semaphore, #tpu.memory_space<semaphore_mem>>, %arg23: memref<!tpu.dma_semaphore, #tpu.memory_space<semaphore_mem>>, %arg24: memref<!tpu.dma_semaphore, #tpu.memory_space<semaphore_mem>>, %arg25: memref<!tpu.dma_semaphore, #tpu.memory_space<semaphore_mem>>, %arg26: memref<!tpu.dma_semaphore, #tpu.memory_space<semaphore_mem>>, %arg27: memref<!tpu.dma_semaphore, #tpu.memory_space<semaphore_mem>>, %arg28: memref<!tpu.dma_semaphore, #tpu.memory_space<semaphore_mem>>) attributes {dimension_semantics = [#tpu.dimension_semantics<core_parallel>, #tpu.dimension_semantics<subcore_parallel>], iteration_bounds = array<i64: 2, 16>, scalar_prefetch = 0 : i64, scratch_operands = 23 : i64, tpu.core_type = #tpu.core_type<sc_vector_subcore>, window_params = [{transform_indices = #map}, {transform_indices = #map1}, {transform_indices = #map1}, {transform_indices = #map2}]} {
    %mul3A = arith.constant 16 : i32
    %mul3A_0 = arith.muli %arg0, %mul3A : i32
    %add3A = arith.addi %mul3A_0, %arg1 : i32
    %scan3A = arith.constant 0 : i32
    %scan3A_1 = arith.constant 96 : i32
    %scan3A_2 = arith.addi %scan3A, %scan3A_1 : i32
    %scan3A_3 = arith.constant 1 : i32
    scf.for %scan3A_76 = %scan3A to %scan3A_2 step %scan3A_3  : i32 {
      %mul3A_77 = arith.constant 1 : i32
      %mul3A_78 = arith.muli %scan3A_76, %mul3A_77 : i32
      %add3A_79 = arith.constant 0 : i32
      %add3A_80 = arith.addi %add3A_79, %mul3A_78 : i32
      %scan3A_81 = arith.constant 0 : i32
      %scan3A_82 = arith.constant 8 : i32
      %scan3A_83 = arith.addi %scan3A_81, %scan3A_82 : i32
      %scan3A_84 = arith.constant 1 : i32
      scf.for %scan3A_86 = %scan3A_81 to %scan3A_83 step %scan3A_84  : i32 {
        %mul3A_87 = arith.constant 1 : i32
        %mul3A_88 = arith.muli %scan3A_86, %mul3A_87 : i32
        %add3A_89 = arith.constant 0 : i32
        %add3A_90 = arith.addi %add3A_89, %mul3A_88 : i32
        %broadcast_in_dim3A = arith.constant 0.000000e+00 : f32
        %broadcast_in_dim3A_91 = vector.broadcast %broadcast_in_dim3A : f32 to vector<16xf32>
        %mul3A_92 = arith.constant 16 : i32
        %mul3A_93 = arith.muli %add3A_90, %mul3A_92 : i32
        %swap3A = arith.index_cast %add3A_80 : i32 to index
        %swap3A_94 = arith.index_cast %mul3A_93 : i32 to index
        %swap3A_95 = tpu.vector_load %arg10[%swap3A, %swap3A_94] {strides = array<i32>} : memref<96x128xf32, #tpu.memory_space<vmem>>, vector<1x16xf32>,
        %swap3A_96 = vector.shape_cast %swap3A_95 : vector<1x16xf32> to vector<16xf32>
        %swap3A_97 = vector.shape_cast %broadcast_in_dim3A_91 : vector<16xf32> to vector<1x16xf32>
        tpu.vector_store %arg10[%swap3A, %swap3A_94], %swap3A_97 {strides = array<i32>} : memref<96x128xf32, #tpu.memory_space<vmem>>, vector<1x16xf32>,
      }
      %scan3A_85 = arith.constant 8 : i32
    }
    %scan3A_4 = arith.constant 96 : i32
    %scan3A_5 = arith.constant 0 : i32
    %scan3A_6 = arith.constant 6 : i32
    %scan3A_7 = arith.addi %scan3A_5, %scan3A_6 : i32
    %scan3A_8 = arith.constant 1 : i32
    scf.for %scan3A_76 = %scan3A_5 to %scan3A_7 step %scan3A_8  : i32 {
      %mul3A_77 = arith.constant 1 : i32
      %mul3A_78 = arith.muli %scan3A_76, %mul3A_77 : i32
      %add3A_79 = arith.constant 0 : i32
      %add3A_80 = arith.addi %add3A_79, %mul3A_78 : i32
      %mul3A_81 = arith.constant 632 : i32
      %mul3A_82 = arith.muli %arg1, %mul3A_81 : i32
      %mul3A_83 = arith.constant 96 : i32
      %mul3A_84 = arith.muli %add3A_80, %mul3A_83 : i32
      %add3A_85 = arith.addi %mul3A_82, %mul3A_84 : i32
      %dma_start3A_86 = arith.constant 0 : i32
      %dma_start3A_87 = tpu.memref_slice %arg6[%add3A_85, %dma_start3A_86] : memref<10112x128xf32, #tpu.memory_space<vmem_shared>> -> memref<96x128xf32, #tpu.memory_space<vmem_shared>>
      %dma_start3A_88 = arith.constant 0 : i32
      %dma_start3A_89 = tpu.memref_slice %arg6[%add3A_85, %dma_start3A_88] : memref<10112x128xf32, #tpu.memory_space<vmem_shared>> -> memref<96x128xf32, #tpu.memory_space<vmem_shared>>
      tpu.enqueue_dma source(%arg10 : memref<96x128xf32, #tpu.memory_space<vmem>>) target(%dma_start3A_89 : memref<96x128xf32, #tpu.memory_space<vmem_shared>>) target_semaphore(%arg27 : memref<!tpu.dma_semaphore, #tpu.memory_space<semaphore_mem>>)
    }
    %scan3A_9 = arith.constant 6 : i32
    %mul3A_10 = arith.constant 632 : i32
    %mul3A_11 = arith.muli %arg1, %mul3A_10 : i32
    %add3A_12 = arith.constant 576 : i32
    %add3A_13 = arith.addi %mul3A_11, %add3A_12 : i32
    %dma_start3A = arith.constant 0 : i32
    %dma_start3A_14 = arith.constant 0 : i32
    %dma_start3A_15 = tpu.memref_slice %arg10[%dma_start3A, %dma_start3A_14] : memref<96x128xf32, #tpu.memory_space<vmem>> -> memref<56x128xf32, #tpu.memory_space<vmem>>
    %dma_start3A_16 = arith.constant 0 : i32
    %dma_start3A_17 = tpu.memref_slice %arg6[%add3A_13, %dma_start3A_16] : memref<10112x128xf32, #tpu.memory_space<vmem_shared>> -> memref<56x128xf32, #tpu.memory_space<vmem_shared>>
    %dma_start3A_18 = arith.constant 0 : i32
    %dma_start3A_19 = tpu.memref_slice %arg6[%add3A_13, %dma_start3A_18] : memref<10112x128xf32, #tpu.memory_space<vmem_shared>> -> memref<56x128xf32, #tpu.memory_space<vmem_shared>>
    %dma_start3A_20 = arith.constant 0 : i32
    %dma_start3A_21 = arith.constant 0 : i32
    %dma_start3A_22 = tpu.memref_slice %arg10[%dma_start3A_20, %dma_start3A_21] : memref<96x128xf32, #tpu.memory_space<vmem>> -> memref<56x128xf32, #tpu.memory_space<vmem>>
    tpu.enqueue_dma source(%dma_start3A_22 : memref<56x128xf32, #tpu.memory_space<vmem>>) target(%dma_start3A_19 : memref<56x128xf32, #tpu.memory_space<vmem_shared>>) target_semaphore(%arg27 : memref<!tpu.dma_semaphore, #tpu.memory_space<semaphore_mem>>)
    %mul3A_23 = arith.constant 10368 : i32
    %mul3A_24 = arith.muli %add3A, %mul3A_23 : i32
    "tpu.region"() ({
      %run_scoped3A_76 = tpu.sem_alloc : memref<!tpu.dma_semaphore, #tpu.memory_space<semaphore_mem>>
      %dma_start3A_77 = tpu.memref_slice %arg3[%mul3A_24] : memref<331776xi32, #tpu.memory_space<hbm>> -> memref<96xi32, #tpu.memory_space<hbm>>
      %dma_start3A_78 = tpu.memref_slice %arg3[%mul3A_24] : memref<331776xi32, #tpu.memory_space<hbm>> -> memref<96xi32, #tpu.memory_space<hbm>>
      tpu.enqueue_dma source(%dma_start3A_78 : memref<96xi32, #tpu.memory_space<hbm>>) target(%arg11 : memref<96xi32, #tpu.memory_space<vmem>>) target_semaphore(%run_scoped3A_76 : memref<!tpu.dma_semaphore, #tpu.memory_space<semaphore_mem>>)
      %dma_wait3A_79 = tpu.memref_slice %arg3[%mul3A_24] : memref<331776xi32, #tpu.memory_space<hbm>> -> memref<96xi32, #tpu.memory_space<hbm>>
      %dma_wait3A_80 = tpu.memref_slice %arg3[%mul3A_24] : memref<331776xi32, #tpu.memory_space<hbm>> -> memref<96xi32, #tpu.memory_space<hbm>>
      tpu.wait_dma2 semaphore(%run_scoped3A_76 : memref<!tpu.dma_semaphore, #tpu.memory_space<semaphore_mem>>) src(%dma_wait3A_80 : memref<96xi32, #tpu.memory_space<hbm>>) dst(%arg11 : memref<96xi32, #tpu.memory_space<vmem>>)
      tpu.yield
    }) : () -> ()
    %run_scoped3A = arith.constant 0 : i32
    "tpu.region"() ({
      %run_scoped3A_76 = tpu.sem_alloc : memref<!tpu.dma_semaphore, #tpu.memory_space<semaphore_mem>>
      %dma_start3A_77 = arith.constant 0 : i32
      %dma_start3A_78 = tpu.memref_slice %arg15[%run_scoped3A, %dma_start3A_77] : memref<1x96xi32, #tpu.memory_space<vmem>> -> memref<1x96xi32, #tpu.memory_space<vmem>>
      %dma_start3A_79 = tpu.memref_squeeze %dma_start3A_78 : memref<1x96xi32, #tpu.memory_space<vmem>> -> memref<96xi32, #tpu.memory_space<vmem>>
      %dma_start3A_80 = tpu.memref_slice %arg4[%mul3A_24] : memref<331776xi32, #tpu.memory_space<hbm>> -> memref<96xi32, #tpu.memory_space<hbm>>
      %dma_start3A_81 = arith.constant 0 : i32
      %dma_start3A_82 = tpu.memref_slice %arg15[%run_scoped3A, %dma_start3A_81] : memref<1x96xi32, #tpu.memory_space<vmem>> -> memref<1x96xi32, #tpu.memory_space<vmem>>
      %dma_start3A_83 = tpu.memref_squeeze %dma_start3A_82 : memref<1x96xi32, #tpu.memory_space<vmem>> -> memref<96xi32, #tpu.memory_space<vmem>>
      %dma_start3A_84 = tpu.memref_slice %arg4[%mul3A_24] : memref<331776xi32, #tpu.memory_space<hbm>> -> memref<96xi32, #tpu.memory_space<hbm>>
      tpu.enqueue_dma source(%dma_start3A_84 : memref<96xi32, #tpu.memory_space<hbm>>) target(%dma_start3A_83 : memref<96xi32, #tpu.memory_space<vmem>>) target_semaphore(%run_scoped3A_76 : memref<!tpu.dma_semaphore, #tpu.memory_space<semaphore_mem>>)
      %dma_wait3A_85 = arith.constant 0 : i32
      %dma_wait3A_86 = tpu.memref_slice %arg15[%run_scoped3A, %dma_wait3A_85] : memref<1x96xi32, #tpu.memory_space<vmem>> -> memref<1x96xi32, #tpu.memory_space<vmem>>
      %dma_wait3A_87 = tpu.memref_squeeze %dma_wait3A_86 : memref<1x96xi32, #tpu.memory_space<vmem>> -> memref<96xi32, #tpu.memory_space<vmem>>
      %dma_wait3A_88 = tpu.memref_slice %arg4[%mul3A_24] : memref<331776xi32, #tpu.memory_space<hbm>> -> memref<96xi32, #tpu.memory_space<hbm>>
      %dma_wait3A_89 = arith.constant 0 : i32
      %dma_wait3A_90 = tpu.memref_slice %arg15[%run_scoped3A, %dma_wait3A_89] : memref<1x96xi32, #tpu.memory_space<vmem>> -> memref<1x96xi32, #tpu.memory_space<vmem>>
      %dma_wait3A_91 = tpu.memref_squeeze %dma_wait3A_90 : memref<1x96xi32, #tpu.memory_space<vmem>> -> memref<96xi32, #tpu.memory_space<vmem>>
      %dma_wait3A_92 = tpu.memref_slice %arg4[%mul3A_24] : memref<331776xi32, #tpu.memory_space<hbm>> -> memref<96xi32, #tpu.memory_space<hbm>>
      tpu.wait_dma2 semaphore(%run_scoped3A_76 : memref<!tpu.dma_semaphore, #tpu.memory_space<semaphore_mem>>) src(%dma_wait3A_92 : memref<96xi32, #tpu.memory_space<hbm>>) dst(%dma_wait3A_91 : memref<96xi32, #tpu.memory_space<vmem>>)
      tpu.yield
    }) : () -> ()
    %add3A_25 = arith.constant 96 : i32
    %add3A_26 = arith.addi %mul3A_24, %add3A_25 : i32
    "tpu.region"() ({
      %run_scoped3A_76 = tpu.sem_alloc : memref<!tpu.dma_semaphore, #tpu.memory_space<semaphore_mem>>
      %dma_start3A_77 = tpu.memref_slice %arg3[%add3A_26] : memref<331776xi32, #tpu.memory_space<hbm>> -> memref<96xi32, #tpu.memory_space<hbm>>
      %dma_start3A_78 = tpu.memref_slice %arg3[%add3A_26] : memref<331776xi32, #tpu.memory_space<hbm>> -> memref<96xi32, #tpu.memory_space<hbm>>
      tpu.enqueue_dma source(%dma_start3A_78 : memref<96xi32, #tpu.memory_space<hbm>>) target(%arg12 : memref<96xi32, #tpu.memory_space<vmem>>) target_semaphore(%run_scoped3A_76 : memref<!tpu.dma_semaphore, #tpu.memory_space<semaphore_mem>>)
      %dma_wait3A_79 = tpu.memref_slice %arg3[%add3A_26] : memref<331776xi32, #tpu.memory_space<hbm>> -> memref<96xi32, #tpu.memory_space<hbm>>
      %dma_wait3A_80 = tpu.memref_slice %arg3[%add3A_26] : memref<331776xi32, #tpu.memory_space<hbm>> -> memref<96xi32, #tpu.memory_space<hbm>>
      tpu.wait_dma2 semaphore(%run_scoped3A_76 : memref<!tpu.dma_semaphore, #tpu.memory_space<semaphore_mem>>) src(%dma_wait3A_80 : memref<96xi32, #tpu.memory_space<hbm>>) dst(%arg12 : memref<96xi32, #tpu.memory_space<vmem>>)
      tpu.yield
    }) : () -> ()
    %add3A_27 = arith.constant 96 : i32
    %add3A_28 = arith.addi %mul3A_24, %add3A_27 : i32
    %run_scoped3A_29 = arith.constant 0 : i32
    "tpu.region"() ({
      %run_scoped3A_76 = tpu.sem_alloc : memref<!tpu.dma_semaphore, #tpu.memory_space<semaphore_mem>>
      %dma_start3A_77 = arith.constant 0 : i32
      %dma_start3A_78 = tpu.memref_slice %arg16[%run_scoped3A_29, %dma_start3A_77] : memref<1x96xi32, #tpu.memory_space<vmem>> -> memref<1x96xi32, #tpu.memory_space<vmem>>
      %dma_start3A_79 = tpu.memref_squeeze %dma_start3A_78 : memref<1x96xi32, #tpu.memory_space<vmem>> -> memref<96xi32, #tpu.memory_space<vmem>>
      %dma_start3A_80 = tpu.memref_slice %arg4[%add3A_28] : memref<331776xi32, #tpu.memory_space<hbm>> -> memref<96xi32, #tpu.memory_space<hbm>>
      %dma_start3A_81 = arith.constant 0 : i32
      %dma_start3A_82 = tpu.memref_slice %arg16[%run_scoped3A_29, %dma_start3A_81] : memref<1x96xi32, #tpu.memory_space<vmem>> -> memref<1x96xi32, #tpu.memory_space<vmem>>
      %dma_start3A_83 = tpu.memref_squeeze %dma_start3A_82 : memref<1x96xi32, #tpu.memory_space<vmem>> -> memref<96xi32, #tpu.memory_space<vmem>>
      %dma_start3A_84 = tpu.memref_slice %arg4[%add3A_28] : memref<331776xi32, #tpu.memory_space<hbm>> -> memref<96xi32, #tpu.memory_space<hbm>>
      tpu.enqueue_dma source(%dma_start3A_84 : memref<96xi32, #tpu.memory_space<hbm>>) target(%dma_start3A_83 : memref<96xi32, #tpu.memory_space<vmem>>) target_semaphore(%run_scoped3A_76 : memref<!tpu.dma_semaphore, #tpu.memory_space<semaphore_mem>>)
      %dma_wait3A_85 = arith.constant 0 : i32
      %dma_wait3A_86 = tpu.memref_slice %arg16[%run_scoped3A_29, %dma_wait3A_85] : memref<1x96xi32, #tpu.memory_space<vmem>> -> memref<1x96xi32, #tpu.memory_space<vmem>>
      %dma_wait3A_87 = tpu.memref_squeeze %dma_wait3A_86 : memref<1x96xi32, #tpu.memory_space<vmem>> -> memref<96xi32, #tpu.memory_space<vmem>>
      %dma_wait3A_88 = tpu.memref_slice %arg4[%add3A_28] : memref<331776xi32, #tpu.memory_space<hbm>> -> memref<96xi32, #tpu.memory_space<hbm>>
      %dma_wait3A_89 = arith.constant 0 : i32
      %dma_wait3A_90 = tpu.memref_slice %arg16[%run_scoped3A_29, %dma_wait3A_89] : memref<1x96xi32, #tpu.memory_space<vmem>> -> memref<1x96xi32, #tpu.memory_space<vmem>>
      %dma_wait3A_91 = tpu.memref_squeeze %dma_wait3A_90 : memref<1x96xi32, #tpu.memory_space<vmem>> -> memref<96xi32, #tpu.memory_space<vmem>>
      %dma_wait3A_92 = tpu.memref_slice %arg4[%add3A_28] : memref<331776xi32, #tpu.memory_space<hbm>> -> memref<96xi32, #tpu.memory_space<hbm>>
      tpu.wait_dma2 semaphore(%run_scoped3A_76 : memref<!tpu.dma_semaphore, #tpu.memory_space<semaphore_mem>>) src(%dma_wait3A_92 : memref<96xi32, #tpu.memory_space<hbm>>) dst(%dma_wait3A_91 : memref<96xi32, #tpu.memory_space<vmem>>)
      tpu.yield
    }) : () -> ()
    %dma_start3A_30 = arith.constant 0 : i32
    %dma_start3A_31 = arith.constant 0 : i32
    %dma_start3A_32 = tpu.memref_slice %arg2[%dma_start3A_30, %dma_start3A_31] : memref<10000x128xf32, #tpu.memory_space<hbm>> -> memref<10000x128xf32, #tpu.memory_space<hbm>>
    tpu.enqueue_indirect_dma source(%dma_start3A_32 : memref<10000x128xf32, #tpu.memory_space<hbm>>) target(%arg7 : memref<96x128xf32, #tpu.memory_space<vmem>>) offsets(%arg11 : memref<96xi32, #tpu.memory_space<vmem>>) semaphore(%arg19 : memref<!tpu.dma_semaphore, #tpu.memory_space<semaphore_mem>>)
    %dma_start3A_33 = arith.constant 0 : i32
    %dma_start3A_34 = arith.constant 0 : i32
    %dma_start3A_35 = tpu.memref_slice %arg2[%dma_start3A_33, %dma_start3A_34] : memref<10000x128xf32, #tpu.memory_space<hbm>> -> memref<10000x128xf32, #tpu.memory_space<hbm>>
    tpu.enqueue_indirect_dma source(%dma_start3A_35 : memref<10000x128xf32, #tpu.memory_space<hbm>>) target(%arg8 : memref<96x128xf32, #tpu.memory_space<vmem>>) offsets(%arg12 : memref<96xi32, #tpu.memory_space<vmem>>) semaphore(%arg20 : memref<!tpu.dma_semaphore, #tpu.memory_space<semaphore_mem>>)
    %scan3A_36 = arith.constant 0 : i32
    %scan3A_37 = arith.constant 6 : i32
    %scan3A_38 = arith.addi %scan3A_36, %scan3A_37 : i32
    %scan3A_39 = arith.constant 1 : i32
    scf.for %scan3A_76 = %scan3A_36 to %scan3A_38 step %scan3A_39  : i32 {
      %mul3A_77 = arith.constant 1 : i32
      %mul3A_78 = arith.muli %scan3A_76, %mul3A_77 : i32
      %add3A_79 = arith.constant 0 : i32
      %add3A_80 = arith.addi %add3A_79, %mul3A_78 : i32
      %mul3A_81 = arith.constant 632 : i32
      %mul3A_82 = arith.muli %arg1, %mul3A_81 : i32
      %dma_wait3A_83 = arith.constant 0 : i32
      %dma_wait3A_84 = tpu.memref_slice %arg6[%mul3A_82, %dma_wait3A_83] : memref<10112x128xf32, #tpu.memory_space<vmem_shared>> -> memref<96x128xf32, #tpu.memory_space<vmem_shared>>
      %dma_wait3A_85 = arith.constant 0 : i32
      %dma_wait3A_86 = tpu.memref_slice %arg6[%mul3A_82, %dma_wait3A_85] : memref<10112x128xf32, #tpu.memory_space<vmem_shared>> -> memref<96x128xf32, #tpu.memory_space<vmem_shared>>
      tpu.wait_dma2 semaphore(%arg27 : memref<!tpu.dma_semaphore, #tpu.memory_space<semaphore_mem>>) src(%arg10 : memref<96x128xf32, #tpu.memory_space<vmem>>) dst(%dma_wait3A_86 : memref<96x128xf32, #tpu.memory_space<vmem_shared>>)
    }
    %scan3A_40 = arith.constant 6 : i32
    %mul3A_41 = arith.constant 632 : i32
    %mul3A_42 = arith.muli %arg1, %mul3A_41 : i32
    %dma_wait3A = arith.constant 0 : i32
    %dma_wait3A_43 = arith.constant 0 : i32
    %dma_wait3A_44 = tpu.memref_slice %arg10[%dma_wait3A, %dma_wait3A_43] : memref<96x128xf32, #tpu.memory_space<vmem>> -> memref<56x128xf32, #tpu.memory_space<vmem>>
    %dma_wait3A_45 = arith.constant 0 : i32
    %dma_wait3A_46 = tpu.memref_slice %arg6[%mul3A_42, %dma_wait3A_45] : memref<10112x128xf32, #tpu.memory_space<vmem_shared>> -> memref<56x128xf32, #tpu.memory_space<vmem_shared>>
    %dma_wait3A_47 = arith.constant 0 : i32
    %dma_wait3A_48 = tpu.memref_slice %arg6[%mul3A_42, %dma_wait3A_47] : memref<10112x128xf32, #tpu.memory_space<vmem_shared>> -> memref<56x128xf32, #tpu.memory_space<vmem_shared>>
    %dma_wait3A_49 = arith.constant 0 : i32
    %dma_wait3A_50 = arith.constant 0 : i32
    %dma_wait3A_51 = tpu.memref_slice %arg10[%dma_wait3A_49, %dma_wait3A_50] : memref<96x128xf32, #tpu.memory_space<vmem>> -> memref<56x128xf32, #tpu.memory_space<vmem>>
    tpu.wait_dma2 semaphore(%arg27 : memref<!tpu.dma_semaphore, #tpu.memory_space<semaphore_mem>>) src(%dma_wait3A_51 : memref<56x128xf32, #tpu.memory_space<vmem>>) dst(%dma_wait3A_48 : memref<56x128xf32, #tpu.memory_space<vmem_shared>>)
    %barrier3A = arith.constant 0 : index
    tpu.barrier barrier_id(%barrier3A)
    %scan3A_52 = arith.constant 0 : i32
    %scan3A_53 = arith.constant 27 : i32
    %scan3A_54 = arith.addi %scan3A_52, %scan3A_53 : i32
    %scan3A_55 = arith.constant 1 : i32
    scf.for %scan3A_76 = %scan3A_52 to %scan3A_54 step %scan3A_55  : i32 {
      %mul3A_77 = arith.constant 4 : i32
      %mul3A_78 = arith.muli %scan3A_76, %mul3A_77 : i32
      %add3A_79 = arith.constant 0 : i32
      %add3A_80 = arith.addi %add3A_79, %mul3A_78 : i32
      %add3A_81 = arith.constant 0 : i32
      %add3A_82 = arith.addi %add3A_80, %add3A_81 : i32
      %ge3A = arith.constant 2 : i32
      %ge3A_83 = arith.cmpi sge, %add3A_82, %ge3A : i32
      %convert_element_type3A = arith.extui %ge3A_83 : i1 to i32
      %cond3A = arith.constant 0 : i32
      %cond3A_84 = arith.cmpi ne, %convert_element_type3A, %cond3A : i32
      scf.if %cond3A_84 {
        %dma_wait3A_173 = arith.constant 0 : i32
        %dma_wait3A_174 = arith.constant 0 : i32
        %dma_wait3A_175 = tpu.memref_slice %arg17[%dma_wait3A_173, %dma_wait3A_174] : memref<1x96xi32, #tpu.memory_space<vmem>> -> memref<1x96xi32, #tpu.memory_space<vmem>>
        %dma_wait3A_176 = tpu.memref_squeeze %dma_wait3A_175 : memref<1x96xi32, #tpu.memory_space<vmem>> -> memref<96xi32, #tpu.memory_space<vmem>>
        %dma_wait3A_177 = arith.constant 0 : i32
        %dma_wait3A_178 = arith.constant 0 : i32
        %dma_wait3A_179 = tpu.memref_slice %arg6[%dma_wait3A_177, %dma_wait3A_178] : memref<10112x128xf32, #tpu.memory_space<vmem_shared>> -> memref<10112x128xf32, #tpu.memory_space<vmem_shared>>
        tpu.wait_indirect_dma semaphore(%arg25 : memref<!tpu.dma_semaphore, #tpu.memory_space<semaphore_mem>>) src(%arg9 : memref<96x128xf32, #tpu.memory_space<vmem>>) dst(%dma_wait3A_179 : memref<10112x128xf32, #tpu.memory_space<vmem_shared>>)
      } else {
      }
      %add3A_85 = arith.constant 2 : i32
      %add3A_86 = arith.addi %add3A_82, %add3A_85 : i32
      %lt3A = arith.constant 108 : i32
      %lt3A_87 = arith.cmpi slt, %add3A_86, %lt3A : i32
      %convert_element_type3A_88 = arith.extui %lt3A_87 : i1 to i32
      %cond3A_89 = arith.constant 0 : i32
      %cond3A_90 = arith.cmpi ne, %convert_element_type3A_88, %cond3A_89 : i32
      scf.if %cond3A_90 {
        %add3A_173 = arith.constant 2 : i32
        %add3A_174 = arith.addi %add3A_82, %add3A_173 : i32
        %mul3A_175 = arith.constant 96 : i32
        %mul3A_176 = arith.muli %add3A_174, %mul3A_175 : i32
        %add3A_177 = arith.addi %mul3A_24, %mul3A_176 : i32
        %dma_start3A_178 = tpu.memref_slice %arg3[%add3A_177] : memref<331776xi32, #tpu.memory_space<hbm>> -> memref<96xi32, #tpu.memory_space<hbm>>
        %dma_start3A_179 = tpu.memref_slice %arg3[%add3A_177] : memref<331776xi32, #tpu.memory_space<hbm>> -> memref<96xi32, #tpu.memory_space<hbm>>
        tpu.enqueue_dma source(%dma_start3A_179 : memref<96xi32, #tpu.memory_space<hbm>>) target(%arg13 : memref<96xi32, #tpu.memory_space<vmem>>) target_semaphore(%arg28 : memref<!tpu.dma_semaphore, #tpu.memory_space<semaphore_mem>>)
        %dma_start3A_180 = arith.constant 0 : i32
        %dma_start3A_181 = arith.constant 0 : i32
        %dma_start3A_182 = tpu.memref_slice %arg17[%dma_start3A_180, %dma_start3A_181] : memref<1x96xi32, #tpu.memory_space<vmem>> -> memref<1x96xi32, #tpu.memory_space<vmem>>
        %dma_start3A_183 = tpu.memref_squeeze %dma_start3A_182 : memref<1x96xi32, #tpu.memory_space<vmem>> -> memref<96xi32, #tpu.memory_space<vmem>>
        %dma_start3A_184 = tpu.memref_slice %arg4[%add3A_177] : memref<331776xi32, #tpu.memory_space<hbm>> -> memref<96xi32, #tpu.memory_space<hbm>>
        %dma_start3A_185 = arith.constant 0 : i32
        %dma_start3A_186 = tpu.memref_slice %arg17[%dma_start3A_180, %dma_start3A_185] : memref<1x96xi32, #tpu.memory_space<vmem>> -> memref<1x96xi32, #tpu.memory_space<vmem>>
        %dma_start3A_187 = tpu.memref_squeeze %dma_start3A_186 : memref<1x96xi32, #tpu.memory_space<vmem>> -> memref<96xi32, #tpu.memory_space<vmem>>
        %dma_start3A_188 = tpu.memref_slice %arg4[%add3A_177] : memref<331776xi32, #tpu.memory_space<hbm>> -> memref<96xi32, #tpu.memory_space<hbm>>
        tpu.enqueue_dma source(%dma_start3A_188 : memref<96xi32, #tpu.memory_space<hbm>>) target(%dma_start3A_187 : memref<96xi32, #tpu.memory_space<vmem>>) target_semaphore(%arg28 : memref<!tpu.dma_semaphore, #tpu.memory_space<semaphore_mem>>)
        %dma_wait3A_189 = tpu.memref_slice %arg3[%add3A_177] : memref<331776xi32, #tpu.memory_space<hbm>> -> memref<96xi32, #tpu.memory_space<hbm>>
        %dma_wait3A_190 = tpu.memref_slice %arg3[%add3A_177] : memref<331776xi32, #tpu.memory_space<hbm>> -> memref<96xi32, #tpu.memory_space<hbm>>
        tpu.wait_dma2 semaphore(%arg28 : memref<!tpu.dma_semaphore, #tpu.memory_space<semaphore_mem>>) src(%dma_wait3A_190 : memref<96xi32, #tpu.memory_space<hbm>>) dst(%arg13 : memref<96xi32, #tpu.memory_space<vmem>>)
        %dma_wait3A_191 = arith.constant 0 : i32
        %dma_wait3A_192 = arith.constant 0 : i32
        %dma_wait3A_193 = tpu.memref_slice %arg17[%dma_wait3A_191, %dma_wait3A_192] : memref<1x96xi32, #tpu.memory_space<vmem>> -> memref<1x96xi32, #tpu.memory_space<vmem>>
        %dma_wait3A_194 = tpu.memref_squeeze %dma_wait3A_193 : memref<1x96xi32, #tpu.memory_space<vmem>> -> memref<96xi32, #tpu.memory_space<vmem>>
        %dma_wait3A_195 = tpu.memref_slice %arg4[%add3A_177] : memref<331776xi32, #tpu.memory_space<hbm>> -> memref<96xi32, #tpu.memory_space<hbm>>
        %dma_wait3A_196 = arith.constant 0 : i32
        %dma_wait3A_197 = tpu.memref_slice %arg17[%dma_wait3A_191, %dma_wait3A_196] : memref<1x96xi32, #tpu.memory_space<vmem>> -> memref<1x96xi32, #tpu.memory_space<vmem>>
        %dma_wait3A_198 = tpu.memref_squeeze %dma_wait3A_197 : memref<1x96xi32, #tpu.memory_space<vmem>> -> memref<96xi32, #tpu.memory_space<vmem>>
        %dma_wait3A_199 = tpu.memref_slice %arg4[%add3A_177] : memref<331776xi32, #tpu.memory_space<hbm>> -> memref<96xi32, #tpu.memory_space<hbm>>
        tpu.wait_dma2 semaphore(%arg28 : memref<!tpu.dma_semaphore, #tpu.memory_space<semaphore_mem>>) src(%dma_wait3A_199 : memref<96xi32, #tpu.memory_space<hbm>>) dst(%dma_wait3A_198 : memref<96xi32, #tpu.memory_space<vmem>>)
        %dma_start3A_200 = arith.constant 0 : i32
        %dma_start3A_201 = arith.constant 0 : i32
        %dma_start3A_202 = tpu.memref_slice %arg2[%dma_start3A_200, %dma_start3A_201] : memref<10000x128xf32, #tpu.memory_space<hbm>> -> memref<10000x128xf32, #tpu.memory_space<hbm>>
        tpu.enqueue_indirect_dma source(%dma_start3A_202 : memref<10000x128xf32, #tpu.memory_space<hbm>>) target(%arg9 : memref<96x128xf32, #tpu.memory_space<vmem>>) offsets(%arg13 : memref<96xi32, #tpu.memory_space<vmem>>) semaphore(%arg21 : memref<!tpu.dma_semaphore, #tpu.memory_space<semaphore_mem>>)
      } else {
      }
      %dma_wait3A_91 = arith.constant 0 : i32
      %dma_wait3A_92 = arith.constant 0 : i32
      %dma_wait3A_93 = tpu.memref_slice %arg2[%dma_wait3A_91, %dma_wait3A_92] : memref<10000x128xf32, #tpu.memory_space<hbm>> -> memref<10000x128xf32, #tpu.memory_space<hbm>>
      tpu.wait_indirect_dma semaphore(%arg19 : memref<!tpu.dma_semaphore, #tpu.memory_space<semaphore_mem>>) src(%dma_wait3A_93 : memref<10000x128xf32, #tpu.memory_space<hbm>>) dst(%arg7 : memref<96x128xf32, #tpu.memory_space<vmem>>)
      %dma_start3A_94 = arith.constant 0 : i32
      %dma_start3A_95 = arith.constant 0 : i32
      %dma_start3A_96 = tpu.memref_slice %arg15[%dma_start3A_94, %dma_start3A_95] : memref<1x96xi32, #tpu.memory_space<vmem>> -> memref<1x96xi32, #tpu.memory_space<vmem>>
      %dma_start3A_97 = tpu.memref_squeeze %dma_start3A_96 : memref<1x96xi32, #tpu.memory_space<vmem>> -> memref<96xi32, #tpu.memory_space<vmem>>
      %dma_start3A_98 = arith.constant 0 : i32
      %dma_start3A_99 = arith.constant 0 : i32
      %dma_start3A_100 = tpu.memref_slice %arg6[%dma_start3A_98, %dma_start3A_99] : memref<10112x128xf32, #tpu.memory_space<vmem_shared>> -> memref<10112x128xf32, #tpu.memory_space<vmem_shared>>
      tpu.enqueue_indirect_dma source(%arg7 : memref<96x128xf32, #tpu.memory_space<vmem>>) target(%dma_start3A_100 : memref<10112x128xf32, #tpu.memory_space<vmem_shared>>) offsets(%dma_start3A_97 : memref<96xi32, #tpu.memory_space<vmem>>) semaphore(%arg23 : memref<!tpu.dma_semaphore, #tpu.memory_space<semaphore_mem>>) {add = true}
      %add3A_101 = arith.constant 1 : i32
      %add3A_102 = arith.addi %add3A_80, %add3A_101 : i32
      %ge3A_103 = arith.constant 2 : i32
      %ge3A_104 = arith.cmpi sge, %add3A_102, %ge3A_103 : i32
      %convert_element_type3A_105 = arith.extui %ge3A_104 : i1 to i32
      %cond3A_106 = arith.constant 0 : i32
      %cond3A_107 = arith.cmpi ne, %convert_element_type3A_105, %cond3A_106 : i32
      scf.if %cond3A_107 {
        %dma_wait3A_173 = arith.constant 0 : i32
        %dma_wait3A_174 = arith.constant 0 : i32
        %dma_wait3A_175 = tpu.memref_slice %arg18[%dma_wait3A_173, %dma_wait3A_174] : memref<1x96xi32, #tpu.memory_space<vmem>> -> memref<1x96xi32, #tpu.memory_space<vmem>>
        %dma_wait3A_176 = tpu.memref_squeeze %dma_wait3A_175 : memref<1x96xi32, #tpu.memory_space<vmem>> -> memref<96xi32, #tpu.memory_space<vmem>>
        %dma_wait3A_177 = arith.constant 0 : i32
        %dma_wait3A_178 = arith.constant 0 : i32
        %dma_wait3A_179 = tpu.memref_slice %arg6[%dma_wait3A_177, %dma_wait3A_178] : memref<10112x128xf32, #tpu.memory_space<vmem_shared>> -> memref<10112x128xf32, #tpu.memory_space<vmem_shared>>
        tpu.wait_indirect_dma semaphore(%arg26 : memref<!tpu.dma_semaphore, #tpu.memory_space<semaphore_mem>>) src(%arg10 : memref<96x128xf32, #tpu.memory_space<vmem>>) dst(%dma_wait3A_179 : memref<10112x128xf32, #tpu.memory_space<vmem_shared>>)
      } else {
      }
      %add3A_108 = arith.constant 2 : i32
      %add3A_109 = arith.addi %add3A_102, %add3A_108 : i32
      %lt3A_110 = arith.constant 108 : i32
      %lt3A_111 = arith.cmpi slt, %add3A_109, %lt3A_110 : i32
      %convert_element_type3A_112 = arith.extui %lt3A_111 : i1 to i32
      %cond3A_113 = arith.constant 0 : i32
      %cond3A_114 = arith.cmpi ne, %convert_element_type3A_112, %cond3A_113 : i32
      scf.if %cond3A_114 {
        %add3A_173 = arith.constant 2 : i32
        %add3A_174 = arith.addi %add3A_102, %add3A_173 : i32
        %mul3A_175 = arith.constant 96 : i32
        %mul3A_176 = arith.muli %add3A_174, %mul3A_175 : i32
        %add3A_177 = arith.addi %mul3A_24, %mul3A_176 : i32
        %dma_start3A_178 = tpu.memref_slice %arg3[%add3A_177] : memref<331776xi32, #tpu.memory_space<hbm>> -> memref<96xi32, #tpu.memory_space<hbm>>
        %dma_start3A_179 = tpu.memref_slice %arg3[%add3A_177] : memref<331776xi32, #tpu.memory_space<hbm>> -> memref<96xi32, #tpu.memory_space<hbm>>
        tpu.enqueue_dma source(%dma_start3A_179 : memref<96xi32, #tpu.memory_space<hbm>>) target(%arg14 : memref<96xi32, #tpu.memory_space<vmem>>) target_semaphore(%arg28 : memref<!tpu.dma_semaphore, #tpu.memory_space<semaphore_mem>>)
        %dma_start3A_180 = arith.constant 0 : i32
        %dma_start3A_181 = arith.constant 0 : i32
        %dma_start3A_182 = tpu.memref_slice %arg18[%dma_start3A_180, %dma_start3A_181] : memref<1x96xi32, #tpu.memory_space<vmem>> -> memref<1x96xi32, #tpu.memory_space<vmem>>
        %dma_start3A_183 = tpu.memref_squeeze %dma_start3A_182 : memref<1x96xi32, #tpu.memory_space<vmem>> -> memref<96xi32, #tpu.memory_space<vmem>>
        %dma_start3A_184 = tpu.memref_slice %arg4[%add3A_177] : memref<331776xi32, #tpu.memory_space<hbm>> -> memref<96xi32, #tpu.memory_space<hbm>>
        %dma_start3A_185 = arith.constant 0 : i32
        %dma_start3A_186 = tpu.memref_slice %arg18[%dma_start3A_180, %dma_start3A_185] : memref<1x96xi32, #tpu.memory_space<vmem>> -> memref<1x96xi32, #tpu.memory_space<vmem>>
        %dma_start3A_187 = tpu.memref_squeeze %dma_start3A_186 : memref<1x96xi32, #tpu.memory_space<vmem>> -> memref<96xi32, #tpu.memory_space<vmem>>
        %dma_start3A_188 = tpu.memref_slice %arg4[%add3A_177] : memref<331776xi32, #tpu.memory_space<hbm>> -> memref<96xi32, #tpu.memory_space<hbm>>
        tpu.enqueue_dma source(%dma_start3A_188 : memref<96xi32, #tpu.memory_space<hbm>>) target(%dma_start3A_187 : memref<96xi32, #tpu.memory_space<vmem>>) target_semaphore(%arg28 : memref<!tpu.dma_semaphore, #tpu.memory_space<semaphore_mem>>)
        %dma_wait3A_189 = tpu.memref_slice %arg3[%add3A_177] : memref<331776xi32, #tpu.memory_space<hbm>> -> memref<96xi32, #tpu.memory_space<hbm>>
        %dma_wait3A_190 = tpu.memref_slice %arg3[%add3A_177] : memref<331776xi32, #tpu.memory_space<hbm>> -> memref<96xi32, #tpu.memory_space<hbm>>
        tpu.wait_dma2 semaphore(%arg28 : memref<!tpu.dma_semaphore, #tpu.memory_space<semaphore_mem>>) src(%dma_wait3A_190 : memref<96xi32, #tpu.memory_space<hbm>>) dst(%arg14 : memref<96xi32, #tpu.memory_space<vmem>>)
        %dma_wait3A_191 = arith.constant 0 : i32
        %dma_wait3A_192 = arith.constant 0 : i32
        %dma_wait3A_193 = tpu.memref_slice %arg18[%dma_wait3A_191, %dma_wait3A_192] : memref<1x96xi32, #tpu.memory_space<vmem>> -> memref<1x96xi32, #tpu.memory_space<vmem>>
        %dma_wait3A_194 = tpu.memref_squeeze %dma_wait3A_193 : memref<1x96xi32, #tpu.memory_space<vmem>> -> memref<96xi32, #tpu.memory_space<vmem>>
        %dma_wait3A_195 = tpu.memref_slice %arg4[%add3A_177] : memref<331776xi32, #tpu.memory_space<hbm>> -> memref<96xi32, #tpu.memory_space<hbm>>
        %dma_wait3A_196 = arith.constant 0 : i32
        %dma_wait3A_197 = tpu.memref_slice %arg18[%dma_wait3A_191, %dma_wait3A_196] : memref<1x96xi32, #tpu.memory_space<vmem>> -> memref<1x96xi32, #tpu.memory_space<vmem>>
        %dma_wait3A_198 = tpu.memref_squeeze %dma_wait3A_197 : memref<1x96xi32, #tpu.memory_space<vmem>> -> memref<96xi32, #tpu.memory_space<vmem>>
        %dma_wait3A_199 = tpu.memref_slice %arg4[%add3A_177] : memref<331776xi32, #tpu.memory_space<hbm>> -> memref<96xi32, #tpu.memory_space<hbm>>
        tpu.wait_dma2 semaphore(%arg28 : memref<!tpu.dma_semaphore, #tpu.memory_space<semaphore_mem>>) src(%dma_wait3A_199 : memref<96xi32, #tpu.memory_space<hbm>>) dst(%dma_wait3A_198 : memref<96xi32, #tpu.memory_space<vmem>>)
        %dma_start3A_200 = arith.constant 0 : i32
        %dma_start3A_201 = arith.constant 0 : i32
        %dma_start3A_202 = tpu.memref_slice %arg2[%dma_start3A_200, %dma_start3A_201] : memref<10000x128xf32, #tpu.memory_space<hbm>> -> memref<10000x128xf32, #tpu.memory_space<hbm>>
        tpu.enqueue_indirect_dma source(%dma_start3A_202 : memref<10000x128xf32, #tpu.memory_space<hbm>>) target(%arg10 : memref<96x128xf32, #tpu.memory_space<vmem>>) offsets(%arg14 : memref<96xi32, #tpu.memory_space<vmem>>) semaphore(%arg22 : memref<!tpu.dma_semaphore, #tpu.memory_space<semaphore_mem>>)
      } else {
      }
      %dma_wait3A_115 = arith.constant 0 : i32
      %dma_wait3A_116 = arith.constant 0 : i32
      %dma_wait3A_117 = tpu.memref_slice %arg2[%dma_wait3A_115, %dma_wait3A_116] : memref<10000x128xf32, #tpu.memory_space<hbm>> -> memref<10000x128xf32, #tpu.memory_space<hbm>>
      tpu.wait_indirect_dma semaphore(%arg20 : memref<!tpu.dma_semaphore, #tpu.memory_space<semaphore_mem>>) src(%dma_wait3A_117 : memref<10000x128xf32, #tpu.memory_space<hbm>>) dst(%arg8 : memref<96x128xf32, #tpu.memory_space<vmem>>)
      %dma_start3A_118 = arith.constant 0 : i32
      %dma_start3A_119 = arith.constant 0 : i32
      %dma_start3A_120 = tpu.memref_slice %arg16[%dma_start3A_118, %dma_start3A_119] : memref<1x96xi32, #tpu.memory_space<vmem>> -> memref<1x96xi32, #tpu.memory_space<vmem>>
      %dma_start3A_121 = tpu.memref_squeeze %dma_start3A_120 : memref<1x96xi32, #tpu.memory_space<vmem>> -> memref<96xi32, #tpu.memory_space<vmem>>
      %dma_start3A_122 = arith.constant 0 : i32
      %dma_start3A_123 = arith.constant 0 : i32
      %dma_start3A_124 = tpu.memref_slice %arg6[%dma_start3A_122, %dma_start3A_123] : memref<10112x128xf32, #tpu.memory_space<vmem_shared>> -> memref<10112x128xf32, #tpu.memory_space<vmem_shared>>
      tpu.enqueue_indirect_dma source(%arg8 : memref<96x128xf32, #tpu.memory_space<vmem>>) target(%dma_start3A_124 : memref<10112x128xf32, #tpu.memory_space<vmem_shared>>) offsets(%dma_start3A_121 : memref<96xi32, #tpu.memory_space<vmem>>) semaphore(%arg24 : memref<!tpu.dma_semaphore, #tpu.memory_space<semaphore_mem>>) {add = true}
      %add3A_125 = arith.constant 2 : i32
      %add3A_126 = arith.addi %add3A_80, %add3A_125 : i32
      %ge3A_127 = arith.constant 2 : i32
      %ge3A_128 = arith.cmpi sge, %add3A_126, %ge3A_127 : i32
      %convert_element_type3A_129 = arith.extui %ge3A_128 : i1 to i32
      %cond3A_130 = arith.constant 0 : i32
      %cond3A_131 = arith.cmpi ne, %convert_element_type3A_129, %cond3A_130 : i32
      scf.if %cond3A_131 {
        %dma_wait3A_173 = arith.constant 0 : i32
        %dma_wait3A_174 = arith.constant 0 : i32
        %dma_wait3A_175 = tpu.memref_slice %arg15[%dma_wait3A_173, %dma_wait3A_174] : memref<1x96xi32, #tpu.memory_space<vmem>> -> memref<1x96xi32, #tpu.memory_space<vmem>>
        %dma_wait3A_176 = tpu.memref_squeeze %dma_wait3A_175 : memref<1x96xi32, #tpu.memory_space<vmem>> -> memref<96xi32, #tpu.memory_space<vmem>>
        %dma_wait3A_177 = arith.constant 0 : i32
        %dma_wait3A_178 = arith.constant 0 : i32
        %dma_wait3A_179 = tpu.memref_slice %arg6[%dma_wait3A_177, %dma_wait3A_178] : memref<10112x128xf32, #tpu.memory_space<vmem_shared>> -> memref<10112x128xf32, #tpu.memory_space<vmem_shared>>
        tpu.wait_indirect_dma semaphore(%arg23 : memref<!tpu.dma_semaphore, #tpu.memory_space<semaphore_mem>>) src(%arg7 : memref<96x128xf32, #tpu.memory_space<vmem>>) dst(%dma_wait3A_179 : memref<10112x128xf32, #tpu.memory_space<vmem_shared>>)
      } else {
      }
      %add3A_132 = arith.constant 2 : i32
      %add3A_133 = arith.addi %add3A_126, %add3A_132 : i32
      %lt3A_134 = arith.constant 108 : i32
      %lt3A_135 = arith.cmpi slt, %add3A_133, %lt3A_134 : i32
      %convert_element_type3A_136 = arith.extui %lt3A_135 : i1 to i32
      %cond3A_137 = arith.constant 0 : i32
      %cond3A_138 = arith.cmpi ne, %convert_element_type3A_136, %cond3A_137 : i32
      scf.if %cond3A_138 {
        %add3A_173 = arith.constant 2 : i32
        %add3A_174 = arith.addi %add3A_126, %add3A_173 : i32
        %mul3A_175 = arith.constant 96 : i32
        %mul3A_176 = arith.muli %add3A_174, %mul3A_175 : i32
        %add3A_177 = arith.addi %mul3A_24, %mul3A_176 : i32
        %dma_start3A_178 = tpu.memref_slice %arg3[%add3A_177] : memref<331776xi32, #tpu.memory_space<hbm>> -> memref<96xi32, #tpu.memory_space<hbm>>
        %dma_start3A_179 = tpu.memref_slice %arg3[%add3A_177] : memref<331776xi32, #tpu.memory_space<hbm>> -> memref<96xi32, #tpu.memory_space<hbm>>
        tpu.enqueue_dma source(%dma_start3A_179 : memref<96xi32, #tpu.memory_space<hbm>>) target(%arg11 : memref<96xi32, #tpu.memory_space<vmem>>) target_semaphore(%arg28 : memref<!tpu.dma_semaphore, #tpu.memory_space<semaphore_mem>>)
        %dma_start3A_180 = arith.constant 0 : i32
        %dma_start3A_181 = arith.constant 0 : i32
        %dma_start3A_182 = tpu.memref_slice %arg15[%dma_start3A_180, %dma_start3A_181] : memref<1x96xi32, #tpu.memory_space<vmem>> -> memref<1x96xi32, #tpu.memory_space<vmem>>
        %dma_start3A_183 = tpu.memref_squeeze %dma_start3A_182 : memref<1x96xi32, #tpu.memory_space<vmem>> -> memref<96xi32, #tpu.memory_space<vmem>>
        %dma_start3A_184 = tpu.memref_slice %arg4[%add3A_177] : memref<331776xi32, #tpu.memory_space<hbm>> -> memref<96xi32, #tpu.memory_space<hbm>>
        %dma_start3A_185 = arith.constant 0 : i32
        %dma_start3A_186 = tpu.memref_slice %arg15[%dma_start3A_180, %dma_start3A_185] : memref<1x96xi32, #tpu.memory_space<vmem>> -> memref<1x96xi32, #tpu.memory_space<vmem>>
        %dma_start3A_187 = tpu.memref_squeeze %dma_start3A_186 : memref<1x96xi32, #tpu.memory_space<vmem>> -> memref<96xi32, #tpu.memory_space<vmem>>
        %dma_start3A_188 = tpu.memref_slice %arg4[%add3A_177] : memref<331776xi32, #tpu.memory_space<hbm>> -> memref<96xi32, #tpu.memory_space<hbm>>
        tpu.enqueue_dma source(%dma_start3A_188 : memref<96xi32, #tpu.memory_space<hbm>>) target(%dma_start3A_187 : memref<96xi32, #tpu.memory_space<vmem>>) target_semaphore(%arg28 : memref<!tpu.dma_semaphore, #tpu.memory_space<semaphore_mem>>)
        %dma_wait3A_189 = tpu.memref_slice %arg3[%add3A_177] : memref<331776xi32, #tpu.memory_space<hbm>> -> memref<96xi32, #tpu.memory_space<hbm>>
        %dma_wait3A_190 = tpu.memref_slice %arg3[%add3A_177] : memref<331776xi32, #tpu.memory_space<hbm>> -> memref<96xi32, #tpu.memory_space<hbm>>
        tpu.wait_dma2 semaphore(%arg28 : memref<!tpu.dma_semaphore, #tpu.memory_space<semaphore_mem>>) src(%dma_wait3A_190 : memref<96xi32, #tpu.memory_space<hbm>>) dst(%arg11 : memref<96xi32, #tpu.memory_space<vmem>>)
        %dma_wait3A_191 = arith.constant 0 : i32
        %dma_wait3A_192 = arith.constant 0 : i32
        %dma_wait3A_193 = tpu.memref_slice %arg15[%dma_wait3A_191, %dma_wait3A_192] : memref<1x96xi32, #tpu.memory_space<vmem>> -> memref<1x96xi32, #tpu.memory_space<vmem>>
        %dma_wait3A_194 = tpu.memref_squeeze %dma_wait3A_193 : memref<1x96xi32, #tpu.memory_space<vmem>> -> memref<96xi32, #tpu.memory_space<vmem>>
        %dma_wait3A_195 = tpu.memref_slice %arg4[%add3A_177] : memref<331776xi32, #tpu.memory_space<hbm>> -> memref<96xi32, #tpu.memory_space<hbm>>
        %dma_wait3A_196 = arith.constant 0 : i32
        %dma_wait3A_197 = tpu.memref_slice %arg15[%dma_wait3A_191, %dma_wait3A_196] : memref<1x96xi32, #tpu.memory_space<vmem>> -> memref<1x96xi32, #tpu.memory_space<vmem>>
        %dma_wait3A_198 = tpu.memref_squeeze %dma_wait3A_197 : memref<1x96xi32, #tpu.memory_space<vmem>> -> memref<96xi32, #tpu.memory_space<vmem>>
        %dma_wait3A_199 = tpu.memref_slice %arg4[%add3A_177] : memref<331776xi32, #tpu.memory_space<hbm>> -> memref<96xi32, #tpu.memory_space<hbm>>
        tpu.wait_dma2 semaphore(%arg28 : memref<!tpu.dma_semaphore, #tpu.memory_space<semaphore_mem>>) src(%dma_wait3A_199 : memref<96xi32, #tpu.memory_space<hbm>>) dst(%dma_wait3A_198 : memref<96xi32, #tpu.memory_space<vmem>>)
        %dma_start3A_200 = arith.constant 0 : i32
        %dma_start3A_201 = arith.constant 0 : i32
        %dma_start3A_202 = tpu.memref_slice %arg2[%dma_start3A_200, %dma_start3A_201] : memref<10000x128xf32, #tpu.memory_space<hbm>> -> memref<10000x128xf32, #tpu.memory_space<hbm>>
        tpu.enqueue_indirect_dma source(%dma_start3A_202 : memref<10000x128xf32, #tpu.memory_space<hbm>>) target(%arg7 : memref<96x128xf32, #tpu.memory_space<vmem>>) offsets(%arg11 : memref<96xi32, #tpu.memory_space<vmem>>) semaphore(%arg19 : memref<!tpu.dma_semaphore, #tpu.memory_space<semaphore_mem>>)
      } else {
      }
      %dma_wait3A_139 = arith.constant 0 : i32
      %dma_wait3A_140 = arith.constant 0 : i32
      %dma_wait3A_141 = tpu.memref_slice %arg2[%dma_wait3A_139, %dma_wait3A_140] : memref<10000x128xf32, #tpu.memory_space<hbm>> -> memref<10000x128xf32, #tpu.memory_space<hbm>>
      tpu.wait_indirect_dma semaphore(%arg21 : memref<!tpu.dma_semaphore, #tpu.memory_space<semaphore_mem>>) src(%dma_wait3A_141 : memref<10000x128xf32, #tpu.memory_space<hbm>>) dst(%arg9 : memref<96x128xf32, #tpu.memory_space<vmem>>)
      %dma_start3A_142 = arith.constant 0 : i32
      %dma_start3A_143 = arith.constant 0 : i32
      %dma_start3A_144 = tpu.memref_slice %arg17[%dma_start3A_142, %dma_start3A_143] : memref<1x96xi32, #tpu.memory_space<vmem>> -> memref<1x96xi32, #tpu.memory_space<vmem>>
      %dma_start3A_145 = tpu.memref_squeeze %dma_start3A_144 : memref<1x96xi32, #tpu.memory_space<vmem>> -> memref<96xi32, #tpu.memory_space<vmem>>
      %dma_start3A_146 = arith.constant 0 : i32
      %dma_start3A_147 = arith.constant 0 : i32
      %dma_start3A_148 = tpu.memref_slice %arg6[%dma_start3A_146, %dma_start3A_147] : memref<10112x128xf32, #tpu.memory_space<vmem_shared>> -> memref<10112x128xf32, #tpu.memory_space<vmem_shared>>
      tpu.enqueue_indirect_dma source(%arg9 : memref<96x128xf32, #tpu.memory_space<vmem>>) target(%dma_start3A_148 : memref<10112x128xf32, #tpu.memory_space<vmem_shared>>) offsets(%dma_start3A_145 : memref<96xi32, #tpu.memory_space<vmem>>) semaphore(%arg25 : memref<!tpu.dma_semaphore, #tpu.memory_space<semaphore_mem>>) {add = true}
      %add3A_149 = arith.constant 3 : i32
      %add3A_150 = arith.addi %add3A_80, %add3A_149 : i32
      %ge3A_151 = arith.constant 2 : i32
      %ge3A_152 = arith.cmpi sge, %add3A_150, %ge3A_151 : i32
      %convert_element_type3A_153 = arith.extui %ge3A_152 : i1 to i32
      %cond3A_154 = arith.constant 0 : i32
      %cond3A_155 = arith.cmpi ne, %convert_element_type3A_153, %cond3A_154 : i32
      scf.if %cond3A_155 {
        %dma_wait3A_173 = arith.constant 0 : i32
        %dma_wait3A_174 = arith.constant 0 : i32
        %dma_wait3A_175 = tpu.memref_slice %arg16[%dma_wait3A_173, %dma_wait3A_174] : memref<1x96xi32, #tpu.memory_space<vmem>> -> memref<1x96xi32, #tpu.memory_space<vmem>>
        %dma_wait3A_176 = tpu.memref_squeeze %dma_wait3A_175 : memref<1x96xi32, #tpu.memory_space<vmem>> -> memref<96xi32, #tpu.memory_space<vmem>>
        %dma_wait3A_177 = arith.constant 0 : i32
        %dma_wait3A_178 = arith.constant 0 : i32
        %dma_wait3A_179 = tpu.memref_slice %arg6[%dma_wait3A_177, %dma_wait3A_178] : memref<10112x128xf32, #tpu.memory_space<vmem_shared>> -> memref<10112x128xf32, #tpu.memory_space<vmem_shared>>
        tpu.wait_indirect_dma semaphore(%arg24 : memref<!tpu.dma_semaphore, #tpu.memory_space<semaphore_mem>>) src(%arg8 : memref<96x128xf32, #tpu.memory_space<vmem>>) dst(%dma_wait3A_179 : memref<10112x128xf32, #tpu.memory_space<vmem_shared>>)
      } else {
      }
      %add3A_156 = arith.constant 2 : i32
      %add3A_157 = arith.addi %add3A_150, %add3A_156 : i32
      %lt3A_158 = arith.constant 108 : i32
      %lt3A_159 = arith.cmpi slt, %add3A_157, %lt3A_158 : i32
      %convert_element_type3A_160 = arith.extui %lt3A_159 : i1 to i32
      %cond3A_161 = arith.constant 0 : i32
      %cond3A_162 = arith.cmpi ne, %convert_element_type3A_160, %cond3A_161 : i32
      scf.if %cond3A_162 {
        %add3A_173 = arith.constant 2 : i32
        %add3A_174 = arith.addi %add3A_150, %add3A_173 : i32
        %mul3A_175 = arith.constant 96 : i32
        %mul3A_176 = arith.muli %add3A_174, %mul3A_175 : i32
        %add3A_177 = arith.addi %mul3A_24, %mul3A_176 : i32
        %dma_start3A_178 = tpu.memref_slice %arg3[%add3A_177] : memref<331776xi32, #tpu.memory_space<hbm>> -> memref<96xi32, #tpu.memory_space<hbm>>
        %dma_start3A_179 = tpu.memref_slice %arg3[%add3A_177] : memref<331776xi32, #tpu.memory_space<hbm>> -> memref<96xi32, #tpu.memory_space<hbm>>
        tpu.enqueue_dma source(%dma_start3A_179 : memref<96xi32, #tpu.memory_space<hbm>>) target(%arg12 : memref<96xi32, #tpu.memory_space<vmem>>) target_semaphore(%arg28 : memref<!tpu.dma_semaphore, #tpu.memory_space<semaphore_mem>>)
        %dma_start3A_180 = arith.constant 0 : i32
        %dma_start3A_181 = arith.constant 0 : i32
        %dma_start3A_182 = tpu.memref_slice %arg16[%dma_start3A_180, %dma_start3A_181] : memref<1x96xi32, #tpu.memory_space<vmem>> -> memref<1x96xi32, #tpu.memory_space<vmem>>
        %dma_start3A_183 = tpu.memref_squeeze %dma_start3A_182 : memref<1x96xi32, #tpu.memory_space<vmem>> -> memref<96xi32, #tpu.memory_space<vmem>>
        %dma_start3A_184 = tpu.memref_slice %arg4[%add3A_177] : memref<331776xi32, #tpu.memory_space<hbm>> -> memref<96xi32, #tpu.memory_space<hbm>>
        %dma_start3A_185 = arith.constant 0 : i32
        %dma_start3A_186 = tpu.memref_slice %arg16[%dma_start3A_180, %dma_start3A_185] : memref<1x96xi32, #tpu.memory_space<vmem>> -> memref<1x96xi32, #tpu.memory_space<vmem>>
        %dma_start3A_187 = tpu.memref_squeeze %dma_start3A_186 : memref<1x96xi32, #tpu.memory_space<vmem>> -> memref<96xi32, #tpu.memory_space<vmem>>
        %dma_start3A_188 = tpu.memref_slice %arg4[%add3A_177] : memref<331776xi32, #tpu.memory_space<hbm>> -> memref<96xi32, #tpu.memory_space<hbm>>
        tpu.enqueue_dma source(%dma_start3A_188 : memref<96xi32, #tpu.memory_space<hbm>>) target(%dma_start3A_187 : memref<96xi32, #tpu.memory_space<vmem>>) target_semaphore(%arg28 : memref<!tpu.dma_semaphore, #tpu.memory_space<semaphore_mem>>)
        %dma_wait3A_189 = tpu.memref_slice %arg3[%add3A_177] : memref<331776xi32, #tpu.memory_space<hbm>> -> memref<96xi32, #tpu.memory_space<hbm>>
        %dma_wait3A_190 = tpu.memref_slice %arg3[%add3A_177] : memref<331776xi32, #tpu.memory_space<hbm>> -> memref<96xi32, #tpu.memory_space<hbm>>
        tpu.wait_dma2 semaphore(%arg28 : memref<!tpu.dma_semaphore, #tpu.memory_space<semaphore_mem>>) src(%dma_wait3A_190 : memref<96xi32, #tpu.memory_space<hbm>>) dst(%arg12 : memref<96xi32, #tpu.memory_space<vmem>>)
        %dma_wait3A_191 = arith.constant 0 : i32
        %dma_wait3A_192 = arith.constant 0 : i32
        %dma_wait3A_193 = tpu.memref_slice %arg16[%dma_wait3A_191, %dma_wait3A_192] : memref<1x96xi32, #tpu.memory_space<vmem>> -> memref<1x96xi32, #tpu.memory_space<vmem>>
        %dma_wait3A_194 = tpu.memref_squeeze %dma_wait3A_193 : memref<1x96xi32, #tpu.memory_space<vmem>> -> memref<96xi32, #tpu.memory_space<vmem>>
        %dma_wait3A_195 = tpu.memref_slice %arg4[%add3A_177] : memref<331776xi32, #tpu.memory_space<hbm>> -> memref<96xi32, #tpu.memory_space<hbm>>
        %dma_wait3A_196 = arith.constant 0 : i32
        %dma_wait3A_197 = tpu.memref_slice %arg16[%dma_wait3A_191, %dma_wait3A_196] : memref<1x96xi32, #tpu.memory_space<vmem>> -> memref<1x96xi32, #tpu.memory_space<vmem>>
        %dma_wait3A_198 = tpu.memref_squeeze %dma_wait3A_197 : memref<1x96xi32, #tpu.memory_space<vmem>> -> memref<96xi32, #tpu.memory_space<vmem>>
        %dma_wait3A_199 = tpu.memref_slice %arg4[%add3A_177] : memref<331776xi32, #tpu.memory_space<hbm>> -> memref<96xi32, #tpu.memory_space<hbm>>
        tpu.wait_dma2 semaphore(%arg28 : memref<!tpu.dma_semaphore, #tpu.memory_space<semaphore_mem>>) src(%dma_wait3A_199 : memref<96xi32, #tpu.memory_space<hbm>>) dst(%dma_wait3A_198 : memref<96xi32, #tpu.memory_space<vmem>>)
        %dma_start3A_200 = arith.constant 0 : i32
        %dma_start3A_201 = arith.constant 0 : i32
        %dma_start3A_202 = tpu.memref_slice %arg2[%dma_start3A_200, %dma_start3A_201] : memref<10000x128xf32, #tpu.memory_space<hbm>> -> memref<10000x128xf32, #tpu.memory_space<hbm>>
        tpu.enqueue_indirect_dma source(%dma_start3A_202 : memref<10000x128xf32, #tpu.memory_space<hbm>>) target(%arg8 : memref<96x128xf32, #tpu.memory_space<vmem>>) offsets(%arg12 : memref<96xi32, #tpu.memory_space<vmem>>) semaphore(%arg20 : memref<!tpu.dma_semaphore, #tpu.memory_space<semaphore_mem>>)
      } else {
      }
      %dma_wait3A_163 = arith.constant 0 : i32
      %dma_wait3A_164 = arith.constant 0 : i32
      %dma_wait3A_165 = tpu.memref_slice %arg2[%dma_wait3A_163, %dma_wait3A_164] : memref<10000x128xf32, #tpu.memory_space<hbm>> -> memref<10000x128xf32, #tpu.memory_space<hbm>>
      tpu.wait_indirect_dma semaphore(%arg22 : memref<!tpu.dma_semaphore, #tpu.memory_space<semaphore_mem>>) src(%dma_wait3A_165 : memref<10000x128xf32, #tpu.memory_space<hbm>>) dst(%arg10 : memref<96x128xf32, #tpu.memory_space<vmem>>)
      %dma_start3A_166 = arith.constant 0 : i32
      %dma_start3A_167 = arith.constant 0 : i32
      %dma_start3A_168 = tpu.memref_slice %arg18[%dma_start3A_166, %dma_start3A_167] : memref<1x96xi32, #tpu.memory_space<vmem>> -> memref<1x96xi32, #tpu.memory_space<vmem>>
      %dma_start3A_169 = tpu.memref_squeeze %dma_start3A_168 : memref<1x96xi32, #tpu.memory_space<vmem>> -> memref<96xi32, #tpu.memory_space<vmem>>
      %dma_start3A_170 = arith.constant 0 : i32
      %dma_start3A_171 = arith.constant 0 : i32
      %dma_start3A_172 = tpu.memref_slice %arg6[%dma_start3A_170, %dma_start3A_171] : memref<10112x128xf32, #tpu.memory_space<vmem_shared>> -> memref<10112x128xf32, #tpu.memory_space<vmem_shared>>
      tpu.enqueue_indirect_dma source(%arg10 : memref<96x128xf32, #tpu.memory_space<vmem>>) target(%dma_start3A_172 : memref<10112x128xf32, #tpu.memory_space<vmem_shared>>) offsets(%dma_start3A_169 : memref<96xi32, #tpu.memory_space<vmem>>) semaphore(%arg26 : memref<!tpu.dma_semaphore, #tpu.memory_space<semaphore_mem>>) {add = true}
    }
    %scan3A_56 = arith.constant 27 : i32
    %dma_wait3A_57 = arith.constant 0 : i32
    %dma_wait3A_58 = arith.constant 0 : i32
    %dma_wait3A_59 = tpu.memref_slice %arg17[%dma_wait3A_57, %dma_wait3A_58] : memref<1x96xi32, #tpu.memory_space<vmem>> -> memref<1x96xi32, #tpu.memory_space<vmem>>
    %dma_wait3A_60 = tpu.memref_squeeze %dma_wait3A_59 : memref<1x96xi32, #tpu.memory_space<vmem>> -> memref<96xi32, #tpu.memory_space<vmem>>
    %dma_wait3A_61 = arith.constant 0 : i32
    %dma_wait3A_62 = arith.constant 0 : i32
    %dma_wait3A_63 = tpu.memref_slice %arg6[%dma_wait3A_61, %dma_wait3A_62] : memref<10112x128xf32, #tpu.memory_space<vmem_shared>> -> memref<10112x128xf32, #tpu.memory_space<vmem_shared>>
    tpu.wait_indirect_dma semaphore(%arg25 : memref<!tpu.dma_semaphore, #tpu.memory_space<semaphore_mem>>) src(%arg9 : memref<96x128xf32, #tpu.memory_space<vmem>>) dst(%dma_wait3A_63 : memref<10112x128xf32, #tpu.memory_space<vmem_shared>>)
    %dma_wait3A_64 = arith.constant 0 : i32
    %dma_wait3A_65 = arith.constant 0 : i32
    %dma_wait3A_66 = tpu.memref_slice %arg18[%dma_wait3A_64, %dma_wait3A_65] : memref<1x96xi32, #tpu.memory_space<vmem>> -> memref<1x96xi32, #tpu.memory_space<vmem>>
    %dma_wait3A_67 = tpu.memref_squeeze %dma_wait3A_66 : memref<1x96xi32, #tpu.memory_space<vmem>> -> memref<96xi32, #tpu.memory_space<vmem>>
    %dma_wait3A_68 = arith.constant 0 : i32
    %dma_wait3A_69 = arith.constant 0 : i32
    %dma_wait3A_70 = tpu.memref_slice %arg6[%dma_wait3A_68, %dma_wait3A_69] : memref<10112x128xf32, #tpu.memory_space<vmem_shared>> -> memref<10112x128xf32, #tpu.memory_space<vmem_shared>>
    tpu.wait_indirect_dma semaphore(%arg26 : memref<!tpu.dma_semaphore, #tpu.memory_space<semaphore_mem>>) src(%arg10 : memref<96x128xf32, #tpu.memory_space<vmem>>) dst(%dma_wait3A_70 : memref<10112x128xf32, #tpu.memory_space<vmem_shared>>)
    %barrier3A_71 = arith.constant 0 : index
    tpu.barrier barrier_id(%barrier3A_71)
    %mul3A_72 = arith.constant 632 : i32
    %mul3A_73 = arith.muli %arg1, %mul3A_72 : i32
    %mul3A_74 = arith.constant 632 : i32
    %mul3A_75 = arith.muli %arg1, %mul3A_74 : i32
    "tpu.region"() ({
      %run_scoped3A_76 = tpu.sem_alloc : memref<!tpu.dma_semaphore, #tpu.memory_space<semaphore_mem>>
      %dma_start3A_77 = arith.constant 0 : i32
      %dma_start3A_78 = tpu.memref_slice %arg5[%arg0, %mul3A_75, %dma_start3A_77] : memref<2x10112x128xf32, #tpu.memory_space<hbm>> -> memref<1x632x128xf32, #tpu.memory_space<hbm>>
      %dma_start3A_79 = tpu.memref_squeeze %dma_start3A_78 : memref<1x632x128xf32, #tpu.memory_space<hbm>> -> memref<632x128xf32, #tpu.memory_space<hbm>>
      %dma_start3A_80 = arith.constant 0 : i32
      %dma_start3A_81 = tpu.memref_slice %arg6[%mul3A_73, %dma_start3A_80] : memref<10112x128xf32, #tpu.memory_space<vmem_shared>> -> memref<632x128xf32, #tpu.memory_space<vmem_shared>>
      tpu.enqueue_dma source(%dma_start3A_81 : memref<632x128xf32, #tpu.memory_space<vmem_shared>>) target(%dma_start3A_79 : memref<632x128xf32, #tpu.memory_space<hbm>>) target_semaphore(%run_scoped3A_76 : memref<!tpu.dma_semaphore, #tpu.memory_space<semaphore_mem>>)
      %dma_wait3A_82 = arith.constant 0 : i32
      %dma_wait3A_83 = tpu.memref_slice %arg5[%arg0, %mul3A_75, %dma_wait3A_82] : memref<2x10112x128xf32, #tpu.memory_space<hbm>> -> memref<1x632x128xf32, #tpu.memory_space<hbm>>
      %dma_wait3A_84 = tpu.memref_squeeze %dma_wait3A_83 : memref<1x632x128xf32, #tpu.memory_space<hbm>> -> memref<632x128xf32, #tpu.memory_space<hbm>>
      %dma_wait3A_85 = arith.constant 0 : i32
      %dma_wait3A_86 = tpu.memref_slice %arg6[%mul3A_73, %dma_wait3A_85] : memref<10112x128xf32, #tpu.memory_space<vmem_shared>> -> memref<632x128xf32, #tpu.memory_space<vmem_shared>>
      tpu.wait_dma2 semaphore(%run_scoped3A_76 : memref<!tpu.dma_semaphore, #tpu.memory_space<semaphore_mem>>) src(%dma_wait3A_86 : memref<632x128xf32, #tpu.memory_space<vmem_shared>>) dst(%dma_wait3A_84 : memref<632x128xf32, #tpu.memory_space<hbm>>)
      tpu.yield
    }) : () -> ()
    return
  }
}

#map = affine_map<(d0, d1) -> (0, 0)>
#map1 = affine_map<(d0, d1) -> (0)>
#map2 = affine_map<(d0, d1) -> (0, 0, 0)>
module attributes {stable_mosaic.version = 14 : i64} {
  func.func @_agg(%arg0: i32, %arg1: i32, %arg2: memref<10000x128xf32, #tpu.memory_space<hbm>>, %arg3: memref<331776xi32, #tpu.memory_space<hbm>>, %arg4: memref<331776xi32, #tpu.memory_space<hbm>>, %arg5: memref<2x10112x128xf32, #tpu.memory_space<hbm>>, %arg6: memref<10112x128xf32, #tpu.memory_space<vmem_shared>>, %arg7: memref<96x128xf32, #tpu.memory_space<vmem>>, %arg8: memref<96x128xf32, #tpu.memory_space<vmem>>, %arg9: memref<96x128xf32, #tpu.memory_space<vmem>>, %arg10: memref<96x128xf32, #tpu.memory_space<vmem>>, %arg11: memref<96xi32, #tpu.memory_space<vmem>>, %arg12: memref<96xi32, #tpu.memory_space<vmem>>, %arg13: memref<96xi32, #tpu.memory_space<vmem>>, %arg14: memref<96xi32, #tpu.memory_space<vmem>>, %arg15: memref<1x96xi32, #tpu.memory_space<vmem>>, %arg16: memref<1x96xi32, #tpu.memory_space<vmem>>, %arg17: memref<1x96xi32, #tpu.memory_space<vmem>>, %arg18: memref<1x96xi32, #tpu.memory_space<vmem>>, %arg19: memref<!tpu.dma_semaphore, #tpu.memory_space<semaphore_mem>>, %arg20: memref<!tpu.dma_semaphore, #tpu.memory_space<semaphore_mem>>, %arg21: memref<!tpu.dma_semaphore, #tpu.memory_space<semaphore_mem>>, %arg22: memref<!tpu.dma_semaphore, #tpu.memory_space<semaphore_mem>>, %arg23: memref<!tpu.dma_semaphore, #tpu.memory_space<semaphore_mem>>, %arg24: memref<!tpu.dma_semaphore, #tpu.memory_space<semaphore_mem>>, %arg25: memref<!tpu.dma_semaphore, #tpu.memory_space<semaphore_mem>>, %arg26: memref<!tpu.dma_semaphore, #tpu.memory_space<semaphore_mem>>, %arg27: memref<!tpu.dma_semaphore, #tpu.memory_space<semaphore_mem>>, %arg28: memref<!tpu.dma_semaphore, #tpu.memory_space<semaphore_mem>>) attributes {dimension_semantics = [#tpu.dimension_semantics<core_parallel>, #tpu.dimension_semantics<subcore_parallel>], iteration_bounds = array<i64: 2, 16>, scalar_prefetch = 0 : i64, scratch_operands = 23 : i64, tpu.core_type = #tpu.core_type<sc_vector_subcore>, window_params = [{transform_indices = #map}, {transform_indices = #map1}, {transform_indices = #map1}, {transform_indices = #map2}]} {
    %mul3A = arith.constant 16 : i32
    %mul3A_0 = arith.muli %arg0, %mul3A : i32
    %add3A = arith.addi %mul3A_0, %arg1 : i32
    %scan3A = arith.constant 0 : i32
    %scan3A_1 = arith.constant 96 : i32
    %scan3A_2 = arith.addi %scan3A, %scan3A_1 : i32
    %scan3A_3 = arith.constant 1 : i32
    scf.for %scan3A_76 = %scan3A to %scan3A_2 step %scan3A_3  : i32 {
      %mul3A_77 = arith.constant 1 : i32
      %mul3A_78 = arith.muli %scan3A_76, %mul3A_77 : i32
      %add3A_79 = arith.constant 0 : i32
      %add3A_80 = arith.addi %add3A_79, %mul3A_78 : i32
      %scan3A_81 = arith.constant 0 : i32
      %scan3A_82 = arith.constant 8 : i32
      %scan3A_83 = arith.addi %scan3A_81, %scan3A_82 : i32
      %scan3A_84 = arith.constant 1 : i32
      scf.for %scan3A_86 = %scan3A_81 to %scan3A_83 step %scan3A_84  : i32 {
        %mul3A_87 = arith.constant 1 : i32
        %mul3A_88 = arith.muli %scan3A_86, %mul3A_87 : i32
        %add3A_89 = arith.constant 0 : i32
        %add3A_90 = arith.addi %add3A_89, %mul3A_88 : i32
        %broadcast_in_dim3A = arith.constant 0.000000e+00 : f32
        %broadcast_in_dim3A_91 = vector.broadcast %broadcast_in_dim3A : f32 to vector<16xf32>
        %mul3A_92 = arith.constant 16 : i32
        %mul3A_93 = arith.muli %add3A_90, %mul3A_92 : i32
        %swap3A = arith.index_cast %add3A_80 : i32 to index
        %swap3A_94 = arith.index_cast %mul3A_93 : i32 to index
        %swap3A_95 = tpu.vector_load %arg10[%swap3A, %swap3A_94] {strides = array<i32>} : memref<96x128xf32, #tpu.memory_space<vmem>>, vector<1x16xf32>,
        %swap3A_96 = vector.shape_cast %swap3A_95 : vector<1x16xf32> to vector<16xf32>
        %swap3A_97 = vector.shape_cast %broadcast_in_dim3A_91 : vector<16xf32> to vector<1x16xf32>
        tpu.vector_store %arg10[%swap3A, %swap3A_94], %swap3A_97 {strides = array<i32>} : memref<96x128xf32, #tpu.memory_space<vmem>>, vector<1x16xf32>,
      }
      %scan3A_85 = arith.constant 8 : i32
    }
    %scan3A_4 = arith.constant 96 : i32
    %scan3A_5 = arith.constant 0 : i32
    %scan3A_6 = arith.constant 6 : i32
    %scan3A_7 = arith.addi %scan3A_5, %scan3A_6 : i32
    %scan3A_8 = arith.constant 1 : i32
    scf.for %scan3A_76 = %scan3A_5 to %scan3A_7 step %scan3A_8  : i32 {
      %mul3A_77 = arith.constant 1 : i32
      %mul3A_78 = arith.muli %scan3A_76, %mul3A_77 : i32
      %add3A_79 = arith.constant 0 : i32
      %add3A_80 = arith.addi %add3A_79, %mul3A_78 : i32
      %mul3A_81 = arith.constant 632 : i32
      %mul3A_82 = arith.muli %arg1, %mul3A_81 : i32
      %mul3A_83 = arith.constant 96 : i32
      %mul3A_84 = arith.muli %add3A_80, %mul3A_83 : i32
      %add3A_85 = arith.addi %mul3A_82, %mul3A_84 : i32
      %dma_start3A_86 = arith.constant 0 : i32
      %dma_start3A_87 = tpu.memref_slice %arg6[%add3A_85, %dma_start3A_86] : memref<10112x128xf32, #tpu.memory_space<vmem_shared>> -> memref<96x128xf32, #tpu.memory_space<vmem_shared>>
      %dma_start3A_88 = arith.constant 0 : i32
      %dma_start3A_89 = tpu.memref_slice %arg6[%add3A_85, %dma_start3A_88] : memref<10112x128xf32, #tpu.memory_space<vmem_shared>> -> memref<96x128xf32, #tpu.memory_space<vmem_shared>>
      tpu.enqueue_dma source(%arg10 : memref<96x128xf32, #tpu.memory_space<vmem>>) target(%dma_start3A_89 : memref<96x128xf32, #tpu.memory_space<vmem_shared>>) target_semaphore(%arg27 : memref<!tpu.dma_semaphore, #tpu.memory_space<semaphore_mem>>)
    }
    %scan3A_9 = arith.constant 6 : i32
    %mul3A_10 = arith.constant 632 : i32
    %mul3A_11 = arith.muli %arg1, %mul3A_10 : i32
    %add3A_12 = arith.constant 576 : i32
    %add3A_13 = arith.addi %mul3A_11, %add3A_12 : i32
    %dma_start3A = arith.constant 0 : i32
    %dma_start3A_14 = arith.constant 0 : i32
    %dma_start3A_15 = tpu.memref_slice %arg10[%dma_start3A, %dma_start3A_14] : memref<96x128xf32, #tpu.memory_space<vmem>> -> memref<56x128xf32, #tpu.memory_space<vmem>>
    %dma_start3A_16 = arith.constant 0 : i32
    %dma_start3A_17 = tpu.memref_slice %arg6[%add3A_13, %dma_start3A_16] : memref<10112x128xf32, #tpu.memory_space<vmem_shared>> -> memref<56x128xf32, #tpu.memory_space<vmem_shared>>
    %dma_start3A_18 = arith.constant 0 : i32
    %dma_start3A_19 = tpu.memref_slice %arg6[%add3A_13, %dma_start3A_18] : memref<10112x128xf32, #tpu.memory_space<vmem_shared>> -> memref<56x128xf32, #tpu.memory_space<vmem_shared>>
    %dma_start3A_20 = arith.constant 0 : i32
    %dma_start3A_21 = arith.constant 0 : i32
    %dma_start3A_22 = tpu.memref_slice %arg10[%dma_start3A_20, %dma_start3A_21] : memref<96x128xf32, #tpu.memory_space<vmem>> -> memref<56x128xf32, #tpu.memory_space<vmem>>
    tpu.enqueue_dma source(%dma_start3A_22 : memref<56x128xf32, #tpu.memory_space<vmem>>) target(%dma_start3A_19 : memref<56x128xf32, #tpu.memory_space<vmem_shared>>) target_semaphore(%arg27 : memref<!tpu.dma_semaphore, #tpu.memory_space<semaphore_mem>>)
    %mul3A_23 = arith.constant 10368 : i32
    %mul3A_24 = arith.muli %add3A, %mul3A_23 : i32
    "tpu.region"() ({
      %run_scoped3A_76 = tpu.sem_alloc : memref<!tpu.dma_semaphore, #tpu.memory_space<semaphore_mem>>
      %dma_start3A_77 = tpu.memref_slice %arg3[%mul3A_24] : memref<331776xi32, #tpu.memory_space<hbm>> -> memref<96xi32, #tpu.memory_space<hbm>>
      %dma_start3A_78 = tpu.memref_slice %arg3[%mul3A_24] : memref<331776xi32, #tpu.memory_space<hbm>> -> memref<96xi32, #tpu.memory_space<hbm>>
      tpu.enqueue_dma source(%dma_start3A_78 : memref<96xi32, #tpu.memory_space<hbm>>) target(%arg11 : memref<96xi32, #tpu.memory_space<vmem>>) target_semaphore(%run_scoped3A_76 : memref<!tpu.dma_semaphore, #tpu.memory_space<semaphore_mem>>)
      %dma_wait3A_79 = tpu.memref_slice %arg3[%mul3A_24] : memref<331776xi32, #tpu.memory_space<hbm>> -> memref<96xi32, #tpu.memory_space<hbm>>
      %dma_wait3A_80 = tpu.memref_slice %arg3[%mul3A_24] : memref<331776xi32, #tpu.memory_space<hbm>> -> memref<96xi32, #tpu.memory_space<hbm>>
      tpu.wait_dma2 semaphore(%run_scoped3A_76 : memref<!tpu.dma_semaphore, #tpu.memory_space<semaphore_mem>>) src(%dma_wait3A_80 : memref<96xi32, #tpu.memory_space<hbm>>) dst(%arg11 : memref<96xi32, #tpu.memory_space<vmem>>)
      tpu.yield
    }) : () -> ()
    %run_scoped3A = arith.constant 0 : i32
    "tpu.region"() ({
      %run_scoped3A_76 = tpu.sem_alloc : memref<!tpu.dma_semaphore, #tpu.memory_space<semaphore_mem>>
      %dma_start3A_77 = arith.constant 0 : i32
      %dma_start3A_78 = tpu.memref_slice %arg15[%run_scoped3A, %dma_start3A_77] : memref<1x96xi32, #tpu.memory_space<vmem>> -> memref<1x96xi32, #tpu.memory_space<vmem>>
      %dma_start3A_79 = tpu.memref_squeeze %dma_start3A_78 : memref<1x96xi32, #tpu.memory_space<vmem>> -> memref<96xi32, #tpu.memory_space<vmem>>
      %dma_start3A_80 = tpu.memref_slice %arg4[%mul3A_24] : memref<331776xi32, #tpu.memory_space<hbm>> -> memref<96xi32, #tpu.memory_space<hbm>>
      %dma_start3A_81 = arith.constant 0 : i32
      %dma_start3A_82 = tpu.memref_slice %arg15[%run_scoped3A, %dma_start3A_81] : memref<1x96xi32, #tpu.memory_space<vmem>> -> memref<1x96xi32, #tpu.memory_space<vmem>>
      %dma_start3A_83 = tpu.memref_squeeze %dma_start3A_82 : memref<1x96xi32, #tpu.memory_space<vmem>> -> memref<96xi32, #tpu.memory_space<vmem>>
      %dma_start3A_84 = tpu.memref_slice %arg4[%mul3A_24] : memref<331776xi32, #tpu.memory_space<hbm>> -> memref<96xi32, #tpu.memory_space<hbm>>
      tpu.enqueue_dma source(%dma_start3A_84 : memref<96xi32, #tpu.memory_space<hbm>>) target(%dma_start3A_83 : memref<96xi32, #tpu.memory_space<vmem>>) target_semaphore(%run_scoped3A_76 : memref<!tpu.dma_semaphore, #tpu.memory_space<semaphore_mem>>)
      %dma_wait3A_85 = arith.constant 0 : i32
      %dma_wait3A_86 = tpu.memref_slice %arg15[%run_scoped3A, %dma_wait3A_85] : memref<1x96xi32, #tpu.memory_space<vmem>> -> memref<1x96xi32, #tpu.memory_space<vmem>>
      %dma_wait3A_87 = tpu.memref_squeeze %dma_wait3A_86 : memref<1x96xi32, #tpu.memory_space<vmem>> -> memref<96xi32, #tpu.memory_space<vmem>>
      %dma_wait3A_88 = tpu.memref_slice %arg4[%mul3A_24] : memref<331776xi32, #tpu.memory_space<hbm>> -> memref<96xi32, #tpu.memory_space<hbm>>
      %dma_wait3A_89 = arith.constant 0 : i32
      %dma_wait3A_90 = tpu.memref_slice %arg15[%run_scoped3A, %dma_wait3A_89] : memref<1x96xi32, #tpu.memory_space<vmem>> -> memref<1x96xi32, #tpu.memory_space<vmem>>
      %dma_wait3A_91 = tpu.memref_squeeze %dma_wait3A_90 : memref<1x96xi32, #tpu.memory_space<vmem>> -> memref<96xi32, #tpu.memory_space<vmem>>
      %dma_wait3A_92 = tpu.memref_slice %arg4[%mul3A_24] : memref<331776xi32, #tpu.memory_space<hbm>> -> memref<96xi32, #tpu.memory_space<hbm>>
      tpu.wait_dma2 semaphore(%run_scoped3A_76 : memref<!tpu.dma_semaphore, #tpu.memory_space<semaphore_mem>>) src(%dma_wait3A_92 : memref<96xi32, #tpu.memory_space<hbm>>) dst(%dma_wait3A_91 : memref<96xi32, #tpu.memory_space<vmem>>)
      tpu.yield
    }) : () -> ()
    %add3A_25 = arith.constant 96 : i32
    %add3A_26 = arith.addi %mul3A_24, %add3A_25 : i32
    "tpu.region"() ({
      %run_scoped3A_76 = tpu.sem_alloc : memref<!tpu.dma_semaphore, #tpu.memory_space<semaphore_mem>>
      %dma_start3A_77 = tpu.memref_slice %arg3[%add3A_26] : memref<331776xi32, #tpu.memory_space<hbm>> -> memref<96xi32, #tpu.memory_space<hbm>>
      %dma_start3A_78 = tpu.memref_slice %arg3[%add3A_26] : memref<331776xi32, #tpu.memory_space<hbm>> -> memref<96xi32, #tpu.memory_space<hbm>>
      tpu.enqueue_dma source(%dma_start3A_78 : memref<96xi32, #tpu.memory_space<hbm>>) target(%arg12 : memref<96xi32, #tpu.memory_space<vmem>>) target_semaphore(%run_scoped3A_76 : memref<!tpu.dma_semaphore, #tpu.memory_space<semaphore_mem>>)
      %dma_wait3A_79 = tpu.memref_slice %arg3[%add3A_26] : memref<331776xi32, #tpu.memory_space<hbm>> -> memref<96xi32, #tpu.memory_space<hbm>>
      %dma_wait3A_80 = tpu.memref_slice %arg3[%add3A_26] : memref<331776xi32, #tpu.memory_space<hbm>> -> memref<96xi32, #tpu.memory_space<hbm>>
      tpu.wait_dma2 semaphore(%run_scoped3A_76 : memref<!tpu.dma_semaphore, #tpu.memory_space<semaphore_mem>>) src(%dma_wait3A_80 : memref<96xi32, #tpu.memory_space<hbm>>) dst(%arg12 : memref<96xi32, #tpu.memory_space<vmem>>)
      tpu.yield
    }) : () -> ()
    %add3A_27 = arith.constant 96 : i32
    %add3A_28 = arith.addi %mul3A_24, %add3A_27 : i32
    %run_scoped3A_29 = arith.constant 0 : i32
    "tpu.region"() ({
      %run_scoped3A_76 = tpu.sem_alloc : memref<!tpu.dma_semaphore, #tpu.memory_space<semaphore_mem>>
      %dma_start3A_77 = arith.constant 0 : i32
      %dma_start3A_78 = tpu.memref_slice %arg16[%run_scoped3A_29, %dma_start3A_77] : memref<1x96xi32, #tpu.memory_space<vmem>> -> memref<1x96xi32, #tpu.memory_space<vmem>>
      %dma_start3A_79 = tpu.memref_squeeze %dma_start3A_78 : memref<1x96xi32, #tpu.memory_space<vmem>> -> memref<96xi32, #tpu.memory_space<vmem>>
      %dma_start3A_80 = tpu.memref_slice %arg4[%add3A_28] : memref<331776xi32, #tpu.memory_space<hbm>> -> memref<96xi32, #tpu.memory_space<hbm>>
      %dma_start3A_81 = arith.constant 0 : i32
      %dma_start3A_82 = tpu.memref_slice %arg16[%run_scoped3A_29, %dma_start3A_81] : memref<1x96xi32, #tpu.memory_space<vmem>> -> memref<1x96xi32, #tpu.memory_space<vmem>>
      %dma_start3A_83 = tpu.memref_squeeze %dma_start3A_82 : memref<1x96xi32, #tpu.memory_space<vmem>> -> memref<96xi32, #tpu.memory_space<vmem>>
      %dma_start3A_84 = tpu.memref_slice %arg4[%add3A_28] : memref<331776xi32, #tpu.memory_space<hbm>> -> memref<96xi32, #tpu.memory_space<hbm>>
      tpu.enqueue_dma source(%dma_start3A_84 : memref<96xi32, #tpu.memory_space<hbm>>) target(%dma_start3A_83 : memref<96xi32, #tpu.memory_space<vmem>>) target_semaphore(%run_scoped3A_76 : memref<!tpu.dma_semaphore, #tpu.memory_space<semaphore_mem>>)
      %dma_wait3A_85 = arith.constant 0 : i32
      %dma_wait3A_86 = tpu.memref_slice %arg16[%run_scoped3A_29, %dma_wait3A_85] : memref<1x96xi32, #tpu.memory_space<vmem>> -> memref<1x96xi32, #tpu.memory_space<vmem>>
      %dma_wait3A_87 = tpu.memref_squeeze %dma_wait3A_86 : memref<1x96xi32, #tpu.memory_space<vmem>> -> memref<96xi32, #tpu.memory_space<vmem>>
      %dma_wait3A_88 = tpu.memref_slice %arg4[%add3A_28] : memref<331776xi32, #tpu.memory_space<hbm>> -> memref<96xi32, #tpu.memory_space<hbm>>
      %dma_wait3A_89 = arith.constant 0 : i32
      %dma_wait3A_90 = tpu.memref_slice %arg16[%run_scoped3A_29, %dma_wait3A_89] : memref<1x96xi32, #tpu.memory_space<vmem>> -> memref<1x96xi32, #tpu.memory_space<vmem>>
      %dma_wait3A_91 = tpu.memref_squeeze %dma_wait3A_90 : memref<1x96xi32, #tpu.memory_space<vmem>> -> memref<96xi32, #tpu.memory_space<vmem>>
      %dma_wait3A_92 = tpu.memref_slice %arg4[%add3A_28] : memref<331776xi32, #tpu.memory_space<hbm>> -> memref<96xi32, #tpu.memory_space<hbm>>
      tpu.wait_dma2 semaphore(%run_scoped3A_76 : memref<!tpu.dma_semaphore, #tpu.memory_space<semaphore_mem>>) src(%dma_wait3A_92 : memref<96xi32, #tpu.memory_space<hbm>>) dst(%dma_wait3A_91 : memref<96xi32, #tpu.memory_space<vmem>>)
      tpu.yield
    }) : () -> ()
    %dma_start3A_30 = arith.constant 0 : i32
    %dma_start3A_31 = arith.constant 0 : i32
    %dma_start3A_32 = tpu.memref_slice %arg2[%dma_start3A_30, %dma_start3A_31] : memref<10000x128xf32, #tpu.memory_space<hbm>> -> memref<10000x128xf32, #tpu.memory_space<hbm>>
    tpu.enqueue_indirect_dma source(%dma_start3A_32 : memref<10000x128xf32, #tpu.memory_space<hbm>>) target(%arg7 : memref<96x128xf32, #tpu.memory_space<vmem>>) offsets(%arg11 : memref<96xi32, #tpu.memory_space<vmem>>) semaphore(%arg19 : memref<!tpu.dma_semaphore, #tpu.memory_space<semaphore_mem>>)
    %dma_start3A_33 = arith.constant 0 : i32
    %dma_start3A_34 = arith.constant 0 : i32
    %dma_start3A_35 = tpu.memref_slice %arg2[%dma_start3A_33, %dma_start3A_34] : memref<10000x128xf32, #tpu.memory_space<hbm>> -> memref<10000x128xf32, #tpu.memory_space<hbm>>
    tpu.enqueue_indirect_dma source(%dma_start3A_35 : memref<10000x128xf32, #tpu.memory_space<hbm>>) target(%arg8 : memref<96x128xf32, #tpu.memory_space<vmem>>) offsets(%arg12 : memref<96xi32, #tpu.memory_space<vmem>>) semaphore(%arg20 : memref<!tpu.dma_semaphore, #tpu.memory_space<semaphore_mem>>)
    %scan3A_36 = arith.constant 0 : i32
    %scan3A_37 = arith.constant 6 : i32
    %scan3A_38 = arith.addi %scan3A_36, %scan3A_37 : i32
    %scan3A_39 = arith.constant 1 : i32
    scf.for %scan3A_76 = %scan3A_36 to %scan3A_38 step %scan3A_39  : i32 {
      %mul3A_77 = arith.constant 1 : i32
      %mul3A_78 = arith.muli %scan3A_76, %mul3A_77 : i32
      %add3A_79 = arith.constant 0 : i32
      %add3A_80 = arith.addi %add3A_79, %mul3A_78 : i32
      %mul3A_81 = arith.constant 632 : i32
      %mul3A_82 = arith.muli %arg1, %mul3A_81 : i32
      %dma_wait3A_83 = arith.constant 0 : i32
      %dma_wait3A_84 = tpu.memref_slice %arg6[%mul3A_82, %dma_wait3A_83] : memref<10112x128xf32, #tpu.memory_space<vmem_shared>> -> memref<96x128xf32, #tpu.memory_space<vmem_shared>>
      %dma_wait3A_85 = arith.constant 0 : i32
      %dma_wait3A_86 = tpu.memref_slice %arg6[%mul3A_82, %dma_wait3A_85] : memref<10112x128xf32, #tpu.memory_space<vmem_shared>> -> memref<96x128xf32, #tpu.memory_space<vmem_shared>>
      tpu.wait_dma2 semaphore(%arg27 : memref<!tpu.dma_semaphore, #tpu.memory_space<semaphore_mem>>) src(%arg10 : memref<96x128xf32, #tpu.memory_space<vmem>>) dst(%dma_wait3A_86 : memref<96x128xf32, #tpu.memory_space<vmem_shared>>)
    }
    %scan3A_40 = arith.constant 6 : i32
    %mul3A_41 = arith.constant 632 : i32
    %mul3A_42 = arith.muli %arg1, %mul3A_41 : i32
    %dma_wait3A = arith.constant 0 : i32
    %dma_wait3A_43 = arith.constant 0 : i32
    %dma_wait3A_44 = tpu.memref_slice %arg10[%dma_wait3A, %dma_wait3A_43] : memref<96x128xf32, #tpu.memory_space<vmem>> -> memref<56x128xf32, #tpu.memory_space<vmem>>
    %dma_wait3A_45 = arith.constant 0 : i32
    %dma_wait3A_46 = tpu.memref_slice %arg6[%mul3A_42, %dma_wait3A_45] : memref<10112x128xf32, #tpu.memory_space<vmem_shared>> -> memref<56x128xf32, #tpu.memory_space<vmem_shared>>
    %dma_wait3A_47 = arith.constant 0 : i32
    %dma_wait3A_48 = tpu.memref_slice %arg6[%mul3A_42, %dma_wait3A_47] : memref<10112x128xf32, #tpu.memory_space<vmem_shared>> -> memref<56x128xf32, #tpu.memory_space<vmem_shared>>
    %dma_wait3A_49 = arith.constant 0 : i32
    %dma_wait3A_50 = arith.constant 0 : i32
    %dma_wait3A_51 = tpu.memref_slice %arg10[%dma_wait3A_49, %dma_wait3A_50] : memref<96x128xf32, #tpu.memory_space<vmem>> -> memref<56x128xf32, #tpu.memory_space<vmem>>
    tpu.wait_dma2 semaphore(%arg27 : memref<!tpu.dma_semaphore, #tpu.memory_space<semaphore_mem>>) src(%dma_wait3A_51 : memref<56x128xf32, #tpu.memory_space<vmem>>) dst(%dma_wait3A_48 : memref<56x128xf32, #tpu.memory_space<vmem_shared>>)
    %barrier3A = arith.constant 0 : index
    tpu.barrier barrier_id(%barrier3A)
    %scan3A_52 = arith.constant 0 : i32
    %scan3A_53 = arith.constant 27 : i32
    %scan3A_54 = arith.addi %scan3A_52, %scan3A_53 : i32
    %scan3A_55 = arith.constant 1 : i32
    scf.for %scan3A_76 = %scan3A_52 to %scan3A_54 step %scan3A_55  : i32 {
      %mul3A_77 = arith.constant 4 : i32
      %mul3A_78 = arith.muli %scan3A_76, %mul3A_77 : i32
      %add3A_79 = arith.constant 0 : i32
      %add3A_80 = arith.addi %add3A_79, %mul3A_78 : i32
      %add3A_81 = arith.constant 0 : i32
      %add3A_82 = arith.addi %add3A_80, %add3A_81 : i32
      %ge3A = arith.constant 2 : i32
      %ge3A_83 = arith.cmpi sge, %add3A_82, %ge3A : i32
      %convert_element_type3A = arith.extui %ge3A_83 : i1 to i32
      %cond3A = arith.constant 0 : i32
      %cond3A_84 = arith.cmpi ne, %convert_element_type3A, %cond3A : i32
      scf.if %cond3A_84 {
        %dma_wait3A_173 = arith.constant 0 : i32
        %dma_wait3A_174 = arith.constant 0 : i32
        %dma_wait3A_175 = tpu.memref_slice %arg17[%dma_wait3A_173, %dma_wait3A_174] : memref<1x96xi32, #tpu.memory_space<vmem>> -> memref<1x96xi32, #tpu.memory_space<vmem>>
        %dma_wait3A_176 = tpu.memref_squeeze %dma_wait3A_175 : memref<1x96xi32, #tpu.memory_space<vmem>> -> memref<96xi32, #tpu.memory_space<vmem>>
        %dma_wait3A_177 = arith.constant 0 : i32
        %dma_wait3A_178 = arith.constant 0 : i32
        %dma_wait3A_179 = tpu.memref_slice %arg6[%dma_wait3A_177, %dma_wait3A_178] : memref<10112x128xf32, #tpu.memory_space<vmem_shared>> -> memref<10112x128xf32, #tpu.memory_space<vmem_shared>>
        tpu.wait_indirect_dma semaphore(%arg25 : memref<!tpu.dma_semaphore, #tpu.memory_space<semaphore_mem>>) src(%arg9 : memref<96x128xf32, #tpu.memory_space<vmem>>) dst(%dma_wait3A_179 : memref<10112x128xf32, #tpu.memory_space<vmem_shared>>)
      } else {
      }
      %add3A_85 = arith.constant 2 : i32
      %add3A_86 = arith.addi %add3A_82, %add3A_85 : i32
      %lt3A = arith.constant 108 : i32
      %lt3A_87 = arith.cmpi slt, %add3A_86, %lt3A : i32
      %convert_element_type3A_88 = arith.extui %lt3A_87 : i1 to i32
      %cond3A_89 = arith.constant 0 : i32
      %cond3A_90 = arith.cmpi ne, %convert_element_type3A_88, %cond3A_89 : i32
      scf.if %cond3A_90 {
        %add3A_173 = arith.constant 2 : i32
        %add3A_174 = arith.addi %add3A_82, %add3A_173 : i32
        %mul3A_175 = arith.constant 96 : i32
        %mul3A_176 = arith.muli %add3A_174, %mul3A_175 : i32
        %add3A_177 = arith.addi %mul3A_24, %mul3A_176 : i32
        %dma_start3A_178 = tpu.memref_slice %arg3[%add3A_177] : memref<331776xi32, #tpu.memory_space<hbm>> -> memref<96xi32, #tpu.memory_space<hbm>>
        %dma_start3A_179 = tpu.memref_slice %arg3[%add3A_177] : memref<331776xi32, #tpu.memory_space<hbm>> -> memref<96xi32, #tpu.memory_space<hbm>>
        tpu.enqueue_dma source(%dma_start3A_179 : memref<96xi32, #tpu.memory_space<hbm>>) target(%arg13 : memref<96xi32, #tpu.memory_space<vmem>>) target_semaphore(%arg28 : memref<!tpu.dma_semaphore, #tpu.memory_space<semaphore_mem>>)
        %dma_start3A_180 = arith.constant 0 : i32
        %dma_start3A_181 = arith.constant 0 : i32
        %dma_start3A_182 = tpu.memref_slice %arg17[%dma_start3A_180, %dma_start3A_181] : memref<1x96xi32, #tpu.memory_space<vmem>> -> memref<1x96xi32, #tpu.memory_space<vmem>>
        %dma_start3A_183 = tpu.memref_squeeze %dma_start3A_182 : memref<1x96xi32, #tpu.memory_space<vmem>> -> memref<96xi32, #tpu.memory_space<vmem>>
        %dma_start3A_184 = tpu.memref_slice %arg4[%add3A_177] : memref<331776xi32, #tpu.memory_space<hbm>> -> memref<96xi32, #tpu.memory_space<hbm>>
        %dma_start3A_185 = arith.constant 0 : i32
        %dma_start3A_186 = tpu.memref_slice %arg17[%dma_start3A_180, %dma_start3A_185] : memref<1x96xi32, #tpu.memory_space<vmem>> -> memref<1x96xi32, #tpu.memory_space<vmem>>
        %dma_start3A_187 = tpu.memref_squeeze %dma_start3A_186 : memref<1x96xi32, #tpu.memory_space<vmem>> -> memref<96xi32, #tpu.memory_space<vmem>>
        %dma_start3A_188 = tpu.memref_slice %arg4[%add3A_177] : memref<331776xi32, #tpu.memory_space<hbm>> -> memref<96xi32, #tpu.memory_space<hbm>>
        tpu.enqueue_dma source(%dma_start3A_188 : memref<96xi32, #tpu.memory_space<hbm>>) target(%dma_start3A_187 : memref<96xi32, #tpu.memory_space<vmem>>) target_semaphore(%arg28 : memref<!tpu.dma_semaphore, #tpu.memory_space<semaphore_mem>>)
        %dma_wait3A_189 = tpu.memref_slice %arg3[%add3A_177] : memref<331776xi32, #tpu.memory_space<hbm>> -> memref<96xi32, #tpu.memory_space<hbm>>
        %dma_wait3A_190 = tpu.memref_slice %arg3[%add3A_177] : memref<331776xi32, #tpu.memory_space<hbm>> -> memref<96xi32, #tpu.memory_space<hbm>>
        tpu.wait_dma2 semaphore(%arg28 : memref<!tpu.dma_semaphore, #tpu.memory_space<semaphore_mem>>) src(%dma_wait3A_190 : memref<96xi32, #tpu.memory_space<hbm>>) dst(%arg13 : memref<96xi32, #tpu.memory_space<vmem>>)
        %dma_wait3A_191 = arith.constant 0 : i32
        %dma_wait3A_192 = arith.constant 0 : i32
        %dma_wait3A_193 = tpu.memref_slice %arg17[%dma_wait3A_191, %dma_wait3A_192] : memref<1x96xi32, #tpu.memory_space<vmem>> -> memref<1x96xi32, #tpu.memory_space<vmem>>
        %dma_wait3A_194 = tpu.memref_squeeze %dma_wait3A_193 : memref<1x96xi32, #tpu.memory_space<vmem>> -> memref<96xi32, #tpu.memory_space<vmem>>
        %dma_wait3A_195 = tpu.memref_slice %arg4[%add3A_177] : memref<331776xi32, #tpu.memory_space<hbm>> -> memref<96xi32, #tpu.memory_space<hbm>>
        %dma_wait3A_196 = arith.constant 0 : i32
        %dma_wait3A_197 = tpu.memref_slice %arg17[%dma_wait3A_191, %dma_wait3A_196] : memref<1x96xi32, #tpu.memory_space<vmem>> -> memref<1x96xi32, #tpu.memory_space<vmem>>
        %dma_wait3A_198 = tpu.memref_squeeze %dma_wait3A_197 : memref<1x96xi32, #tpu.memory_space<vmem>> -> memref<96xi32, #tpu.memory_space<vmem>>
        %dma_wait3A_199 = tpu.memref_slice %arg4[%add3A_177] : memref<331776xi32, #tpu.memory_space<hbm>> -> memref<96xi32, #tpu.memory_space<hbm>>
        tpu.wait_dma2 semaphore(%arg28 : memref<!tpu.dma_semaphore, #tpu.memory_space<semaphore_mem>>) src(%dma_wait3A_199 : memref<96xi32, #tpu.memory_space<hbm>>) dst(%dma_wait3A_198 : memref<96xi32, #tpu.memory_space<vmem>>)
        %dma_start3A_200 = arith.constant 0 : i32
        %dma_start3A_201 = arith.constant 0 : i32
        %dma_start3A_202 = tpu.memref_slice %arg2[%dma_start3A_200, %dma_start3A_201] : memref<10000x128xf32, #tpu.memory_space<hbm>> -> memref<10000x128xf32, #tpu.memory_space<hbm>>
        tpu.enqueue_indirect_dma source(%dma_start3A_202 : memref<10000x128xf32, #tpu.memory_space<hbm>>) target(%arg9 : memref<96x128xf32, #tpu.memory_space<vmem>>) offsets(%arg13 : memref<96xi32, #tpu.memory_space<vmem>>) semaphore(%arg21 : memref<!tpu.dma_semaphore, #tpu.memory_space<semaphore_mem>>)
      } else {
      }
      %dma_wait3A_91 = arith.constant 0 : i32
      %dma_wait3A_92 = arith.constant 0 : i32
      %dma_wait3A_93 = tpu.memref_slice %arg2[%dma_wait3A_91, %dma_wait3A_92] : memref<10000x128xf32, #tpu.memory_space<hbm>> -> memref<10000x128xf32, #tpu.memory_space<hbm>>
      tpu.wait_indirect_dma semaphore(%arg19 : memref<!tpu.dma_semaphore, #tpu.memory_space<semaphore_mem>>) src(%dma_wait3A_93 : memref<10000x128xf32, #tpu.memory_space<hbm>>) dst(%arg7 : memref<96x128xf32, #tpu.memory_space<vmem>>)
      %dma_start3A_94 = arith.constant 0 : i32
      %dma_start3A_95 = arith.constant 0 : i32
      %dma_start3A_96 = tpu.memref_slice %arg15[%dma_start3A_94, %dma_start3A_95] : memref<1x96xi32, #tpu.memory_space<vmem>> -> memref<1x96xi32, #tpu.memory_space<vmem>>
      %dma_start3A_97 = tpu.memref_squeeze %dma_start3A_96 : memref<1x96xi32, #tpu.memory_space<vmem>> -> memref<96xi32, #tpu.memory_space<vmem>>
      %dma_start3A_98 = arith.constant 0 : i32
      %dma_start3A_99 = arith.constant 0 : i32
      %dma_start3A_100 = tpu.memref_slice %arg6[%dma_start3A_98, %dma_start3A_99] : memref<10112x128xf32, #tpu.memory_space<vmem_shared>> -> memref<10112x128xf32, #tpu.memory_space<vmem_shared>>
      tpu.enqueue_indirect_dma source(%arg7 : memref<96x128xf32, #tpu.memory_space<vmem>>) target(%dma_start3A_100 : memref<10112x128xf32, #tpu.memory_space<vmem_shared>>) offsets(%dma_start3A_97 : memref<96xi32, #tpu.memory_space<vmem>>) semaphore(%arg23 : memref<!tpu.dma_semaphore, #tpu.memory_space<semaphore_mem>>) {add = true}
      %add3A_101 = arith.constant 1 : i32
      %add3A_102 = arith.addi %add3A_80, %add3A_101 : i32
      %ge3A_103 = arith.constant 2 : i32
      %ge3A_104 = arith.cmpi sge, %add3A_102, %ge3A_103 : i32
      %convert_element_type3A_105 = arith.extui %ge3A_104 : i1 to i32
      %cond3A_106 = arith.constant 0 : i32
      %cond3A_107 = arith.cmpi ne, %convert_element_type3A_105, %cond3A_106 : i32
      scf.if %cond3A_107 {
        %dma_wait3A_173 = arith.constant 0 : i32
        %dma_wait3A_174 = arith.constant 0 : i32
        %dma_wait3A_175 = tpu.memref_slice %arg18[%dma_wait3A_173, %dma_wait3A_174] : memref<1x96xi32, #tpu.memory_space<vmem>> -> memref<1x96xi32, #tpu.memory_space<vmem>>
        %dma_wait3A_176 = tpu.memref_squeeze %dma_wait3A_175 : memref<1x96xi32, #tpu.memory_space<vmem>> -> memref<96xi32, #tpu.memory_space<vmem>>
        %dma_wait3A_177 = arith.constant 0 : i32
        %dma_wait3A_178 = arith.constant 0 : i32
        %dma_wait3A_179 = tpu.memref_slice %arg6[%dma_wait3A_177, %dma_wait3A_178] : memref<10112x128xf32, #tpu.memory_space<vmem_shared>> -> memref<10112x128xf32, #tpu.memory_space<vmem_shared>>
        tpu.wait_indirect_dma semaphore(%arg26 : memref<!tpu.dma_semaphore, #tpu.memory_space<semaphore_mem>>) src(%arg10 : memref<96x128xf32, #tpu.memory_space<vmem>>) dst(%dma_wait3A_179 : memref<10112x128xf32, #tpu.memory_space<vmem_shared>>)
      } else {
      }
      %add3A_108 = arith.constant 2 : i32
      %add3A_109 = arith.addi %add3A_102, %add3A_108 : i32
      %lt3A_110 = arith.constant 108 : i32
      %lt3A_111 = arith.cmpi slt, %add3A_109, %lt3A_110 : i32
      %convert_element_type3A_112 = arith.extui %lt3A_111 : i1 to i32
      %cond3A_113 = arith.constant 0 : i32
      %cond3A_114 = arith.cmpi ne, %convert_element_type3A_112, %cond3A_113 : i32
      scf.if %cond3A_114 {
        %add3A_173 = arith.constant 2 : i32
        %add3A_174 = arith.addi %add3A_102, %add3A_173 : i32
        %mul3A_175 = arith.constant 96 : i32
        %mul3A_176 = arith.muli %add3A_174, %mul3A_175 : i32
        %add3A_177 = arith.addi %mul3A_24, %mul3A_176 : i32
        %dma_start3A_178 = tpu.memref_slice %arg3[%add3A_177] : memref<331776xi32, #tpu.memory_space<hbm>> -> memref<96xi32, #tpu.memory_space<hbm>>
        %dma_start3A_179 = tpu.memref_slice %arg3[%add3A_177] : memref<331776xi32, #tpu.memory_space<hbm>> -> memref<96xi32, #tpu.memory_space<hbm>>
        tpu.enqueue_dma source(%dma_start3A_179 : memref<96xi32, #tpu.memory_space<hbm>>) target(%arg14 : memref<96xi32, #tpu.memory_space<vmem>>) target_semaphore(%arg28 : memref<!tpu.dma_semaphore, #tpu.memory_space<semaphore_mem>>)
        %dma_start3A_180 = arith.constant 0 : i32
        %dma_start3A_181 = arith.constant 0 : i32
        %dma_start3A_182 = tpu.memref_slice %arg18[%dma_start3A_180, %dma_start3A_181] : memref<1x96xi32, #tpu.memory_space<vmem>> -> memref<1x96xi32, #tpu.memory_space<vmem>>
        %dma_start3A_183 = tpu.memref_squeeze %dma_start3A_182 : memref<1x96xi32, #tpu.memory_space<vmem>> -> memref<96xi32, #tpu.memory_space<vmem>>
        %dma_start3A_184 = tpu.memref_slice %arg4[%add3A_177] : memref<331776xi32, #tpu.memory_space<hbm>> -> memref<96xi32, #tpu.memory_space<hbm>>
        %dma_start3A_185 = arith.constant 0 : i32
        %dma_start3A_186 = tpu.memref_slice %arg18[%dma_start3A_180, %dma_start3A_185] : memref<1x96xi32, #tpu.memory_space<vmem>> -> memref<1x96xi32, #tpu.memory_space<vmem>>
        %dma_start3A_187 = tpu.memref_squeeze %dma_start3A_186 : memref<1x96xi32, #tpu.memory_space<vmem>> -> memref<96xi32, #tpu.memory_space<vmem>>
        %dma_start3A_188 = tpu.memref_slice %arg4[%add3A_177] : memref<331776xi32, #tpu.memory_space<hbm>> -> memref<96xi32, #tpu.memory_space<hbm>>
        tpu.enqueue_dma source(%dma_start3A_188 : memref<96xi32, #tpu.memory_space<hbm>>) target(%dma_start3A_187 : memref<96xi32, #tpu.memory_space<vmem>>) target_semaphore(%arg28 : memref<!tpu.dma_semaphore, #tpu.memory_space<semaphore_mem>>)
        %dma_wait3A_189 = tpu.memref_slice %arg3[%add3A_177] : memref<331776xi32, #tpu.memory_space<hbm>> -> memref<96xi32, #tpu.memory_space<hbm>>
        %dma_wait3A_190 = tpu.memref_slice %arg3[%add3A_177] : memref<331776xi32, #tpu.memory_space<hbm>> -> memref<96xi32, #tpu.memory_space<hbm>>
        tpu.wait_dma2 semaphore(%arg28 : memref<!tpu.dma_semaphore, #tpu.memory_space<semaphore_mem>>) src(%dma_wait3A_190 : memref<96xi32, #tpu.memory_space<hbm>>) dst(%arg14 : memref<96xi32, #tpu.memory_space<vmem>>)
        %dma_wait3A_191 = arith.constant 0 : i32
        %dma_wait3A_192 = arith.constant 0 : i32
        %dma_wait3A_193 = tpu.memref_slice %arg18[%dma_wait3A_191, %dma_wait3A_192] : memref<1x96xi32, #tpu.memory_space<vmem>> -> memref<1x96xi32, #tpu.memory_space<vmem>>
        %dma_wait3A_194 = tpu.memref_squeeze %dma_wait3A_193 : memref<1x96xi32, #tpu.memory_space<vmem>> -> memref<96xi32, #tpu.memory_space<vmem>>
        %dma_wait3A_195 = tpu.memref_slice %arg4[%add3A_177] : memref<331776xi32, #tpu.memory_space<hbm>> -> memref<96xi32, #tpu.memory_space<hbm>>
        %dma_wait3A_196 = arith.constant 0 : i32
        %dma_wait3A_197 = tpu.memref_slice %arg18[%dma_wait3A_191, %dma_wait3A_196] : memref<1x96xi32, #tpu.memory_space<vmem>> -> memref<1x96xi32, #tpu.memory_space<vmem>>
        %dma_wait3A_198 = tpu.memref_squeeze %dma_wait3A_197 : memref<1x96xi32, #tpu.memory_space<vmem>> -> memref<96xi32, #tpu.memory_space<vmem>>
        %dma_wait3A_199 = tpu.memref_slice %arg4[%add3A_177] : memref<331776xi32, #tpu.memory_space<hbm>> -> memref<96xi32, #tpu.memory_space<hbm>>
        tpu.wait_dma2 semaphore(%arg28 : memref<!tpu.dma_semaphore, #tpu.memory_space<semaphore_mem>>) src(%dma_wait3A_199 : memref<96xi32, #tpu.memory_space<hbm>>) dst(%dma_wait3A_198 : memref<96xi32, #tpu.memory_space<vmem>>)
        %dma_start3A_200 = arith.constant 0 : i32
        %dma_start3A_201 = arith.constant 0 : i32
        %dma_start3A_202 = tpu.memref_slice %arg2[%dma_start3A_200, %dma_start3A_201] : memref<10000x128xf32, #tpu.memory_space<hbm>> -> memref<10000x128xf32, #tpu.memory_space<hbm>>
        tpu.enqueue_indirect_dma source(%dma_start3A_202 : memref<10000x128xf32, #tpu.memory_space<hbm>>) target(%arg10 : memref<96x128xf32, #tpu.memory_space<vmem>>) offsets(%arg14 : memref<96xi32, #tpu.memory_space<vmem>>) semaphore(%arg22 : memref<!tpu.dma_semaphore, #tpu.memory_space<semaphore_mem>>)
      } else {
      }
      %dma_wait3A_115 = arith.constant 0 : i32
      %dma_wait3A_116 = arith.constant 0 : i32
      %dma_wait3A_117 = tpu.memref_slice %arg2[%dma_wait3A_115, %dma_wait3A_116] : memref<10000x128xf32, #tpu.memory_space<hbm>> -> memref<10000x128xf32, #tpu.memory_space<hbm>>
      tpu.wait_indirect_dma semaphore(%arg20 : memref<!tpu.dma_semaphore, #tpu.memory_space<semaphore_mem>>) src(%dma_wait3A_117 : memref<10000x128xf32, #tpu.memory_space<hbm>>) dst(%arg8 : memref<96x128xf32, #tpu.memory_space<vmem>>)
      %dma_start3A_118 = arith.constant 0 : i32
      %dma_start3A_119 = arith.constant 0 : i32
      %dma_start3A_120 = tpu.memref_slice %arg16[%dma_start3A_118, %dma_start3A_119] : memref<1x96xi32, #tpu.memory_space<vmem>> -> memref<1x96xi32, #tpu.memory_space<vmem>>
      %dma_start3A_121 = tpu.memref_squeeze %dma_start3A_120 : memref<1x96xi32, #tpu.memory_space<vmem>> -> memref<96xi32, #tpu.memory_space<vmem>>
      %dma_start3A_122 = arith.constant 0 : i32
      %dma_start3A_123 = arith.constant 0 : i32
      %dma_start3A_124 = tpu.memref_slice %arg6[%dma_start3A_122, %dma_start3A_123] : memref<10112x128xf32, #tpu.memory_space<vmem_shared>> -> memref<10112x128xf32, #tpu.memory_space<vmem_shared>>
      tpu.enqueue_indirect_dma source(%arg8 : memref<96x128xf32, #tpu.memory_space<vmem>>) target(%dma_start3A_124 : memref<10112x128xf32, #tpu.memory_space<vmem_shared>>) offsets(%dma_start3A_121 : memref<96xi32, #tpu.memory_space<vmem>>) semaphore(%arg24 : memref<!tpu.dma_semaphore, #tpu.memory_space<semaphore_mem>>) {add = true}
      %add3A_125 = arith.constant 2 : i32
      %add3A_126 = arith.addi %add3A_80, %add3A_125 : i32
      %ge3A_127 = arith.constant 2 : i32
      %ge3A_128 = arith.cmpi sge, %add3A_126, %ge3A_127 : i32
      %convert_element_type3A_129 = arith.extui %ge3A_128 : i1 to i32
      %cond3A_130 = arith.constant 0 : i32
      %cond3A_131 = arith.cmpi ne, %convert_element_type3A_129, %cond3A_130 : i32
      scf.if %cond3A_131 {
        %dma_wait3A_173 = arith.constant 0 : i32
        %dma_wait3A_174 = arith.constant 0 : i32
        %dma_wait3A_175 = tpu.memref_slice %arg15[%dma_wait3A_173, %dma_wait3A_174] : memref<1x96xi32, #tpu.memory_space<vmem>> -> memref<1x96xi32, #tpu.memory_space<vmem>>
        %dma_wait3A_176 = tpu.memref_squeeze %dma_wait3A_175 : memref<1x96xi32, #tpu.memory_space<vmem>> -> memref<96xi32, #tpu.memory_space<vmem>>
        %dma_wait3A_177 = arith.constant 0 : i32
        %dma_wait3A_178 = arith.constant 0 : i32
        %dma_wait3A_179 = tpu.memref_slice %arg6[%dma_wait3A_177, %dma_wait3A_178] : memref<10112x128xf32, #tpu.memory_space<vmem_shared>> -> memref<10112x128xf32, #tpu.memory_space<vmem_shared>>
        tpu.wait_indirect_dma semaphore(%arg23 : memref<!tpu.dma_semaphore, #tpu.memory_space<semaphore_mem>>) src(%arg7 : memref<96x128xf32, #tpu.memory_space<vmem>>) dst(%dma_wait3A_179 : memref<10112x128xf32, #tpu.memory_space<vmem_shared>>)
      } else {
      }
      %add3A_132 = arith.constant 2 : i32
      %add3A_133 = arith.addi %add3A_126, %add3A_132 : i32
      %lt3A_134 = arith.constant 108 : i32
      %lt3A_135 = arith.cmpi slt, %add3A_133, %lt3A_134 : i32
      %convert_element_type3A_136 = arith.extui %lt3A_135 : i1 to i32
      %cond3A_137 = arith.constant 0 : i32
      %cond3A_138 = arith.cmpi ne, %convert_element_type3A_136, %cond3A_137 : i32
      scf.if %cond3A_138 {
        %add3A_173 = arith.constant 2 : i32
        %add3A_174 = arith.addi %add3A_126, %add3A_173 : i32
        %mul3A_175 = arith.constant 96 : i32
        %mul3A_176 = arith.muli %add3A_174, %mul3A_175 : i32
        %add3A_177 = arith.addi %mul3A_24, %mul3A_176 : i32
        %dma_start3A_178 = tpu.memref_slice %arg3[%add3A_177] : memref<331776xi32, #tpu.memory_space<hbm>> -> memref<96xi32, #tpu.memory_space<hbm>>
        %dma_start3A_179 = tpu.memref_slice %arg3[%add3A_177] : memref<331776xi32, #tpu.memory_space<hbm>> -> memref<96xi32, #tpu.memory_space<hbm>>
        tpu.enqueue_dma source(%dma_start3A_179 : memref<96xi32, #tpu.memory_space<hbm>>) target(%arg11 : memref<96xi32, #tpu.memory_space<vmem>>) target_semaphore(%arg28 : memref<!tpu.dma_semaphore, #tpu.memory_space<semaphore_mem>>)
        %dma_start3A_180 = arith.constant 0 : i32
        %dma_start3A_181 = arith.constant 0 : i32
        %dma_start3A_182 = tpu.memref_slice %arg15[%dma_start3A_180, %dma_start3A_181] : memref<1x96xi32, #tpu.memory_space<vmem>> -> memref<1x96xi32, #tpu.memory_space<vmem>>
        %dma_start3A_183 = tpu.memref_squeeze %dma_start3A_182 : memref<1x96xi32, #tpu.memory_space<vmem>> -> memref<96xi32, #tpu.memory_space<vmem>>
        %dma_start3A_184 = tpu.memref_slice %arg4[%add3A_177] : memref<331776xi32, #tpu.memory_space<hbm>> -> memref<96xi32, #tpu.memory_space<hbm>>
        %dma_start3A_185 = arith.constant 0 : i32
        %dma_start3A_186 = tpu.memref_slice %arg15[%dma_start3A_180, %dma_start3A_185] : memref<1x96xi32, #tpu.memory_space<vmem>> -> memref<1x96xi32, #tpu.memory_space<vmem>>
        %dma_start3A_187 = tpu.memref_squeeze %dma_start3A_186 : memref<1x96xi32, #tpu.memory_space<vmem>> -> memref<96xi32, #tpu.memory_space<vmem>>
        %dma_start3A_188 = tpu.memref_slice %arg4[%add3A_177] : memref<331776xi32, #tpu.memory_space<hbm>> -> memref<96xi32, #tpu.memory_space<hbm>>
        tpu.enqueue_dma source(%dma_start3A_188 : memref<96xi32, #tpu.memory_space<hbm>>) target(%dma_start3A_187 : memref<96xi32, #tpu.memory_space<vmem>>) target_semaphore(%arg28 : memref<!tpu.dma_semaphore, #tpu.memory_space<semaphore_mem>>)
        %dma_wait3A_189 = tpu.memref_slice %arg3[%add3A_177] : memref<331776xi32, #tpu.memory_space<hbm>> -> memref<96xi32, #tpu.memory_space<hbm>>
        %dma_wait3A_190 = tpu.memref_slice %arg3[%add3A_177] : memref<331776xi32, #tpu.memory_space<hbm>> -> memref<96xi32, #tpu.memory_space<hbm>>
        tpu.wait_dma2 semaphore(%arg28 : memref<!tpu.dma_semaphore, #tpu.memory_space<semaphore_mem>>) src(%dma_wait3A_190 : memref<96xi32, #tpu.memory_space<hbm>>) dst(%arg11 : memref<96xi32, #tpu.memory_space<vmem>>)
        %dma_wait3A_191 = arith.constant 0 : i32
        %dma_wait3A_192 = arith.constant 0 : i32
        %dma_wait3A_193 = tpu.memref_slice %arg15[%dma_wait3A_191, %dma_wait3A_192] : memref<1x96xi32, #tpu.memory_space<vmem>> -> memref<1x96xi32, #tpu.memory_space<vmem>>
        %dma_wait3A_194 = tpu.memref_squeeze %dma_wait3A_193 : memref<1x96xi32, #tpu.memory_space<vmem>> -> memref<96xi32, #tpu.memory_space<vmem>>
        %dma_wait3A_195 = tpu.memref_slice %arg4[%add3A_177] : memref<331776xi32, #tpu.memory_space<hbm>> -> memref<96xi32, #tpu.memory_space<hbm>>
        %dma_wait3A_196 = arith.constant 0 : i32
        %dma_wait3A_197 = tpu.memref_slice %arg15[%dma_wait3A_191, %dma_wait3A_196] : memref<1x96xi32, #tpu.memory_space<vmem>> -> memref<1x96xi32, #tpu.memory_space<vmem>>
        %dma_wait3A_198 = tpu.memref_squeeze %dma_wait3A_197 : memref<1x96xi32, #tpu.memory_space<vmem>> -> memref<96xi32, #tpu.memory_space<vmem>>
        %dma_wait3A_199 = tpu.memref_slice %arg4[%add3A_177] : memref<331776xi32, #tpu.memory_space<hbm>> -> memref<96xi32, #tpu.memory_space<hbm>>
        tpu.wait_dma2 semaphore(%arg28 : memref<!tpu.dma_semaphore, #tpu.memory_space<semaphore_mem>>) src(%dma_wait3A_199 : memref<96xi32, #tpu.memory_space<hbm>>) dst(%dma_wait3A_198 : memref<96xi32, #tpu.memory_space<vmem>>)
        %dma_start3A_200 = arith.constant 0 : i32
        %dma_start3A_201 = arith.constant 0 : i32
        %dma_start3A_202 = tpu.memref_slice %arg2[%dma_start3A_200, %dma_start3A_201] : memref<10000x128xf32, #tpu.memory_space<hbm>> -> memref<10000x128xf32, #tpu.memory_space<hbm>>
        tpu.enqueue_indirect_dma source(%dma_start3A_202 : memref<10000x128xf32, #tpu.memory_space<hbm>>) target(%arg7 : memref<96x128xf32, #tpu.memory_space<vmem>>) offsets(%arg11 : memref<96xi32, #tpu.memory_space<vmem>>) semaphore(%arg19 : memref<!tpu.dma_semaphore, #tpu.memory_space<semaphore_mem>>)
      } else {
      }
      %dma_wait3A_139 = arith.constant 0 : i32
      %dma_wait3A_140 = arith.constant 0 : i32
      %dma_wait3A_141 = tpu.memref_slice %arg2[%dma_wait3A_139, %dma_wait3A_140] : memref<10000x128xf32, #tpu.memory_space<hbm>> -> memref<10000x128xf32, #tpu.memory_space<hbm>>
      tpu.wait_indirect_dma semaphore(%arg21 : memref<!tpu.dma_semaphore, #tpu.memory_space<semaphore_mem>>) src(%dma_wait3A_141 : memref<10000x128xf32, #tpu.memory_space<hbm>>) dst(%arg9 : memref<96x128xf32, #tpu.memory_space<vmem>>)
      %dma_start3A_142 = arith.constant 0 : i32
      %dma_start3A_143 = arith.constant 0 : i32
      %dma_start3A_144 = tpu.memref_slice %arg17[%dma_start3A_142, %dma_start3A_143] : memref<1x96xi32, #tpu.memory_space<vmem>> -> memref<1x96xi32, #tpu.memory_space<vmem>>
      %dma_start3A_145 = tpu.memref_squeeze %dma_start3A_144 : memref<1x96xi32, #tpu.memory_space<vmem>> -> memref<96xi32, #tpu.memory_space<vmem>>
      %dma_start3A_146 = arith.constant 0 : i32
      %dma_start3A_147 = arith.constant 0 : i32
      %dma_start3A_148 = tpu.memref_slice %arg6[%dma_start3A_146, %dma_start3A_147] : memref<10112x128xf32, #tpu.memory_space<vmem_shared>> -> memref<10112x128xf32, #tpu.memory_space<vmem_shared>>
      tpu.enqueue_indirect_dma source(%arg9 : memref<96x128xf32, #tpu.memory_space<vmem>>) target(%dma_start3A_148 : memref<10112x128xf32, #tpu.memory_space<vmem_shared>>) offsets(%dma_start3A_145 : memref<96xi32, #tpu.memory_space<vmem>>) semaphore(%arg25 : memref<!tpu.dma_semaphore, #tpu.memory_space<semaphore_mem>>) {add = true}
      %add3A_149 = arith.constant 3 : i32
      %add3A_150 = arith.addi %add3A_80, %add3A_149 : i32
      %ge3A_151 = arith.constant 2 : i32
      %ge3A_152 = arith.cmpi sge, %add3A_150, %ge3A_151 : i32
      %convert_element_type3A_153 = arith.extui %ge3A_152 : i1 to i32
      %cond3A_154 = arith.constant 0 : i32
      %cond3A_155 = arith.cmpi ne, %convert_element_type3A_153, %cond3A_154 : i32
      scf.if %cond3A_155 {
        %dma_wait3A_173 = arith.constant 0 : i32
        %dma_wait3A_174 = arith.constant 0 : i32
        %dma_wait3A_175 = tpu.memref_slice %arg16[%dma_wait3A_173, %dma_wait3A_174] : memref<1x96xi32, #tpu.memory_space<vmem>> -> memref<1x96xi32, #tpu.memory_space<vmem>>
        %dma_wait3A_176 = tpu.memref_squeeze %dma_wait3A_175 : memref<1x96xi32, #tpu.memory_space<vmem>> -> memref<96xi32, #tpu.memory_space<vmem>>
        %dma_wait3A_177 = arith.constant 0 : i32
        %dma_wait3A_178 = arith.constant 0 : i32
        %dma_wait3A_179 = tpu.memref_slice %arg6[%dma_wait3A_177, %dma_wait3A_178] : memref<10112x128xf32, #tpu.memory_space<vmem_shared>> -> memref<10112x128xf32, #tpu.memory_space<vmem_shared>>
        tpu.wait_indirect_dma semaphore(%arg24 : memref<!tpu.dma_semaphore, #tpu.memory_space<semaphore_mem>>) src(%arg8 : memref<96x128xf32, #tpu.memory_space<vmem>>) dst(%dma_wait3A_179 : memref<10112x128xf32, #tpu.memory_space<vmem_shared>>)
      } else {
      }
      %add3A_156 = arith.constant 2 : i32
      %add3A_157 = arith.addi %add3A_150, %add3A_156 : i32
      %lt3A_158 = arith.constant 108 : i32
      %lt3A_159 = arith.cmpi slt, %add3A_157, %lt3A_158 : i32
      %convert_element_type3A_160 = arith.extui %lt3A_159 : i1 to i32
      %cond3A_161 = arith.constant 0 : i32
      %cond3A_162 = arith.cmpi ne, %convert_element_type3A_160, %cond3A_161 : i32
      scf.if %cond3A_162 {
        %add3A_173 = arith.constant 2 : i32
        %add3A_174 = arith.addi %add3A_150, %add3A_173 : i32
        %mul3A_175 = arith.constant 96 : i32
        %mul3A_176 = arith.muli %add3A_174, %mul3A_175 : i32
        %add3A_177 = arith.addi %mul3A_24, %mul3A_176 : i32
        %dma_start3A_178 = tpu.memref_slice %arg3[%add3A_177] : memref<331776xi32, #tpu.memory_space<hbm>> -> memref<96xi32, #tpu.memory_space<hbm>>
        %dma_start3A_179 = tpu.memref_slice %arg3[%add3A_177] : memref<331776xi32, #tpu.memory_space<hbm>> -> memref<96xi32, #tpu.memory_space<hbm>>
        tpu.enqueue_dma source(%dma_start3A_179 : memref<96xi32, #tpu.memory_space<hbm>>) target(%arg12 : memref<96xi32, #tpu.memory_space<vmem>>) target_semaphore(%arg28 : memref<!tpu.dma_semaphore, #tpu.memory_space<semaphore_mem>>)
        %dma_start3A_180 = arith.constant 0 : i32
        %dma_start3A_181 = arith.constant 0 : i32
        %dma_start3A_182 = tpu.memref_slice %arg16[%dma_start3A_180, %dma_start3A_181] : memref<1x96xi32, #tpu.memory_space<vmem>> -> memref<1x96xi32, #tpu.memory_space<vmem>>
        %dma_start3A_183 = tpu.memref_squeeze %dma_start3A_182 : memref<1x96xi32, #tpu.memory_space<vmem>> -> memref<96xi32, #tpu.memory_space<vmem>>
        %dma_start3A_184 = tpu.memref_slice %arg4[%add3A_177] : memref<331776xi32, #tpu.memory_space<hbm>> -> memref<96xi32, #tpu.memory_space<hbm>>
        %dma_start3A_185 = arith.constant 0 : i32
        %dma_start3A_186 = tpu.memref_slice %arg16[%dma_start3A_180, %dma_start3A_185] : memref<1x96xi32, #tpu.memory_space<vmem>> -> memref<1x96xi32, #tpu.memory_space<vmem>>
        %dma_start3A_187 = tpu.memref_squeeze %dma_start3A_186 : memref<1x96xi32, #tpu.memory_space<vmem>> -> memref<96xi32, #tpu.memory_space<vmem>>
        %dma_start3A_188 = tpu.memref_slice %arg4[%add3A_177] : memref<331776xi32, #tpu.memory_space<hbm>> -> memref<96xi32, #tpu.memory_space<hbm>>
        tpu.enqueue_dma source(%dma_start3A_188 : memref<96xi32, #tpu.memory_space<hbm>>) target(%dma_start3A_187 : memref<96xi32, #tpu.memory_space<vmem>>) target_semaphore(%arg28 : memref<!tpu.dma_semaphore, #tpu.memory_space<semaphore_mem>>)
        %dma_wait3A_189 = tpu.memref_slice %arg3[%add3A_177] : memref<331776xi32, #tpu.memory_space<hbm>> -> memref<96xi32, #tpu.memory_space<hbm>>
        %dma_wait3A_190 = tpu.memref_slice %arg3[%add3A_177] : memref<331776xi32, #tpu.memory_space<hbm>> -> memref<96xi32, #tpu.memory_space<hbm>>
        tpu.wait_dma2 semaphore(%arg28 : memref<!tpu.dma_semaphore, #tpu.memory_space<semaphore_mem>>) src(%dma_wait3A_190 : memref<96xi32, #tpu.memory_space<hbm>>) dst(%arg12 : memref<96xi32, #tpu.memory_space<vmem>>)
        %dma_wait3A_191 = arith.constant 0 : i32
        %dma_wait3A_192 = arith.constant 0 : i32
        %dma_wait3A_193 = tpu.memref_slice %arg16[%dma_wait3A_191, %dma_wait3A_192] : memref<1x96xi32, #tpu.memory_space<vmem>> -> memref<1x96xi32, #tpu.memory_space<vmem>>
        %dma_wait3A_194 = tpu.memref_squeeze %dma_wait3A_193 : memref<1x96xi32, #tpu.memory_space<vmem>> -> memref<96xi32, #tpu.memory_space<vmem>>
        %dma_wait3A_195 = tpu.memref_slice %arg4[%add3A_177] : memref<331776xi32, #tpu.memory_space<hbm>> -> memref<96xi32, #tpu.memory_space<hbm>>
        %dma_wait3A_196 = arith.constant 0 : i32
        %dma_wait3A_197 = tpu.memref_slice %arg16[%dma_wait3A_191, %dma_wait3A_196] : memref<1x96xi32, #tpu.memory_space<vmem>> -> memref<1x96xi32, #tpu.memory_space<vmem>>
        %dma_wait3A_198 = tpu.memref_squeeze %dma_wait3A_197 : memref<1x96xi32, #tpu.memory_space<vmem>> -> memref<96xi32, #tpu.memory_space<vmem>>
        %dma_wait3A_199 = tpu.memref_slice %arg4[%add3A_177] : memref<331776xi32, #tpu.memory_space<hbm>> -> memref<96xi32, #tpu.memory_space<hbm>>
        tpu.wait_dma2 semaphore(%arg28 : memref<!tpu.dma_semaphore, #tpu.memory_space<semaphore_mem>>) src(%dma_wait3A_199 : memref<96xi32, #tpu.memory_space<hbm>>) dst(%dma_wait3A_198 : memref<96xi32, #tpu.memory_space<vmem>>)
        %dma_start3A_200 = arith.constant 0 : i32
        %dma_start3A_201 = arith.constant 0 : i32
        %dma_start3A_202 = tpu.memref_slice %arg2[%dma_start3A_200, %dma_start3A_201] : memref<10000x128xf32, #tpu.memory_space<hbm>> -> memref<10000x128xf32, #tpu.memory_space<hbm>>
        tpu.enqueue_indirect_dma source(%dma_start3A_202 : memref<10000x128xf32, #tpu.memory_space<hbm>>) target(%arg8 : memref<96x128xf32, #tpu.memory_space<vmem>>) offsets(%arg12 : memref<96xi32, #tpu.memory_space<vmem>>) semaphore(%arg20 : memref<!tpu.dma_semaphore, #tpu.memory_space<semaphore_mem>>)
      } else {
      }
      %dma_wait3A_163 = arith.constant 0 : i32
      %dma_wait3A_164 = arith.constant 0 : i32
      %dma_wait3A_165 = tpu.memref_slice %arg2[%dma_wait3A_163, %dma_wait3A_164] : memref<10000x128xf32, #tpu.memory_space<hbm>> -> memref<10000x128xf32, #tpu.memory_space<hbm>>
      tpu.wait_indirect_dma semaphore(%arg22 : memref<!tpu.dma_semaphore, #tpu.memory_space<semaphore_mem>>) src(%dma_wait3A_165 : memref<10000x128xf32, #tpu.memory_space<hbm>>) dst(%arg10 : memref<96x128xf32, #tpu.memory_space<vmem>>)
      %dma_start3A_166 = arith.constant 0 : i32
      %dma_start3A_167 = arith.constant 0 : i32
      %dma_start3A_168 = tpu.memref_slice %arg18[%dma_start3A_166, %dma_start3A_167] : memref<1x96xi32, #tpu.memory_space<vmem>> -> memref<1x96xi32, #tpu.memory_space<vmem>>
      %dma_start3A_169 = tpu.memref_squeeze %dma_start3A_168 : memref<1x96xi32, #tpu.memory_space<vmem>> -> memref<96xi32, #tpu.memory_space<vmem>>
      %dma_start3A_170 = arith.constant 0 : i32
      %dma_start3A_171 = arith.constant 0 : i32
      %dma_start3A_172 = tpu.memref_slice %arg6[%dma_start3A_170, %dma_start3A_171] : memref<10112x128xf32, #tpu.memory_space<vmem_shared>> -> memref<10112x128xf32, #tpu.memory_space<vmem_shared>>
      tpu.enqueue_indirect_dma source(%arg10 : memref<96x128xf32, #tpu.memory_space<vmem>>) target(%dma_start3A_172 : memref<10112x128xf32, #tpu.memory_space<vmem_shared>>) offsets(%dma_start3A_169 : memref<96xi32, #tpu.memory_space<vmem>>) semaphore(%arg26 : memref<!tpu.dma_semaphore, #tpu.memory_space<semaphore_mem>>) {add = true}
    }
    %scan3A_56 = arith.constant 27 : i32
    %dma_wait3A_57 = arith.constant 0 : i32
    %dma_wait3A_58 = arith.constant 0 : i32
    %dma_wait3A_59 = tpu.memref_slice %arg17[%dma_wait3A_57, %dma_wait3A_58] : memref<1x96xi32, #tpu.memory_space<vmem>> -> memref<1x96xi32, #tpu.memory_space<vmem>>
    %dma_wait3A_60 = tpu.memref_squeeze %dma_wait3A_59 : memref<1x96xi32, #tpu.memory_space<vmem>> -> memref<96xi32, #tpu.memory_space<vmem>>
    %dma_wait3A_61 = arith.constant 0 : i32
    %dma_wait3A_62 = arith.constant 0 : i32
    %dma_wait3A_63 = tpu.memref_slice %arg6[%dma_wait3A_61, %dma_wait3A_62] : memref<10112x128xf32, #tpu.memory_space<vmem_shared>> -> memref<10112x128xf32, #tpu.memory_space<vmem_shared>>
    tpu.wait_indirect_dma semaphore(%arg25 : memref<!tpu.dma_semaphore, #tpu.memory_space<semaphore_mem>>) src(%arg9 : memref<96x128xf32, #tpu.memory_space<vmem>>) dst(%dma_wait3A_63 : memref<10112x128xf32, #tpu.memory_space<vmem_shared>>)
    %dma_wait3A_64 = arith.constant 0 : i32
    %dma_wait3A_65 = arith.constant 0 : i32
    %dma_wait3A_66 = tpu.memref_slice %arg18[%dma_wait3A_64, %dma_wait3A_65] : memref<1x96xi32, #tpu.memory_space<vmem>> -> memref<1x96xi32, #tpu.memory_space<vmem>>
    %dma_wait3A_67 = tpu.memref_squeeze %dma_wait3A_66 : memref<1x96xi32, #tpu.memory_space<vmem>> -> memref<96xi32, #tpu.memory_space<vmem>>
    %dma_wait3A_68 = arith.constant 0 : i32
    %dma_wait3A_69 = arith.constant 0 : i32
    %dma_wait3A_70 = tpu.memref_slice %arg6[%dma_wait3A_68, %dma_wait3A_69] : memref<10112x128xf32, #tpu.memory_space<vmem_shared>> -> memref<10112x128xf32, #tpu.memory_space<vmem_shared>>
    tpu.wait_indirect_dma semaphore(%arg26 : memref<!tpu.dma_semaphore, #tpu.memory_space<semaphore_mem>>) src(%arg10 : memref<96x128xf32, #tpu.memory_space<vmem>>) dst(%dma_wait3A_70 : memref<10112x128xf32, #tpu.memory_space<vmem_shared>>)
    %barrier3A_71 = arith.constant 0 : index
    tpu.barrier barrier_id(%barrier3A_71)
    %mul3A_72 = arith.constant 632 : i32
    %mul3A_73 = arith.muli %arg1, %mul3A_72 : i32
    %mul3A_74 = arith.constant 632 : i32
    %mul3A_75 = arith.muli %arg1, %mul3A_74 : i32
    "tpu.region"() ({
      %run_scoped3A_76 = tpu.sem_alloc : memref<!tpu.dma_semaphore, #tpu.memory_space<semaphore_mem>>
      %dma_start3A_77 = arith.constant 0 : i32
      %dma_start3A_78 = tpu.memref_slice %arg5[%arg0, %mul3A_75, %dma_start3A_77] : memref<2x10112x128xf32, #tpu.memory_space<hbm>> -> memref<1x632x128xf32, #tpu.memory_space<hbm>>
      %dma_start3A_79 = tpu.memref_squeeze %dma_start3A_78 : memref<1x632x128xf32, #tpu.memory_space<hbm>> -> memref<632x128xf32, #tpu.memory_space<hbm>>
      %dma_start3A_80 = arith.constant 0 : i32
      %dma_start3A_81 = tpu.memref_slice %arg6[%mul3A_73, %dma_start3A_80] : memref<10112x128xf32, #tpu.memory_space<vmem_shared>> -> memref<632x128xf32, #tpu.memory_space<vmem_shared>>
      tpu.enqueue_dma source(%dma_start3A_81 : memref<632x128xf32, #tpu.memory_space<vmem_shared>>) target(%dma_start3A_79 : memref<632x128xf32, #tpu.memory_space<hbm>>) target_semaphore(%run_scoped3A_76 : memref<!tpu.dma_semaphore, #tpu.memory_space<semaphore_mem>>)
      %dma_wait3A_82 = arith.constant 0 : i32
      %dma_wait3A_83 = tpu.memref_slice %arg5[%arg0, %mul3A_75, %dma_wait3A_82] : memref<2x10112x128xf32, #tpu.memory_space<hbm>> -> memref<1x632x128xf32, #tpu.memory_space<hbm>>
      %dma_wait3A_84 = tpu.memref_squeeze %dma_wait3A_83 : memref<1x632x128xf32, #tpu.memory_space<hbm>> -> memref<632x128xf32, #tpu.memory_space<hbm>>
      %dma_wait3A_85 = arith.constant 0 : i32
      %dma_wait3A_86 = tpu.memref_slice %arg6[%mul3A_73, %dma_wait3A_85] : memref<10112x128xf32, #tpu.memory_space<vmem_shared>> -> memref<632x128xf32, #tpu.memory_space<vmem_shared>>
      tpu.wait_dma2 semaphore(%run_scoped3A_76 : memref<!tpu.dma_semaphore, #tpu.memory_space<semaphore_mem>>) src(%dma_wait3A_86 : memref<632x128xf32, #tpu.memory_space<vmem_shared>>) dst(%dma_wait3A_84 : memref<632x128xf32, #tpu.memory_space<hbm>>)
      tpu.yield
    }) : () -> ()
    return
  }
}

module attributes {stable_mosaic.version = 14 : i64} {
  func.func @_gin_tc_body(%arg0: i32, %arg1: memref<2000x128xf32, #tpu.memory_space<vmem>>, %arg2: memref<2x2000x128xf32, #tpu.memory_space<vmem>>, %arg3: memref<128x128xf32, #tpu.memory_space<vmem>>, %arg4: memref<1x128xf32, #tpu.memory_space<vmem>>, %arg5: memref<2000x128xf32, #tpu.memory_space<vmem>>) attributes {dimension_semantics = [#tpu.dimension_semantics<arbitrary>], iteration_bounds = array<i64: 5>, scalar_prefetch = 0 : i64, scratch_operands = 0 : i64, tpu.core_type = #tpu.core_type<tc>, window_params = [{transform_indices = @transform_0, window_bounds = array<i64: 2000, 128>}, {transform_indices = @transform_1, window_bounds = array<i64: 2, 2000, 128>}, {pipeline_mode = #tpu.pipeline_mode<synchronous>, transform_indices = @transform_2, window_bounds = array<i64: 128, 128>}, {pipeline_mode = #tpu.pipeline_mode<synchronous>, transform_indices = @transform_3, window_bounds = array<i64: 1, 128>}, {transform_indices = @transform_4, window_bounds = array<i64: 2000, 128>}]} {
    %get3A = arith.constant 0 : index
    %get3A_0 = arith.constant 0 : index
    %get3A_1 = vector.load %arg1[%get3A, %get3A_0] : memref<2000x128xf32, #tpu.memory_space<vmem>>, vector<2000x128xf32>
    %get3A_2 = arith.constant 0 : index
    %get3A_3 = arith.constant 0 : index
    %get3A_4 = arith.constant 0 : index
    %get3A_5 = vector.load %arg2[%get3A_2, %get3A_3, %get3A_4] : memref<2x2000x128xf32, #tpu.memory_space<vmem>>, vector<1x2000x128xf32>
    %get3A_6 = vector.shape_cast %get3A_5 : vector<1x2000x128xf32> to vector<2000x128xf32>
    %add3A = arith.addf %get3A_1, %get3A_6 : vector<2000x128xf32>
    %get3A_7 = arith.constant 1 : index
    %get3A_8 = arith.constant 0 : index
    %get3A_9 = arith.constant 0 : index
    %get3A_10 = vector.load %arg2[%get3A_7, %get3A_8, %get3A_9] : memref<2x2000x128xf32, #tpu.memory_space<vmem>>, vector<1x2000x128xf32>
    %get3A_11 = vector.shape_cast %get3A_10 : vector<1x2000x128xf32> to vector<2000x128xf32>
    %add3A_12 = arith.addf %add3A, %get3A_11 : vector<2000x128xf32>
    %get3A_13 = arith.constant 0 : index
    %get3A_14 = arith.constant 0 : index
    %get3A_15 = vector.load %arg3[%get3A_13, %get3A_14] : memref<128x128xf32, #tpu.memory_space<vmem>>, vector<128x128xf32>
    %dot_general3A = arith.constant dense<0.000000e+00> : vector<2000x128xf32>
    %dot_general3A_16 = tpu.matmul %add3A_12, %get3A_15, %dot_general3A {dimension_numbers = #tpu.dot_dimension_numbers<[1], [0], [0], [1], [0, 0, 1, 1], [], []>, transpose_lhs_hint = false} : vector<2000x128xf32>, vector<128x128xf32>, vector<2000x128xf32> -> vector<2000x128xf32>
    %get3A_17 = arith.constant 0 : index
    %get3A_18 = arith.constant 0 : index
    %get3A_19 = vector.load %arg4[%get3A_17, %get3A_18] : memref<1x128xf32, #tpu.memory_space<vmem>>, vector<1x128xf32>
    %add3A_20 = vector.broadcast %get3A_19 : vector<1x128xf32> to vector<2000x128xf32>
    %add3A_21 = arith.addf %dot_general3A_16, %add3A_20 : vector<2000x128xf32>
    %max3A = arith.constant 0.000000e+00 : f32
    %max3A_22 = vector.broadcast %max3A : f32 to vector<2000x128xf32>
    %max3A_23 = arith.maximumf %add3A_21, %max3A_22 : vector<2000x128xf32>
    %swap3A = arith.constant 0 : index
    %swap3A_24 = arith.constant 0 : index
    %swap3A_25 = vector.load %arg5[%swap3A, %swap3A_24] : memref<2000x128xf32, #tpu.memory_space<vmem>>, vector<2000x128xf32>
    tpu.vector_store %arg5[%swap3A, %swap3A_24], %max3A_23 {strides = array<i32>} : memref<2000x128xf32, #tpu.memory_space<vmem>>, vector<2000x128xf32>,
    return
  }
  func.func @transform_0(%arg0: i32) -> (i32, i32) {
    %c0_i32 = arith.constant 0 : i32
    %c0_i32_0 = arith.constant 0 : i32
    return %arg0, %c0_i32 : i32, i32
  }
  func.func @transform_1(%arg0: i32) -> (i32, i32, i32) {
    %c0_i32 = arith.constant 0 : i32
    %c0_i32_0 = arith.constant 0 : i32
    %c0_i32_1 = arith.constant 0 : i32
    return %c0_i32, %arg0, %c0_i32_0 : i32, i32, i32
  }
  func.func @transform_2(%arg0: i32) -> (i32, i32) {
    %c0_i32 = arith.constant 0 : i32
    %c0_i32_0 = arith.constant 0 : i32
    %c0_i32_1 = arith.constant 0 : i32
    return %c0_i32, %c0_i32_0 : i32, i32
  }
  func.func @transform_3(%arg0: i32) -> (i32, i32) {
    %c0_i32 = arith.constant 0 : i32
    %c0_i32_0 = arith.constant 0 : i32
    %c0_i32_1 = arith.constant 0 : i32
    return %c0_i32, %c0_i32_0 : i32, i32
  }
  func.func @transform_4(%arg0: i32) -> (i32, i32) {
    %c0_i32 = arith.constant 0 : i32
    %c0_i32_0 = arith.constant 0 : i32
    return %arg0, %c0_i32 : i32, i32
  }
}

module attributes {stable_mosaic.version = 14 : i64} {
  func.func @_gin_tc_body(%arg0: i32, %arg1: memref<2000x128xf32, #tpu.memory_space<vmem>>, %arg2: memref<2x2000x128xf32, #tpu.memory_space<vmem>>, %arg3: memref<128x128xf32, #tpu.memory_space<vmem>>, %arg4: memref<1x128xf32, #tpu.memory_space<vmem>>, %arg5: memref<2000x128xf32, #tpu.memory_space<vmem>>) attributes {dimension_semantics = [#tpu.dimension_semantics<arbitrary>], iteration_bounds = array<i64: 5>, scalar_prefetch = 0 : i64, scratch_operands = 0 : i64, tpu.core_type = #tpu.core_type<tc>, window_params = [{transform_indices = @transform_0, window_bounds = array<i64: 2000, 128>}, {transform_indices = @transform_1, window_bounds = array<i64: 2, 2000, 128>}, {pipeline_mode = #tpu.pipeline_mode<synchronous>, transform_indices = @transform_2, window_bounds = array<i64: 128, 128>}, {pipeline_mode = #tpu.pipeline_mode<synchronous>, transform_indices = @transform_3, window_bounds = array<i64: 1, 128>}, {transform_indices = @transform_4, window_bounds = array<i64: 2000, 128>}]} {
    %get3A = arith.constant 0 : index
    %get3A_0 = arith.constant 0 : index
    %get3A_1 = vector.load %arg1[%get3A, %get3A_0] : memref<2000x128xf32, #tpu.memory_space<vmem>>, vector<2000x128xf32>
    %get3A_2 = arith.constant 0 : index
    %get3A_3 = arith.constant 0 : index
    %get3A_4 = arith.constant 0 : index
    %get3A_5 = vector.load %arg2[%get3A_2, %get3A_3, %get3A_4] : memref<2x2000x128xf32, #tpu.memory_space<vmem>>, vector<1x2000x128xf32>
    %get3A_6 = vector.shape_cast %get3A_5 : vector<1x2000x128xf32> to vector<2000x128xf32>
    %add3A = arith.addf %get3A_1, %get3A_6 : vector<2000x128xf32>
    %get3A_7 = arith.constant 1 : index
    %get3A_8 = arith.constant 0 : index
    %get3A_9 = arith.constant 0 : index
    %get3A_10 = vector.load %arg2[%get3A_7, %get3A_8, %get3A_9] : memref<2x2000x128xf32, #tpu.memory_space<vmem>>, vector<1x2000x128xf32>
    %get3A_11 = vector.shape_cast %get3A_10 : vector<1x2000x128xf32> to vector<2000x128xf32>
    %add3A_12 = arith.addf %add3A, %get3A_11 : vector<2000x128xf32>
    %get3A_13 = arith.constant 0 : index
    %get3A_14 = arith.constant 0 : index
    %get3A_15 = vector.load %arg3[%get3A_13, %get3A_14] : memref<128x128xf32, #tpu.memory_space<vmem>>, vector<128x128xf32>
    %dot_general3A = arith.constant dense<0.000000e+00> : vector<2000x128xf32>
    %dot_general3A_16 = tpu.matmul %add3A_12, %get3A_15, %dot_general3A {dimension_numbers = #tpu.dot_dimension_numbers<[1], [0], [0], [1], [0, 0, 1, 1], [], []>, transpose_lhs_hint = false} : vector<2000x128xf32>, vector<128x128xf32>, vector<2000x128xf32> -> vector<2000x128xf32>
    %get3A_17 = arith.constant 0 : index
    %get3A_18 = arith.constant 0 : index
    %get3A_19 = vector.load %arg4[%get3A_17, %get3A_18] : memref<1x128xf32, #tpu.memory_space<vmem>>, vector<1x128xf32>
    %add3A_20 = vector.broadcast %get3A_19 : vector<1x128xf32> to vector<2000x128xf32>
    %add3A_21 = arith.addf %dot_general3A_16, %add3A_20 : vector<2000x128xf32>
    %max3A = arith.constant 0.000000e+00 : f32
    %max3A_22 = vector.broadcast %max3A : f32 to vector<2000x128xf32>
    %max3A_23 = arith.maximumf %add3A_21, %max3A_22 : vector<2000x128xf32>
    %swap3A = arith.constant 0 : index
    %swap3A_24 = arith.constant 0 : index
    %swap3A_25 = vector.load %arg5[%swap3A, %swap3A_24] : memref<2000x128xf32, #tpu.memory_space<vmem>>, vector<2000x128xf32>
    tpu.vector_store %arg5[%swap3A, %swap3A_24], %max3A_23 {strides = array<i32>} : memref<2000x128xf32, #tpu.memory_space<vmem>>, vector<2000x128xf32>,
    return
  }
  func.func @transform_0(%arg0: i32) -> (i32, i32) {
    %c0_i32 = arith.constant 0 : i32
    %c0_i32_0 = arith.constant 0 : i32
    return %arg0, %c0_i32 : i32, i32
  }
  func.func @transform_1(%arg0: i32) -> (i32, i32, i32) {
    %c0_i32 = arith.constant 0 : i32
    %c0_i32_0 = arith.constant 0 : i32
    %c0_i32_1 = arith.constant 0 : i32
    return %c0_i32, %arg0, %c0_i32_0 : i32, i32, i32
  }
  func.func @transform_2(%arg0: i32) -> (i32, i32) {
    %c0_i32 = arith.constant 0 : i32
    %c0_i32_0 = arith.constant 0 : i32
    %c0_i32_1 = arith.constant 0 : i32
    return %c0_i32, %c0_i32_0 : i32, i32
  }
  func.func @transform_3(%arg0: i32) -> (i32, i32) {
    %c0_i32 = arith.constant 0 : i32
    %c0_i32_0 = arith.constant 0 : i32
    %c0_i32_1 = arith.constant 0 : i32
    return %c0_i32, %c0_i32_0 : i32, i32
  }
  func.func @transform_4(%arg0: i32) -> (i32, i32) {
    %c0_i32 = arith.constant 0 : i32
    %c0_i32_0 = arith.constant 0 : i32
    return %arg0, %c0_i32 : i32, i32
  }
}

</mosaic_0001>

<sc_bundles>
// kernel: kernel.11.cloned.1.call-start
scs
__scs_entry_jumppad:
0x0: {  	(pc) =	sbr.rel $0x88, $3  }
0x1: {  	(tag) =	ssettag $0x0;
	lr =	simm.s32 $0x1  }
0x2: {  	[smem:$0x3F99] =	sst lr;
	_ =	strace $0xD0000000  }
0x3: {  	_ = 	snop  }
0x4: {  	_ = 	snop  }
0x5: {  	_ = 	snop  }
0x6: {  	_ = 	snop  }
0x7: {  	_ = 	snop  }
__scs_overlays_trampoline_lowered:
0x8: {  	[smem:$0x3FA8] =	sst s0  }
0x9: {  	[smem:$0x3FA9] =	sst s1  }
0xa: {  	[smem:$0x3FAA] =	sst s2  }
0xb: {  	[smem:$0x3FAB] =	sst s3  }
0xc: {  	[smem:$0x3FAC] =	sst s4  }
0xd: {  	[smem:$0x3FAD] =	sst s5  }
0xe: {  	[smem:$0x3FAE] =	sst s6  }
0xf: {  	[smem:$0x3FAF] =	sst s7  }
0x10: {  	[smem:$0x3FB0] =	sst s8  }
0x11: {  	[smem:$0x3FB1] =	sst s9;
	s0 =	simm.s32 @!p0 $0x0  }
0x12: {  	s1 =	sld [smem:$0x3F97];
	s0 =	simm.s32 @p0 $0x1  }
0x13: {  	[smem:$0x3FB2] =	sst s0;
	s0 =	simm.s32 @!p1 $0x0  }
0x14: {  	s2 =	sld [smem:$0x3F96];
	s0 =	simm.s32 @p1 $0x1  }
0x15: {  	[smem:$0x3FB3] =	sst s0;
	s0 =	simm.s32 @!p2 $0x0  }
0x16: {  	s3 =	sld [smem:$0x3FDB];
	s0 =	simm.s32 @p2 $0x1  }
0x17: {  	s4 =	simm.s32 $0x1BF5;
	[smem:$0x3FB5] =	sst s0  }
0x18: {  	s0 =	sld [smem:$0x3F98];
	_ =	swait.ge [sflag:s4], $0x0  }
0x19: {  	s7 =	sld [smem:$0x3F99]  }
0x1a: {  	s8 =	sadd.s32 $0xFFFFE003, lr  }
0x1b: {  	s9 =	sadd.s32 $0xFFFFFEF7, lr;
	s5 =	simm.s32 $0xFFFFFFFF;
	p2 =	slt.u32 s8, $0xFFFFF086  }
0x1c: {  	p1 =	slt.u32 s9, $0xF7A;
	s5 =	simm.s32 @!p2 $0x0  }
0x1d: {  	s5 =	simm.s32 @p1 $0x1;
	p0 =	seq.s32 s7, s2  }
0x1e: {  	s7 =	smul.u32 @!p0 $0xF7A, s2;
	p2 =	seq.s32 @!p0 s5, $0x0  }
0x1f: {  	s9 =	smul.u32 $0xF7A, s1;
	s8 =	simm.s32 @!p0 $0x1BF5;
	p2 =	por !p2, p0  }
0x20: {  	[sflag:s8] =	ssyncset.s32 @!p0 $0xFFFFF086;
	s6 =	sadd.s32 @!p0 s3, s7;
	s7 =	simm.s32 @!p0 $0x108  }
0x21: {  	s3 =	sadd.s32 s3, s9;
	s6 =	sadd.s32 @!p0 $0x88, s6;
	s7 =	simm.s32 @p2 $0x1082  }
0x22: {  	[simem:s7], [sflag:s8] =	dma.local @!p0 [hbm:s6], $0xF7A  }
0x23: {  	s9 =	sor.u32 $0xD0000000, s2;
	s6 =	simm.s32 $0x108;
	_ =	swait.ge @!p0 [sflag:s8], $0x0  }
0x24: {  	s3 =	sadd.s32 $0x88, s3;
	s6 =	simm.s32 @!p1 $0x1082;
	[sflag:s4] =	ssyncset.s32 $0xFFFFF086  }
0x25: {  	[simem:s6], [sflag:s4] =	dma.local [hbm:s3], $0xF7A  }
0x26: {  	[smem:$0x3F99] =	sst s1;
	(tag) =	ssettag s2;
	_ =	strace s9  }
0x27: {  	s1 =	sld [smem:$0x3FA9]  }
0x28: {  	s2 =	sld [smem:$0x3FAA]  }
0x29: {  	s4 =	sld [smem:$0x3FAC]  }
0x2a: {  	p0 =	seq.s32 s5, $0x0;
	s5 =	sld [smem:$0x3FAD]  }
0x2b: {  	s6 =	sld [smem:$0x3FAE]  }
0x2c: {  	s7 =	sld [smem:$0x3FAF]  }
0x2d: {  	s3 =	simm.s32 $0x108;
	s8 =	sld [smem:$0x3FB0]  }
0x2e: {  	s3 =	simm.s32 @!p0 $0x1082;
	s9 =	sld [smem:$0x3FB1]  }
0x2f: {  	lr =	sadd.s32 s0, s3;
	s0 =	sld [smem:$0x3FA8]  }
0x30: {  	s3 =	sld [smem:$0x3FAB]  }
0x31: {  	[smem:$0x3FB4] =	sst s10  }
0x32: {  	s10 =	sld [smem:$0x3FB2];
	_ =	sdelay $0x3  }
0x33: {  	p0 =	seq.s32 s10, $0x1;
	s10 =	sld [smem:$0x3FB4];
	_ =	sdelay $0x3  }
0x34: {  	[smem:$0x3FB4] =	sst s10  }
0x35: {  	s10 =	sld [smem:$0x3FB3];
	_ =	sdelay $0x3  }
0x36: {  	p1 =	seq.s32 s10, $0x1;
	s10 =	sld [smem:$0x3FB4];
	_ =	sdelay $0x3  }
0x37: {  	[smem:$0x3FB4] =	sst s10  }
0x38: {  	s10 =	sld [smem:$0x3FB5]  }
0x39: {  	_ = 	snop;
	(pc) =	sbr.ind lr, $3  }
0x3a: {  	_ = 	snop  }
0x3b: {  	_ = 	snop  }
0x3c: {  	p2 =	seq.s32 s10, $0x1;
	s10 =	sld [smem:$0x3FB4]  }
0x3d: {  	_ =	shalt  }
0x3e: {  	_ =	shalt  }
0x3f: {  	_ =	shalt  }
0x40: {  	_ =	shalt  }
0x41: {  	_ =	shalt  }
0x42: {  	_ =	shalt  }
0x43: {  	_ =	shalt  }
0x44: {  	_ =	shalt  }
0x45: {  	_ =	shalt  }
0x46: {  	_ =	shalt  }
0x47: {  	_ =	shalt  }
0x48: {  	_ =	shalt  }
0x49: {  	_ =	shalt  }
0x4a: {  	_ =	shalt  }
0x4b: {  	_ =	shalt  }
0x4c: {  	_ =	shalt  }
0x4d: {  	_ =	shalt  }
0x4e: {  	_ =	shalt  }
0x4f: {  	_ =	shalt  }
0x50: {  	_ =	shalt  }
0x51: {  	_ =	shalt  }
0x52: {  	_ =	shalt  }
0x53: {  	_ =	shalt  }
0x54: {  	_ =	shalt  }
0x55: {  	_ =	shalt  }
0x56: {  	_ =	shalt  }
0x57: {  	_ =	shalt  }
0x58: {  	_ =	shalt  }
0x59: {  	_ =	shalt  }
0x5a: {  	_ =	shalt  }
0x5b: {  	_ =	shalt  }
0x5c: {  	_ =	shalt  }
0x5d: {  	_ =	shalt  }
0x5e: {  	_ =	shalt  }
0x5f: {  	_ =	shalt  }
0x60: {  	_ =	shalt  }
0x61: {  	_ =	shalt  }
0x62: {  	_ =	shalt  }
0x63: {  	_ =	shalt  }
0x64: {  	_ =	shalt  }
0x65: {  	_ =	shalt  }
0x66: {  	_ =	shalt  }
0x67: {  	_ =	shalt  }
0x68: {  	_ =	shalt  }
0x69: {  	_ =	shalt  }
0x6a: {  	_ =	shalt  }
0x6b: {  	_ =	shalt  }
0x6c: {  	_ =	shalt  }
0x6d: {  	_ =	shalt  }
0x6e: {  	_ =	shalt  }
0x6f: {  	_ =	shalt  }
0x70: {  	_ =	shalt  }
0x71: {  	_ =	shalt  }
0x72: {  	_ =	shalt  }
0x73: {  	_ =	shalt  }
0x74: {  	_ =	shalt  }
0x75: {  	_ =	shalt  }
0x76: {  	_ =	shalt  }
0x77: {  	_ =	shalt  }
0x78: {  	_ =	shalt  }
0x79: {  	_ =	shalt  }
0x7a: {  	_ =	shalt  }
0x7b: {  	_ =	shalt  }
0x7c: {  	_ =	shalt  }
0x7d: {  	_ =	shalt  }
0x7e: {  	_ =	shalt  }
0x7f: {  	_ =	shalt  }
0x80: {  	_ =	shalt  }
0x81: {  	_ =	shalt  }
0x82: {  	_ =	shalt  }
0x83: {  	_ =	shalt  }
0x84: {  	_ =	shalt  }
0x85: {  	_ =	shalt  }
0x86: {  	_ =	shalt  }
0x87: {  	_ =	shalt  }
.Lfunc_end0:
.L_simem_size_0:
called_computation.1_lowered:
.L_overlay_start_0:
0x88: {  	s2 =	sld [smem:$0x3FD9]  }
0x89: {  	s3 =	sld [smem:$0x3FFE];
	_ =	sdelay $0x1  }
0x8a: {  	s1 =	srdreg.scid  }
0x8b: {  	s0 =	sand.u32 $0x1, s1  }
0x8c: {  	s17 =	sshll.u32 s0, $0xA;
	s2 =	sadd.s32 s3, s2  }
0x8d: {  	s2 =	sadd.s32 s2, s17  }
0x8e: {  	[smem:$0x3FC0] =	sst s2  }
0x8f: {  	_ = 	snop  }
0x90: {  	s2 =	sld [smem:$0x3FD0];
	(tm) =	ssettm $0x1  }
0x91: {  	s18 =	sld [smem:$0x3FFB];
	_ =	sdelay $0x3  }
0x92: {  	_ =	strace s18  }
0x93: {  	s3 =	sld [smem:$0x3FFC];
	_ =	sdelay $0x3  }
0x94: {  	_ =	strace s3  }
0x95: {  	s3 =	sld [smem:$0x3FFD];
	_ =	sdelay $0x3  }
0x96: {  	_ =	strace s3  }
0x97: {  	_ =	strace $0x8FFFFFFF  }
0x98: {  	s19 =	sld [smem:$0x3FDB];
	_ =	sdelay $0x1  }
0x99: {  	s4 =	simm.s32 $_scs_section_size  }
0x9a: {  	s5 =	simm.s32 $_size__tile_overlayer_lowered;
	s6 =	simm.s32 $_tile_overlayer_lowered  }
0x9b: {  	s22 =	simm.s32 $0x1BFF;
	s21 =	sshll.u32 s6, $0x1;
	s3 =	sadd.s32 s4, s19  }
0x9c: {  	s7 =	simm.s32 $0x0;
	s20 =	sshll.u32 s5, $0x1;
	s5 =	sadd.s32 s21, s3  }
0x9d: {  	[timem:s7], [sflag:s22] =	dma.local [hbm:s5], s20  }
0x9e: {  	_ =	swait.ge [sflag:s22], s20  }
0x9f: {  	s4 =	ssub.s32 $0x0, s20;
	[sflag:s22] =	ssyncset.done $0x0  }
0xa0: {  	[sflag:s22] =	ssyncadd.s32 s4;
	_ =	sdelay $0x1  }
0xa1: {  	s23 =	simm.s32 $0x1B8B  }
0xa2: {  	_ =	swait.ge [sflag:s23], $0x1  }
0xa3: {  	[sflag:s23] =	ssyncset.done $0x0  }
0xa4: {  	s25 =	simm.s32 $0x1B8E;
	s24 =	sld [smem:$0x3FFE];
	[sflag:s23] =	ssyncadd.s32 $0xFFFFFFFF  }
0xa5: {  	s26 =	simm.s32 $execute0_lowered;
	[smem:$0x3FD2] =	sst s25  }
0xa6: {  	s5 =	sshll.u32 s26, $0x1;
	_ =	strace $0x80000049;
	[dreg:$0x1] =	wrdreg $0xFFFFFFFF  }
0xa7: {  	s28 =	simm.s32 $_size_execute0_lowered;
	s3 =	sadd.s32 s3, s5;
	[dreg:$0x0] =	wrdreg $0x0  }
0xa8: {  	s5 =	sshll.u32 s28, $0x1;
	[dreg:$0x2] =	wrdreg s3  }
0xa9: {  	[dreg:$0x3] =	wrdreg s5  }
0xaa: {  	[dreg:$0x4] =	wrdreg $0xC0  }
0xab: {  	_ =	task [dreg:s7], $0x5FFFF  }
0xac: {  	[dreg:$0x1] =	wrdreg $0xFFFFFFFF  }
0xad: {  	[dreg:$0x0] =	wrdreg $0x60  }
0xae: {  	[dreg:$0x2] =	wrdreg s2  }
0xaf: {  	[dreg:$0x3] =	wrdreg s24  }
0xb0: {  	[dreg:$0x4] =	wrdreg $0x0  }
0xb1: {  	[dreg:$0x5] =	wrdreg $0x9  }
0xb2: {  	_ =	task.clear_ibuf [dreg:s7], $0x6FFFF;
	_ =	strace $0x90000049  }
0xb3: {  	s29 =	simm.s32 $0x9;
	_ =	strace $0x8000004B  }
0xb4: {  	_ =	swait.ge [sflag:s29], $0x1  }
0xb5: {  	[sflag:s29] =	ssyncadd.s32 $0xFFFFFFFF  }
0xb6: {  	_ =	strace $0x9000004B  }
0xb7: {  	_ =	sfence  }
0xb8: {  	s30 =	sld [smem:$0x0];
	_ =	sdelay $0x2  }
0xb9: {  	s31 =	sshll.u32 s1, $0xD;
	s1 =	sshrl.u32 s1, $0x2  }
0xba: {  	s3 =	sand.u32 $0x4000, s31;
	s1 =	sadd.s32 s1, s30  }
0xbb: {  	s0 =	sor.u32 s3, s0;
	s1 =	sshll.u32 s1, $0x11  }
0xbc: {  	s0 =	sor.u32 s1, s0  }
0xbd: {  	s0 =	sadd.s32 $0x8F2B, s0  }
0xbe: {  	[sflag:s0] =	ssyncadd.remote.s32 $0x1  }
0xbf: {  	_ =	sfence.sel $0xFFFF  }
0xc0: {  	[dreg:$0x0] =	wrdreg $0xFFFFFFFF;
	(pc) =	sbr.abs _section_cstart, $3  }
0xc1: {  	[dreg:$0x1] =	wrdreg $0xFFFFFFFF  }
0xc2: {  	_ =	task.clear_ibuf [dreg:s7], $0x2FFFF;
	_ =	strace $0x9FFFFFFF  }
0xc3: {  	(tm) =	ssettm $0x7FFFFFFF  }
tec
execute0_lowered:
.L_overlay_start_1:
0x0: {  	(tag) =	ssettag $0x1  }
0x1: {  	s1 =	rddreg [dreg:$0x0]  }
0x2: {  	s0 =	rddreg [dreg:$0x1]  }
0x3: {  	s2 =	rddreg [dreg:$0x2]  }
0x4: {  	s3 =	srdreg.scid;
	s4 =	simm.s32 $0x0;
	s11 =	stileid.u32  }
0x5: {  	s28 =	simm.s32 $0x60;
	s29 =	simm.s32 $0x13C00;
	s8 =	smul.u32 $0x13C00, s11  }
0x6: {  	s30 =	simm.s32 $0x16C00;
	s31 =	simm.s32 $0x9;
	s9 =	smul.u32 $0x4F000, s11  }
0x7: {  	s3 =	sand.u32 $0x1, s3;
	[smem:$0x7FF] =	sst s4;
	s23 =	smul.u32 $0x2880, s11  }
0x8: {  	s5 =	sadd.s32 $0x5C000, s0;
	s6 =	sadd.s32 $0x70400, s0;
	s7 =	smul.u32 $0x13C000, s3  }
0x9: {  	_ =	strace $0x8000004A;
	s20 =	sshll.u32 s3, $0x4;
	s21 =	ssub.s32 $0x2, s3  }
0xa: {  	s3 =	smul.u32 $0x28800, s3;
	s10 =	sshrl.u32 s21, $0x1;
	s9 =	sshrl.u32 s9, $0x2  }
0xb: {  	s7 =	sadd.s32 s8, s7;
	s8 =	sor.u32 s11, s20;
	s15 =	sadd.s32 s9, s2  }
0xc: {  	s10 =	ssub.s32 s21, s10;
	s22 =	sadd.s32 $0x12000, s15;
	[dreg:$0xc] =	wrdreg s15  }
0xd: {  	s3 =	sadd.s32 s23, s3;
	s9 =	smax.u32 s10, $0x1;
	[dreg:$0xd] =	wrdreg s22  }
0xe: {  	s7 =	sshrl.u32 s7, $0x3;
	s11 =	sadd.s32 $0x3000, s15;
	[dreg:$0x13] =	wrdreg s9  }
0xf: {  	s8 =	smul.u32 $0x2880, s8;
	s12 =	sadd.s32 $0x6000, s15;
	[dreg:$0x14] =	wrdreg s11  }
0x10: {  	s10 =	sadd.s32 $0x1E0, s3;
	s13 =	sadd.s32 $0x9000, s15;
	[dreg:$0x15] =	wrdreg s12  }
0x11: {  	s18 =	sadd.s32 $0xC0, s3;
	s21 =	sadd.s32 $0xC000, s15;
	[dreg:$0x16] =	wrdreg s13  }
0x12: {  	s23 =	sadd.s32 $0xF000, s15;
	s0 =	sadd.s32 s7, s0;
	[dreg:$0x17] =	wrdreg s21  }
0x13: {  	s9 =	sadd.s32 $0x120, s3;
	[dreg:$0x18] =	wrdreg s23;
	s3 =	sadd.s32 $0x180, s3  }
0x14: {  	s20 =	sshrl.u32 s18, $0x3;
	s0 =	sadd.s32 $0x2E00, s0;
	[dreg:$0x19] =	wrdreg s3  }
0x15: {  	s8 =	sshrl.u32 s8, $0x3;
	s22 =	sadd.s32 s20, s6;
	[dreg:$0x12] =	wrdreg s0  }
0x16: {  	s21 =	simm.s32 $0x1CC00;
	s24 =	sadd.s32 s5, s8;
	[dreg:$0x8] =	wrdreg s22  }
0x17: {  	s16 =	sshrl.u32 s9, $0x3;
	s25 =	sadd.s32 s6, s8;
	[dreg:$0xe] =	wrdreg s24  }
0x18: {  	s23 =	simm.s32 $0xB;
	s17 =	sadd.s32 s16, s6;
	[dreg:$0xf] =	wrdreg s25  }
0x19: {  	s8 =	sor.u32 $0xC, s8;
	s19 =	sadd.s32 s16, s5;
	[dreg:$0x6] =	wrdreg s17  }
0x1a: {  	s11 =	simm.s32 $0x2;
	s26 =	sadd.s32 s5, s8;
	[dreg:$0x7] =	wrdreg s19  }
0x1b: {  	s0 =	sshrl.u32 s10, $0x3;
	s8 =	sadd.s32 s6, s8;
	[dreg:$0x10] =	wrdreg s26  }
0x1c: {  	s12 =	simm.s32 $0x5;
	s14 =	sadd.s32 s0, s6;
	[dreg:$0x11] =	wrdreg s8  }
0x1d: {  	s13 =	simm.s32 $0x4;
	s0 =	sadd.s32 s0, s5;
	[dreg:$0x4] =	wrdreg s14  }
0x1e: {  	s3 =	simm.s32 $0xA;
	s24 =	sadd.s32 s20, s5;
	[dreg:$0x5] =	wrdreg s0  }
0x1f: {  	s9 =	simm.s32 $0x1FD80;
	s25 =	simm.s32 $0x1FF00;
	[dreg:$0x9] =	wrdreg s24  }
0x20: {  	s10 =	simm.s32 $0x1FF80;
	s24 =	simm.s32 $0x1FE00;
	[dreg:$0xa] =	wrdreg s25  }
0x21: {  	s26 =	simm.s32 $0x19C00;
	s0 =	simm.s32 $0x1FD00;
	s8 =	simm.s32 $0x1  }
0x22: {  	v0 =	vimm.f32 $0.0e+00;
	s14 =	simm.s32 $0x0;
	[dreg:$0xb] =	wrdreg s26;
	s26 =	simm.s32 $0x1FE80  }
.LBB2_1:
0x23: {  	[dreg:$0x1a] =	wrdreg s14;
	s17 =	simm.s32 $0x70;
	s18 =	simm.s32 $0x3C0  }
.LBB2_2:
0x24: {  	p0 =	sne.s32 s18, $0xBFC0;
	[tilespmem:s17+$0x1CC00] =	vst v0  }
0x25: {  	[tilespmem:s17+$0x1CB90] =	vst v0  }
0x26: {  	[tilespmem:s17+$0x1CBA0] =	vst v0  }
.Ltmp0:
0x27: {  	[tilespmem:s17+$0x1CBB0] =	vst v0;
	(pc) =	sbr.rel @p0 .LBB2_2-.Ltmp0, $4  }
0x28: {  	[tilespmem:s17+$0x1CBC0] =	vst v0  }
0x29: {  	[tilespmem:s17+$0x1CBD0] =	vst v0  }
0x2a: {  	[tilespmem:s17+$0x1CBE0] =	vst v0  }
0x2b: {  	[tilespmem:s17+$0x1CBF0] =	vst v0;
	s17 =	sshra.s32 s18, $0x2;
	s18 =	sadd.s32 $0x200, s18  }
0x2c: {  	[tilespmem:s17+$0x1CC00] =	vst v0  }
0x2d: {  	[tilespmem:s17+$0x1CB90] =	vst v0  }
0x2e: {  	[tilespmem:s17+$0x1CBA0] =	vst v0  }
0x2f: {  	[tilespmem:s17+$0x1CBB0] =	vst v0  }
0x30: {  	[tilespmem:s17+$0x1CBC0] =	vst v0  }
0x31: {  	[tilespmem:s17+$0x1CBD0] =	vst v0  }
0x32: {  	[tilespmem:s17+$0x1CBE0] =	vst v0  }
0x33: {  	[tilespmem:s17+$0x1CBF0] =	vst v0  }
0x34: {  	[spmem:s15] =	stream.linear.scatter [tilespmem:s21], [sflag:$0x9], $0x3000, $0x38;
	v63 =	vld [tilespmem:$0x0]  }
0x35: {  	s7 =	rddreg [dreg:$0x14]  }
0x36: {  	[spmem:s7] =	stream.linear.scatter [tilespmem:s21], [sflag:$0x9], $0x3000, $0x38;
	v63 =	vld [tilespmem:$0x0]  }
0x37: {  	s20 =	rddreg [dreg:$0x15]  }
0x38: {  	[spmem:s20] =	stream.linear.scatter [tilespmem:s21], [sflag:$0x9], $0x3000, $0x38;
	v63 =	vld [tilespmem:$0x0]  }
0x39: {  	s22 =	rddreg [dreg:$0x16]  }
0x3a: {  	[spmem:s22] =	stream.linear.scatter [tilespmem:s21], [sflag:$0x9], $0x3000, $0x38;
	v63 =	vld [tilespmem:$0x0]  }
0x3b: {  	s25 =	rddreg [dreg:$0x17]  }
0x3c: {  	[spmem:s25] =	stream.linear.scatter [tilespmem:s21], [sflag:$0x9], $0x3000, $0x38;
	v63 =	vld [tilespmem:$0x0]  }
0x3d: {  	s14 =	rddreg [dreg:$0x18]  }
0x3e: {  	[spmem:s14] =	stream.linear.scatter [tilespmem:s21], [sflag:$0x9], $0x3000, $0x38;
	v63 =	vld [tilespmem:$0x0]  }
0x3f: {  	s15 =	rddreg [dreg:$0xd]  }
0x40: {  	[spmem:s15] =	stream.linear.scatter [tilespmem:s21], [sflag:$0x9], $0x1C00, $0x38;
	v63 =	vld [tilespmem:$0x0]  }
0x41: {  	s16 =	simm.s32 $0x0;
	s18 =	rddreg [dreg:$0xe];
	s14 =	simm.s32 $0x1FC00  }
0x42: {  	[tilespmem:s14], [sflag:$0xB] =	stream.linear.gather [hbm4b:s18+s16], $0x60, $0x38;
	v63 =	vld [tilespmem:$0x0]  }
0x43: {  	_ =	swait.ge [sflag:s23], $0x60  }
0x44: {  	[sflag:s23] =	ssyncset.done $0x0  }
0x45: {  	s19 =	rddreg [dreg:$0xf];
	[sflag:s23] =	ssyncadd.s32 $0xFFFFFFA0  }
0x46: {  	[tilespmem:s24], [sflag:$0xB] =	stream.linear.gather [hbm4b:s19+s16], $0x60, $0x38;
	v63 =	vld [tilespmem:$0x0]  }
0x47: {  	_ =	swait.ge [sflag:s23], $0x60  }
0x48: {  	[sflag:s23] =	ssyncset.done $0x0  }
0x49: {  	s22 =	simm.s32 $0x1FC80;
	s20 =	rddreg [dreg:$0x10];
	[sflag:s23] =	ssyncadd.s32 $0xFFFFFFA0  }
0x4a: {  	[tilespmem:s22], [sflag:$0xB] =	stream.linear.gather [hbm4b:s20+s16], $0x60, $0x38;
	v63 =	vld [tilespmem:$0x0]  }
0x4b: {  	_ =	swait.ge [sflag:s23], $0x60  }
0x4c: {  	[sflag:s23] =	ssyncset.done $0x0  }
0x4d: {  	s25 =	rddreg [dreg:$0x11];
	[sflag:s23] =	ssyncadd.s32 $0xFFFFFFA0  }
0x4e: {  	[tilespmem:s26], [sflag:$0xB] =	stream.linear.gather [hbm4b:s25+s16], $0x60, $0x38;
	v63 =	vld [tilespmem:$0x0]  }
0x4f: {  	_ =	swait.ge [sflag:s23], $0x60  }
0x50: {  	[sflag:s23] =	ssyncset.done $0x0  }
0x51: {  	[sflag:s23] =	ssyncadd.s32 $0xFFFFFFA0  }
0x52: {  	[tilespmem:s29], [sflag:$0x1] =	stream.indirect.gather [hbm4b:s1+s28], $0x80, s14, s28, $0xb8;
	v63 =	vld [tilespmem:$0x0]  }
0x53: {  	_ = 	snop  }
0x54: {  	[tilespmem:s30], [sflag:$0x2] =	stream.indirect.gather [hbm4b:s1+s28], $0x80, s22, s28, $0xb8;
	v63 =	vld [tilespmem:$0x0]  }
0x55: {  	_ =	swait.ge [sflag:s31], $0x3000  }
0x56: {  	[sflag:s31] =	ssyncset.done $0x0  }
0x57: {  	[sflag:s31] =	ssyncadd.s32 $0xFFFFD000  }
0x58: {  	_ =	swait.ge [sflag:s31], $0x3000  }
0x59: {  	[sflag:s31] =	ssyncset.done $0x0  }
0x5a: {  	[sflag:s31] =	ssyncadd.s32 $0xFFFFD000  }
0x5b: {  	_ =	swait.ge [sflag:s31], $0x3000  }
0x5c: {  	[sflag:s31] =	ssyncset.done $0x0  }
0x5d: {  	[sflag:s31] =	ssyncadd.s32 $0xFFFFD000  }
0x5e: {  	_ =	swait.ge [sflag:s31], $0x3000  }
0x5f: {  	[sflag:s31] =	ssyncset.done $0x0  }
0x60: {  	[sflag:s31] =	ssyncadd.s32 $0xFFFFD000  }
0x61: {  	_ =	swait.ge [sflag:s31], $0x3000  }
0x62: {  	[sflag:s31] =	ssyncset.done $0x0  }
0x63: {  	[sflag:s31] =	ssyncadd.s32 $0xFFFFD000  }
0x64: {  	_ =	swait.ge [sflag:s31], $0x3000  }
0x65: {  	[sflag:s31] =	ssyncset.done $0x0  }
0x66: {  	[sflag:s31] =	ssyncadd.s32 $0xFFFFD000  }
0x67: {  	_ =	swait.ge [sflag:s31], $0x1C00  }
0x68: {  	[sflag:s31] =	ssyncset.done $0x0  }
0x69: {  	p0 =	por $0x1, $0x1;
	[sflag:s31] =	ssyncadd.s32 $0xFFFFE400  }
0x6a: {  	s17 =	simm.s32 @!p0 $0x7;
	[bflag:$0x0] =	sbarrier.arrive $0xFFFF  }
0x6b: {  	_ =	swait.ge @!p0 [sflag:s17], $0x3000  }
0x6c: {  	s18 =	rddreg [dreg:$0x9];
	[sflag:s17] =	ssyncset.done @!p0 $0x0  }
0x6d: {  	s19 =	rddreg [dreg:$0x8];
	[sflag:s17] =	ssyncadd.s32 @!p0 $0xFFFFD000;
	s14 =	sadd.s32 $0x0, s18  }
0x6e: {  	[tilespmem:s0], [sflag:$0xA] =	stream.linear.gather [hbm4b:s14+s4], $0x60, $0x38;
	v63 =	vld [tilespmem:$0x0]  }
0x6f: {  	s15 =	rddreg [dreg:$0xa];
	s16 =	sadd.s32 $0x0, s19  }
0x70: {  	[tilespmem:s15], [sflag:$0xA] =	stream.linear.gather [hbm4b:s16+s4], $0x60, $0x38;
	v63 =	vld [tilespmem:$0x0]  }
0x71: {  	_ =	swait.ge [sflag:s3], $0x60  }
0x72: {  	[sflag:s3] =	ssyncset.done $0x0  }
0x73: {  	[sflag:s3] =	ssyncadd.s32 $0xFFFFFFA0  }
0x74: {  	_ =	swait.ge [sflag:s3], $0x60  }
0x75: {  	[sflag:s3] =	ssyncset.done $0x0  }
0x76: {  	s18 =	rddreg [dreg:$0xb];
	[sflag:s3] =	ssyncadd.s32 $0xFFFFFFA0  }
0x77: {  	[tilespmem:s18], [sflag:$0x3] =	stream.indirect.gather [hbm4b:s1+s28], $0x80, s0, s28, $0xb8;
	v63 =	vld [tilespmem:$0x0]  }
0x78: {  	_ =	swait.ge [sflag:s8], $0x3000  }
0x79: {  	[sflag:s8] =	ssyncset.done $0x0  }
0x7a: {  	s17 =	simm.s32 @!p0 $0x8;
	[sflag:s8] =	ssyncadd.s32 $0xFFFFD000  }
0x7b: {  	[spmem:s2] =	stream.indirect.scatter.add.f32 [tilespmem:s29], [sflag:$0x5], $0x80, s24, s28, $0xb8;
	v63 =	vld [tilespmem:$0x0]  }
0x7c: {  	_ =	swait.ge @!p0 [sflag:s17], $0x3000  }
0x7d: {  	s19 =	rddreg [dreg:$0x7];
	[sflag:s17] =	ssyncset.done @!p0 $0x0  }
0x7e: {  	s20 =	rddreg [dreg:$0x6];
	[sflag:s17] =	ssyncadd.s32 @!p0 $0xFFFFD000;
	s22 =	sadd.s32 $0x0, s19  }
0x7f: {  	[tilespmem:s9], [sflag:$0xA] =	stream.linear.gather [hbm4b:s22+s4], $0x60, $0x38;
	v63 =	vld [tilespmem:$0x0]  }
0x80: {  	s25 =	sadd.s32 $0x0, s20  }
0x81: {  	[tilespmem:s10], [sflag:$0xA] =	stream.linear.gather [hbm4b:s25+s4], $0x60, $0x38;
	v63 =	vld [tilespmem:$0x0]  }
0x82: {  	_ =	swait.ge [sflag:s3], $0x60  }
0x83: {  	[sflag:s3] =	ssyncset.done $0x0  }
0x84: {  	[sflag:s3] =	ssyncadd.s32 $0xFFFFFFA0  }
0x85: {  	_ =	swait.ge [sflag:s3], $0x60  }
0x86: {  	[sflag:s3] =	ssyncset.done $0x0  }
0x87: {  	[sflag:s3] =	ssyncadd.s32 $0xFFFFFFA0  }
0x88: {  	[tilespmem:s21], [sflag:$0x4] =	stream.indirect.gather [hbm4b:s1+s28], $0x80, s9, s28, $0xb8;
	v63 =	vld [tilespmem:$0x0]  }
0x89: {  	_ =	swait.ge [sflag:s11], $0x3000  }
0x8a: {  	[sflag:s11] =	ssyncset.done $0x0  }
0x8b: {  	[sflag:s11] =	ssyncadd.s32 $0xFFFFD000  }
0x8c: {  	[spmem:s2] =	stream.indirect.scatter.add.f32 [tilespmem:s30], [sflag:$0x6], $0x80, s26, s28, $0xb8;
	v63 =	vld [tilespmem:$0x0]  }
0x8d: {  	_ =	swait.ge [sflag:s12], $0x3000  }
0x8e: {  	p0 =	por $0x0, $0x0;
	[sflag:s12] =	ssyncset.done $0x0  }
0x8f: {  	s17 =	simm.s32 @p0 $0x3;
	[sflag:s12] =	ssyncadd.s32 $0xFFFFD000  }
0x90: {  	_ =	swait.ge @p0 [sflag:s17], $0x3000  }
0x91: {  	s18 =	simm.s32 @p0 $0x19C00;
	s19 =	simm.s32 @p0 $0x6;
	[sflag:s17] =	ssyncset.done @p0 $0x0  }
0x92: {  	s22 =	simm.s32 @p0 $0x1FF00;
	[sflag:s17] =	ssyncadd.s32 @p0 $0xFFFFD000;
	s17 =	simm.s32 @p0 $0x60  }
0x93: {  	[spmem:s2] =	stream.indirect.scatter.add.f32 @p0 [tilespmem:s18], [sflag:$0x7], $0x80, s22, s17, $0xb8;
	v63 =	vld [tilespmem:$0x0]  }
0x94: {  	s7 =	rddreg [dreg:$0x19];
	_ =	swait.ge @p0 [sflag:s19], $0x3000  }
0x95: {  	s17 =	sshrl.u32 @!p0 s7, $0x3;
	s22 =	simm.s32 @!p0 $0x1FC00;
	[sflag:s19] =	ssyncset.done @p0 $0x0  }
0x96: {  	s18 =	sadd.s32 @!p0 s5, s17;
	[sflag:s19] =	ssyncadd.s32 @p0 $0xFFFFD000;
	s19 =	simm.s32 @!p0 $0x0  }
0x97: {  	[tilespmem:s22], [sflag:$0xA] =	stream.linear.gather @!p0 [hbm4b:s18+s19], $0x60, $0x38;
	v63 =	vld [tilespmem:$0x0]  }
0x98: {  	s25 =	simm.s32 @!p0 $0xA;
	s17 =	sadd.s32 @!p0 s6, s17;
	s18 =	simm.s32 @!p0 $0x1FE00  }
0x99: {  	[tilespmem:s18], [sflag:$0xA] =	stream.linear.gather @!p0 [hbm4b:s17+s19], $0x60, $0x38;
	v63 =	vld [tilespmem:$0x0]  }
0x9a: {  	_ =	swait.ge @!p0 [sflag:s25], $0x60  }
0x9b: {  	[sflag:s25] =	ssyncset.done @!p0 $0x0  }
0x9c: {  	[sflag:s25] =	ssyncadd.s32 @!p0 $0xFFFFFFA0  }
0x9d: {  	_ =	swait.ge @!p0 [sflag:s25], $0x60  }
0x9e: {  	s14 =	simm.s32 @!p0 $0x13C00;
	[sflag:s25] =	ssyncset.done @!p0 $0x0  }
0x9f: {  	s17 =	simm.s32 @!p0 $0x3;
	s18 =	simm.s32 @!p0 $0x60;
	[sflag:s25] =	ssyncadd.s32 @!p0 $0xFFFFFFA0  }
0xa0: {  	[tilespmem:s14], [sflag:$0x1] =	stream.indirect.gather @!p0 [hbm4b:s1+s18], $0x80, s22, s18, $0xb8;
	v63 =	vld [tilespmem:$0x0]  }
0xa1: {  	_ =	swait.ge @!p0 [sflag:s17], $0x3000  }
0xa2: {  	s14 =	simm.s32 @!p0 $0x6;
	[sflag:s17] =	ssyncset.done @!p0 $0x0  }
0xa3: {  	s22 =	simm.s32 @!p0 $0x19C00;
	[sflag:s17] =	ssyncadd.s32 @!p0 $0xFFFFD000;
	s17 =	simm.s32 @!p0 $0x1FF00  }
0xa4: {  	[spmem:s2] =	stream.indirect.scatter.add.f32 @!p0 [tilespmem:s22], [sflag:$0x7], $0x80, s17, s18, $0xb8;
	v63 =	vld [tilespmem:$0x0]  }
0xa5: {  	_ =	swait.ge @!p0 [sflag:s14], $0x3000  }
0xa6: {  	s17 =	rddreg [dreg:$0x5]  }
0xa7: {  	[sflag:s14] =	ssyncset.done @!p0 $0x0;
	s22 =	rddreg [dreg:$0x4]  }
0xa8: {  	[sflag:s14] =	ssyncadd.s32 @!p0 $0xFFFFD000;
	s14 =	sadd.s32 @!p0 $0x0, s17;
	s17 =	simm.s32 @!p0 $0x1FC80  }
0xa9: {  	[tilespmem:s17], [sflag:$0xA] =	stream.linear.gather @!p0 [hbm4b:s14+s19], $0x60, $0x38;
	v63 =	vld [tilespmem:$0x0]  }
0xaa: {  	s14 =	sadd.s32 @!p0 $0x0, s22;
	s22 =	simm.s32 @!p0 $0x1FE80  }
0xab: {  	[tilespmem:s22], [sflag:$0xA] =	stream.linear.gather @!p0 [hbm4b:s14+s19], $0x60, $0x38;
	v63 =	vld [tilespmem:$0x0]  }
0xac: {  	_ =	swait.ge @!p0 [sflag:s25], $0x60  }
0xad: {  	[sflag:s25] =	ssyncset.done @!p0 $0x0  }
0xae: {  	[sflag:s25] =	ssyncadd.s32 @!p0 $0xFFFFFFA0  }
0xaf: {  	_ =	swait.ge @!p0 [sflag:s25], $0x60  }
0xb0: {  	[sflag:s25] =	ssyncset.done @!p0 $0x0  }
0xb1: {  	s14 =	simm.s32 @!p0 $0x16C00;
	[sflag:s25] =	ssyncadd.s32 @!p0 $0xFFFFFFA0  }
0xb2: {  	[tilespmem:s14], [sflag:$0x2] =	stream.indirect.gather @!p0 [hbm4b:s1+s18], $0x80, s17, s18, $0xb8;
	v63 =	vld [tilespmem:$0x0]  }
0xb3: {  	p1 =	por $0x0, $0x0;
	s22 =	simm.s32 $0x60;
	_ =	swait.ge [sflag:s13], $0x3000  }
0xb4: {  	s17 =	simm.s32 $0x30;
	s18 =	sadd.s32 $0x180, s7;
	[sflag:s13] =	ssyncset.done $0x0  }
.LBB2_4:
0xb5: {  	s14 =	simm.s32 @!p1 $0x7;
	[sflag:s13] =	ssyncadd.s32 $0xFFFFD000  }
0xb6: {  	[spmem:s2] =	stream.indirect.scatter.add.f32 [tilespmem:s21], [sflag:$0x8], $0x80, s10, s28, $0xb8;
	v63 =	vld [tilespmem:$0x0]  }
0xb7: {  	_ =	swait.ge @!p1 [sflag:s14], $0x3000  }
0xb8: {  	[sflag:s14] =	ssyncset.done @!p1 $0x0;
	s25 =	rddreg [dreg:$0x9]  }
0xb9: {  	s20 =	rddreg [dreg:$0x8];
	[sflag:s14] =	ssyncadd.s32 @!p1 $0xFFFFD000;
	s25 =	sadd.s32 s17, s25  }
0xba: {  	[tilespmem:s0], [sflag:$0xA] =	stream.linear.gather [hbm4b:s25+s4], $0x60, $0x38;
	v63 =	vld [tilespmem:$0x0]  }
0xbb: {  	s15 =	rddreg [dreg:$0xa];
	s14 =	sadd.s32 s17, s20  }
0xbc: {  	[tilespmem:s15], [sflag:$0xA] =	stream.linear.gather [hbm4b:s14+s4], $0x60, $0x38;
	v63 =	vld [tilespmem:$0x0]  }
0xbd: {  	_ =	swait.ge [sflag:s3], $0x60  }
0xbe: {  	[sflag:s3] =	ssyncset.done $0x0  }
0xbf: {  	[sflag:s3] =	ssyncadd.s32 $0xFFFFFFA0  }
0xc0: {  	_ =	swait.ge [sflag:s3], $0x60  }
0xc1: {  	[sflag:s3] =	ssyncset.done $0x0  }
0xc2: {  	s25 =	rddreg [dreg:$0xb];
	[sflag:s3] =	ssyncadd.s32 $0xFFFFFFA0  }
0xc3: {  	[tilespmem:s25], [sflag:$0x3] =	stream.indirect.gather [hbm4b:s1+s28], $0x80, s0, s28, $0xb8;
	v63 =	vld [tilespmem:$0x0]  }
0xc4: {  	_ =	swait.ge [sflag:s8], $0x3000  }
0xc5: {  	[sflag:s8] =	ssyncset.done $0x0  }
0xc6: {  	s14 =	simm.s32 @!p1 $0x8;
	[sflag:s8] =	ssyncadd.s32 $0xFFFFD000  }
0xc7: {  	[spmem:s2] =	stream.indirect.scatter.add.f32 [tilespmem:s29], [sflag:$0x5], $0x80, s24, s28, $0xb8;
	v63 =	vld [tilespmem:$0x0]  }
0xc8: {  	_ =	swait.ge @!p1 [sflag:s14], $0x3000  }
0xc9: {  	s7 =	rddreg [dreg:$0x7];
	[sflag:s14] =	ssyncset.done @!p1 $0x0  }
0xca: {  	s16 =	rddreg [dreg:$0x6];
	[sflag:s14] =	ssyncadd.s32 @!p1 $0xFFFFD000;
	s20 =	sadd.s32 s17, s7  }
0xcb: {  	[tilespmem:s9], [sflag:$0xA] =	stream.linear.gather [hbm4b:s20+s4], $0x60, $0x38;
	v63 =	vld [tilespmem:$0x0]  }
0xcc: {  	s25 =	sadd.s32 s17, s16  }
0xcd: {  	[tilespmem:s10], [sflag:$0xA] =	stream.linear.gather [hbm4b:s25+s4], $0x60, $0x38;
	v63 =	vld [tilespmem:$0x0]  }
0xce: {  	_ =	swait.ge [sflag:s3], $0x60  }
0xcf: {  	[sflag:s3] =	ssyncset.done $0x0  }
0xd0: {  	[sflag:s3] =	ssyncadd.s32 $0xFFFFFFA0  }
0xd1: {  	_ =	swait.ge [sflag:s3], $0x60  }
0xd2: {  	[sflag:s3] =	ssyncset.done $0x0  }
0xd3: {  	[sflag:s3] =	ssyncadd.s32 $0xFFFFFFA0  }
0xd4: {  	[tilespmem:s21], [sflag:$0x4] =	stream.indirect.gather [hbm4b:s1+s28], $0x80, s9, s28, $0xb8;
	v63 =	vld [tilespmem:$0x0]  }
0xd5: {  	_ =	swait.ge [sflag:s11], $0x3000  }
0xd6: {  	[sflag:s11] =	ssyncset.done $0x0  }
0xd7: {  	[sflag:s11] =	ssyncadd.s32 $0xFFFFD000  }
0xd8: {  	[spmem:s2] =	stream.indirect.scatter.add.f32 [tilespmem:s30], [sflag:$0x6], $0x80, s26, s28, $0xb8;
	v63 =	vld [tilespmem:$0x0]  }
0xd9: {  	_ =	swait.ge [sflag:s12], $0x3000  }
0xda: {  	p1 =	seq.s32 s17, $0x4E0;
	[sflag:s12] =	ssyncset.done $0x0  }
0xdb: {  	s14 =	simm.s32 @p1 $0x3;
	[sflag:s12] =	ssyncadd.s32 $0xFFFFD000  }
0xdc: {  	_ =	swait.ge @p1 [sflag:s14], $0x3000  }
0xdd: {  	s20 =	simm.s32 @p1 $0x19C00;
	s7 =	simm.s32 @p1 $0x6;
	[sflag:s14] =	ssyncset.done @p1 $0x0  }
0xde: {  	s16 =	simm.s32 @p1 $0x1FF00;
	[sflag:s14] =	ssyncadd.s32 @p1 $0xFFFFD000;
	s14 =	simm.s32 @p1 $0x60  }
0xdf: {  	[spmem:s2] =	stream.indirect.scatter.add.f32 @p1 [tilespmem:s20], [sflag:$0x7], $0x80, s16, s14, $0xb8;
	v63 =	vld [tilespmem:$0x0]  }
0xe0: {  	s15 =	sshrl.u32 @!p1 s18, $0x3;
	_ =	swait.ge @p1 [sflag:s7], $0x3000  }
0xe1: {  	s25 =	sadd.s32 @!p1 s5, s15;
	[sflag:s7] =	ssyncset.done @p1 $0x0  }
0xe2: {  	s14 =	simm.s32 @!p1 $0x1FC00;
	[sflag:s7] =	ssyncadd.s32 @p1 $0xFFFFD000;
	s7 =	simm.s32 @!p1 $0x0  }
0xe3: {  	[tilespmem:s14], [sflag:$0xA] =	stream.linear.gather @!p1 [hbm4b:s25+s7], $0x60, $0x38;
	v63 =	vld [tilespmem:$0x0]  }
0xe4: {  	s15 =	sadd.s32 @!p1 s6, s15;
	s16 =	simm.s32 @!p1 $0x1FE00;
	s20 =	simm.s32 @!p1 $0xA  }
0xe5: {  	[tilespmem:s16], [sflag:$0xA] =	stream.linear.gather @!p1 [hbm4b:s15+s7], $0x60, $0x38;
	v63 =	vld [tilespmem:$0x0]  }
0xe6: {  	_ =	swait.ge @!p1 [sflag:s20], $0x60  }
0xe7: {  	[sflag:s20] =	ssyncset.done @!p1 $0x0  }
0xe8: {  	[sflag:s20] =	ssyncadd.s32 @!p1 $0xFFFFFFA0  }
0xe9: {  	_ =	swait.ge @!p1 [sflag:s20], $0x60  }
0xea: {  	s25 =	simm.s32 @!p1 $0x13C00;
	[sflag:s20] =	ssyncset.done @!p1 $0x0  }
0xeb: {  	s15 =	simm.s32 @!p1 $0x3;
	s16 =	simm.s32 @!p1 $0x60;
	[sflag:s20] =	ssyncadd.s32 @!p1 $0xFFFFFFA0  }
0xec: {  	[tilespmem:s25], [sflag:$0x1] =	stream.indirect.gather @!p1 [hbm4b:s1+s16], $0x80, s14, s16, $0xb8;
	v63 =	vld [tilespmem:$0x0]  }
0xed: {  	_ =	swait.ge @!p1 [sflag:s15], $0x3000  }
0xee: {  	s14 =	simm.s32 @!p1 $0x6;
	[sflag:s15] =	ssyncset.done @!p1 $0x0  }
0xef: {  	s25 =	simm.s32 @!p1 $0x19C00;
	[sflag:s15] =	ssyncadd.s32 @!p1 $0xFFFFD000;
	s15 =	simm.s32 @!p1 $0x1FF00  }
0xf0: {  	[spmem:s2] =	stream.indirect.scatter.add.f32 @!p1 [tilespmem:s25], [sflag:$0x7], $0x80, s15, s16, $0xb8;
	v63 =	vld [tilespmem:$0x0]  }
0xf1: {  	_ =	swait.ge @!p1 [sflag:s14], $0x3000  }
0xf2: {  	s15 =	rddreg [dreg:$0x5]  }
0xf3: {  	[sflag:s14] =	ssyncset.done @!p1 $0x0;
	s25 =	rddreg [dreg:$0x4]  }
0xf4: {  	[sflag:s14] =	ssyncadd.s32 @!p1 $0xFFFFD000;
	s14 =	sadd.s32 @!p1 s17, s15;
	s15 =	simm.s32 @!p1 $0x1FC80  }
0xf5: {  	[tilespmem:s15], [sflag:$0xA] =	stream.linear.gather @!p1 [hbm4b:s14+s7], $0x60, $0x38;
	v63 =	vld [tilespmem:$0x0]  }
0xf6: {  	s14 =	sadd.s32 @!p1 s17, s25;
	s25 =	simm.s32 @!p1 $0x1FE80  }
0xf7: {  	[tilespmem:s25], [sflag:$0xA] =	stream.linear.gather @!p1 [hbm4b:s14+s7], $0x60, $0x38;
	v63 =	vld [tilespmem:$0x0]  }
0xf8: {  	_ =	swait.ge @!p1 [sflag:s20], $0x60  }
0xf9: {  	[sflag:s20] =	ssyncset.done @!p1 $0x0  }
0xfa: {  	s19 =	smov.u32 s22;
	s22 =	sadd.s32 $0x30, s22;
	[sflag:s20] =	ssyncadd.s32 @!p1 $0xFFFFFFA0  }
0xfb: {  	p0 =	sne.s32 s22, $0x510;
	_ =	swait.ge @!p1 [sflag:s20], $0x60  }
.Ltmp1:
0xfc: {  	[sflag:s20] =	ssyncset.done @!p1 $0x0;
	(pc) =	sbr.rel @p0 .LBB2_4-.Ltmp1, $4  }
0xfd: {  	s7 =	simm.s32 @!p1 $0x16C00;
	[sflag:s20] =	ssyncadd.s32 @!p1 $0xFFFFFFA0  }
0xfe: {  	[tilespmem:s7], [sflag:$0x2] =	stream.indirect.gather @!p1 [hbm4b:s1+s16], $0x80, s15, s16, $0xb8;
	v63 =	vld [tilespmem:$0x0]  }
0xff: {  	s17 =	smov.u32 s19;
	_ =	swait.ge [sflag:s13], $0x3000  }
0x100: {  	s18 =	sadd.s32 $0x180, s18;
	p1 =	seq.s32 s17, $0x0;
	[sflag:s13] =	ssyncset.done $0x0  }
0x101: {  	s7 =	simm.s32 @!p1 $0x7;
	[sflag:s13] =	ssyncadd.s32 $0xFFFFD000  }
0x102: {  	[spmem:s2] =	stream.indirect.scatter.add.f32 [tilespmem:s21], [sflag:$0x8], $0x80, s10, s28, $0xb8;
	v63 =	vld [tilespmem:$0x0]  }
0x103: {  	_ =	swait.ge @!p1 [sflag:s7], $0x3000  }
0x104: {  	s14 =	rddreg [dreg:$0x9];
	[sflag:s7] =	ssyncset.done @!p1 $0x0  }
0x105: {  	s15 =	rddreg [dreg:$0x8];
	[sflag:s7] =	ssyncadd.s32 @!p1 $0xFFFFD000;
	s14 =	sadd.s32 s17, s14  }
0x106: {  	[tilespmem:s0], [sflag:$0xA] =	stream.linear.gather [hbm4b:s14+s4], $0x60, $0x38;
	v63 =	vld [tilespmem:$0x0]  }
0x107: {  	s16 =	rddreg [dreg:$0xa];
	s19 =	sadd.s32 s17, s15  }
0x108: {  	[tilespmem:s16], [sflag:$0xA] =	stream.linear.gather [hbm4b:s19+s4], $0x60, $0x38;
	v63 =	vld [tilespmem:$0x0]  }
0x109: {  	_ =	swait.ge [sflag:s3], $0x60  }
0x10a: {  	[sflag:s3] =	ssyncset.done $0x0  }
0x10b: {  	[sflag:s3] =	ssyncadd.s32 $0xFFFFFFA0  }
0x10c: {  	_ =	swait.ge [sflag:s3], $0x60  }
0x10d: {  	[sflag:s3] =	ssyncset.done $0x0  }
0x10e: {  	s20 =	rddreg [dreg:$0xb];
	[sflag:s3] =	ssyncadd.s32 $0xFFFFFFA0  }
0x10f: {  	[tilespmem:s20], [sflag:$0x3] =	stream.indirect.gather [hbm4b:s1+s28], $0x80, s0, s28, $0xb8;
	v63 =	vld [tilespmem:$0x0]  }
0x110: {  	_ =	swait.ge [sflag:s8], $0x3000  }
0x111: {  	[sflag:s8] =	ssyncset.done $0x0  }
0x112: {  	s7 =	simm.s32 @!p1 $0x8;
	[sflag:s8] =	ssyncadd.s32 $0xFFFFD000  }
0x113: {  	[spmem:s2] =	stream.indirect.scatter.add.f32 [tilespmem:s29], [sflag:$0x5], $0x80, s24, s28, $0xb8;
	v63 =	vld [tilespmem:$0x0]  }
0x114: {  	_ =	swait.ge @!p1 [sflag:s7], $0x3000  }
0x115: {  	s22 =	rddreg [dreg:$0x7];
	[sflag:s7] =	ssyncset.done @!p1 $0x0  }
0x116: {  	s25 =	rddreg [dreg:$0x6];
	[sflag:s7] =	ssyncadd.s32 @!p1 $0xFFFFD000;
	s14 =	sadd.s32 s17, s22  }
0x117: {  	[tilespmem:s9], [sflag:$0xA] =	stream.linear.gather [hbm4b:s14+s4], $0x60, $0x38;
	v63 =	vld [tilespmem:$0x0]  }
0x118: {  	s15 =	sadd.s32 s17, s25  }
0x119: {  	[tilespmem:s10], [sflag:$0xA] =	stream.linear.gather [hbm4b:s15+s4], $0x60, $0x38;
	v63 =	vld [tilespmem:$0x0]  }
0x11a: {  	_ =	swait.ge [sflag:s3], $0x60  }
0x11b: {  	[sflag:s3] =	ssyncset.done $0x0  }
0x11c: {  	[sflag:s3] =	ssyncadd.s32 $0xFFFFFFA0  }
0x11d: {  	_ =	swait.ge [sflag:s3], $0x60  }
0x11e: {  	[sflag:s3] =	ssyncset.done $0x0  }
0x11f: {  	[sflag:s3] =	ssyncadd.s32 $0xFFFFFFA0  }
0x120: {  	[tilespmem:s21], [sflag:$0x4] =	stream.indirect.gather [hbm4b:s1+s28], $0x80, s9, s28, $0xb8;
	v63 =	vld [tilespmem:$0x0]  }
0x121: {  	_ =	swait.ge [sflag:s11], $0x3000  }
0x122: {  	[sflag:s11] =	ssyncset.done $0x0  }
0x123: {  	[sflag:s11] =	ssyncadd.s32 $0xFFFFD000  }
0x124: {  	[spmem:s2] =	stream.indirect.scatter.add.f32 [tilespmem:s30], [sflag:$0x6], $0x80, s26, s28, $0xb8;
	v63 =	vld [tilespmem:$0x0]  }
0x125: {  	_ =	swait.ge [sflag:s12], $0x3000  }
0x126: {  	p0 =	seq.s32 s17, $0x4E0;
	[sflag:s12] =	ssyncset.done $0x0  }
0x127: {  	s7 =	simm.s32 @p0 $0x3;
	[sflag:s12] =	ssyncadd.s32 $0xFFFFD000  }
0x128: {  	_ =	swait.ge @p0 [sflag:s7], $0x3000  }
0x129: {  	s16 =	simm.s32 @p0 $0x1FF00;
	s14 =	simm.s32 @p0 $0x19C00;
	[sflag:s7] =	ssyncset.done @p0 $0x0  }
0x12a: {  	s15 =	simm.s32 @p0 $0x6;
	[sflag:s7] =	ssyncadd.s32 @p0 $0xFFFFD000;
	s7 =	simm.s32 @p0 $0x60  }
0x12b: {  	[spmem:s2] =	stream.indirect.scatter.add.f32 @p0 [tilespmem:s14], [sflag:$0x7], $0x80, s16, s7, $0xb8;
	v63 =	vld [tilespmem:$0x0]  }
0x12c: {  	_ =	swait.ge @p0 [sflag:s15], $0x3000  }
0x12d: {  	s7 =	sshrl.u32 @!p0 s18, $0x3;
	s16 =	simm.s32 @!p0 $0x1FC00;
	[sflag:s15] =	ssyncset.done @p0 $0x0  }
0x12e: {  	s14 =	sadd.s32 @!p0 s5, s7;
	[sflag:s15] =	ssyncadd.s32 @p0 $0xFFFFD000;
	s15 =	simm.s32 @!p0 $0x0  }
0x12f: {  	[tilespmem:s16], [sflag:$0xA] =	stream.linear.gather @!p0 [hbm4b:s14+s15], $0x60, $0x38;
	v63 =	vld [tilespmem:$0x0]  }
0x130: {  	s18 =	simm.s32 @!p0 $0xA;
	s7 =	sadd.s32 @!p0 s6, s7;
	s14 =	simm.s32 @!p0 $0x1FE00  }
0x131: {  	[tilespmem:s14], [sflag:$0xA] =	stream.linear.gather @!p0 [hbm4b:s7+s15], $0x60, $0x38;
	v63 =	vld [tilespmem:$0x0]  }
0x132: {  	_ =	swait.ge @!p0 [sflag:s18], $0x60  }
0x133: {  	[sflag:s18] =	ssyncset.done @!p0 $0x0  }
0x134: {  	[sflag:s18] =	ssyncadd.s32 @!p0 $0xFFFFFFA0  }
0x135: {  	_ =	swait.ge @!p0 [sflag:s18], $0x60  }
0x136: {  	s19 =	simm.s32 @!p0 $0x13C00;
	[sflag:s18] =	ssyncset.done @!p0 $0x0  }
0x137: {  	s7 =	simm.s32 @!p0 $0x3;
	s14 =	simm.s32 @!p0 $0x60;
	[sflag:s18] =	ssyncadd.s32 @!p0 $0xFFFFFFA0  }
0x138: {  	[tilespmem:s19], [sflag:$0x1] =	stream.indirect.gather @!p0 [hbm4b:s1+s14], $0x80, s16, s14, $0xb8;
	v63 =	vld [tilespmem:$0x0]  }
0x139: {  	_ =	swait.ge @!p0 [sflag:s7], $0x3000  }
0x13a: {  	s16 =	simm.s32 @!p0 $0x6;
	[sflag:s7] =	ssyncset.done @!p0 $0x0  }
0x13b: {  	s19 =	simm.s32 @!p0 $0x19C00;
	[sflag:s7] =	ssyncadd.s32 @!p0 $0xFFFFD000;
	s7 =	simm.s32 @!p0 $0x1FF00  }
0x13c: {  	[spmem:s2] =	stream.indirect.scatter.add.f32 @!p0 [tilespmem:s19], [sflag:$0x7], $0x80, s7, s14, $0xb8;
	v63 =	vld [tilespmem:$0x0]  }
0x13d: {  	_ =	swait.ge @!p0 [sflag:s16], $0x3000  }
0x13e: {  	s7 =	rddreg [dreg:$0x5]  }
0x13f: {  	[sflag:s16] =	ssyncset.done @!p0 $0x0;
	s19 =	rddreg [dreg:$0x4]  }
0x140: {  	[sflag:s16] =	ssyncadd.s32 @!p0 $0xFFFFD000;
	s7 =	sadd.s32 @!p0 s17, s7;
	s16 =	simm.s32 @!p0 $0x1FC80  }
0x141: {  	[tilespmem:s16], [sflag:$0xA] =	stream.linear.gather @!p0 [hbm4b:s7+s15], $0x60, $0x38;
	v63 =	vld [tilespmem:$0x0]  }
0x142: {  	s7 =	sadd.s32 @!p0 s17, s19;
	s17 =	simm.s32 @!p0 $0x1FE80  }
0x143: {  	[tilespmem:s17], [sflag:$0xA] =	stream.linear.gather @!p0 [hbm4b:s7+s15], $0x60, $0x38;
	v63 =	vld [tilespmem:$0x0]  }
0x144: {  	_ =	swait.ge @!p0 [sflag:s18], $0x60  }
0x145: {  	[sflag:s18] =	ssyncset.done @!p0 $0x0  }
0x146: {  	[sflag:s18] =	ssyncadd.s32 @!p0 $0xFFFFFFA0  }
0x147: {  	_ =	swait.ge @!p0 [sflag:s18], $0x60  }
0x148: {  	[sflag:s18] =	ssyncset.done @!p0 $0x0  }
0x149: {  	s7 =	simm.s32 @!p0 $0x16C00;
	[sflag:s18] =	ssyncadd.s32 @!p0 $0xFFFFFFA0  }
0x14a: {  	[tilespmem:s7], [sflag:$0x2] =	stream.indirect.gather @!p0 [hbm4b:s1+s14], $0x80, s16, s14, $0xb8;
	v63 =	vld [tilespmem:$0x0]  }
0x14b: {  	_ =	swait.ge [sflag:s13], $0x3000  }
0x14c: {  	[sflag:s13] =	ssyncset.done $0x0  }
0x14d: {  	s16 =	simm.s32 $0x7;
	[sflag:s13] =	ssyncadd.s32 $0xFFFFD000  }
0x14e: {  	[spmem:s2] =	stream.indirect.scatter.add.f32 [tilespmem:s21], [sflag:$0x8], $0x80, s10, s28, $0xb8;
	v63 =	vld [tilespmem:$0x0]  }
0x14f: {  	_ =	swait.ge [sflag:s16], $0x3000  }
0x150: {  	[sflag:s16] =	ssyncset.done $0x0  }
0x151: {  	s17 =	simm.s32 $0x8;
	[sflag:s16] =	ssyncadd.s32 $0xFFFFD000  }
0x152: {  	_ =	swait.ge [sflag:s17], $0x3000  }
0x153: {  	[sflag:s17] =	ssyncset.done $0x0  }
0x154: {  	[sflag:s17] =	ssyncadd.s32 $0xFFFFD000  }
0x155: {  	s18 =	stileid.u32;
	[bflag:$0x0] =	sbarrier.arrive $0xFFFF  }
0x156: {  	s7 =	sshll.u32 s18, $0x6;
	s15 =	rddreg [dreg:$0xc]  }
0x157: {  	s7 =	sor.u32 $0x1C0B, s7;
	s20 =	rddreg [dreg:$0x12];
	s19 =	sshrl.u32 s15, $0x3  }
0x158: {  	[hbm:s20], [sflag:s7] =	dma.local [spmem:s19], $0x2780  }
0x159: {  	_ =	swait.ge [sflag:s23], $0x2780  }
0x15a: {  	s22 =	rddreg [dreg:$0x1a]  }
0x15b: {  	s25 =	rddreg [dreg:$0x13];
	s14 =	sadd.s32 $0x1, s22  }
0x15c: {  	p0 =	sne.s32 s14, s25  }
.Ltmp2:
0x15d: {  	_ = 	snop;
	(pc) =	sbr.rel @p0 .LBB2_1-.Ltmp2, $3  }
0x15e: {  	_ =	sdelay $0x1  }
0x15f: {  	[sflag:s23] =	ssyncset.done $0x0  }
0x160: {  	[sflag:s23] =	ssyncadd.s32 $0xFFFFD880  }
0x161: {  	_ =	sfence.sel $0x180000  }
0x162: {  	[bflag:$0x0] =	sbarrier.arrive $0xFFFF  }
0x163: {  	_ =	strace $0x9000004A  }
0x164: {  	s0 =	stileid.u32;
	[bflag:$0x2] =	sbarrier.arrive $0xFFFF  }
0x165: {  	p0 =	sne.s32 s0, $0x0;
	s0 =	rddreg [dreg:$0x3]  }
0x166: {  	s0 =	sadd.s32 @!p0 $0x100000, s0  }
0x167: {  	[sflag:s0] =	ssyncadd.tile.s32 @!p0 $0x1;
	_ =	shalt  }
.Lfunc_end2:
_tile_overlayer_lowered:
.L_overlay_start_2:
0x168: {  	(tag) =	ssettag $0x2  }
0x169: {  	s0 =	rddreg [dreg:$0x0];
	s2 =	stileid.u32  }
0x16a: {  	s1 =	rddreg [dreg:$0x1];
	p0 =	sne.s32 s2, $0x0  }
0x16b: {  	s3 =	rddreg [dreg:$0x2];
	[bflag:$0x3] =	sbarrier.arrive $0xFFFF;
	s2 =	simm.s32 @!p0 $0x1C0B  }
0x16c: {  	[timem:s3], [sflag:s2] =	dma.local @!p0 [hbm:s0], s1  }
0x16d: {  	s0 =	simm.s32 @!p0 $0xB  }
0x16e: {  	_ =	swait.ge @!p0 [sflag:s0], s1  }
0x16f: {  	s1 =	ssub.s32 @!p0 $0x0, s1;
	[sflag:s0] =	ssyncset.done @!p0 $0x0  }
0x170: {  	[sflag:s0] =	ssyncadd.s32 @!p0 s1  }
0x171: {  	[bflag:$0x3] =	sbarrier.arrive $0xFFFF  }
0x172: {  	_ =	shalt  }

// kernel: kernel.14.cloned.1.call-start
scs
__scs_entry_jumppad:
0x0: {  	(pc) =	sbr.rel $0x88, $3  }
0x1: {  	(tag) =	ssettag $0x0;
	lr =	simm.s32 $0x1  }
0x2: {  	[smem:$0x3F99] =	sst lr;
	_ =	strace $0xD0000000  }
0x3: {  	_ = 	snop  }
0x4: {  	_ = 	snop  }
0x5: {  	_ = 	snop  }
0x6: {  	_ = 	snop  }
0x7: {  	_ = 	snop  }
__scs_overlays_trampoline_lowered:
0x8: {  	[smem:$0x3FA8] =	sst s0  }
0x9: {  	[smem:$0x3FA9] =	sst s1  }
0xa: {  	[smem:$0x3FAA] =	sst s2  }
0xb: {  	[smem:$0x3FAB] =	sst s3  }
0xc: {  	[smem:$0x3FAC] =	sst s4  }
0xd: {  	[smem:$0x3FAD] =	sst s5  }
0xe: {  	[smem:$0x3FAE] =	sst s6  }
0xf: {  	[smem:$0x3FAF] =	sst s7  }
0x10: {  	[smem:$0x3FB0] =	sst s8  }
0x11: {  	[smem:$0x3FB1] =	sst s9;
	s0 =	simm.s32 @!p0 $0x0  }
0x12: {  	s1 =	sld [smem:$0x3F97];
	s0 =	simm.s32 @p0 $0x1  }
0x13: {  	[smem:$0x3FB2] =	sst s0;
	s0 =	simm.s32 @!p1 $0x0  }
0x14: {  	s2 =	sld [smem:$0x3F96];
	s0 =	simm.s32 @p1 $0x1  }
0x15: {  	[smem:$0x3FB3] =	sst s0;
	s0 =	simm.s32 @!p2 $0x0  }
0x16: {  	s3 =	sld [smem:$0x3FDB];
	s0 =	simm.s32 @p2 $0x1  }
0x17: {  	s4 =	simm.s32 $0x1BF5;
	[smem:$0x3FB5] =	sst s0  }
0x18: {  	s0 =	sld [smem:$0x3F98];
	_ =	swait.ge [sflag:s4], $0x0  }
0x19: {  	s7 =	sld [smem:$0x3F99]  }
0x1a: {  	s8 =	sadd.s32 $0xFFFFE003, lr  }
0x1b: {  	s9 =	sadd.s32 $0xFFFFFEF7, lr;
	s5 =	simm.s32 $0xFFFFFFFF;
	p2 =	slt.u32 s8, $0xFFFFF086  }
0x1c: {  	p1 =	slt.u32 s9, $0xF7A;
	s5 =	simm.s32 @!p2 $0x0  }
0x1d: {  	s5 =	simm.s32 @p1 $0x1;
	p0 =	seq.s32 s7, s2  }
0x1e: {  	s7 =	smul.u32 @!p0 $0xF7A, s2;
	p2 =	seq.s32 @!p0 s5, $0x0  }
0x1f: {  	s9 =	smul.u32 $0xF7A, s1;
	s8 =	simm.s32 @!p0 $0x1BF5;
	p2 =	por !p2, p0  }
0x20: {  	[sflag:s8] =	ssyncset.s32 @!p0 $0xFFFFF086;
	s6 =	sadd.s32 @!p0 s3, s7;
	s7 =	simm.s32 @!p0 $0x108  }
0x21: {  	s3 =	sadd.s32 s3, s9;
	s6 =	sadd.s32 @!p0 $0x88, s6;
	s7 =	simm.s32 @p2 $0x1082  }
0x22: {  	[simem:s7], [sflag:s8] =	dma.local @!p0 [hbm:s6], $0xF7A  }
0x23: {  	s9 =	sor.u32 $0xD0000000, s2;
	s6 =	simm.s32 $0x108;
	_ =	swait.ge @!p0 [sflag:s8], $0x0  }
0x24: {  	s3 =	sadd.s32 $0x88, s3;
	s6 =	simm.s32 @!p1 $0x1082;
	[sflag:s4] =	ssyncset.s32 $0xFFFFF086  }
0x25: {  	[simem:s6], [sflag:s4] =	dma.local [hbm:s3], $0xF7A  }
0x26: {  	[smem:$0x3F99] =	sst s1;
	(tag) =	ssettag s2;
	_ =	strace s9  }
0x27: {  	s1 =	sld [smem:$0x3FA9]  }
0x28: {  	s2 =	sld [smem:$0x3FAA]  }
0x29: {  	s4 =	sld [smem:$0x3FAC]  }
0x2a: {  	p0 =	seq.s32 s5, $0x0;
	s5 =	sld [smem:$0x3FAD]  }
0x2b: {  	s6 =	sld [smem:$0x3FAE]  }
0x2c: {  	s7 =	sld [smem:$0x3FAF]  }
0x2d: {  	s3 =	simm.s32 $0x108;
	s8 =	sld [smem:$0x3FB0]  }
0x2e: {  	s3 =	simm.s32 @!p0 $0x1082;
	s9 =	sld [smem:$0x3FB1]  }
0x2f: {  	lr =	sadd.s32 s0, s3;
	s0 =	sld [smem:$0x3FA8]  }
0x30: {  	s3 =	sld [smem:$0x3FAB]  }
0x31: {  	[smem:$0x3FB4] =	sst s10  }
0x32: {  	s10 =	sld [smem:$0x3FB2];
	_ =	sdelay $0x3  }
0x33: {  	p0 =	seq.s32 s10, $0x1;
	s10 =	sld [smem:$0x3FB4];
	_ =	sdelay $0x3  }
0x34: {  	[smem:$0x3FB4] =	sst s10  }
0x35: {  	s10 =	sld [smem:$0x3FB3];
	_ =	sdelay $0x3  }
0x36: {  	p1 =	seq.s32 s10, $0x1;
	s10 =	sld [smem:$0x3FB4];
	_ =	sdelay $0x3  }
0x37: {  	[smem:$0x3FB4] =	sst s10  }
0x38: {  	s10 =	sld [smem:$0x3FB5]  }
0x39: {  	_ = 	snop;
	(pc) =	sbr.ind lr, $3  }
0x3a: {  	_ = 	snop  }
0x3b: {  	_ = 	snop  }
0x3c: {  	p2 =	seq.s32 s10, $0x1;
	s10 =	sld [smem:$0x3FB4]  }
0x3d: {  	_ =	shalt  }
0x3e: {  	_ =	shalt  }
0x3f: {  	_ =	shalt  }
0x40: {  	_ =	shalt  }
0x41: {  	_ =	shalt  }
0x42: {  	_ =	shalt  }
0x43: {  	_ =	shalt  }
0x44: {  	_ =	shalt  }
0x45: {  	_ =	shalt  }
0x46: {  	_ =	shalt  }
0x47: {  	_ =	shalt  }
0x48: {  	_ =	shalt  }
0x49: {  	_ =	shalt  }
0x4a: {  	_ =	shalt  }
0x4b: {  	_ =	shalt  }
0x4c: {  	_ =	shalt  }
0x4d: {  	_ =	shalt  }
0x4e: {  	_ =	shalt  }
0x4f: {  	_ =	shalt  }
0x50: {  	_ =	shalt  }
0x51: {  	_ =	shalt  }
0x52: {  	_ =	shalt  }
0x53: {  	_ =	shalt  }
0x54: {  	_ =	shalt  }
0x55: {  	_ =	shalt  }
0x56: {  	_ =	shalt  }
0x57: {  	_ =	shalt  }
0x58: {  	_ =	shalt  }
0x59: {  	_ =	shalt  }
0x5a: {  	_ =	shalt  }
0x5b: {  	_ =	shalt  }
0x5c: {  	_ =	shalt  }
0x5d: {  	_ =	shalt  }
0x5e: {  	_ =	shalt  }
0x5f: {  	_ =	shalt  }
0x60: {  	_ =	shalt  }
0x61: {  	_ =	shalt  }
0x62: {  	_ =	shalt  }
0x63: {  	_ =	shalt  }
0x64: {  	_ =	shalt  }
0x65: {  	_ =	shalt  }
0x66: {  	_ =	shalt  }
0x67: {  	_ =	shalt  }
0x68: {  	_ =	shalt  }
0x69: {  	_ =	shalt  }
0x6a: {  	_ =	shalt  }
0x6b: {  	_ =	shalt  }
0x6c: {  	_ =	shalt  }
0x6d: {  	_ =	shalt  }
0x6e: {  	_ =	shalt  }
0x6f: {  	_ =	shalt  }
0x70: {  	_ =	shalt  }
0x71: {  	_ =	shalt  }
0x72: {  	_ =	shalt  }
0x73: {  	_ =	shalt  }
0x74: {  	_ =	shalt  }
0x75: {  	_ =	shalt  }
0x76: {  	_ =	shalt  }
0x77: {  	_ =	shalt  }
0x78: {  	_ =	shalt  }
0x79: {  	_ =	shalt  }
0x7a: {  	_ =	shalt  }
0x7b: {  	_ =	shalt  }
0x7c: {  	_ =	shalt  }
0x7d: {  	_ =	shalt  }
0x7e: {  	_ =	shalt  }
0x7f: {  	_ =	shalt  }
0x80: {  	_ =	shalt  }
0x81: {  	_ =	shalt  }
0x82: {  	_ =	shalt  }
0x83: {  	_ =	shalt  }
0x84: {  	_ =	shalt  }
0x85: {  	_ =	shalt  }
0x86: {  	_ =	shalt  }
0x87: {  	_ =	shalt  }
.Lfunc_end0:
.L_simem_size_0:
called_computation.2_lowered:
.L_overlay_start_0:
0x88: {  	s2 =	sld [smem:$0x3FD9]  }
0x89: {  	s3 =	sld [smem:$0x3FFE];
	_ =	sdelay $0x1  }
0x8a: {  	s1 =	srdreg.scid  }
0x8b: {  	s0 =	sand.u32 $0x1, s1  }
0x8c: {  	s17 =	sshll.u32 s0, $0xA;
	s2 =	sadd.s32 s3, s2  }
0x8d: {  	s2 =	sadd.s32 s2, s17  }
0x8e: {  	[smem:$0x3FC0] =	sst s2  }
0x8f: {  	_ = 	snop  }
0x90: {  	s2 =	sld [smem:$0x3FD0];
	(tm) =	ssettm $0x1  }
0x91: {  	s18 =	sld [smem:$0x3FFB];
	_ =	sdelay $0x3  }
0x92: {  	_ =	strace s18  }
0x93: {  	s3 =	sld [smem:$0x3FFC];
	_ =	sdelay $0x3  }
0x94: {  	_ =	strace s3  }
0x95: {  	s3 =	sld [smem:$0x3FFD];
	_ =	sdelay $0x3  }
0x96: {  	_ =	strace s3  }
0x97: {  	_ =	strace $0x8FFFFFFF  }
0x98: {  	s19 =	sld [smem:$0x3FDB];
	_ =	sdelay $0x1  }
0x99: {  	s4 =	simm.s32 $_scs_section_size  }
0x9a: {  	s5 =	simm.s32 $_size__tile_overlayer_lowered;
	s6 =	simm.s32 $_tile_overlayer_lowered  }
0x9b: {  	s22 =	simm.s32 $0x1BFF;
	s21 =	sshll.u32 s6, $0x1;
	s3 =	sadd.s32 s4, s19  }
0x9c: {  	s7 =	simm.s32 $0x0;
	s20 =	sshll.u32 s5, $0x1;
	s5 =	sadd.s32 s21, s3  }
0x9d: {  	[timem:s7], [sflag:s22] =	dma.local [hbm:s5], s20  }
0x9e: {  	_ =	swait.ge [sflag:s22], s20  }
0x9f: {  	s4 =	ssub.s32 $0x0, s20;
	[sflag:s22] =	ssyncset.done $0x0  }
0xa0: {  	[sflag:s22] =	ssyncadd.s32 s4;
	_ =	sdelay $0x1  }
0xa1: {  	s23 =	simm.s32 $0x1B8B  }
0xa2: {  	_ =	swait.ge [sflag:s23], $0x1  }
0xa3: {  	[sflag:s23] =	ssyncset.done $0x0  }
0xa4: {  	s25 =	simm.s32 $0x1B8E;
	s24 =	sld [smem:$0x3FFE];
	[sflag:s23] =	ssyncadd.s32 $0xFFFFFFFF  }
0xa5: {  	s26 =	simm.s32 $execute0_lowered;
	[smem:$0x3FD2] =	sst s25  }
0xa6: {  	s5 =	sshll.u32 s26, $0x1;
	_ =	strace $0x8000004C;
	[dreg:$0x1] =	wrdreg $0xFFFFFFFF  }
0xa7: {  	s28 =	simm.s32 $_size_execute0_lowered;
	s3 =	sadd.s32 s3, s5;
	[dreg:$0x0] =	wrdreg $0x0  }
0xa8: {  	s5 =	sshll.u32 s28, $0x1;
	[dreg:$0x2] =	wrdreg s3  }
0xa9: {  	[dreg:$0x3] =	wrdreg s5  }
0xaa: {  	[dreg:$0x4] =	wrdreg $0xC0  }
0xab: {  	_ =	task [dreg:s7], $0x5FFFF  }
0xac: {  	[dreg:$0x1] =	wrdreg $0xFFFFFFFF  }
0xad: {  	[dreg:$0x0] =	wrdreg $0x60  }
0xae: {  	[dreg:$0x2] =	wrdreg s2  }
0xaf: {  	[dreg:$0x3] =	wrdreg s24  }
0xb0: {  	[dreg:$0x4] =	wrdreg $0x0  }
0xb1: {  	[dreg:$0x5] =	wrdreg $0x9  }
0xb2: {  	_ =	task.clear_ibuf [dreg:s7], $0x6FFFF;
	_ =	strace $0x9000004C  }
0xb3: {  	s29 =	simm.s32 $0x9;
	_ =	strace $0x8000004E  }
0xb4: {  	_ =	swait.ge [sflag:s29], $0x1  }
0xb5: {  	[sflag:s29] =	ssyncadd.s32 $0xFFFFFFFF  }
0xb6: {  	_ =	strace $0x9000004E  }
0xb7: {  	_ =	sfence  }
0xb8: {  	s30 =	sld [smem:$0x0];
	_ =	sdelay $0x2  }
0xb9: {  	s31 =	sshll.u32 s1, $0xD;
	s1 =	sshrl.u32 s1, $0x2  }
0xba: {  	s3 =	sand.u32 $0x4000, s31;
	s1 =	sadd.s32 s1, s30  }
0xbb: {  	s0 =	sor.u32 s3, s0;
	s1 =	sshll.u32 s1, $0x11  }
0xbc: {  	s0 =	sor.u32 s1, s0  }
0xbd: {  	s0 =	sadd.s32 $0x8F2B, s0  }
0xbe: {  	[sflag:s0] =	ssyncadd.remote.s32 $0x1  }
0xbf: {  	_ =	sfence.sel $0xFFFF  }
0xc0: {  	[dreg:$0x0] =	wrdreg $0xFFFFFFFF;
	(pc) =	sbr.abs _section_cstart, $3  }
0xc1: {  	[dreg:$0x1] =	wrdreg $0xFFFFFFFF  }
0xc2: {  	_ =	task.clear_ibuf [dreg:s7], $0x2FFFF;
	_ =	strace $0x9FFFFFFF  }
0xc3: {  	(tm) =	ssettm $0x7FFFFFFF  }
tec
execute0_lowered:
.L_overlay_start_1:
0x0: {  	(tag) =	ssettag $0x1  }
0x1: {  	s1 =	rddreg [dreg:$0x0]  }
0x2: {  	s0 =	rddreg [dreg:$0x1]  }
0x3: {  	s2 =	rddreg [dreg:$0x2]  }
0x4: {  	s3 =	srdreg.scid;
	s4 =	simm.s32 $0x0;
	s11 =	stileid.u32  }
0x5: {  	s28 =	simm.s32 $0x60;
	s29 =	simm.s32 $0x13C00;
	s8 =	smul.u32 $0x13C00, s11  }
0x6: {  	s30 =	simm.s32 $0x16C00;
	s31 =	simm.s32 $0x9;
	s9 =	smul.u32 $0x4F000, s11  }
0x7: {  	s3 =	sand.u32 $0x1, s3;
	[smem:$0x7FF] =	sst s4;
	s23 =	smul.u32 $0x2880, s11  }
0x8: {  	s5 =	sadd.s32 $0x66200, s0;
	s6 =	sadd.s32 $0x7A600, s0;
	s7 =	smul.u32 $0x13C000, s3  }
0x9: {  	_ =	strace $0x8000004D;
	s20 =	sshll.u32 s3, $0x4;
	s21 =	ssub.s32 $0x2, s3  }
0xa: {  	s3 =	smul.u32 $0x28800, s3;
	s10 =	sshrl.u32 s21, $0x1;
	s9 =	sshrl.u32 s9, $0x2  }
0xb: {  	s7 =	sadd.s32 s8, s7;
	s8 =	sor.u32 s11, s20;
	s15 =	sadd.s32 s9, s2  }
0xc: {  	s10 =	ssub.s32 s21, s10;
	s22 =	sadd.s32 $0x12000, s15;
	[dreg:$0xc] =	wrdreg s15  }
0xd: {  	s3 =	sadd.s32 s23, s3;
	s9 =	smax.u32 s10, $0x1;
	[dreg:$0xd] =	wrdreg s22  }
0xe: {  	s7 =	sshrl.u32 s7, $0x3;
	s11 =	sadd.s32 $0x3000, s15;
	[dreg:$0x13] =	wrdreg s9  }
0xf: {  	s8 =	smul.u32 $0x2880, s8;
	s12 =	sadd.s32 $0x6000, s15;
	[dreg:$0x14] =	wrdreg s11  }
0x10: {  	s10 =	sadd.s32 $0x1E0, s3;
	s13 =	sadd.s32 $0x9000, s15;
	[dreg:$0x15] =	wrdreg s12  }
0x11: {  	s18 =	sadd.s32 $0xC0, s3;
	s21 =	sadd.s32 $0xC000, s15;
	[dreg:$0x16] =	wrdreg s13  }
0x12: {  	s23 =	sadd.s32 $0xF000, s15;
	s0 =	sadd.s32 s7, s0;
	[dreg:$0x17] =	wrdreg s21  }
0x13: {  	s9 =	sadd.s32 $0x120, s3;
	[dreg:$0x18] =	wrdreg s23;
	s3 =	sadd.s32 $0x180, s3  }
0x14: {  	s20 =	sshrl.u32 s18, $0x3;
	s0 =	sadd.s32 $0x2E00, s0;
	[dreg:$0x19] =	wrdreg s3  }
0x15: {  	s8 =	sshrl.u32 s8, $0x3;
	s22 =	sadd.s32 s20, s6;
	[dreg:$0x12] =	wrdreg s0  }
0x16: {  	s21 =	simm.s32 $0x1CC00;
	s24 =	sadd.s32 s5, s8;
	[dreg:$0x8] =	wrdreg s22  }
0x17: {  	s16 =	sshrl.u32 s9, $0x3;
	s25 =	sadd.s32 s6, s8;
	[dreg:$0xe] =	wrdreg s24  }
0x18: {  	s23 =	simm.s32 $0xB;
	s17 =	sadd.s32 s16, s6;
	[dreg:$0xf] =	wrdreg s25  }
0x19: {  	s8 =	sor.u32 $0xC, s8;
	s19 =	sadd.s32 s16, s5;
	[dreg:$0x6] =	wrdreg s17  }
0x1a: {  	s11 =	simm.s32 $0x2;
	s26 =	sadd.s32 s5, s8;
	[dreg:$0x7] =	wrdreg s19  }
0x1b: {  	s0 =	sshrl.u32 s10, $0x3;
	s8 =	sadd.s32 s6, s8;
	[dreg:$0x10] =	wrdreg s26  }
0x1c: {  	s12 =	simm.s32 $0x5;
	s14 =	sadd.s32 s0, s6;
	[dreg:$0x11] =	wrdreg s8  }
0x1d: {  	s13 =	simm.s32 $0x4;
	s0 =	sadd.s32 s0, s5;
	[dreg:$0x4] =	wrdreg s14  }
0x1e: {  	s3 =	simm.s32 $0xA;
	s24 =	sadd.s32 s20, s5;
	[dreg:$0x5] =	wrdreg s0  }
0x1f: {  	s9 =	simm.s32 $0x1FD80;
	s25 =	simm.s32 $0x1FF00;
	[dreg:$0x9] =	wrdreg s24  }
0x20: {  	s10 =	simm.s32 $0x1FF80;
	s24 =	simm.s32 $0x1FE00;
	[dreg:$0xa] =	wrdreg s25  }
0x21: {  	s26 =	simm.s32 $0x19C00;
	s0 =	simm.s32 $0x1FD00;
	s8 =	simm.s32 $0x1  }
0x22: {  	v0 =	vimm.f32 $0.0e+00;
	s14 =	simm.s32 $0x0;
	[dreg:$0xb] =	wrdreg s26;
	s26 =	simm.s32 $0x1FE80  }
.LBB2_1:
0x23: {  	[dreg:$0x1a] =	wrdreg s14;
	s17 =	simm.s32 $0x70;
	s18 =	simm.s32 $0x3C0  }
.LBB2_2:
0x24: {  	p0 =	sne.s32 s18, $0xBFC0;
	[tilespmem:s17+$0x1CC00] =	vst v0  }
0x25: {  	[tilespmem:s17+$0x1CB90] =	vst v0  }
0x26: {  	[tilespmem:s17+$0x1CBA0] =	vst v0  }
.Ltmp0:
0x27: {  	[tilespmem:s17+$0x1CBB0] =	vst v0;
	(pc) =	sbr.rel @p0 .LBB2_2-.Ltmp0, $4  }
0x28: {  	[tilespmem:s17+$0x1CBC0] =	vst v0  }
0x29: {  	[tilespmem:s17+$0x1CBD0] =	vst v0  }
0x2a: {  	[tilespmem:s17+$0x1CBE0] =	vst v0  }
0x2b: {  	[tilespmem:s17+$0x1CBF0] =	vst v0;
	s17 =	sshra.s32 s18, $0x2;
	s18 =	sadd.s32 $0x200, s18  }
0x2c: {  	[tilespmem:s17+$0x1CC00] =	vst v0  }
0x2d: {  	[tilespmem:s17+$0x1CB90] =	vst v0  }
0x2e: {  	[tilespmem:s17+$0x1CBA0] =	vst v0  }
0x2f: {  	[tilespmem:s17+$0x1CBB0] =	vst v0  }
0x30: {  	[tilespmem:s17+$0x1CBC0] =	vst v0  }
0x31: {  	[tilespmem:s17+$0x1CBD0] =	vst v0  }
0x32: {  	[tilespmem:s17+$0x1CBE0] =	vst v0  }
0x33: {  	[tilespmem:s17+$0x1CBF0] =	vst v0  }
0x34: {  	[spmem:s15] =	stream.linear.scatter [tilespmem:s21], [sflag:$0x9], $0x3000, $0x38;
	v63 =	vld [tilespmem:$0x0]  }
0x35: {  	s7 =	rddreg [dreg:$0x14]  }
0x36: {  	[spmem:s7] =	stream.linear.scatter [tilespmem:s21], [sflag:$0x9], $0x3000, $0x38;
	v63 =	vld [tilespmem:$0x0]  }
0x37: {  	s20 =	rddreg [dreg:$0x15]  }
0x38: {  	[spmem:s20] =	stream.linear.scatter [tilespmem:s21], [sflag:$0x9], $0x3000, $0x38;
	v63 =	vld [tilespmem:$0x0]  }
0x39: {  	s22 =	rddreg [dreg:$0x16]  }
0x3a: {  	[spmem:s22] =	stream.linear.scatter [tilespmem:s21], [sflag:$0x9], $0x3000, $0x38;
	v63 =	vld [tilespmem:$0x0]  }
0x3b: {  	s25 =	rddreg [dreg:$0x17]  }
0x3c: {  	[spmem:s25] =	stream.linear.scatter [tilespmem:s21], [sflag:$0x9], $0x3000, $0x38;
	v63 =	vld [tilespmem:$0x0]  }
0x3d: {  	s14 =	rddreg [dreg:$0x18]  }
0x3e: {  	[spmem:s14] =	stream.linear.scatter [tilespmem:s21], [sflag:$0x9], $0x3000, $0x38;
	v63 =	vld [tilespmem:$0x0]  }
0x3f: {  	s15 =	rddreg [dreg:$0xd]  }
0x40: {  	[spmem:s15] =	stream.linear.scatter [tilespmem:s21], [sflag:$0x9], $0x1C00, $0x38;
	v63 =	vld [tilespmem:$0x0]  }
0x41: {  	s16 =	simm.s32 $0x0;
	s18 =	rddreg [dreg:$0xe];
	s14 =	simm.s32 $0x1FC00  }
0x42: {  	[tilespmem:s14], [sflag:$0xB] =	stream.linear.gather [hbm4b:s18+s16], $0x60, $0x38;
	v63 =	vld [tilespmem:$0x0]  }
0x43: {  	_ =	swait.ge [sflag:s23], $0x60  }
0x44: {  	[sflag:s23] =	ssyncset.done $0x0  }
0x45: {  	s19 =	rddreg [dreg:$0xf];
	[sflag:s23] =	ssyncadd.s32 $0xFFFFFFA0  }
0x46: {  	[tilespmem:s24], [sflag:$0xB] =	stream.linear.gather [hbm4b:s19+s16], $0x60, $0x38;
	v63 =	vld [tilespmem:$0x0]  }
0x47: {  	_ =	swait.ge [sflag:s23], $0x60  }
0x48: {  	[sflag:s23] =	ssyncset.done $0x0  }
0x49: {  	s22 =	simm.s32 $0x1FC80;
	s20 =	rddreg [dreg:$0x10];
	[sflag:s23] =	ssyncadd.s32 $0xFFFFFFA0  }
0x4a: {  	[tilespmem:s22], [sflag:$0xB] =	stream.linear.gather [hbm4b:s20+s16], $0x60, $0x38;
	v63 =	vld [tilespmem:$0x0]  }
0x4b: {  	_ =	swait.ge [sflag:s23], $0x60  }
0x4c: {  	[sflag:s23] =	ssyncset.done $0x0  }
0x4d: {  	s25 =	rddreg [dreg:$0x11];
	[sflag:s23] =	ssyncadd.s32 $0xFFFFFFA0  }
0x4e: {  	[tilespmem:s26], [sflag:$0xB] =	stream.linear.gather [hbm4b:s25+s16], $0x60, $0x38;
	v63 =	vld [tilespmem:$0x0]  }
0x4f: {  	_ =	swait.ge [sflag:s23], $0x60  }
0x50: {  	[sflag:s23] =	ssyncset.done $0x0  }
0x51: {  	[sflag:s23] =	ssyncadd.s32 $0xFFFFFFA0  }
0x52: {  	[tilespmem:s29], [sflag:$0x1] =	stream.indirect.gather [hbm4b:s1+s28], $0x80, s14, s28, $0xb8;
	v63 =	vld [tilespmem:$0x0]  }
0x53: {  	_ = 	snop  }
0x54: {  	[tilespmem:s30], [sflag:$0x2] =	stream.indirect.gather [hbm4b:s1+s28], $0x80, s22, s28, $0xb8;
	v63 =	vld [tilespmem:$0x0]  }
0x55: {  	_ =	swait.ge [sflag:s31], $0x3000  }
0x56: {  	[sflag:s31] =	ssyncset.done $0x0  }
0x57: {  	[sflag:s31] =	ssyncadd.s32 $0xFFFFD000  }
0x58: {  	_ =	swait.ge [sflag:s31], $0x3000  }
0x59: {  	[sflag:s31] =	ssyncset.done $0x0  }
0x5a: {  	[sflag:s31] =	ssyncadd.s32 $0xFFFFD000  }
0x5b: {  	_ =	swait.ge [sflag:s31], $0x3000  }
0x5c: {  	[sflag:s31] =	ssyncset.done $0x0  }
0x5d: {  	[sflag:s31] =	ssyncadd.s32 $0xFFFFD000  }
0x5e: {  	_ =	swait.ge [sflag:s31], $0x3000  }
0x5f: {  	[sflag:s31] =	ssyncset.done $0x0  }
0x60: {  	[sflag:s31] =	ssyncadd.s32 $0xFFFFD000  }
0x61: {  	_ =	swait.ge [sflag:s31], $0x3000  }
0x62: {  	[sflag:s31] =	ssyncset.done $0x0  }
0x63: {  	[sflag:s31] =	ssyncadd.s32 $0xFFFFD000  }
0x64: {  	_ =	swait.ge [sflag:s31], $0x3000  }
0x65: {  	[sflag:s31] =	ssyncset.done $0x0  }
0x66: {  	[sflag:s31] =	ssyncadd.s32 $0xFFFFD000  }
0x67: {  	_ =	swait.ge [sflag:s31], $0x1C00  }
0x68: {  	[sflag:s31] =	ssyncset.done $0x0  }
0x69: {  	p0 =	por $0x1, $0x1;
	[sflag:s31] =	ssyncadd.s32 $0xFFFFE400  }
0x6a: {  	s17 =	simm.s32 @!p0 $0x7;
	[bflag:$0x0] =	sbarrier.arrive $0xFFFF  }
0x6b: {  	_ =	swait.ge @!p0 [sflag:s17], $0x3000  }
0x6c: {  	s18 =	rddreg [dreg:$0x9];
	[sflag:s17] =	ssyncset.done @!p0 $0x0  }
0x6d: {  	s19 =	rddreg [dreg:$0x8];
	[sflag:s17] =	ssyncadd.s32 @!p0 $0xFFFFD000;
	s14 =	sadd.s32 $0x0, s18  }
0x6e: {  	[tilespmem:s0], [sflag:$0xA] =	stream.linear.gather [hbm4b:s14+s4], $0x60, $0x38;
	v63 =	vld [tilespmem:$0x0]  }
0x6f: {  	s15 =	rddreg [dreg:$0xa];
	s16 =	sadd.s32 $0x0, s19  }
0x70: {  	[tilespmem:s15], [sflag:$0xA] =	stream.linear.gather [hbm4b:s16+s4], $0x60, $0x38;
	v63 =	vld [tilespmem:$0x0]  }
0x71: {  	_ =	swait.ge [sflag:s3], $0x60  }
0x72: {  	[sflag:s3] =	ssyncset.done $0x0  }
0x73: {  	[sflag:s3] =	ssyncadd.s32 $0xFFFFFFA0  }
0x74: {  	_ =	swait.ge [sflag:s3], $0x60  }
0x75: {  	[sflag:s3] =	ssyncset.done $0x0  }
0x76: {  	s18 =	rddreg [dreg:$0xb];
	[sflag:s3] =	ssyncadd.s32 $0xFFFFFFA0  }
0x77: {  	[tilespmem:s18], [sflag:$0x3] =	stream.indirect.gather [hbm4b:s1+s28], $0x80, s0, s28, $0xb8;
	v63 =	vld [tilespmem:$0x0]  }
0x78: {  	_ =	swait.ge [sflag:s8], $0x3000  }
0x79: {  	[sflag:s8] =	ssyncset.done $0x0  }
0x7a: {  	s17 =	simm.s32 @!p0 $0x8;
	[sflag:s8] =	ssyncadd.s32 $0xFFFFD000  }
0x7b: {  	[spmem:s2] =	stream.indirect.scatter.add.f32 [tilespmem:s29], [sflag:$0x5], $0x80, s24, s28, $0xb8;
	v63 =	vld [tilespmem:$0x0]  }
0x7c: {  	_ =	swait.ge @!p0 [sflag:s17], $0x3000  }
0x7d: {  	s19 =	rddreg [dreg:$0x7];
	[sflag:s17] =	ssyncset.done @!p0 $0x0  }
0x7e: {  	s20 =	rddreg [dreg:$0x6];
	[sflag:s17] =	ssyncadd.s32 @!p0 $0xFFFFD000;
	s22 =	sadd.s32 $0x0, s19  }
0x7f: {  	[tilespmem:s9], [sflag:$0xA] =	stream.linear.gather [hbm4b:s22+s4], $0x60, $0x38;
	v63 =	vld [tilespmem:$0x0]  }
0x80: {  	s25 =	sadd.s32 $0x0, s20  }
0x81: {  	[tilespmem:s10], [sflag:$0xA] =	stream.linear.gather [hbm4b:s25+s4], $0x60, $0x38;
	v63 =	vld [tilespmem:$0x0]  }
0x82: {  	_ =	swait.ge [sflag:s3], $0x60  }
0x83: {  	[sflag:s3] =	ssyncset.done $0x0  }
0x84: {  	[sflag:s3] =	ssyncadd.s32 $0xFFFFFFA0  }
0x85: {  	_ =	swait.ge [sflag:s3], $0x60  }
0x86: {  	[sflag:s3] =	ssyncset.done $0x0  }
0x87: {  	[sflag:s3] =	ssyncadd.s32 $0xFFFFFFA0  }
0x88: {  	[tilespmem:s21], [sflag:$0x4] =	stream.indirect.gather [hbm4b:s1+s28], $0x80, s9, s28, $0xb8;
	v63 =	vld [tilespmem:$0x0]  }
0x89: {  	_ =	swait.ge [sflag:s11], $0x3000  }
0x8a: {  	[sflag:s11] =	ssyncset.done $0x0  }
0x8b: {  	[sflag:s11] =	ssyncadd.s32 $0xFFFFD000  }
0x8c: {  	[spmem:s2] =	stream.indirect.scatter.add.f32 [tilespmem:s30], [sflag:$0x6], $0x80, s26, s28, $0xb8;
	v63 =	vld [tilespmem:$0x0]  }
0x8d: {  	_ =	swait.ge [sflag:s12], $0x3000  }
0x8e: {  	p0 =	por $0x0, $0x0;
	[sflag:s12] =	ssyncset.done $0x0  }
0x8f: {  	s17 =	simm.s32 @p0 $0x3;
	[sflag:s12] =	ssyncadd.s32 $0xFFFFD000  }
0x90: {  	_ =	swait.ge @p0 [sflag:s17], $0x3000  }
0x91: {  	s18 =	simm.s32 @p0 $0x19C00;
	s19 =	simm.s32 @p0 $0x6;
	[sflag:s17] =	ssyncset.done @p0 $0x0  }
0x92: {  	s22 =	simm.s32 @p0 $0x1FF00;
	[sflag:s17] =	ssyncadd.s32 @p0 $0xFFFFD000;
	s17 =	simm.s32 @p0 $0x60  }
0x93: {  	[spmem:s2] =	stream.indirect.scatter.add.f32 @p0 [tilespmem:s18], [sflag:$0x7], $0x80, s22, s17, $0xb8;
	v63 =	vld [tilespmem:$0x0]  }
0x94: {  	s7 =	rddreg [dreg:$0x19];
	_ =	swait.ge @p0 [sflag:s19], $0x3000  }
0x95: {  	s17 =	sshrl.u32 @!p0 s7, $0x3;
	s22 =	simm.s32 @!p0 $0x1FC00;
	[sflag:s19] =	ssyncset.done @p0 $0x0  }
0x96: {  	s18 =	sadd.s32 @!p0 s5, s17;
	[sflag:s19] =	ssyncadd.s32 @p0 $0xFFFFD000;
	s19 =	simm.s32 @!p0 $0x0  }
0x97: {  	[tilespmem:s22], [sflag:$0xA] =	stream.linear.gather @!p0 [hbm4b:s18+s19], $0x60, $0x38;
	v63 =	vld [tilespmem:$0x0]  }
0x98: {  	s25 =	simm.s32 @!p0 $0xA;
	s17 =	sadd.s32 @!p0 s6, s17;
	s18 =	simm.s32 @!p0 $0x1FE00  }
0x99: {  	[tilespmem:s18], [sflag:$0xA] =	stream.linear.gather @!p0 [hbm4b:s17+s19], $0x60, $0x38;
	v63 =	vld [tilespmem:$0x0]  }
0x9a: {  	_ =	swait.ge @!p0 [sflag:s25], $0x60  }
0x9b: {  	[sflag:s25] =	ssyncset.done @!p0 $0x0  }
0x9c: {  	[sflag:s25] =	ssyncadd.s32 @!p0 $0xFFFFFFA0  }
0x9d: {  	_ =	swait.ge @!p0 [sflag:s25], $0x60  }
0x9e: {  	s14 =	simm.s32 @!p0 $0x13C00;
	[sflag:s25] =	ssyncset.done @!p0 $0x0  }
0x9f: {  	s17 =	simm.s32 @!p0 $0x3;
	s18 =	simm.s32 @!p0 $0x60;
	[sflag:s25] =	ssyncadd.s32 @!p0 $0xFFFFFFA0  }
0xa0: {  	[tilespmem:s14], [sflag:$0x1] =	stream.indirect.gather @!p0 [hbm4b:s1+s18], $0x80, s22, s18, $0xb8;
	v63 =	vld [tilespmem:$0x0]  }
0xa1: {  	_ =	swait.ge @!p0 [sflag:s17], $0x3000  }
0xa2: {  	s14 =	simm.s32 @!p0 $0x6;
	[sflag:s17] =	ssyncset.done @!p0 $0x0  }
0xa3: {  	s22 =	simm.s32 @!p0 $0x19C00;
	[sflag:s17] =	ssyncadd.s32 @!p0 $0xFFFFD000;
	s17 =	simm.s32 @!p0 $0x1FF00  }
0xa4: {  	[spmem:s2] =	stream.indirect.scatter.add.f32 @!p0 [tilespmem:s22], [sflag:$0x7], $0x80, s17, s18, $0xb8;
	v63 =	vld [tilespmem:$0x0]  }
0xa5: {  	_ =	swait.ge @!p0 [sflag:s14], $0x3000  }
0xa6: {  	s17 =	rddreg [dreg:$0x5]  }
0xa7: {  	[sflag:s14] =	ssyncset.done @!p0 $0x0;
	s22 =	rddreg [dreg:$0x4]  }
0xa8: {  	[sflag:s14] =	ssyncadd.s32 @!p0 $0xFFFFD000;
	s14 =	sadd.s32 @!p0 $0x0, s17;
	s17 =	simm.s32 @!p0 $0x1FC80  }
0xa9: {  	[tilespmem:s17], [sflag:$0xA] =	stream.linear.gather @!p0 [hbm4b:s14+s19], $0x60, $0x38;
	v63 =	vld [tilespmem:$0x0]  }
0xaa: {  	s14 =	sadd.s32 @!p0 $0x0, s22;
	s22 =	simm.s32 @!p0 $0x1FE80  }
0xab: {  	[tilespmem:s22], [sflag:$0xA] =	stream.linear.gather @!p0 [hbm4b:s14+s19], $0x60, $0x38;
	v63 =	vld [tilespmem:$0x0]  }
0xac: {  	_ =	swait.ge @!p0 [sflag:s25], $0x60  }
0xad: {  	[sflag:s25] =	ssyncset.done @!p0 $0x0  }
0xae: {  	[sflag:s25] =	ssyncadd.s32 @!p0 $0xFFFFFFA0  }
0xaf: {  	_ =	swait.ge @!p0 [sflag:s25], $0x60  }
0xb0: {  	[sflag:s25] =	ssyncset.done @!p0 $0x0  }
0xb1: {  	s14 =	simm.s32 @!p0 $0x16C00;
	[sflag:s25] =	ssyncadd.s32 @!p0 $0xFFFFFFA0  }
0xb2: {  	[tilespmem:s14], [sflag:$0x2] =	stream.indirect.gather @!p0 [hbm4b:s1+s18], $0x80, s17, s18, $0xb8;
	v63 =	vld [tilespmem:$0x0]  }
0xb3: {  	p1 =	por $0x0, $0x0;
	s22 =	simm.s32 $0x60;
	_ =	swait.ge [sflag:s13], $0x3000  }
0xb4: {  	s17 =	simm.s32 $0x30;
	s18 =	sadd.s32 $0x180, s7;
	[sflag:s13] =	ssyncset.done $0x0  }
.LBB2_4:
0xb5: {  	s14 =	simm.s32 @!p1 $0x7;
	[sflag:s13] =	ssyncadd.s32 $0xFFFFD000  }
0xb6: {  	[spmem:s2] =	stream.indirect.scatter.add.f32 [tilespmem:s21], [sflag:$0x8], $0x80, s10, s28, $0xb8;
	v63 =	vld [tilespmem:$0x0]  }
0xb7: {  	_ =	swait.ge @!p1 [sflag:s14], $0x3000  }
0xb8: {  	[sflag:s14] =	ssyncset.done @!p1 $0x0;
	s25 =	rddreg [dreg:$0x9]  }
0xb9: {  	s20 =	rddreg [dreg:$0x8];
	[sflag:s14] =	ssyncadd.s32 @!p1 $0xFFFFD000;
	s25 =	sadd.s32 s17, s25  }
0xba: {  	[tilespmem:s0], [sflag:$0xA] =	stream.linear.gather [hbm4b:s25+s4], $0x60, $0x38;
	v63 =	vld [tilespmem:$0x0]  }
0xbb: {  	s15 =	rddreg [dreg:$0xa];
	s14 =	sadd.s32 s17, s20  }
0xbc: {  	[tilespmem:s15], [sflag:$0xA] =	stream.linear.gather [hbm4b:s14+s4], $0x60, $0x38;
	v63 =	vld [tilespmem:$0x0]  }
0xbd: {  	_ =	swait.ge [sflag:s3], $0x60  }
0xbe: {  	[sflag:s3] =	ssyncset.done $0x0  }
0xbf: {  	[sflag:s3] =	ssyncadd.s32 $0xFFFFFFA0  }
0xc0: {  	_ =	swait.ge [sflag:s3], $0x60  }
0xc1: {  	[sflag:s3] =	ssyncset.done $0x0  }
0xc2: {  	s25 =	rddreg [dreg:$0xb];
	[sflag:s3] =	ssyncadd.s32 $0xFFFFFFA0  }
0xc3: {  	[tilespmem:s25], [sflag:$0x3] =	stream.indirect.gather [hbm4b:s1+s28], $0x80, s0, s28, $0xb8;
	v63 =	vld [tilespmem:$0x0]  }
0xc4: {  	_ =	swait.ge [sflag:s8], $0x3000  }
0xc5: {  	[sflag:s8] =	ssyncset.done $0x0  }
0xc6: {  	s14 =	simm.s32 @!p1 $0x8;
	[sflag:s8] =	ssyncadd.s32 $0xFFFFD000  }
0xc7: {  	[spmem:s2] =	stream.indirect.scatter.add.f32 [tilespmem:s29], [sflag:$0x5], $0x80, s24, s28, $0xb8;
	v63 =	vld [tilespmem:$0x0]  }
0xc8: {  	_ =	swait.ge @!p1 [sflag:s14], $0x3000  }
0xc9: {  	s7 =	rddreg [dreg:$0x7];
	[sflag:s14] =	ssyncset.done @!p1 $0x0  }
0xca: {  	s16 =	rddreg [dreg:$0x6];
	[sflag:s14] =	ssyncadd.s32 @!p1 $0xFFFFD000;
	s20 =	sadd.s32 s17, s7  }
0xcb: {  	[tilespmem:s9], [sflag:$0xA] =	stream.linear.gather [hbm4b:s20+s4], $0x60, $0x38;
	v63 =	vld [tilespmem:$0x0]  }
0xcc: {  	s25 =	sadd.s32 s17, s16  }
0xcd: {  	[tilespmem:s10], [sflag:$0xA] =	stream.linear.gather [hbm4b:s25+s4], $0x60, $0x38;
	v63 =	vld [tilespmem:$0x0]  }
0xce: {  	_ =	swait.ge [sflag:s3], $0x60  }
0xcf: {  	[sflag:s3] =	ssyncset.done $0x0  }
0xd0: {  	[sflag:s3] =	ssyncadd.s32 $0xFFFFFFA0  }
0xd1: {  	_ =	swait.ge [sflag:s3], $0x60  }
0xd2: {  	[sflag:s3] =	ssyncset.done $0x0  }
0xd3: {  	[sflag:s3] =	ssyncadd.s32 $0xFFFFFFA0  }
0xd4: {  	[tilespmem:s21], [sflag:$0x4] =	stream.indirect.gather [hbm4b:s1+s28], $0x80, s9, s28, $0xb8;
	v63 =	vld [tilespmem:$0x0]  }
0xd5: {  	_ =	swait.ge [sflag:s11], $0x3000  }
0xd6: {  	[sflag:s11] =	ssyncset.done $0x0  }
0xd7: {  	[sflag:s11] =	ssyncadd.s32 $0xFFFFD000  }
0xd8: {  	[spmem:s2] =	stream.indirect.scatter.add.f32 [tilespmem:s30], [sflag:$0x6], $0x80, s26, s28, $0xb8;
	v63 =	vld [tilespmem:$0x0]  }
0xd9: {  	_ =	swait.ge [sflag:s12], $0x3000  }
0xda: {  	p1 =	seq.s32 s17, $0x4E0;
	[sflag:s12] =	ssyncset.done $0x0  }
0xdb: {  	s14 =	simm.s32 @p1 $0x3;
	[sflag:s12] =	ssyncadd.s32 $0xFFFFD000  }
0xdc: {  	_ =	swait.ge @p1 [sflag:s14], $0x3000  }
0xdd: {  	s20 =	simm.s32 @p1 $0x19C00;
	s7 =	simm.s32 @p1 $0x6;
	[sflag:s14] =	ssyncset.done @p1 $0x0  }
0xde: {  	s16 =	simm.s32 @p1 $0x1FF00;
	[sflag:s14] =	ssyncadd.s32 @p1 $0xFFFFD000;
	s14 =	simm.s32 @p1 $0x60  }
0xdf: {  	[spmem:s2] =	stream.indirect.scatter.add.f32 @p1 [tilespmem:s20], [sflag:$0x7], $0x80, s16, s14, $0xb8;
	v63 =	vld [tilespmem:$0x0]  }
0xe0: {  	s15 =	sshrl.u32 @!p1 s18, $0x3;
	_ =	swait.ge @p1 [sflag:s7], $0x3000  }
0xe1: {  	s25 =	sadd.s32 @!p1 s5, s15;
	[sflag:s7] =	ssyncset.done @p1 $0x0  }
0xe2: {  	s14 =	simm.s32 @!p1 $0x1FC00;
	[sflag:s7] =	ssyncadd.s32 @p1 $0xFFFFD000;
	s7 =	simm.s32 @!p1 $0x0  }
0xe3: {  	[tilespmem:s14], [sflag:$0xA] =	stream.linear.gather @!p1 [hbm4b:s25+s7], $0x60, $0x38;
	v63 =	vld [tilespmem:$0x0]  }
0xe4: {  	s15 =	sadd.s32 @!p1 s6, s15;
	s16 =	simm.s32 @!p1 $0x1FE00;
	s20 =	simm.s32 @!p1 $0xA  }
0xe5: {  	[tilespmem:s16], [sflag:$0xA] =	stream.linear.gather @!p1 [hbm4b:s15+s7], $0x60, $0x38;
	v63 =	vld [tilespmem:$0x0]  }
0xe6: {  	_ =	swait.ge @!p1 [sflag:s20], $0x60  }
0xe7: {  	[sflag:s20] =	ssyncset.done @!p1 $0x0  }
0xe8: {  	[sflag:s20] =	ssyncadd.s32 @!p1 $0xFFFFFFA0  }
0xe9: {  	_ =	swait.ge @!p1 [sflag:s20], $0x60  }
0xea: {  	s25 =	simm.s32 @!p1 $0x13C00;
	[sflag:s20] =	ssyncset.done @!p1 $0x0  }
0xeb: {  	s15 =	simm.s32 @!p1 $0x3;
	s16 =	simm.s32 @!p1 $0x60;
	[sflag:s20] =	ssyncadd.s32 @!p1 $0xFFFFFFA0  }
0xec: {  	[tilespmem:s25], [sflag:$0x1] =	stream.indirect.gather @!p1 [hbm4b:s1+s16], $0x80, s14, s16, $0xb8;
	v63 =	vld [tilespmem:$0x0]  }
0xed: {  	_ =	swait.ge @!p1 [sflag:s15], $0x3000  }
0xee: {  	s14 =	simm.s32 @!p1 $0x6;
	[sflag:s15] =	ssyncset.done @!p1 $0x0  }
0xef: {  	s25 =	simm.s32 @!p1 $0x19C00;
	[sflag:s15] =	ssyncadd.s32 @!p1 $0xFFFFD000;
	s15 =	simm.s32 @!p1 $0x1FF00  }
0xf0: {  	[spmem:s2] =	stream.indirect.scatter.add.f32 @!p1 [tilespmem:s25], [sflag:$0x7], $0x80, s15, s16, $0xb8;
	v63 =	vld [tilespmem:$0x0]  }
0xf1: {  	_ =	swait.ge @!p1 [sflag:s14], $0x3000  }
0xf2: {  	s15 =	rddreg [dreg:$0x5]  }
0xf3: {  	[sflag:s14] =	ssyncset.done @!p1 $0x0;
	s25 =	rddreg [dreg:$0x4]  }
0xf4: {  	[sflag:s14] =	ssyncadd.s32 @!p1 $0xFFFFD000;
	s14 =	sadd.s32 @!p1 s17, s15;
	s15 =	simm.s32 @!p1 $0x1FC80  }
0xf5: {  	[tilespmem:s15], [sflag:$0xA] =	stream.linear.gather @!p1 [hbm4b:s14+s7], $0x60, $0x38;
	v63 =	vld [tilespmem:$0x0]  }
0xf6: {  	s14 =	sadd.s32 @!p1 s17, s25;
	s25 =	simm.s32 @!p1 $0x1FE80  }
0xf7: {  	[tilespmem:s25], [sflag:$0xA] =	stream.linear.gather @!p1 [hbm4b:s14+s7], $0x60, $0x38;
	v63 =	vld [tilespmem:$0x0]  }
0xf8: {  	_ =	swait.ge @!p1 [sflag:s20], $0x60  }
0xf9: {  	[sflag:s20] =	ssyncset.done @!p1 $0x0  }
0xfa: {  	s19 =	smov.u32 s22;
	s22 =	sadd.s32 $0x30, s22;
	[sflag:s20] =	ssyncadd.s32 @!p1 $0xFFFFFFA0  }
0xfb: {  	p0 =	sne.s32 s22, $0x510;
	_ =	swait.ge @!p1 [sflag:s20], $0x60  }
.Ltmp1:
0xfc: {  	[sflag:s20] =	ssyncset.done @!p1 $0x0;
	(pc) =	sbr.rel @p0 .LBB2_4-.Ltmp1, $4  }
0xfd: {  	s7 =	simm.s32 @!p1 $0x16C00;
	[sflag:s20] =	ssyncadd.s32 @!p1 $0xFFFFFFA0  }
0xfe: {  	[tilespmem:s7], [sflag:$0x2] =	stream.indirect.gather @!p1 [hbm4b:s1+s16], $0x80, s15, s16, $0xb8;
	v63 =	vld [tilespmem:$0x0]  }
0xff: {  	s17 =	smov.u32 s19;
	_ =	swait.ge [sflag:s13], $0x3000  }
0x100: {  	s18 =	sadd.s32 $0x180, s18;
	p1 =	seq.s32 s17, $0x0;
	[sflag:s13] =	ssyncset.done $0x0  }
0x101: {  	s7 =	simm.s32 @!p1 $0x7;
	[sflag:s13] =	ssyncadd.s32 $0xFFFFD000  }
0x102: {  	[spmem:s2] =	stream.indirect.scatter.add.f32 [tilespmem:s21], [sflag:$0x8], $0x80, s10, s28, $0xb8;
	v63 =	vld [tilespmem:$0x0]  }
0x103: {  	_ =	swait.ge @!p1 [sflag:s7], $0x3000  }
0x104: {  	s14 =	rddreg [dreg:$0x9];
	[sflag:s7] =	ssyncset.done @!p1 $0x0  }
0x105: {  	s15 =	rddreg [dreg:$0x8];
	[sflag:s7] =	ssyncadd.s32 @!p1 $0xFFFFD000;
	s14 =	sadd.s32 s17, s14  }
0x106: {  	[tilespmem:s0], [sflag:$0xA] =	stream.linear.gather [hbm4b:s14+s4], $0x60, $0x38;
	v63 =	vld [tilespmem:$0x0]  }
0x107: {  	s16 =	rddreg [dreg:$0xa];
	s19 =	sadd.s32 s17, s15  }
0x108: {  	[tilespmem:s16], [sflag:$0xA] =	stream.linear.gather [hbm4b:s19+s4], $0x60, $0x38;
	v63 =	vld [tilespmem:$0x0]  }
0x109: {  	_ =	swait.ge [sflag:s3], $0x60  }
0x10a: {  	[sflag:s3] =	ssyncset.done $0x0  }
0x10b: {  	[sflag:s3] =	ssyncadd.s32 $0xFFFFFFA0  }
0x10c: {  	_ =	swait.ge [sflag:s3], $0x60  }
0x10d: {  	[sflag:s3] =	ssyncset.done $0x0  }
0x10e: {  	s20 =	rddreg [dreg:$0xb];
	[sflag:s3] =	ssyncadd.s32 $0xFFFFFFA0  }
0x10f: {  	[tilespmem:s20], [sflag:$0x3] =	stream.indirect.gather [hbm4b:s1+s28], $0x80, s0, s28, $0xb8;
	v63 =	vld [tilespmem:$0x0]  }
0x110: {  	_ =	swait.ge [sflag:s8], $0x3000  }
0x111: {  	[sflag:s8] =	ssyncset.done $0x0  }
0x112: {  	s7 =	simm.s32 @!p1 $0x8;
	[sflag:s8] =	ssyncadd.s32 $0xFFFFD000  }
0x113: {  	[spmem:s2] =	stream.indirect.scatter.add.f32 [tilespmem:s29], [sflag:$0x5], $0x80, s24, s28, $0xb8;
	v63 =	vld [tilespmem:$0x0]  }
0x114: {  	_ =	swait.ge @!p1 [sflag:s7], $0x3000  }
0x115: {  	s22 =	rddreg [dreg:$0x7];
	[sflag:s7] =	ssyncset.done @!p1 $0x0  }
0x116: {  	s25 =	rddreg [dreg:$0x6];
	[sflag:s7] =	ssyncadd.s32 @!p1 $0xFFFFD000;
	s14 =	sadd.s32 s17, s22  }
0x117: {  	[tilespmem:s9], [sflag:$0xA] =	stream.linear.gather [hbm4b:s14+s4], $0x60, $0x38;
	v63 =	vld [tilespmem:$0x0]  }
0x118: {  	s15 =	sadd.s32 s17, s25  }
0x119: {  	[tilespmem:s10], [sflag:$0xA] =	stream.linear.gather [hbm4b:s15+s4], $0x60, $0x38;
	v63 =	vld [tilespmem:$0x0]  }
0x11a: {  	_ =	swait.ge [sflag:s3], $0x60  }
0x11b: {  	[sflag:s3] =	ssyncset.done $0x0  }
0x11c: {  	[sflag:s3] =	ssyncadd.s32 $0xFFFFFFA0  }
0x11d: {  	_ =	swait.ge [sflag:s3], $0x60  }
0x11e: {  	[sflag:s3] =	ssyncset.done $0x0  }
0x11f: {  	[sflag:s3] =	ssyncadd.s32 $0xFFFFFFA0  }
0x120: {  	[tilespmem:s21], [sflag:$0x4] =	stream.indirect.gather [hbm4b:s1+s28], $0x80, s9, s28, $0xb8;
	v63 =	vld [tilespmem:$0x0]  }
0x121: {  	_ =	swait.ge [sflag:s11], $0x3000  }
0x122: {  	[sflag:s11] =	ssyncset.done $0x0  }
0x123: {  	[sflag:s11] =	ssyncadd.s32 $0xFFFFD000  }
0x124: {  	[spmem:s2] =	stream.indirect.scatter.add.f32 [tilespmem:s30], [sflag:$0x6], $0x80, s26, s28, $0xb8;
	v63 =	vld [tilespmem:$0x0]  }
0x125: {  	_ =	swait.ge [sflag:s12], $0x3000  }
0x126: {  	p0 =	seq.s32 s17, $0x4E0;
	[sflag:s12] =	ssyncset.done $0x0  }
0x127: {  	s7 =	simm.s32 @p0 $0x3;
	[sflag:s12] =	ssyncadd.s32 $0xFFFFD000  }
0x128: {  	_ =	swait.ge @p0 [sflag:s7], $0x3000  }
0x129: {  	s16 =	simm.s32 @p0 $0x1FF00;
	s14 =	simm.s32 @p0 $0x19C00;
	[sflag:s7] =	ssyncset.done @p0 $0x0  }
0x12a: {  	s15 =	simm.s32 @p0 $0x6;
	[sflag:s7] =	ssyncadd.s32 @p0 $0xFFFFD000;
	s7 =	simm.s32 @p0 $0x60  }
0x12b: {  	[spmem:s2] =	stream.indirect.scatter.add.f32 @p0 [tilespmem:s14], [sflag:$0x7], $0x80, s16, s7, $0xb8;
	v63 =	vld [tilespmem:$0x0]  }
0x12c: {  	_ =	swait.ge @p0 [sflag:s15], $0x3000  }
0x12d: {  	s7 =	sshrl.u32 @!p0 s18, $0x3;
	s16 =	simm.s32 @!p0 $0x1FC00;
	[sflag:s15] =	ssyncset.done @p0 $0x0  }
0x12e: {  	s14 =	sadd.s32 @!p0 s5, s7;
	[sflag:s15] =	ssyncadd.s32 @p0 $0xFFFFD000;
	s15 =	simm.s32 @!p0 $0x0  }
0x12f: {  	[tilespmem:s16], [sflag:$0xA] =	stream.linear.gather @!p0 [hbm4b:s14+s15], $0x60, $0x38;
	v63 =	vld [tilespmem:$0x0]  }
0x130: {  	s18 =	simm.s32 @!p0 $0xA;
	s7 =	sadd.s32 @!p0 s6, s7;
	s14 =	simm.s32 @!p0 $0x1FE00  }
0x131: {  	[tilespmem:s14], [sflag:$0xA] =	stream.linear.gather @!p0 [hbm4b:s7+s15], $0x60, $0x38;
	v63 =	vld [tilespmem:$0x0]  }
0x132: {  	_ =	swait.ge @!p0 [sflag:s18], $0x60  }
0x133: {  	[sflag:s18] =	ssyncset.done @!p0 $0x0  }
0x134: {  	[sflag:s18] =	ssyncadd.s32 @!p0 $0xFFFFFFA0  }
0x135: {  	_ =	swait.ge @!p0 [sflag:s18], $0x60  }
0x136: {  	s19 =	simm.s32 @!p0 $0x13C00;
	[sflag:s18] =	ssyncset.done @!p0 $0x0  }
0x137: {  	s7 =	simm.s32 @!p0 $0x3;
	s14 =	simm.s32 @!p0 $0x60;
	[sflag:s18] =	ssyncadd.s32 @!p0 $0xFFFFFFA0  }
0x138: {  	[tilespmem:s19], [sflag:$0x1] =	stream.indirect.gather @!p0 [hbm4b:s1+s14], $0x80, s16, s14, $0xb8;
	v63 =	vld [tilespmem:$0x0]  }
0x139: {  	_ =	swait.ge @!p0 [sflag:s7], $0x3000  }
0x13a: {  	s16 =	simm.s32 @!p0 $0x6;
	[sflag:s7] =	ssyncset.done @!p0 $0x0  }
0x13b: {  	s19 =	simm.s32 @!p0 $0x19C00;
	[sflag:s7] =	ssyncadd.s32 @!p0 $0xFFFFD000;
	s7 =	simm.s32 @!p0 $0x1FF00  }
0x13c: {  	[spmem:s2] =	stream.indirect.scatter.add.f32 @!p0 [tilespmem:s19], [sflag:$0x7], $0x80, s7, s14, $0xb8;
	v63 =	vld [tilespmem:$0x0]  }
0x13d: {  	_ =	swait.ge @!p0 [sflag:s16], $0x3000  }
0x13e: {  	s7 =	rddreg [dreg:$0x5]  }
0x13f: {  	[sflag:s16] =	ssyncset.done @!p0 $0x0;
	s19 =	rddreg [dreg:$0x4]  }
0x140: {  	[sflag:s16] =	ssyncadd.s32 @!p0 $0xFFFFD000;
	s7 =	sadd.s32 @!p0 s17, s7;
	s16 =	simm.s32 @!p0 $0x1FC80  }
0x141: {  	[tilespmem:s16], [sflag:$0xA] =	stream.linear.gather @!p0 [hbm4b:s7+s15], $0x60, $0x38;
	v63 =	vld [tilespmem:$0x0]  }
0x142: {  	s7 =	sadd.s32 @!p0 s17, s19;
	s17 =	simm.s32 @!p0 $0x1FE80  }
0x143: {  	[tilespmem:s17], [sflag:$0xA] =	stream.linear.gather @!p0 [hbm4b:s7+s15], $0x60, $0x38;
	v63 =	vld [tilespmem:$0x0]  }
0x144: {  	_ =	swait.ge @!p0 [sflag:s18], $0x60  }
0x145: {  	[sflag:s18] =	ssyncset.done @!p0 $0x0  }
0x146: {  	[sflag:s18] =	ssyncadd.s32 @!p0 $0xFFFFFFA0  }
0x147: {  	_ =	swait.ge @!p0 [sflag:s18], $0x60  }
0x148: {  	[sflag:s18] =	ssyncset.done @!p0 $0x0  }
0x149: {  	s7 =	simm.s32 @!p0 $0x16C00;
	[sflag:s18] =	ssyncadd.s32 @!p0 $0xFFFFFFA0  }
0x14a: {  	[tilespmem:s7], [sflag:$0x2] =	stream.indirect.gather @!p0 [hbm4b:s1+s14], $0x80, s16, s14, $0xb8;
	v63 =	vld [tilespmem:$0x0]  }
0x14b: {  	_ =	swait.ge [sflag:s13], $0x3000  }
0x14c: {  	[sflag:s13] =	ssyncset.done $0x0  }
0x14d: {  	s16 =	simm.s32 $0x7;
	[sflag:s13] =	ssyncadd.s32 $0xFFFFD000  }
0x14e: {  	[spmem:s2] =	stream.indirect.scatter.add.f32 [tilespmem:s21], [sflag:$0x8], $0x80, s10, s28, $0xb8;
	v63 =	vld [tilespmem:$0x0]  }
0x14f: {  	_ =	swait.ge [sflag:s16], $0x3000  }
0x150: {  	[sflag:s16] =	ssyncset.done $0x0  }
0x151: {  	s17 =	simm.s32 $0x8;
	[sflag:s16] =	ssyncadd.s32 $0xFFFFD000  }
0x152: {  	_ =	swait.ge [sflag:s17], $0x3000  }
0x153: {  	[sflag:s17] =	ssyncset.done $0x0  }
0x154: {  	[sflag:s17] =	ssyncadd.s32 $0xFFFFD000  }
0x155: {  	s18 =	stileid.u32;
	[bflag:$0x0] =	sbarrier.arrive $0xFFFF  }
0x156: {  	s7 =	sshll.u32 s18, $0x6;
	s15 =	rddreg [dreg:$0xc]  }
0x157: {  	s7 =	sor.u32 $0x1C0B, s7;
	s20 =	rddreg [dreg:$0x12];
	s19 =	sshrl.u32 s15, $0x3  }
0x158: {  	[hbm:s20], [sflag:s7] =	dma.local [spmem:s19], $0x2780  }
0x159: {  	_ =	swait.ge [sflag:s23], $0x2780  }
0x15a: {  	s22 =	rddreg [dreg:$0x1a]  }
0x15b: {  	s25 =	rddreg [dreg:$0x13];
	s14 =	sadd.s32 $0x1, s22  }
0x15c: {  	p0 =	sne.s32 s14, s25  }
.Ltmp2:
0x15d: {  	_ = 	snop;
	(pc) =	sbr.rel @p0 .LBB2_1-.Ltmp2, $3  }
0x15e: {  	_ =	sdelay $0x1  }
0x15f: {  	[sflag:s23] =	ssyncset.done $0x0  }
0x160: {  	[sflag:s23] =	ssyncadd.s32 $0xFFFFD880  }
0x161: {  	_ =	sfence.sel $0x180000  }
0x162: {  	[bflag:$0x0] =	sbarrier.arrive $0xFFFF  }
0x163: {  	_ =	strace $0x9000004D  }
0x164: {  	s0 =	stileid.u32;
	[bflag:$0x2] =	sbarrier.arrive $0xFFFF  }
0x165: {  	p0 =	sne.s32 s0, $0x0;
	s0 =	rddreg [dreg:$0x3]  }
0x166: {  	s0 =	sadd.s32 @!p0 $0x100000, s0  }
0x167: {  	[sflag:s0] =	ssyncadd.tile.s32 @!p0 $0x1;
	_ =	shalt  }
.Lfunc_end2:
_tile_overlayer_lowered:
.L_overlay_start_2:
0x168: {  	(tag) =	ssettag $0x2  }
0x169: {  	s0 =	rddreg [dreg:$0x0];
	s2 =	stileid.u32  }
0x16a: {  	s1 =	rddreg [dreg:$0x1];
	p0 =	sne.s32 s2, $0x0  }
0x16b: {  	s3 =	rddreg [dreg:$0x2];
	[bflag:$0x3] =	sbarrier.arrive $0xFFFF;
	s2 =	simm.s32 @!p0 $0x1C0B  }
0x16c: {  	[timem:s3], [sflag:s2] =	dma.local @!p0 [hbm:s0], s1  }
0x16d: {  	s0 =	simm.s32 @!p0 $0xB  }
0x16e: {  	_ =	swait.ge @!p0 [sflag:s0], s1  }
0x16f: {  	s1 =	ssub.s32 @!p0 $0x0, s1;
	[sflag:s0] =	ssyncset.done @!p0 $0x0  }
0x170: {  	[sflag:s0] =	ssyncadd.s32 @!p0 s1  }
0x171: {  	[bflag:$0x3] =	sbarrier.arrive $0xFFFF  }
0x172: {  	_ =	shalt  }

// kernel: kernel.8.cloned.1.call-start
scs
__scs_entry_jumppad:
0x0: {  	(pc) =	sbr.rel $0x88, $3  }
0x1: {  	(tag) =	ssettag $0x0;
	lr =	simm.s32 $0x1  }
0x2: {  	[smem:$0x3F99] =	sst lr;
	_ =	strace $0xD0000000  }
0x3: {  	_ = 	snop  }
0x4: {  	_ = 	snop  }
0x5: {  	_ = 	snop  }
0x6: {  	_ = 	snop  }
0x7: {  	_ = 	snop  }
__scs_overlays_trampoline_lowered:
0x8: {  	[smem:$0x3FA8] =	sst s0  }
0x9: {  	[smem:$0x3FA9] =	sst s1  }
0xa: {  	[smem:$0x3FAA] =	sst s2  }
0xb: {  	[smem:$0x3FAB] =	sst s3  }
0xc: {  	[smem:$0x3FAC] =	sst s4  }
0xd: {  	[smem:$0x3FAD] =	sst s5  }
0xe: {  	[smem:$0x3FAE] =	sst s6  }
0xf: {  	[smem:$0x3FAF] =	sst s7  }
0x10: {  	[smem:$0x3FB0] =	sst s8  }
0x11: {  	[smem:$0x3FB1] =	sst s9;
	s0 =	simm.s32 @!p0 $0x0  }
0x12: {  	s1 =	sld [smem:$0x3F97];
	s0 =	simm.s32 @p0 $0x1  }
0x13: {  	[smem:$0x3FB2] =	sst s0;
	s0 =	simm.s32 @!p1 $0x0  }
0x14: {  	s2 =	sld [smem:$0x3F96];
	s0 =	simm.s32 @p1 $0x1  }
0x15: {  	[smem:$0x3FB3] =	sst s0;
	s0 =	simm.s32 @!p2 $0x0  }
0x16: {  	s3 =	sld [smem:$0x3FDB];
	s0 =	simm.s32 @p2 $0x1  }
0x17: {  	s4 =	simm.s32 $0x1BF5;
	[smem:$0x3FB5] =	sst s0  }
0x18: {  	s0 =	sld [smem:$0x3F98];
	_ =	swait.ge [sflag:s4], $0x0  }
0x19: {  	s7 =	sld [smem:$0x3F99]  }
0x1a: {  	s8 =	sadd.s32 $0xFFFFE003, lr  }
0x1b: {  	s9 =	sadd.s32 $0xFFFFFEF7, lr;
	s5 =	simm.s32 $0xFFFFFFFF;
	p2 =	slt.u32 s8, $0xFFFFF086  }
0x1c: {  	p1 =	slt.u32 s9, $0xF7A;
	s5 =	simm.s32 @!p2 $0x0  }
0x1d: {  	s5 =	simm.s32 @p1 $0x1;
	p0 =	seq.s32 s7, s2  }
0x1e: {  	s7 =	smul.u32 @!p0 $0xF7A, s2;
	p2 =	seq.s32 @!p0 s5, $0x0  }
0x1f: {  	s9 =	smul.u32 $0xF7A, s1;
	s8 =	simm.s32 @!p0 $0x1BF5;
	p2 =	por !p2, p0  }
0x20: {  	[sflag:s8] =	ssyncset.s32 @!p0 $0xFFFFF086;
	s6 =	sadd.s32 @!p0 s3, s7;
	s7 =	simm.s32 @!p0 $0x108  }
0x21: {  	s3 =	sadd.s32 s3, s9;
	s6 =	sadd.s32 @!p0 $0x88, s6;
	s7 =	simm.s32 @p2 $0x1082  }
0x22: {  	[simem:s7], [sflag:s8] =	dma.local @!p0 [hbm:s6], $0xF7A  }
0x23: {  	s9 =	sor.u32 $0xD0000000, s2;
	s6 =	simm.s32 $0x108;
	_ =	swait.ge @!p0 [sflag:s8], $0x0  }
0x24: {  	s3 =	sadd.s32 $0x88, s3;
	s6 =	simm.s32 @!p1 $0x1082;
	[sflag:s4] =	ssyncset.s32 $0xFFFFF086  }
0x25: {  	[simem:s6], [sflag:s4] =	dma.local [hbm:s3], $0xF7A  }
0x26: {  	[smem:$0x3F99] =	sst s1;
	(tag) =	ssettag s2;
	_ =	strace s9  }
0x27: {  	s1 =	sld [smem:$0x3FA9]  }
0x28: {  	s2 =	sld [smem:$0x3FAA]  }
0x29: {  	s4 =	sld [smem:$0x3FAC]  }
0x2a: {  	p0 =	seq.s32 s5, $0x0;
	s5 =	sld [smem:$0x3FAD]  }
0x2b: {  	s6 =	sld [smem:$0x3FAE]  }
0x2c: {  	s7 =	sld [smem:$0x3FAF]  }
0x2d: {  	s3 =	simm.s32 $0x108;
	s8 =	sld [smem:$0x3FB0]  }
0x2e: {  	s3 =	simm.s32 @!p0 $0x1082;
	s9 =	sld [smem:$0x3FB1]  }
0x2f: {  	lr =	sadd.s32 s0, s3;
	s0 =	sld [smem:$0x3FA8]  }
0x30: {  	s3 =	sld [smem:$0x3FAB]  }
0x31: {  	[smem:$0x3FB4] =	sst s10  }
0x32: {  	s10 =	sld [smem:$0x3FB2];
	_ =	sdelay $0x3  }
0x33: {  	p0 =	seq.s32 s10, $0x1;
	s10 =	sld [smem:$0x3FB4];
	_ =	sdelay $0x3  }
0x34: {  	[smem:$0x3FB4] =	sst s10  }
0x35: {  	s10 =	sld [smem:$0x3FB3];
	_ =	sdelay $0x3  }
0x36: {  	p1 =	seq.s32 s10, $0x1;
	s10 =	sld [smem:$0x3FB4];
	_ =	sdelay $0x3  }
0x37: {  	[smem:$0x3FB4] =	sst s10  }
0x38: {  	s10 =	sld [smem:$0x3FB5]  }
0x39: {  	_ = 	snop;
	(pc) =	sbr.ind lr, $3  }
0x3a: {  	_ = 	snop  }
0x3b: {  	_ = 	snop  }
0x3c: {  	p2 =	seq.s32 s10, $0x1;
	s10 =	sld [smem:$0x3FB4]  }
0x3d: {  	_ =	shalt  }
0x3e: {  	_ =	shalt  }
0x3f: {  	_ =	shalt  }
0x40: {  	_ =	shalt  }
0x41: {  	_ =	shalt  }
0x42: {  	_ =	shalt  }
0x43: {  	_ =	shalt  }
0x44: {  	_ =	shalt  }
0x45: {  	_ =	shalt  }
0x46: {  	_ =	shalt  }
0x47: {  	_ =	shalt  }
0x48: {  	_ =	shalt  }
0x49: {  	_ =	shalt  }
0x4a: {  	_ =	shalt  }
0x4b: {  	_ =	shalt  }
0x4c: {  	_ =	shalt  }
0x4d: {  	_ =	shalt  }
0x4e: {  	_ =	shalt  }
0x4f: {  	_ =	shalt  }
0x50: {  	_ =	shalt  }
0x51: {  	_ =	shalt  }
0x52: {  	_ =	shalt  }
0x53: {  	_ =	shalt  }
0x54: {  	_ =	shalt  }
0x55: {  	_ =	shalt  }
0x56: {  	_ =	shalt  }
0x57: {  	_ =	shalt  }
0x58: {  	_ =	shalt  }
0x59: {  	_ =	shalt  }
0x5a: {  	_ =	shalt  }
0x5b: {  	_ =	shalt  }
0x5c: {  	_ =	shalt  }
0x5d: {  	_ =	shalt  }
0x5e: {  	_ =	shalt  }
0x5f: {  	_ =	shalt  }
0x60: {  	_ =	shalt  }
0x61: {  	_ =	shalt  }
0x62: {  	_ =	shalt  }
0x63: {  	_ =	shalt  }
0x64: {  	_ =	shalt  }
0x65: {  	_ =	shalt  }
0x66: {  	_ =	shalt  }
0x67: {  	_ =	shalt  }
0x68: {  	_ =	shalt  }
0x69: {  	_ =	shalt  }
0x6a: {  	_ =	shalt  }
0x6b: {  	_ =	shalt  }
0x6c: {  	_ =	shalt  }
0x6d: {  	_ =	shalt  }
0x6e: {  	_ =	shalt  }
0x6f: {  	_ =	shalt  }
0x70: {  	_ =	shalt  }
0x71: {  	_ =	shalt  }
0x72: {  	_ =	shalt  }
0x73: {  	_ =	shalt  }
0x74: {  	_ =	shalt  }
0x75: {  	_ =	shalt  }
0x76: {  	_ =	shalt  }
0x77: {  	_ =	shalt  }
0x78: {  	_ =	shalt  }
0x79: {  	_ =	shalt  }
0x7a: {  	_ =	shalt  }
0x7b: {  	_ =	shalt  }
0x7c: {  	_ =	shalt  }
0x7d: {  	_ =	shalt  }
0x7e: {  	_ =	shalt  }
0x7f: {  	_ =	shalt  }
0x80: {  	_ =	shalt  }
0x81: {  	_ =	shalt  }
0x82: {  	_ =	shalt  }
0x83: {  	_ =	shalt  }
0x84: {  	_ =	shalt  }
0x85: {  	_ =	shalt  }
0x86: {  	_ =	shalt  }
0x87: {  	_ =	shalt  }
.Lfunc_end0:
.L_simem_size_0:
called_computation_lowered:
.L_overlay_start_0:
0x88: {  	s2 =	sld [smem:$0x3FD9]  }
0x89: {  	s3 =	sld [smem:$0x3FFE];
	_ =	sdelay $0x1  }
0x8a: {  	s1 =	srdreg.scid  }
0x8b: {  	s0 =	sand.u32 $0x1, s1  }
0x8c: {  	s17 =	sshll.u32 s0, $0xA;
	s2 =	sadd.s32 s3, s2  }
0x8d: {  	s2 =	sadd.s32 s2, s17  }
0x8e: {  	[smem:$0x3FC0] =	sst s2  }
0x8f: {  	_ = 	snop  }
0x90: {  	s2 =	sld [smem:$0x3FC9]  }
0x91: {  	s18 =	sld [smem:$0x3FD0];
	(tm) =	ssettm $0x1  }
0x92: {  	s4 =	sld [smem:$0x3FFB];
	_ =	sdelay $0x3  }
0x93: {  	_ =	strace s4  }
0x94: {  	s4 =	sld [smem:$0x3FFC];
	_ =	sdelay $0x3  }
0x95: {  	_ =	strace s4  }
0x96: {  	s4 =	sld [smem:$0x3FFD];
	_ =	sdelay $0x3  }
0x97: {  	_ =	strace s4  }
0x98: {  	_ =	strace $0x8FFFFFFF  }
0x99: {  	s19 =	sld [smem:$0x3FDB];
	_ =	sdelay $0x1  }
0x9a: {  	s5 =	simm.s32 $_scs_section_size  }
0x9b: {  	s6 =	simm.s32 $_size__tile_overlayer_lowered;
	s7 =	simm.s32 $_tile_overlayer_lowered  }
0x9c: {  	s22 =	simm.s32 $0x1BFF;
	s21 =	sshll.u32 s7, $0x1;
	s4 =	sadd.s32 s5, s19  }
0x9d: {  	s8 =	simm.s32 $0x0;
	s20 =	sshll.u32 s6, $0x1;
	s6 =	sadd.s32 s21, s4  }
0x9e: {  	[timem:s8], [sflag:s22] =	dma.local [hbm:s6], s20  }
0x9f: {  	_ =	swait.ge [sflag:s22], s20  }
0xa0: {  	s5 =	ssub.s32 $0x0, s20;
	[sflag:s22] =	ssyncset.done $0x0  }
0xa1: {  	[sflag:s22] =	ssyncadd.s32 s5;
	_ =	sdelay $0x1  }
0xa2: {  	s23 =	simm.s32 $0x1B8B  }
0xa3: {  	_ =	swait.ge [sflag:s23], $0x1  }
0xa4: {  	[sflag:s23] =	ssyncset.done $0x0  }
0xa5: {  	s25 =	simm.s32 $0x1B8E;
	s24 =	sld [smem:$0x3FFE];
	[sflag:s23] =	ssyncadd.s32 $0xFFFFFFFF  }
0xa6: {  	s26 =	simm.s32 $execute0_lowered;
	[smem:$0x3FD2] =	sst s25  }
0xa7: {  	s6 =	sshll.u32 s26, $0x1;
	_ =	strace $0x80000046;
	[dreg:$0x1] =	wrdreg $0xFFFFFFFF  }
0xa8: {  	s28 =	simm.s32 $_size_execute0_lowered;
	s4 =	sadd.s32 s4, s6;
	[dreg:$0x0] =	wrdreg $0x0  }
0xa9: {  	s6 =	sshll.u32 s28, $0x1;
	[dreg:$0x2] =	wrdreg s4  }
0xaa: {  	[dreg:$0x3] =	wrdreg s6  }
0xab: {  	[dreg:$0x4] =	wrdreg $0xC0  }
0xac: {  	_ =	task [dreg:s8], $0x5FFFF  }
0xad: {  	[dreg:$0x1] =	wrdreg $0xFFFFFFFF  }
0xae: {  	[dreg:$0x0] =	wrdreg $0x60  }
0xaf: {  	[dreg:$0x2] =	wrdreg s2  }
0xb0: {  	[dreg:$0x3] =	wrdreg s18  }
0xb1: {  	[dreg:$0x4] =	wrdreg s24  }
0xb2: {  	[dreg:$0x5] =	wrdreg $0x0  }
0xb3: {  	[dreg:$0x6] =	wrdreg $0x9  }
0xb4: {  	_ =	task.clear_ibuf [dreg:s8], $0x7FFFF;
	_ =	strace $0x90000046  }
0xb5: {  	s29 =	simm.s32 $0x9;
	_ =	strace $0x80000048  }
0xb6: {  	_ =	swait.ge [sflag:s29], $0x1  }
0xb7: {  	[sflag:s29] =	ssyncadd.s32 $0xFFFFFFFF  }
0xb8: {  	_ =	strace $0x90000048  }
0xb9: {  	_ =	sfence  }
0xba: {  	s30 =	sld [smem:$0x0];
	_ =	sdelay $0x2  }
0xbb: {  	s31 =	sshll.u32 s1, $0xD;
	s1 =	sshrl.u32 s1, $0x2  }
0xbc: {  	s3 =	sand.u32 $0x4000, s31;
	s1 =	sadd.s32 s1, s30  }
0xbd: {  	s0 =	sor.u32 s3, s0;
	s1 =	sshll.u32 s1, $0x11  }
0xbe: {  	s0 =	sor.u32 s1, s0  }
0xbf: {  	s0 =	sadd.s32 $0x8F2B, s0  }
0xc0: {  	[sflag:s0] =	ssyncadd.remote.s32 $0x1  }
0xc1: {  	_ =	sfence.sel $0xFFFF  }
0xc2: {  	[dreg:$0x0] =	wrdreg $0xFFFFFFFF;
	(pc) =	sbr.abs _section_cstart, $3  }
0xc3: {  	[dreg:$0x1] =	wrdreg $0xFFFFFFFF  }
0xc4: {  	_ =	task.clear_ibuf [dreg:s8], $0x2FFFF;
	_ =	strace $0x9FFFFFFF  }
0xc5: {  	(tm) =	ssettm $0x7FFFFFFF  }
tec
execute0_lowered:
.L_overlay_start_1:
0x0: {  	(tag) =	ssettag $0x1  }
0x1: {  	s0 =	rddreg [dreg:$0x0]  }
0x2: {  	s1 =	rddreg [dreg:$0x1]  }
0x3: {  	s2 =	rddreg [dreg:$0x2];
	s3 =	srdreg.scid  }
0x4: {  	s4 =	rddreg [dreg:$0x3];
	s11 =	stileid.u32  }
0x5: {  	s5 =	simm.s32 $0x0;
	s28 =	simm.s32 $0x60;
	s8 =	smul.u32 $0x13C00, s11  }
0x6: {  	s29 =	simm.s32 $0x13C00;
	s30 =	simm.s32 $0x16C00;
	s9 =	smul.u32 $0x4F000, s11  }
0x7: {  	s31 =	simm.s32 $0x9;
	s3 =	sand.u32 $0x1, s3;
	s23 =	smul.u32 $0x2880, s11  }
0x8: {  	[smem:$0x7FF] =	sst s5;
	s6 =	sadd.s32 $0x2E00, s2;
	s7 =	smul.u32 $0x13C000, s3  }
0x9: {  	_ =	strace $0x80000047;
	s20 =	sshll.u32 s3, $0x4;
	s21 =	ssub.s32 $0x2, s3  }
0xa: {  	s3 =	smul.u32 $0x28800, s3;
	s10 =	sshrl.u32 s21, $0x1;
	s9 =	sshrl.u32 s9, $0x2  }
0xb: {  	s7 =	sadd.s32 s8, s7;
	s8 =	sor.u32 s11, s20;
	s15 =	sadd.s32 s9, s4  }
0xc: {  	s10 =	ssub.s32 s21, s10;
	s22 =	sadd.s32 $0x12000, s15;
	[dreg:$0xd] =	wrdreg s15  }
0xd: {  	s3 =	sadd.s32 s23, s3;
	s9 =	smax.u32 s10, $0x1;
	[dreg:$0xe] =	wrdreg s22  }
0xe: {  	s7 =	sshrl.u32 s7, $0x3;
	s11 =	sadd.s32 $0x3000, s15;
	[dreg:$0x14] =	wrdreg s9  }
0xf: {  	s8 =	smul.u32 $0x2880, s8;
	s12 =	sadd.s32 $0x6000, s15;
	[dreg:$0x15] =	wrdreg s11  }
0x10: {  	s10 =	sadd.s32 $0x1E0, s3;
	s13 =	sadd.s32 $0x9000, s15;
	[dreg:$0x16] =	wrdreg s12  }
0x11: {  	s18 =	sadd.s32 $0xC0, s3;
	s21 =	sadd.s32 $0xC000, s15;
	[dreg:$0x17] =	wrdreg s13  }
0x12: {  	s23 =	sadd.s32 $0xF000, s15;
	s2 =	sadd.s32 s7, s2;
	[dreg:$0x18] =	wrdreg s21  }
0x13: {  	s9 =	sadd.s32 $0x120, s3;
	[dreg:$0x19] =	wrdreg s23;
	s3 =	sadd.s32 $0x180, s3  }
0x14: {  	s20 =	sshrl.u32 s18, $0x3;
	s2 =	sadd.s32 $0xD000, s2;
	[dreg:$0x1a] =	wrdreg s3  }
0x15: {  	s8 =	sshrl.u32 s8, $0x3;
	s22 =	sadd.s32 s20, s6;
	[dreg:$0x13] =	wrdreg s2  }
0x16: {  	s21 =	simm.s32 $0x1CC00;
	s24 =	sadd.s32 s1, s8;
	[dreg:$0x9] =	wrdreg s22  }
0x17: {  	s16 =	sshrl.u32 s9, $0x3;
	s25 =	sadd.s32 s6, s8;
	[dreg:$0xf] =	wrdreg s24  }
0x18: {  	s23 =	simm.s32 $0xB;
	s17 =	sadd.s32 s16, s6;
	[dreg:$0x10] =	wrdreg s25  }
0x19: {  	s8 =	sor.u32 $0xC, s8;
	s19 =	sadd.s32 s16, s1;
	[dreg:$0x7] =	wrdreg s17  }
0x1a: {  	s11 =	simm.s32 $0x2;
	s26 =	sadd.s32 s1, s8;
	[dreg:$0x8] =	wrdreg s19  }
0x1b: {  	s2 =	sshrl.u32 s10, $0x3;
	s8 =	sadd.s32 s6, s8;
	[dreg:$0x11] =	wrdreg s26  }
0x1c: {  	s12 =	simm.s32 $0x5;
	s14 =	sadd.s32 s2, s6;
	[dreg:$0x12] =	wrdreg s8  }
0x1d: {  	s13 =	simm.s32 $0x4;
	s2 =	sadd.s32 s2, s1;
	[dreg:$0x5] =	wrdreg s14  }
0x1e: {  	s3 =	simm.s32 $0xA;
	s24 =	sadd.s32 s20, s1;
	[dreg:$0x6] =	wrdreg s2  }
0x1f: {  	s9 =	simm.s32 $0x1FD80;
	s25 =	simm.s32 $0x1FF00;
	[dreg:$0xa] =	wrdreg s24  }
0x20: {  	s10 =	simm.s32 $0x1FF80;
	s24 =	simm.s32 $0x1FE00;
	[dreg:$0xb] =	wrdreg s25  }
0x21: {  	s26 =	simm.s32 $0x19C00;
	s2 =	simm.s32 $0x1FD00;
	s8 =	simm.s32 $0x1  }
0x22: {  	v0 =	vimm.f32 $0.0e+00;
	s14 =	simm.s32 $0x0;
	[dreg:$0xc] =	wrdreg s26;
	s26 =	simm.s32 $0x1FE80  }
.LBB2_1:
0x23: {  	[dreg:$0x1b] =	wrdreg s14;
	s17 =	simm.s32 $0x70;
	s18 =	simm.s32 $0x3C0  }
.LBB2_2:
0x24: {  	p0 =	sne.s32 s18, $0xBFC0;
	[tilespmem:s17+$0x1CC00] =	vst v0  }
0x25: {  	[tilespmem:s17+$0x1CB90] =	vst v0  }
0x26: {  	[tilespmem:s17+$0x1CBA0] =	vst v0  }
.Ltmp0:
0x27: {  	[tilespmem:s17+$0x1CBB0] =	vst v0;
	(pc) =	sbr.rel @p0 .LBB2_2-.Ltmp0, $4  }
0x28: {  	[tilespmem:s17+$0x1CBC0] =	vst v0  }
0x29: {  	[tilespmem:s17+$0x1CBD0] =	vst v0  }
0x2a: {  	[tilespmem:s17+$0x1CBE0] =	vst v0  }
0x2b: {  	[tilespmem:s17+$0x1CBF0] =	vst v0;
	s17 =	sshra.s32 s18, $0x2;
	s18 =	sadd.s32 $0x200, s18  }
0x2c: {  	[tilespmem:s17+$0x1CC00] =	vst v0  }
0x2d: {  	[tilespmem:s17+$0x1CB90] =	vst v0  }
0x2e: {  	[tilespmem:s17+$0x1CBA0] =	vst v0  }
0x2f: {  	[tilespmem:s17+$0x1CBB0] =	vst v0  }
0x30: {  	[tilespmem:s17+$0x1CBC0] =	vst v0  }
0x31: {  	[tilespmem:s17+$0x1CBD0] =	vst v0  }
0x32: {  	[tilespmem:s17+$0x1CBE0] =	vst v0  }
0x33: {  	[tilespmem:s17+$0x1CBF0] =	vst v0  }
0x34: {  	[spmem:s15] =	stream.linear.scatter [tilespmem:s21], [sflag:$0x9], $0x3000, $0x38;
	v63 =	vld [tilespmem:$0x0]  }
0x35: {  	s7 =	rddreg [dreg:$0x15]  }
0x36: {  	[spmem:s7] =	stream.linear.scatter [tilespmem:s21], [sflag:$0x9], $0x3000, $0x38;
	v63 =	vld [tilespmem:$0x0]  }
0x37: {  	s20 =	rddreg [dreg:$0x16]  }
0x38: {  	[spmem:s20] =	stream.linear.scatter [tilespmem:s21], [sflag:$0x9], $0x3000, $0x38;
	v63 =	vld [tilespmem:$0x0]  }
0x39: {  	s22 =	rddreg [dreg:$0x17]  }
0x3a: {  	[spmem:s22] =	stream.linear.scatter [tilespmem:s21], [sflag:$0x9], $0x3000, $0x38;
	v63 =	vld [tilespmem:$0x0]  }
0x3b: {  	s25 =	rddreg [dreg:$0x18]  }
0x3c: {  	[spmem:s25] =	stream.linear.scatter [tilespmem:s21], [sflag:$0x9], $0x3000, $0x38;
	v63 =	vld [tilespmem:$0x0]  }
0x3d: {  	s14 =	rddreg [dreg:$0x19]  }
0x3e: {  	[spmem:s14] =	stream.linear.scatter [tilespmem:s21], [sflag:$0x9], $0x3000, $0x38;
	v63 =	vld [tilespmem:$0x0]  }
0x3f: {  	s15 =	rddreg [dreg:$0xe]  }
0x40: {  	[spmem:s15] =	stream.linear.scatter [tilespmem:s21], [sflag:$0x9], $0x1C00, $0x38;
	v63 =	vld [tilespmem:$0x0]  }
0x41: {  	s16 =	simm.s32 $0x0;
	s18 =	rddreg [dreg:$0xf];
	s14 =	simm.s32 $0x1FC00  }
0x42: {  	[tilespmem:s14], [sflag:$0xB] =	stream.linear.gather [hbm4b:s18+s16], $0x60, $0x38;
	v63 =	vld [tilespmem:$0x0]  }
0x43: {  	_ =	swait.ge [sflag:s23], $0x60  }
0x44: {  	[sflag:s23] =	ssyncset.done $0x0  }
0x45: {  	s19 =	rddreg [dreg:$0x10];
	[sflag:s23] =	ssyncadd.s32 $0xFFFFFFA0  }
0x46: {  	[tilespmem:s24], [sflag:$0xB] =	stream.linear.gather [hbm4b:s19+s16], $0x60, $0x38;
	v63 =	vld [tilespmem:$0x0]  }
0x47: {  	_ =	swait.ge [sflag:s23], $0x60  }
0x48: {  	[sflag:s23] =	ssyncset.done $0x0  }
0x49: {  	s22 =	simm.s32 $0x1FC80;
	s20 =	rddreg [dreg:$0x11];
	[sflag:s23] =	ssyncadd.s32 $0xFFFFFFA0  }
0x4a: {  	[tilespmem:s22], [sflag:$0xB] =	stream.linear.gather [hbm4b:s20+s16], $0x60, $0x38;
	v63 =	vld [tilespmem:$0x0]  }
0x4b: {  	_ =	swait.ge [sflag:s23], $0x60  }
0x4c: {  	[sflag:s23] =	ssyncset.done $0x0  }
0x4d: {  	s25 =	rddreg [dreg:$0x12];
	[sflag:s23] =	ssyncadd.s32 $0xFFFFFFA0  }
0x4e: {  	[tilespmem:s26], [sflag:$0xB] =	stream.linear.gather [hbm4b:s25+s16], $0x60, $0x38;
	v63 =	vld [tilespmem:$0x0]  }
0x4f: {  	_ =	swait.ge [sflag:s23], $0x60  }
0x50: {  	[sflag:s23] =	ssyncset.done $0x0  }
0x51: {  	[sflag:s23] =	ssyncadd.s32 $0xFFFFFFA0  }
0x52: {  	[tilespmem:s29], [sflag:$0x1] =	stream.indirect.gather [hbm4b:s0+s28], $0x80, s14, s28, $0xb8;
	v63 =	vld [tilespmem:$0x0]  }
0x53: {  	_ = 	snop  }
0x54: {  	[tilespmem:s30], [sflag:$0x2] =	stream.indirect.gather [hbm4b:s0+s28], $0x80, s22, s28, $0xb8;
	v63 =	vld [tilespmem:$0x0]  }
0x55: {  	_ =	swait.ge [sflag:s31], $0x3000  }
0x56: {  	[sflag:s31] =	ssyncset.done $0x0  }
0x57: {  	[sflag:s31] =	ssyncadd.s32 $0xFFFFD000  }
0x58: {  	_ =	swait.ge [sflag:s31], $0x3000  }
0x59: {  	[sflag:s31] =	ssyncset.done $0x0  }
0x5a: {  	[sflag:s31] =	ssyncadd.s32 $0xFFFFD000  }
0x5b: {  	_ =	swait.ge [sflag:s31], $0x3000  }
0x5c: {  	[sflag:s31] =	ssyncset.done $0x0  }
0x5d: {  	[sflag:s31] =	ssyncadd.s32 $0xFFFFD000  }
0x5e: {  	_ =	swait.ge [sflag:s31], $0x3000  }
0x5f: {  	[sflag:s31] =	ssyncset.done $0x0  }
0x60: {  	[sflag:s31] =	ssyncadd.s32 $0xFFFFD000  }
0x61: {  	_ =	swait.ge [sflag:s31], $0x3000  }
0x62: {  	[sflag:s31] =	ssyncset.done $0x0  }
0x63: {  	[sflag:s31] =	ssyncadd.s32 $0xFFFFD000  }
0x64: {  	_ =	swait.ge [sflag:s31], $0x3000  }
0x65: {  	[sflag:s31] =	ssyncset.done $0x0  }
0x66: {  	[sflag:s31] =	ssyncadd.s32 $0xFFFFD000  }
0x67: {  	_ =	swait.ge [sflag:s31], $0x1C00  }
0x68: {  	[sflag:s31] =	ssyncset.done $0x0  }
0x69: {  	p0 =	por $0x1, $0x1;
	[sflag:s31] =	ssyncadd.s32 $0xFFFFE400  }
0x6a: {  	s17 =	simm.s32 @!p0 $0x7;
	[bflag:$0x0] =	sbarrier.arrive $0xFFFF  }
0x6b: {  	_ =	swait.ge @!p0 [sflag:s17], $0x3000  }
0x6c: {  	s18 =	rddreg [dreg:$0xa];
	[sflag:s17] =	ssyncset.done @!p0 $0x0  }
0x6d: {  	s19 =	rddreg [dreg:$0x9];
	[sflag:s17] =	ssyncadd.s32 @!p0 $0xFFFFD000;
	s14 =	sadd.s32 $0x0, s18  }
0x6e: {  	[tilespmem:s2], [sflag:$0xA] =	stream.linear.gather [hbm4b:s14+s5], $0x60, $0x38;
	v63 =	vld [tilespmem:$0x0]  }
0x6f: {  	s15 =	rddreg [dreg:$0xb];
	s16 =	sadd.s32 $0x0, s19  }
0x70: {  	[tilespmem:s15], [sflag:$0xA] =	stream.linear.gather [hbm4b:s16+s5], $0x60, $0x38;
	v63 =	vld [tilespmem:$0x0]  }
0x71: {  	_ =	swait.ge [sflag:s3], $0x60  }
0x72: {  	[sflag:s3] =	ssyncset.done $0x0  }
0x73: {  	[sflag:s3] =	ssyncadd.s32 $0xFFFFFFA0  }
0x74: {  	_ =	swait.ge [sflag:s3], $0x60  }
0x75: {  	[sflag:s3] =	ssyncset.done $0x0  }
0x76: {  	s18 =	rddreg [dreg:$0xc];
	[sflag:s3] =	ssyncadd.s32 $0xFFFFFFA0  }
0x77: {  	[tilespmem:s18], [sflag:$0x3] =	stream.indirect.gather [hbm4b:s0+s28], $0x80, s2, s28, $0xb8;
	v63 =	vld [tilespmem:$0x0]  }
0x78: {  	_ =	swait.ge [sflag:s8], $0x3000  }
0x79: {  	[sflag:s8] =	ssyncset.done $0x0  }
0x7a: {  	s17 =	simm.s32 @!p0 $0x8;
	[sflag:s8] =	ssyncadd.s32 $0xFFFFD000  }
0x7b: {  	[spmem:s4] =	stream.indirect.scatter.add.f32 [tilespmem:s29], [sflag:$0x5], $0x80, s24, s28, $0xb8;
	v63 =	vld [tilespmem:$0x0]  }
0x7c: {  	_ =	swait.ge @!p0 [sflag:s17], $0x3000  }
0x7d: {  	s19 =	rddreg [dreg:$0x8];
	[sflag:s17] =	ssyncset.done @!p0 $0x0  }
0x7e: {  	s20 =	rddreg [dreg:$0x7];
	[sflag:s17] =	ssyncadd.s32 @!p0 $0xFFFFD000;
	s22 =	sadd.s32 $0x0, s19  }
0x7f: {  	[tilespmem:s9], [sflag:$0xA] =	stream.linear.gather [hbm4b:s22+s5], $0x60, $0x38;
	v63 =	vld [tilespmem:$0x0]  }
0x80: {  	s25 =	sadd.s32 $0x0, s20  }
0x81: {  	[tilespmem:s10], [sflag:$0xA] =	stream.linear.gather [hbm4b:s25+s5], $0x60, $0x38;
	v63 =	vld [tilespmem:$0x0]  }
0x82: {  	_ =	swait.ge [sflag:s3], $0x60  }
0x83: {  	[sflag:s3] =	ssyncset.done $0x0  }
0x84: {  	[sflag:s3] =	ssyncadd.s32 $0xFFFFFFA0  }
0x85: {  	_ =	swait.ge [sflag:s3], $0x60  }
0x86: {  	[sflag:s3] =	ssyncset.done $0x0  }
0x87: {  	[sflag:s3] =	ssyncadd.s32 $0xFFFFFFA0  }
0x88: {  	[tilespmem:s21], [sflag:$0x4] =	stream.indirect.gather [hbm4b:s0+s28], $0x80, s9, s28, $0xb8;
	v63 =	vld [tilespmem:$0x0]  }
0x89: {  	_ =	swait.ge [sflag:s11], $0x3000  }
0x8a: {  	[sflag:s11] =	ssyncset.done $0x0  }
0x8b: {  	[sflag:s11] =	ssyncadd.s32 $0xFFFFD000  }
0x8c: {  	[spmem:s4] =	stream.indirect.scatter.add.f32 [tilespmem:s30], [sflag:$0x6], $0x80, s26, s28, $0xb8;
	v63 =	vld [tilespmem:$0x0]  }
0x8d: {  	_ =	swait.ge [sflag:s12], $0x3000  }
0x8e: {  	p0 =	por $0x0, $0x0;
	[sflag:s12] =	ssyncset.done $0x0  }
0x8f: {  	s17 =	simm.s32 @p0 $0x3;
	[sflag:s12] =	ssyncadd.s32 $0xFFFFD000  }
0x90: {  	_ =	swait.ge @p0 [sflag:s17], $0x3000  }
0x91: {  	s18 =	simm.s32 @p0 $0x19C00;
	s19 =	simm.s32 @p0 $0x6;
	[sflag:s17] =	ssyncset.done @p0 $0x0  }
0x92: {  	s22 =	simm.s32 @p0 $0x1FF00;
	[sflag:s17] =	ssyncadd.s32 @p0 $0xFFFFD000;
	s17 =	simm.s32 @p0 $0x60  }
0x93: {  	[spmem:s4] =	stream.indirect.scatter.add.f32 @p0 [tilespmem:s18], [sflag:$0x7], $0x80, s22, s17, $0xb8;
	v63 =	vld [tilespmem:$0x0]  }
0x94: {  	s7 =	rddreg [dreg:$0x1a];
	_ =	swait.ge @p0 [sflag:s19], $0x3000  }
0x95: {  	s17 =	sshrl.u32 @!p0 s7, $0x3;
	s22 =	simm.s32 @!p0 $0x1FC00;
	[sflag:s19] =	ssyncset.done @p0 $0x0  }
0x96: {  	s18 =	sadd.s32 @!p0 s1, s17;
	[sflag:s19] =	ssyncadd.s32 @p0 $0xFFFFD000;
	s19 =	simm.s32 @!p0 $0x0  }
0x97: {  	[tilespmem:s22], [sflag:$0xA] =	stream.linear.gather @!p0 [hbm4b:s18+s19], $0x60, $0x38;
	v63 =	vld [tilespmem:$0x0]  }
0x98: {  	s25 =	simm.s32 @!p0 $0xA;
	s17 =	sadd.s32 @!p0 s6, s17;
	s18 =	simm.s32 @!p0 $0x1FE00  }
0x99: {  	[tilespmem:s18], [sflag:$0xA] =	stream.linear.gather @!p0 [hbm4b:s17+s19], $0x60, $0x38;
	v63 =	vld [tilespmem:$0x0]  }
0x9a: {  	_ =	swait.ge @!p0 [sflag:s25], $0x60  }
0x9b: {  	[sflag:s25] =	ssyncset.done @!p0 $0x0  }
0x9c: {  	[sflag:s25] =	ssyncadd.s32 @!p0 $0xFFFFFFA0  }
0x9d: {  	_ =	swait.ge @!p0 [sflag:s25], $0x60  }
0x9e: {  	s14 =	simm.s32 @!p0 $0x13C00;
	[sflag:s25] =	ssyncset.done @!p0 $0x0  }
0x9f: {  	s17 =	simm.s32 @!p0 $0x3;
	s18 =	simm.s32 @!p0 $0x60;
	[sflag:s25] =	ssyncadd.s32 @!p0 $0xFFFFFFA0  }
0xa0: {  	[tilespmem:s14], [sflag:$0x1] =	stream.indirect.gather @!p0 [hbm4b:s0+s18], $0x80, s22, s18, $0xb8;
	v63 =	vld [tilespmem:$0x0]  }
0xa1: {  	_ =	swait.ge @!p0 [sflag:s17], $0x3000  }
0xa2: {  	s14 =	simm.s32 @!p0 $0x6;
	[sflag:s17] =	ssyncset.done @!p0 $0x0  }
0xa3: {  	s22 =	simm.s32 @!p0 $0x19C00;
	[sflag:s17] =	ssyncadd.s32 @!p0 $0xFFFFD000;
	s17 =	simm.s32 @!p0 $0x1FF00  }
0xa4: {  	[spmem:s4] =	stream.indirect.scatter.add.f32 @!p0 [tilespmem:s22], [sflag:$0x7], $0x80, s17, s18, $0xb8;
	v63 =	vld [tilespmem:$0x0]  }
0xa5: {  	_ =	swait.ge @!p0 [sflag:s14], $0x3000  }
0xa6: {  	s17 =	rddreg [dreg:$0x6]  }
0xa7: {  	[sflag:s14] =	ssyncset.done @!p0 $0x0;
	s22 =	rddreg [dreg:$0x5]  }
0xa8: {  	[sflag:s14] =	ssyncadd.s32 @!p0 $0xFFFFD000;
	s14 =	sadd.s32 @!p0 $0x0, s17;
	s17 =	simm.s32 @!p0 $0x1FC80  }
0xa9: {  	[tilespmem:s17], [sflag:$0xA] =	stream.linear.gather @!p0 [hbm4b:s14+s19], $0x60, $0x38;
	v63 =	vld [tilespmem:$0x0]  }
0xaa: {  	s14 =	sadd.s32 @!p0 $0x0, s22;
	s22 =	simm.s32 @!p0 $0x1FE80  }
0xab: {  	[tilespmem:s22], [sflag:$0xA] =	stream.linear.gather @!p0 [hbm4b:s14+s19], $0x60, $0x38;
	v63 =	vld [tilespmem:$0x0]  }
0xac: {  	_ =	swait.ge @!p0 [sflag:s25], $0x60  }
0xad: {  	[sflag:s25] =	ssyncset.done @!p0 $0x0  }
0xae: {  	[sflag:s25] =	ssyncadd.s32 @!p0 $0xFFFFFFA0  }
0xaf: {  	_ =	swait.ge @!p0 [sflag:s25], $0x60  }
0xb0: {  	[sflag:s25] =	ssyncset.done @!p0 $0x0  }
0xb1: {  	s14 =	simm.s32 @!p0 $0x16C00;
	[sflag:s25] =	ssyncadd.s32 @!p0 $0xFFFFFFA0  }
0xb2: {  	[tilespmem:s14], [sflag:$0x2] =	stream.indirect.gather @!p0 [hbm4b:s0+s18], $0x80, s17, s18, $0xb8;
	v63 =	vld [tilespmem:$0x0]  }
0xb3: {  	p1 =	por $0x0, $0x0;
	s22 =	simm.s32 $0x60;
	_ =	swait.ge [sflag:s13], $0x3000  }
0xb4: {  	s17 =	simm.s32 $0x30;
	s18 =	sadd.s32 $0x180, s7;
	[sflag:s13] =	ssyncset.done $0x0  }
.LBB2_4:
0xb5: {  	s14 =	simm.s32 @!p1 $0x7;
	[sflag:s13] =	ssyncadd.s32 $0xFFFFD000  }
0xb6: {  	[spmem:s4] =	stream.indirect.scatter.add.f32 [tilespmem:s21], [sflag:$0x8], $0x80, s10, s28, $0xb8;
	v63 =	vld [tilespmem:$0x0]  }
0xb7: {  	_ =	swait.ge @!p1 [sflag:s14], $0x3000  }
0xb8: {  	[sflag:s14] =	ssyncset.done @!p1 $0x0;
	s25 =	rddreg [dreg:$0xa]  }
0xb9: {  	s20 =	rddreg [dreg:$0x9];
	[sflag:s14] =	ssyncadd.s32 @!p1 $0xFFFFD000;
	s25 =	sadd.s32 s17, s25  }
0xba: {  	[tilespmem:s2], [sflag:$0xA] =	stream.linear.gather [hbm4b:s25+s5], $0x60, $0x38;
	v63 =	vld [tilespmem:$0x0]  }
0xbb: {  	s15 =	rddreg [dreg:$0xb];
	s14 =	sadd.s32 s17, s20  }
0xbc: {  	[tilespmem:s15], [sflag:$0xA] =	stream.linear.gather [hbm4b:s14+s5], $0x60, $0x38;
	v63 =	vld [tilespmem:$0x0]  }
0xbd: {  	_ =	swait.ge [sflag:s3], $0x60  }
0xbe: {  	[sflag:s3] =	ssyncset.done $0x0  }
0xbf: {  	[sflag:s3] =	ssyncadd.s32 $0xFFFFFFA0  }
0xc0: {  	_ =	swait.ge [sflag:s3], $0x60  }
0xc1: {  	[sflag:s3] =	ssyncset.done $0x0  }
0xc2: {  	s25 =	rddreg [dreg:$0xc];
	[sflag:s3] =	ssyncadd.s32 $0xFFFFFFA0  }
0xc3: {  	[tilespmem:s25], [sflag:$0x3] =	stream.indirect.gather [hbm4b:s0+s28], $0x80, s2, s28, $0xb8;
	v63 =	vld [tilespmem:$0x0]  }
0xc4: {  	_ =	swait.ge [sflag:s8], $0x3000  }
0xc5: {  	[sflag:s8] =	ssyncset.done $0x0  }
0xc6: {  	s14 =	simm.s32 @!p1 $0x8;
	[sflag:s8] =	ssyncadd.s32 $0xFFFFD000  }
0xc7: {  	[spmem:s4] =	stream.indirect.scatter.add.f32 [tilespmem:s29], [sflag:$0x5], $0x80, s24, s28, $0xb8;
	v63 =	vld [tilespmem:$0x0]  }
0xc8: {  	_ =	swait.ge @!p1 [sflag:s14], $0x3000  }
0xc9: {  	s7 =	rddreg [dreg:$0x8];
	[sflag:s14] =	ssyncset.done @!p1 $0x0  }
0xca: {  	s16 =	rddreg [dreg:$0x7];
	[sflag:s14] =	ssyncadd.s32 @!p1 $0xFFFFD000;
	s20 =	sadd.s32 s17, s7  }
0xcb: {  	[tilespmem:s9], [sflag:$0xA] =	stream.linear.gather [hbm4b:s20+s5], $0x60, $0x38;
	v63 =	vld [tilespmem:$0x0]  }
0xcc: {  	s25 =	sadd.s32 s17, s16  }
0xcd: {  	[tilespmem:s10], [sflag:$0xA] =	stream.linear.gather [hbm4b:s25+s5], $0x60, $0x38;
	v63 =	vld [tilespmem:$0x0]  }
0xce: {  	_ =	swait.ge [sflag:s3], $0x60  }
0xcf: {  	[sflag:s3] =	ssyncset.done $0x0  }
0xd0: {  	[sflag:s3] =	ssyncadd.s32 $0xFFFFFFA0  }
0xd1: {  	_ =	swait.ge [sflag:s3], $0x60  }
0xd2: {  	[sflag:s3] =	ssyncset.done $0x0  }
0xd3: {  	[sflag:s3] =	ssyncadd.s32 $0xFFFFFFA0  }
0xd4: {  	[tilespmem:s21], [sflag:$0x4] =	stream.indirect.gather [hbm4b:s0+s28], $0x80, s9, s28, $0xb8;
	v63 =	vld [tilespmem:$0x0]  }
0xd5: {  	_ =	swait.ge [sflag:s11], $0x3000  }
0xd6: {  	[sflag:s11] =	ssyncset.done $0x0  }
0xd7: {  	[sflag:s11] =	ssyncadd.s32 $0xFFFFD000  }
0xd8: {  	[spmem:s4] =	stream.indirect.scatter.add.f32 [tilespmem:s30], [sflag:$0x6], $0x80, s26, s28, $0xb8;
	v63 =	vld [tilespmem:$0x0]  }
0xd9: {  	_ =	swait.ge [sflag:s12], $0x3000  }
0xda: {  	p1 =	seq.s32 s17, $0x4E0;
	[sflag:s12] =	ssyncset.done $0x0  }
0xdb: {  	s14 =	simm.s32 @p1 $0x3;
	[sflag:s12] =	ssyncadd.s32 $0xFFFFD000  }
0xdc: {  	_ =	swait.ge @p1 [sflag:s14], $0x3000  }
0xdd: {  	s20 =	simm.s32 @p1 $0x19C00;
	s7 =	simm.s32 @p1 $0x6;
	[sflag:s14] =	ssyncset.done @p1 $0x0  }
0xde: {  	s16 =	simm.s32 @p1 $0x1FF00;
	[sflag:s14] =	ssyncadd.s32 @p1 $0xFFFFD000;
	s14 =	simm.s32 @p1 $0x60  }
0xdf: {  	[spmem:s4] =	stream.indirect.scatter.add.f32 @p1 [tilespmem:s20], [sflag:$0x7], $0x80, s16, s14, $0xb8;
	v63 =	vld [tilespmem:$0x0]  }
0xe0: {  	s15 =	sshrl.u32 @!p1 s18, $0x3;
	_ =	swait.ge @p1 [sflag:s7], $0x3000  }
0xe1: {  	s25 =	sadd.s32 @!p1 s1, s15;
	[sflag:s7] =	ssyncset.done @p1 $0x0  }
0xe2: {  	s14 =	simm.s32 @!p1 $0x1FC00;
	[sflag:s7] =	ssyncadd.s32 @p1 $0xFFFFD000;
	s7 =	simm.s32 @!p1 $0x0  }
0xe3: {  	[tilespmem:s14], [sflag:$0xA] =	stream.linear.gather @!p1 [hbm4b:s25+s7], $0x60, $0x38;
	v63 =	vld [tilespmem:$0x0]  }
0xe4: {  	s15 =	sadd.s32 @!p1 s6, s15;
	s16 =	simm.s32 @!p1 $0x1FE00;
	s20 =	simm.s32 @!p1 $0xA  }
0xe5: {  	[tilespmem:s16], [sflag:$0xA] =	stream.linear.gather @!p1 [hbm4b:s15+s7], $0x60, $0x38;
	v63 =	vld [tilespmem:$0x0]  }
0xe6: {  	_ =	swait.ge @!p1 [sflag:s20], $0x60  }
0xe7: {  	[sflag:s20] =	ssyncset.done @!p1 $0x0  }
0xe8: {  	[sflag:s20] =	ssyncadd.s32 @!p1 $0xFFFFFFA0  }
0xe9: {  	_ =	swait.ge @!p1 [sflag:s20], $0x60  }
0xea: {  	s25 =	simm.s32 @!p1 $0x13C00;
	[sflag:s20] =	ssyncset.done @!p1 $0x0  }
0xeb: {  	s15 =	simm.s32 @!p1 $0x3;
	s16 =	simm.s32 @!p1 $0x60;
	[sflag:s20] =	ssyncadd.s32 @!p1 $0xFFFFFFA0  }
0xec: {  	[tilespmem:s25], [sflag:$0x1] =	stream.indirect.gather @!p1 [hbm4b:s0+s16], $0x80, s14, s16, $0xb8;
	v63 =	vld [tilespmem:$0x0]  }
0xed: {  	_ =	swait.ge @!p1 [sflag:s15], $0x3000  }
0xee: {  	s14 =	simm.s32 @!p1 $0x6;
	[sflag:s15] =	ssyncset.done @!p1 $0x0  }
0xef: {  	s25 =	simm.s32 @!p1 $0x19C00;
	[sflag:s15] =	ssyncadd.s32 @!p1 $0xFFFFD000;
	s15 =	simm.s32 @!p1 $0x1FF00  }
0xf0: {  	[spmem:s4] =	stream.indirect.scatter.add.f32 @!p1 [tilespmem:s25], [sflag:$0x7], $0x80, s15, s16, $0xb8;
	v63 =	vld [tilespmem:$0x0]  }
0xf1: {  	_ =	swait.ge @!p1 [sflag:s14], $0x3000  }
0xf2: {  	s15 =	rddreg [dreg:$0x6]  }
0xf3: {  	[sflag:s14] =	ssyncset.done @!p1 $0x0;
	s25 =	rddreg [dreg:$0x5]  }
0xf4: {  	[sflag:s14] =	ssyncadd.s32 @!p1 $0xFFFFD000;
	s14 =	sadd.s32 @!p1 s17, s15;
	s15 =	simm.s32 @!p1 $0x1FC80  }
0xf5: {  	[tilespmem:s15], [sflag:$0xA] =	stream.linear.gather @!p1 [hbm4b:s14+s7], $0x60, $0x38;
	v63 =	vld [tilespmem:$0x0]  }
0xf6: {  	s14 =	sadd.s32 @!p1 s17, s25;
	s25 =	simm.s32 @!p1 $0x1FE80  }
0xf7: {  	[tilespmem:s25], [sflag:$0xA] =	stream.linear.gather @!p1 [hbm4b:s14+s7], $0x60, $0x38;
	v63 =	vld [tilespmem:$0x0]  }
0xf8: {  	_ =	swait.ge @!p1 [sflag:s20], $0x60  }
0xf9: {  	[sflag:s20] =	ssyncset.done @!p1 $0x0  }
0xfa: {  	s19 =	smov.u32 s22;
	s22 =	sadd.s32 $0x30, s22;
	[sflag:s20] =	ssyncadd.s32 @!p1 $0xFFFFFFA0  }
0xfb: {  	p0 =	sne.s32 s22, $0x510;
	_ =	swait.ge @!p1 [sflag:s20], $0x60  }
.Ltmp1:
0xfc: {  	[sflag:s20] =	ssyncset.done @!p1 $0x0;
	(pc) =	sbr.rel @p0 .LBB2_4-.Ltmp1, $4  }
0xfd: {  	s7 =	simm.s32 @!p1 $0x16C00;
	[sflag:s20] =	ssyncadd.s32 @!p1 $0xFFFFFFA0  }
0xfe: {  	[tilespmem:s7], [sflag:$0x2] =	stream.indirect.gather @!p1 [hbm4b:s0+s16], $0x80, s15, s16, $0xb8;
	v63 =	vld [tilespmem:$0x0]  }
0xff: {  	s17 =	smov.u32 s19;
	_ =	swait.ge [sflag:s13], $0x3000  }
0x100: {  	s18 =	sadd.s32 $0x180, s18;
	p1 =	seq.s32 s17, $0x0;
	[sflag:s13] =	ssyncset.done $0x0  }
0x101: {  	s7 =	simm.s32 @!p1 $0x7;
	[sflag:s13] =	ssyncadd.s32 $0xFFFFD000  }
0x102: {  	[spmem:s4] =	stream.indirect.scatter.add.f32 [tilespmem:s21], [sflag:$0x8], $0x80, s10, s28, $0xb8;
	v63 =	vld [tilespmem:$0x0]  }
0x103: {  	_ =	swait.ge @!p1 [sflag:s7], $0x3000  }
0x104: {  	s14 =	rddreg [dreg:$0xa];
	[sflag:s7] =	ssyncset.done @!p1 $0x0  }
0x105: {  	s15 =	rddreg [dreg:$0x9];
	[sflag:s7] =	ssyncadd.s32 @!p1 $0xFFFFD000;
	s14 =	sadd.s32 s17, s14  }
0x106: {  	[tilespmem:s2], [sflag:$0xA] =	stream.linear.gather [hbm4b:s14+s5], $0x60, $0x38;
	v63 =	vld [tilespmem:$0x0]  }
0x107: {  	s16 =	rddreg [dreg:$0xb];
	s19 =	sadd.s32 s17, s15  }
0x108: {  	[tilespmem:s16], [sflag:$0xA] =	stream.linear.gather [hbm4b:s19+s5], $0x60, $0x38;
	v63 =	vld [tilespmem:$0x0]  }
0x109: {  	_ =	swait.ge [sflag:s3], $0x60  }
0x10a: {  	[sflag:s3] =	ssyncset.done $0x0  }
0x10b: {  	[sflag:s3] =	ssyncadd.s32 $0xFFFFFFA0  }
0x10c: {  	_ =	swait.ge [sflag:s3], $0x60  }
0x10d: {  	[sflag:s3] =	ssyncset.done $0x0  }
0x10e: {  	s20 =	rddreg [dreg:$0xc];
	[sflag:s3] =	ssyncadd.s32 $0xFFFFFFA0  }
0x10f: {  	[tilespmem:s20], [sflag:$0x3] =	stream.indirect.gather [hbm4b:s0+s28], $0x80, s2, s28, $0xb8;
	v63 =	vld [tilespmem:$0x0]  }
0x110: {  	_ =	swait.ge [sflag:s8], $0x3000  }
0x111: {  	[sflag:s8] =	ssyncset.done $0x0  }
0x112: {  	s7 =	simm.s32 @!p1 $0x8;
	[sflag:s8] =	ssyncadd.s32 $0xFFFFD000  }
0x113: {  	[spmem:s4] =	stream.indirect.scatter.add.f32 [tilespmem:s29], [sflag:$0x5], $0x80, s24, s28, $0xb8;
	v63 =	vld [tilespmem:$0x0]  }
0x114: {  	_ =	swait.ge @!p1 [sflag:s7], $0x3000  }
0x115: {  	s22 =	rddreg [dreg:$0x8];
	[sflag:s7] =	ssyncset.done @!p1 $0x0  }
0x116: {  	s25 =	rddreg [dreg:$0x7];
	[sflag:s7] =	ssyncadd.s32 @!p1 $0xFFFFD000;
	s14 =	sadd.s32 s17, s22  }
0x117: {  	[tilespmem:s9], [sflag:$0xA] =	stream.linear.gather [hbm4b:s14+s5], $0x60, $0x38;
	v63 =	vld [tilespmem:$0x0]  }
0x118: {  	s15 =	sadd.s32 s17, s25  }
0x119: {  	[tilespmem:s10], [sflag:$0xA] =	stream.linear.gather [hbm4b:s15+s5], $0x60, $0x38;
	v63 =	vld [tilespmem:$0x0]  }
0x11a: {  	_ =	swait.ge [sflag:s3], $0x60  }
0x11b: {  	[sflag:s3] =	ssyncset.done $0x0  }
0x11c: {  	[sflag:s3] =	ssyncadd.s32 $0xFFFFFFA0  }
0x11d: {  	_ =	swait.ge [sflag:s3], $0x60  }
0x11e: {  	[sflag:s3] =	ssyncset.done $0x0  }
0x11f: {  	[sflag:s3] =	ssyncadd.s32 $0xFFFFFFA0  }
0x120: {  	[tilespmem:s21], [sflag:$0x4] =	stream.indirect.gather [hbm4b:s0+s28], $0x80, s9, s28, $0xb8;
	v63 =	vld [tilespmem:$0x0]  }
0x121: {  	_ =	swait.ge [sflag:s11], $0x3000  }
0x122: {  	[sflag:s11] =	ssyncset.done $0x0  }
0x123: {  	[sflag:s11] =	ssyncadd.s32 $0xFFFFD000  }
0x124: {  	[spmem:s4] =	stream.indirect.scatter.add.f32 [tilespmem:s30], [sflag:$0x6], $0x80, s26, s28, $0xb8;
	v63 =	vld [tilespmem:$0x0]  }
0x125: {  	_ =	swait.ge [sflag:s12], $0x3000  }
0x126: {  	p0 =	seq.s32 s17, $0x4E0;
	[sflag:s12] =	ssyncset.done $0x0  }
0x127: {  	s7 =	simm.s32 @p0 $0x3;
	[sflag:s12] =	ssyncadd.s32 $0xFFFFD000  }
0x128: {  	_ =	swait.ge @p0 [sflag:s7], $0x3000  }
0x129: {  	s16 =	simm.s32 @p0 $0x1FF00;
	s14 =	simm.s32 @p0 $0x19C00;
	[sflag:s7] =	ssyncset.done @p0 $0x0  }
0x12a: {  	s15 =	simm.s32 @p0 $0x6;
	[sflag:s7] =	ssyncadd.s32 @p0 $0xFFFFD000;
	s7 =	simm.s32 @p0 $0x60  }
0x12b: {  	[spmem:s4] =	stream.indirect.scatter.add.f32 @p0 [tilespmem:s14], [sflag:$0x7], $0x80, s16, s7, $0xb8;
	v63 =	vld [tilespmem:$0x0]  }
0x12c: {  	_ =	swait.ge @p0 [sflag:s15], $0x3000  }
0x12d: {  	s7 =	sshrl.u32 @!p0 s18, $0x3;
	s16 =	simm.s32 @!p0 $0x1FC00;
	[sflag:s15] =	ssyncset.done @p0 $0x0  }
0x12e: {  	s14 =	sadd.s32 @!p0 s1, s7;
	[sflag:s15] =	ssyncadd.s32 @p0 $0xFFFFD000;
	s15 =	simm.s32 @!p0 $0x0  }
0x12f: {  	[tilespmem:s16], [sflag:$0xA] =	stream.linear.gather @!p0 [hbm4b:s14+s15], $0x60, $0x38;
	v63 =	vld [tilespmem:$0x0]  }
0x130: {  	s18 =	simm.s32 @!p0 $0xA;
	s7 =	sadd.s32 @!p0 s6, s7;
	s14 =	simm.s32 @!p0 $0x1FE00  }
0x131: {  	[tilespmem:s14], [sflag:$0xA] =	stream.linear.gather @!p0 [hbm4b:s7+s15], $0x60, $0x38;
	v63 =	vld [tilespmem:$0x0]  }
0x132: {  	_ =	swait.ge @!p0 [sflag:s18], $0x60  }
0x133: {  	[sflag:s18] =	ssyncset.done @!p0 $0x0  }
0x134: {  	[sflag:s18] =	ssyncadd.s32 @!p0 $0xFFFFFFA0  }
0x135: {  	_ =	swait.ge @!p0 [sflag:s18], $0x60  }
0x136: {  	s19 =	simm.s32 @!p0 $0x13C00;
	[sflag:s18] =	ssyncset.done @!p0 $0x0  }
0x137: {  	s7 =	simm.s32 @!p0 $0x3;
	s14 =	simm.s32 @!p0 $0x60;
	[sflag:s18] =	ssyncadd.s32 @!p0 $0xFFFFFFA0  }
0x138: {  	[tilespmem:s19], [sflag:$0x1] =	stream.indirect.gather @!p0 [hbm4b:s0+s14], $0x80, s16, s14, $0xb8;
	v63 =	vld [tilespmem:$0x0]  }
0x139: {  	_ =	swait.ge @!p0 [sflag:s7], $0x3000  }
0x13a: {  	s16 =	simm.s32 @!p0 $0x6;
	[sflag:s7] =	ssyncset.done @!p0 $0x0  }
0x13b: {  	s19 =	simm.s32 @!p0 $0x19C00;
	[sflag:s7] =	ssyncadd.s32 @!p0 $0xFFFFD000;
	s7 =	simm.s32 @!p0 $0x1FF00  }
0x13c: {  	[spmem:s4] =	stream.indirect.scatter.add.f32 @!p0 [tilespmem:s19], [sflag:$0x7], $0x80, s7, s14, $0xb8;
	v63 =	vld [tilespmem:$0x0]  }
0x13d: {  	_ =	swait.ge @!p0 [sflag:s16], $0x3000  }
0x13e: {  	s7 =	rddreg [dreg:$0x6]  }
0x13f: {  	[sflag:s16] =	ssyncset.done @!p0 $0x0;
	s19 =	rddreg [dreg:$0x5]  }
0x140: {  	[sflag:s16] =	ssyncadd.s32 @!p0 $0xFFFFD000;
	s7 =	sadd.s32 @!p0 s17, s7;
	s16 =	simm.s32 @!p0 $0x1FC80  }
0x141: {  	[tilespmem:s16], [sflag:$0xA] =	stream.linear.gather @!p0 [hbm4b:s7+s15], $0x60, $0x38;
	v63 =	vld [tilespmem:$0x0]  }
0x142: {  	s7 =	sadd.s32 @!p0 s17, s19;
	s17 =	simm.s32 @!p0 $0x1FE80  }
0x143: {  	[tilespmem:s17], [sflag:$0xA] =	stream.linear.gather @!p0 [hbm4b:s7+s15], $0x60, $0x38;
	v63 =	vld [tilespmem:$0x0]  }
0x144: {  	_ =	swait.ge @!p0 [sflag:s18], $0x60  }
0x145: {  	[sflag:s18] =	ssyncset.done @!p0 $0x0  }
0x146: {  	[sflag:s18] =	ssyncadd.s32 @!p0 $0xFFFFFFA0  }
0x147: {  	_ =	swait.ge @!p0 [sflag:s18], $0x60  }
0x148: {  	[sflag:s18] =	ssyncset.done @!p0 $0x0  }
0x149: {  	s7 =	simm.s32 @!p0 $0x16C00;
	[sflag:s18] =	ssyncadd.s32 @!p0 $0xFFFFFFA0  }
0x14a: {  	[tilespmem:s7], [sflag:$0x2] =	stream.indirect.gather @!p0 [hbm4b:s0+s14], $0x80, s16, s14, $0xb8;
	v63 =	vld [tilespmem:$0x0]  }
0x14b: {  	_ =	swait.ge [sflag:s13], $0x3000  }
0x14c: {  	[sflag:s13] =	ssyncset.done $0x0  }
0x14d: {  	s16 =	simm.s32 $0x7;
	[sflag:s13] =	ssyncadd.s32 $0xFFFFD000  }
0x14e: {  	[spmem:s4] =	stream.indirect.scatter.add.f32 [tilespmem:s21], [sflag:$0x8], $0x80, s10, s28, $0xb8;
	v63 =	vld [tilespmem:$0x0]  }
0x14f: {  	_ =	swait.ge [sflag:s16], $0x3000  }
0x150: {  	[sflag:s16] =	ssyncset.done $0x0  }
0x151: {  	s17 =	simm.s32 $0x8;
	[sflag:s16] =	ssyncadd.s32 $0xFFFFD000  }
0x152: {  	_ =	swait.ge [sflag:s17], $0x3000  }
0x153: {  	[sflag:s17] =	ssyncset.done $0x0  }
0x154: {  	[sflag:s17] =	ssyncadd.s32 $0xFFFFD000  }
0x155: {  	s18 =	stileid.u32;
	[bflag:$0x0] =	sbarrier.arrive $0xFFFF  }
0x156: {  	s7 =	sshll.u32 s18, $0x6;
	s15 =	rddreg [dreg:$0xd]  }
0x157: {  	s7 =	sor.u32 $0x1C0B, s7;
	s20 =	rddreg [dreg:$0x13];
	s19 =	sshrl.u32 s15, $0x3  }
0x158: {  	[hbm:s20], [sflag:s7] =	dma.local [spmem:s19], $0x2780  }
0x159: {  	_ =	swait.ge [sflag:s23], $0x2780  }
0x15a: {  	s22 =	rddreg [dreg:$0x1b]  }
0x15b: {  	s25 =	rddreg [dreg:$0x14];
	s14 =	sadd.s32 $0x1, s22  }
0x15c: {  	p0 =	sne.s32 s14, s25  }
.Ltmp2:
0x15d: {  	_ = 	snop;
	(pc) =	sbr.rel @p0 .LBB2_1-.Ltmp2, $3  }
0x15e: {  	_ =	sdelay $0x1  }
0x15f: {  	[sflag:s23] =	ssyncset.done $0x0  }
0x160: {  	[sflag:s23] =	ssyncadd.s32 $0xFFFFD880  }
0x161: {  	_ =	sfence.sel $0x180000  }
0x162: {  	[bflag:$0x0] =	sbarrier.arrive $0xFFFF  }
0x163: {  	_ =	strace $0x90000047  }
0x164: {  	s0 =	stileid.u32;
	[bflag:$0x2] =	sbarrier.arrive $0xFFFF  }
0x165: {  	p0 =	sne.s32 s0, $0x0;
	s0 =	rddreg [dreg:$0x4]  }
0x166: {  	s0 =	sadd.s32 @!p0 $0x100000, s0  }
0x167: {  	[sflag:s0] =	ssyncadd.tile.s32 @!p0 $0x1;
	_ =	shalt  }
.Lfunc_end2:
_tile_overlayer_lowered:
.L_overlay_start_2:
0x168: {  	(tag) =	ssettag $0x2  }
0x169: {  	s0 =	rddreg [dreg:$0x0];
	s2 =	stileid.u32  }
0x16a: {  	s1 =	rddreg [dreg:$0x1];
	p0 =	sne.s32 s2, $0x0  }
0x16b: {  	s3 =	rddreg [dreg:$0x2];
	[bflag:$0x3] =	sbarrier.arrive $0xFFFF;
	s2 =	simm.s32 @!p0 $0x1C0B  }
0x16c: {  	[timem:s3], [sflag:s2] =	dma.local @!p0 [hbm:s0], s1  }
0x16d: {  	s0 =	simm.s32 @!p0 $0xB  }
0x16e: {  	_ =	swait.ge @!p0 [sflag:s0], s1  }
0x16f: {  	s1 =	ssub.s32 @!p0 $0x0, s1;
	[sflag:s0] =	ssyncset.done @!p0 $0x0  }
0x170: {  	[sflag:s0] =	ssyncadd.s32 @!p0 s1  }
0x171: {  	[bflag:$0x3] =	sbarrier.arrive $0xFFFF  }
0x172: {  	_ =	shalt  }

</sc_bundles>
